<compile_context>
chip_gen: v7x
topology: tpu7x:2x2x1
jax: 0.10.2.dev20260603
libtpu: 0.0.44.dev20260713+nightly
codegen_flags: <defaults>
</compile_context>

<pallas_src>
import functools

import jax
import jax.numpy as jnp
from jax import lax
from jax.experimental import pallas as pl
from jax.experimental.pallas import tpu as pltpu
from jax.experimental.pallas import tpu_sc as plsc

N = 10000
NP = 10240
E = 320000
NC = 2
NS = 16
NW = NC * NS
GB = 80
RT = NP // NS
EW = E // NW
IT = EW // GB

F32 = jnp.float32


def _zero_fill(buf, width):
    def zrow(i, carry):
        def zcol(j, carry2):
            buf[i, pl.ds(j * 16, 16)] = jnp.zeros((16,), F32)
            return carry2
        return lax.fori_loop(0, width // 16, zcol, carry)
    lax.fori_loop(0, buf.shape[0], zrow, 0)


def _ones_fill(buf, width):
    def orow(i, carry):
        def ocol(j, carry2):
            buf[i, pl.ds(j * 16, 16)] = jnp.ones((16,), F32)
            return carry2
        return lax.fori_loop(0, width // 16, ocol, carry)
    lax.fori_loop(0, buf.shape[0], orow, 0)



def _make_gather(Dv):
    mesh = plsc.VectorSubcoreMesh(
        core_axis_name="c", subcore_axis_name="s",
        num_cores=NC, num_subcores=NS)
    GBG = 40
    ITG = EW // GBG
    HIT = ITG // 2

    @functools.partial(
        pl.kernel, mesh=mesh,
        out_type=[jax.ShapeDtypeStruct((E, Dv), F32),
                  jax.ShapeDtypeStruct((E, Dv), F32)],
        scratch_types=[pltpu.VMEM((2, GBG), jnp.int32),
                       pltpu.VMEM((2, GBG), jnp.int32),
                       pltpu.VMEM((GBG, Dv), F32),
                       pltpu.VMEM((GBG, Dv), F32),
                       pltpu.VMEM((GBG, Dv), F32),
                       pltpu.VMEM((GBG, Dv), F32),
                       pltpu.SemaphoreType.DMA,
                       pltpu.SemaphoreType.DMA,
                       pltpu.SemaphoreType.DMA,
                       pltpu.SemaphoreType.DMA,
                       pltpu.SemaphoreType.DMA,
                       pltpu.SemaphoreType.DMA,
                       pltpu.SemaphoreType.DMA,
                       pltpu.SemaphoreType.DMA],
    )
    def k(table, src_i, dst_i, hs_out, hd_out, SI, DI, rs0, rd0, rs1, rd1,
          gs0, gd0, gs1, gd1, ws0, wd0, ws1, wd1):
        wid = lax.axis_index("s") * NC + lax.axis_index("c")
        base = wid * EW

        def g(i, b):
            rs, rd = (rs0, rd0) if b == 0 else (rs1, rd1)
            gs, gd = (gs0, gd0) if b == 0 else (gs1, gd1)
            pltpu.async_copy(table.at[SI.at[b]], rs, gs)
            pltpu.async_copy(table.at[DI.at[b]], rd, gd)

        def wait_g(b):
            rs, rd = (rs0, rd0) if b == 0 else (rs1, rd1)
            gs, gd = (gs0, gd0) if b == 0 else (gs1, gd1)
            pltpu.make_async_copy(table.at[SI.at[b]], rs, gs).wait()
            pltpu.make_async_copy(table.at[DI.at[b]], rd, gd).wait()

        def w(e0, b):
            rs, rd = (rs0, rd0) if b == 0 else (rs1, rd1)
            ws, wd = (ws0, wd0) if b == 0 else (ws1, wd1)
            pltpu.async_copy(rs, hs_out.at[pl.ds(e0, GBG)], ws)
            pltpu.async_copy(rd, hd_out.at[pl.ds(e0, GBG)], wd)

        def wait_w(e0, b):
            rs, rd = (rs0, rd0) if b == 0 else (rs1, rd1)
            ws, wd = (ws0, wd0) if b == 0 else (ws1, wd1)
            pltpu.make_async_copy(rs, hs_out.at[pl.ds(e0, GBG)], ws).wait()
            pltpu.make_async_copy(rd, hd_out.at[pl.ds(e0, GBG)], wd).wait()

        def load_idx(i, b):
            e0 = base + i * GBG
            pltpu.sync_copy(src_i.at[pl.ds(e0, GBG)], SI.at[b])
            pltpu.sync_copy(dst_i.at[pl.ds(e0, GBG)], DI.at[b])

        load_idx(0, 0)
        g(0, 0)

        def body(kk, carry):
            i0 = 2 * kk
            e00 = base + i0 * GBG
            e01 = base + (i0 + 1) * GBG
            load_idx(i0 + 1, 1)

            @pl.when(kk > 0)
            def _():
                wait_w(base + (i0 - 1) * GBG, 1)
            wait_g(0)
            g(i0 + 1, 1)
            w(e00, 0)

            @pl.when(kk < HIT - 1)
            def _():
                load_idx(i0 + 2, 0)
            wait_w(e00, 0)
            wait_g(1)

            @pl.when(kk < HIT - 1)
            def _():
                g(i0 + 2, 0)
            w(e01, 1)
            return carry

        lax.fori_loop(0, HIT, body, 0)
        wait_w(base + (ITG - 1) * GBG, 1)

    return k



HALF = NP // 2
APAD = HALF + 128
ZR = APAD // NS
DR = HALF // NS


def _sweep_pipelined(dst, IDX, rb0, rb1, a0, a1, acc, lo, rng, data, base,
                     it_half, gb):

    def load(i, b):
        e0 = base + i * gb
        pltpu.sync_copy(dst.at[pl.ds(e0, gb)], IDX.at[b])
        if data is not None:
            rb = rb0 if b == 0 else rb1
            pltpu.sync_copy(data.at[pl.ds(e0, gb)], rb)
        for q in range(gb // 16):
            v = IDX[b, pl.ds(q * 16, 16)] - lo
            oob = (v < 0) | (v >= rng)
            IDX[b, pl.ds(q * 16, 16)] = jnp.where(oob, rng, v)

    def add(b):
        rb = rb0 if b == 0 else rb1
        sem = a0 if b == 0 else a1
        pltpu.async_copy(rb, acc.at[IDX.at[b]], sem, add=True)

    def wait_add(b):
        rb = rb0 if b == 0 else rb1
        sem = a0 if b == 0 else a1
        pltpu.make_async_copy(rb, acc.at[IDX.at[b]], sem).wait()

    load(0, 0)

    def body(kk, carry):
        i0 = 2 * kk
        add(0)

        @pl.when(kk > 0)
        def _():
            wait_add(1)
        load(i0 + 1, 1)
        add(1)

        @pl.when(kk < it_half - 1)
        def _():
            wait_add(0)
            load(i0 + 2, 0)
        return carry

    lax.fori_loop(0, it_half, body, 0)
    wait_add(0)
    wait_add(1)


def _make_scatter1():
    mesh = plsc.VectorSubcoreMesh(
        core_axis_name="c", subcore_axis_name="s",
        num_cores=NC, num_subcores=NS)
    EW1 = E // NS
    IT1 = EW1 // GB
    HIT1 = IT1 // 2

    @functools.partial(
        pl.kernel, mesh=mesh,
        out_type=[jax.ShapeDtypeStruct((NP, 128), F32),
                  jax.ShapeDtypeStruct((NP, 128), F32)],
        scratch_types=[pltpu.VMEM((2, GB), jnp.int32),
                       pltpu.VMEM((GB, 128), F32),
                       pltpu.VMEM((GB, 128), F32),
                       pltpu.VMEM((ZR, 128), F32),
                       pltpu.VMEM_SHARED((APAD, 128), F32),
                       pltpu.SemaphoreType.DMA,
                       pltpu.SemaphoreType.DMA],
    )
    def k(r, dst, s_out, deg_out, IDX, rb0, rb1, zbuf, acc, a0, a1):
        c = lax.axis_index("c")
        s = lax.axis_index("s")
        base = s * EW1
        lo = c * HALF

        _zero_fill(zbuf, 128)
        pltpu.sync_copy(zbuf, acc.at[pl.ds(s * ZR, ZR)])
        plsc.subcore_barrier()
        _sweep_pipelined(dst, IDX, rb0, rb1, a0, a1, acc, lo, HALF, r,
                         base, HIT1, GB)
        plsc.subcore_barrier()
        pltpu.sync_copy(acc.at[pl.ds(s * DR, DR)],
                        s_out.at[pl.ds(lo + s * DR, DR)])
        plsc.subcore_barrier()

        pltpu.sync_copy(zbuf, acc.at[pl.ds(s * ZR, ZR)])
        _ones_fill(rb0, 128)
        _ones_fill(rb1, 128)
        plsc.subcore_barrier()
        _sweep_pipelined(dst, IDX, rb0, rb1, a0, a1, acc, lo, HALF, None,
                         base, HIT1, GB)
        plsc.subcore_barrier()
        pltpu.sync_copy(acc.at[pl.ds(s * DR, DR)],
                        deg_out.at[pl.ds(lo + s * DR, DR)])

    return k


QTR = NP // 4
QPAD = QTR + 128
QZR = QPAD // NS
QDR = QTR // NS


def _make_scatter_p2():
    mesh = plsc.VectorSubcoreMesh(
        core_axis_name="c", subcore_axis_name="s",
        num_cores=NC, num_subcores=NS)
    EW1 = E // NS
    IT1 = EW1 // GB
    HIT1 = IT1 // 2

    @functools.partial(
        pl.kernel, mesh=mesh,
        out_type=[jax.ShapeDtypeStruct((NP, 128), F32)],
        scratch_types=[pltpu.VMEM((2, GB), jnp.int32),
                       pltpu.VMEM((GB, 128), F32),
                       pltpu.VMEM((GB, 128), F32),
                       pltpu.VMEM((QZR, 128), F32),
                       pltpu.VMEM_SHARED((QPAD, 128), F32),
                       pltpu.SemaphoreType.DMA,
                       pltpu.SemaphoreType.DMA],
    )
    def k(p, dst, s_out, IDX, rb0, rb1, zbuf, acc, a0, a1):
        c = lax.axis_index("c")
        s = lax.axis_index("s")
        base = s * EW1

        _zero_fill(zbuf, 128)
        for j in range(2):
            lo = (2 * c + j) * QTR
            pltpu.sync_copy(zbuf, acc.at[pl.ds(s * QZR, QZR)])
            plsc.subcore_barrier()
            _sweep_pipelined(dst, IDX, rb0, rb1, a0, a1, acc, lo, QTR, p,
                             base, HIT1, GB)
            plsc.subcore_barrier()
            pltpu.sync_copy(acc.at[pl.ds(s * QDR, QDR)],
                            s_out.at[pl.ds(lo + s * QDR, QDR)])
            plsc.subcore_barrier()

    return k



BE = 2000


BF16 = jnp.bfloat16


def _bdot(a, b):
    return jnp.dot(a.astype(BF16), b.astype(BF16), preferred_element_type=F32)


def _cos_mlp(hs, hd, w, W1T, b1, W2T, b2):
    ns = jnp.maximum(jnp.sqrt(jnp.sum(hs * hs, axis=1, keepdims=True)), 1e-12)
    nd = jnp.maximum(jnp.sqrt(jnp.sum(hd * hd, axis=1, keepdims=True)), 1e-12)
    cos = jnp.sum(hs * hd, axis=1, keepdims=True) / (ns * nd)
    m = cos * w * hs
    rr = jnp.maximum(_bdot(m, W1T) + b1, 0.0)
    rr = jnp.maximum(_bdot(rr, W2T) + b2, 0.0)
    return rr


def _edge1_body(ef_ref, hs_ref, hd_ref, WeT_ref, be_ref, W1T_ref, b1_ref,
                W2T_ref, b2_ref, r_ref, w_ref):
    ef = ef_ref[...]
    WeT = WeT_ref[...]
    w = (ef[:, 0:1] * WeT[0:1, :] + ef[:, 1:2] * WeT[1:2, :]) + be_ref[...]
    r_ref[...] = _cos_mlp(hs_ref[...], hd_ref[...], w,
                          W1T_ref[...], b1_ref[...], W2T_ref[...], b2_ref[...])
    w_ref[...] = w


def _edge2_body(ef_ref, hs_ref, hd_ref, WeT_ref, be_ref, W1T_ref, b1_ref,
                W2T_ref, b2_ref, WpT_ref, p_ref):
    ef = jnp.maximum(ef_ref[...], 0.0)
    w = _bdot(ef, WeT_ref[...]) + be_ref[...]
    rr = _cos_mlp(hs_ref[...], hd_ref[...], w,
                  W1T_ref[...], b1_ref[...], W2T_ref[...], b2_ref[...])
    p_ref[...] = _bdot(rr, WpT_ref[...])


def _full(shape):
    return pl.BlockSpec(shape, lambda i: (0,) * len(shape))


def _edge1_call(ef, hs, hd, WeT, be, W1T, b1, W2T, b2):
    Dv = hs.shape[1]
    eb = lambda last: pl.BlockSpec((BE, last), lambda i: (i, 0))
    return pl.pallas_call(
        _edge1_body,
        grid=(E // BE,),
        in_specs=[eb(2), eb(Dv), eb(Dv), _full(WeT.shape), _full(be.shape),
                  _full(W1T.shape), _full(b1.shape), _full(W2T.shape),
                  _full(b2.shape)],
        out_specs=[eb(Dv), eb(Dv)],
        out_shape=[jax.ShapeDtypeStruct((E, Dv), F32),
                   jax.ShapeDtypeStruct((E, Dv), F32)],
    )(ef, hs, hd, WeT, be, W1T, b1, W2T, b2)


def _edge2_call(ef, hs, hd, WeT, be, W1T, b1, W2T, b2, WpT):
    Dv = hs.shape[1]
    Din = ef.shape[1]
    Po = WpT.shape[1]
    eb = lambda last: pl.BlockSpec((BE, last), lambda i: (i, 0))
    return pl.pallas_call(
        _edge2_body,
        grid=(E // BE,),
        in_specs=[eb(Din), eb(Dv), eb(Dv), _full(WeT.shape), _full(be.shape),
                  _full(W1T.shape), _full(b1.shape), _full(W2T.shape),
                  _full(b2.shape), _full(WpT.shape)],
        out_specs=eb(Po),
        out_shape=jax.ShapeDtypeStruct((E, Po), F32),
    )(ef, hs, hd, WeT, be, W1T, b1, W2T, b2, WpT)



BN = 640


def _node1_body(h_ref, s_ref, deg_ref, WaT_ref, WbT_ref, bl_ref, o_ref):
    sacc = s_ref[...]
    deg = deg_ref[:, 0:1]
    hN = sacc / jnp.maximum(deg, 1.0)
    o = (_bdot(h_ref[...], WaT_ref[...]) + _bdot(hN, WbT_ref[...])
         + bl_ref[...])
    o_ref[...] = jnp.maximum(o, 0.0)


def _node1_call(h, sacc, deg, WaT, WbT, bl):
    Dv = h.shape[1]
    Ho = WaT.shape[1]
    nb = lambda last: pl.BlockSpec((BN, last), lambda i: (i, 0))
    nb3 = lambda last: pl.BlockSpec((NC, BN, last), lambda i: (0, i, 0))
    return pl.pallas_call(
        _node1_body,
        grid=(NP // BN,),
        in_specs=[nb(128), nb(128), nb(128), _full(WaT.shape),
                  _full(WbT.shape), _full(bl.shape)],
        out_specs=nb(Ho),
        out_shape=jax.ShapeDtypeStruct((NP, Ho), F32),
    )(h, sacc, deg, WaT, WbT, bl)


def _node2_body(h_ref, p_ref, deg_ref, WaT_ref, bl_ref, o_ref):
    pacc = p_ref[:, 0:16]
    deg = deg_ref[:, 0:1]
    o = (_bdot(h_ref[...], WaT_ref[...])
         + pacc / jnp.maximum(deg, 1.0)
         + bl_ref[...])
    o_ref[...] = o


def _node2_call(h, pacc, deg, WaT, bl):
    Dv = h.shape[1]
    Ho = WaT.shape[1]
    nb = lambda last: pl.BlockSpec((BN, last), lambda i: (i, 0))
    nb3 = lambda last: pl.BlockSpec((NC, BN, last), lambda i: (0, i, 0))
    return pl.pallas_call(
        _node2_body,
        grid=(NP // BN,),
        in_specs=[nb(Dv), nb(128), nb(128), _full(WaT.shape),
                  _full(bl.shape)],
        out_specs=nb(Ho),
        out_shape=jax.ShapeDtypeStruct((NP, Ho), F32),
    )(h, pacc, deg, WaT, bl)



_gather1 = _make_gather(128)
_gather2 = _make_gather(256)
_scatter1 = _make_scatter1()
_scatter_p2 = _make_scatter_p2()


def kernel(node_feat, edge_feat, edge_index, c1_We, c1_be, c1_Wr1, c1_br1,
           c1_Wr2, c1_br2, c1_Wl, c1_bl, c2_We, c2_be, c2_Wr1, c2_br1,
           c2_Wr2, c2_br2, c2_Wl, c2_bl):
    src = edge_index[0]
    dst = edge_index[1]
    D = node_feat.shape[1]
    H = c1_Wl.shape[0]

    hpad = jnp.pad(node_feat, ((0, NP - N), (0, 0)))

    hs1, hd1 = _gather1(hpad, src, dst)
    r1, w1 = _edge1_call(
        edge_feat, hs1, hd1,
        c1_We.T, c1_be.reshape(1, -1),
        c1_Wr1.T, c1_br1.reshape(1, -1),
        c1_Wr2.T, c1_br2.reshape(1, -1))
    s1, deg = _scatter1(r1, dst)
    h1 = _node1_call(hpad, s1, deg,
                     c1_Wl[:, :D].T, c1_Wl[:, D:].T,
                     c1_bl.reshape(1, -1))

    hs2, hd2 = _gather2(h1, src, dst)
    p2 = _edge2_call(
        w1, hs2, hd2,
        c2_We.T, c2_be.reshape(1, -1),
        c2_Wr1.T, c2_br1.reshape(1, -1),
        c2_Wr2.T, c2_br2.reshape(1, -1),
        jnp.pad(c2_Wl[:, H:].T, ((0, 0), (0, 112))))
    (sp2,) = _scatter_p2(p2, dst)
    out = _node2_call(h1, sp2, deg,
                      c2_Wl[:, :H].T, c2_bl.reshape(1, -1))
    return out[:N]

# --- scband reference (transcript-rebuilt; emitter-appended) ---
"""Pipeline reference for scband-net-62929860821387 (READ-ONLY COPY).

The authoritative reference and input builder live on the scoring server;
editing this copy changes nothing except your own understanding.
"""

import jax, jax.numpy as jnp
import numpy as np

N = 10000
E = 320000
D = 128
H = 256
C = 16

def _lin(key, out_d, in_d):
    return jax.random.normal(key, (out_d, in_d), dtype=jnp.float32) / np.sqrt(in_d)

def setup_inputs(seed: int = 0):
    key = jax.random.key(seed)
    ks = jax.random.split(key, 16)
    inp = {}
    inp["node_feat"] = jax.random.normal(ks[0], (N, D), dtype=jnp.float32)
    inp["edge_feat"] = jax.random.normal(ks[1], (E, 2), dtype=jnp.float32)
    inp["edge_index"] = jax.random.randint(ks[2], (2, E), 0, N, dtype=jnp.int32)
    inp["c1_We"] = _lin(ks[3], D, 2)
    inp["c1_be"] = jnp.zeros((D,), jnp.float32)
    inp["c1_Wr1"] = _lin(ks[4], D, D)
    inp["c1_br1"] = jnp.zeros((D,), jnp.float32)
    inp["c1_Wr2"] = _lin(ks[5], D, D)
    inp["c1_br2"] = jnp.zeros((D,), jnp.float32)
    inp["c1_Wl"] = _lin(ks[6], H, 2 * D)
    inp["c1_bl"] = jnp.zeros((H,), jnp.float32)
    inp["c2_We"] = _lin(ks[7], H, D)
    inp["c2_be"] = jnp.zeros((H,), jnp.float32)
    inp["c2_Wr1"] = _lin(ks[8], H, H)
    inp["c2_br1"] = jnp.zeros((H,), jnp.float32)
    inp["c2_Wr2"] = _lin(ks[9], H, H)
    inp["c2_br2"] = jnp.zeros((H,), jnp.float32)
    inp["c2_Wl"] = _lin(ks[10], C, 2 * H)
    inp["c2_bl"] = jnp.zeros((C,), jnp.float32)
    return inp

def _normalize(a):
    n = jnp.linalg.norm(a, axis=1, keepdims=True)
    return a / jnp.maximum(n, 1e-12)

def _sage_conv(h, e, src, dst, We, be, Wr1, br1, Wr2, br2, Wl, bl):
    # e_linear on edge features
    w = e @ We.T + be
    # message: cos_sim(src,dst) * w * src_h
    hs = h[src]
    hd = h[dst]
    cos = jnp.sum(_normalize(hs) * _normalize(hd), axis=1, keepdims=True)
    m = cos * w * hs
    # reduce: per-message MLP then mean over incoming edges
    r = jax.nn.relu(m @ Wr1.T + br1)
    r = jax.nn.relu(r @ Wr2.T + br2)
    n_nodes = h.shape[0]
    s = jnp.zeros((n_nodes, r.shape[1]), r.dtype).at[dst].add(r)
    deg = jnp.zeros((n_nodes,), r.dtype).at[dst].add(1.0)
    h_N = s / jnp.maximum(deg, 1.0)[:, None]
    h_out = jnp.concatenate([h, h_N], axis=1) @ Wl.T + bl
    return h_out, w

def reference(node_feat, edge_feat, edge_index, c1_We, c1_be, c1_Wr1, c1_br1, c1_Wr2, c1_br2, c1_Wl, c1_bl, c2_We, c2_be, c2_Wr1, c2_br1, c2_Wr2, c2_br2, c2_Wl, c2_bl):
    src = edge_index[0]
    dst = edge_index[1]
    h, e_h = _sage_conv(node_feat, edge_feat, src, dst, c1_We, c1_be, c1_Wr1, c1_br1, c1_Wr2, c1_br2, c1_Wl, c1_bl)
    h = jax.nn.relu(h)
    e_h = jax.nn.relu(e_h)
    h, e_h = _sage_conv(h, e_h, src, dst, c2_We, c2_be, c2_Wr1, c2_br1, c2_Wr2, c2_br2, c2_Wl, c2_bl)
    return h

if __name__ == "__main__":
    import jax
    _d = setup_inputs()
    print(jax.jit(kernel)(*tuple(_d.values())))

</pallas_src>

<mosaic_0001>
#map = affine_map<(d0, d1) -> (0, 0)>
#map1 = affine_map<(d0, d1) -> (0)>
module attributes {stable_mosaic.version = 14 : i64} {
  func.func @k(%arg0: i32, %arg1: i32, %arg2: memref<10240x128xf32, #tpu.memory_space<hbm>>, %arg3: memref<320000xi32, #tpu.memory_space<hbm>>, %arg4: memref<320000xi32, #tpu.memory_space<hbm>>, %arg5: memref<320000x128xf32, #tpu.memory_space<hbm>>, %arg6: memref<320000x128xf32, #tpu.memory_space<hbm>>, %arg7: memref<2x40xi32, #tpu.memory_space<vmem>>, %arg8: memref<2x40xi32, #tpu.memory_space<vmem>>, %arg9: memref<40x128xf32, #tpu.memory_space<vmem>>, %arg10: memref<40x128xf32, #tpu.memory_space<vmem>>, %arg11: memref<40x128xf32, #tpu.memory_space<vmem>>, %arg12: memref<40x128xf32, #tpu.memory_space<vmem>>, %arg13: memref<!tpu.dma_semaphore, #tpu.memory_space<semaphore_mem>>, %arg14: memref<!tpu.dma_semaphore, #tpu.memory_space<semaphore_mem>>, %arg15: memref<!tpu.dma_semaphore, #tpu.memory_space<semaphore_mem>>, %arg16: memref<!tpu.dma_semaphore, #tpu.memory_space<semaphore_mem>>, %arg17: memref<!tpu.dma_semaphore, #tpu.memory_space<semaphore_mem>>, %arg18: memref<!tpu.dma_semaphore, #tpu.memory_space<semaphore_mem>>, %arg19: memref<!tpu.dma_semaphore, #tpu.memory_space<semaphore_mem>>, %arg20: memref<!tpu.dma_semaphore, #tpu.memory_space<semaphore_mem>>) attributes {dimension_semantics = [#tpu.dimension_semantics<core_parallel>, #tpu.dimension_semantics<subcore_parallel>], iteration_bounds = array<i64: 2, 16>, scalar_prefetch = 0 : i64, scratch_operands = 14 : i64, tpu.core_type = #tpu.core_type<sc_vector_subcore>, window_params = [{transform_indices = #map}, {transform_indices = #map1}, {transform_indices = #map1}, {transform_indices = #map}, {transform_indices = #map}]} {
    %mul3A = arith.constant 2 : i32
    %mul3A_0 = arith.muli %arg1, %mul3A : i32
    %add3A = arith.addi %mul3A_0, %arg0 : i32
    %mul3A_1 = arith.constant 10000 : i32
    %mul3A_2 = arith.muli %add3A, %mul3A_1 : i32
    %add3A_3 = arith.constant 0 : i32
    %add3A_4 = arith.addi %mul3A_2, %add3A_3 : i32
    %run_scoped3A = arith.constant 0 : i32
    "tpu.region"() ({
      %run_scoped3A_33 = tpu.sem_alloc : memref<!tpu.dma_semaphore, #tpu.memory_space<semaphore_mem>>
      %dma_start3A_34 = arith.constant 0 : i32
      %dma_start3A_35 = tpu.memref_slice %arg7[%run_scoped3A, %dma_start3A_34] : memref<2x40xi32, #tpu.memory_space<vmem>> -> memref<1x40xi32, #tpu.memory_space<vmem>>
      %dma_start3A_36 = tpu.memref_squeeze %dma_start3A_35 : memref<1x40xi32, #tpu.memory_space<vmem>> -> memref<40xi32, #tpu.memory_space<vmem>>
      %dma_start3A_37 = tpu.memref_slice %arg3[%add3A_4] : memref<320000xi32, #tpu.memory_space<hbm>> -> memref<40xi32, #tpu.memory_space<hbm>>
      %dma_start3A_38 = arith.constant 0 : i32
      %dma_start3A_39 = tpu.memref_slice %arg7[%run_scoped3A, %dma_start3A_38] : memref<2x40xi32, #tpu.memory_space<vmem>> -> memref<1x40xi32, #tpu.memory_space<vmem>>
      %dma_start3A_40 = tpu.memref_squeeze %dma_start3A_39 : memref<1x40xi32, #tpu.memory_space<vmem>> -> memref<40xi32, #tpu.memory_space<vmem>>
      %dma_start3A_41 = tpu.memref_slice %arg3[%add3A_4] : memref<320000xi32, #tpu.memory_space<hbm>> -> memref<40xi32, #tpu.memory_space<hbm>>
      tpu.enqueue_dma source(%dma_start3A_41 : memref<40xi32, #tpu.memory_space<hbm>>) target(%dma_start3A_40 : memref<40xi32, #tpu.memory_space<vmem>>) target_semaphore(%run_scoped3A_33 : memref<!tpu.dma_semaphore, #tpu.memory_space<semaphore_mem>>)
      %dma_wait3A_42 = arith.constant 0 : i32
      %dma_wait3A_43 = tpu.memref_slice %arg7[%run_scoped3A, %dma_wait3A_42] : memref<2x40xi32, #tpu.memory_space<vmem>> -> memref<1x40xi32, #tpu.memory_space<vmem>>
      %dma_wait3A_44 = tpu.memref_squeeze %dma_wait3A_43 : memref<1x40xi32, #tpu.memory_space<vmem>> -> memref<40xi32, #tpu.memory_space<vmem>>
      %dma_wait3A_45 = tpu.memref_slice %arg3[%add3A_4] : memref<320000xi32, #tpu.memory_space<hbm>> -> memref<40xi32, #tpu.memory_space<hbm>>
      %dma_wait3A_46 = arith.constant 0 : i32
      %dma_wait3A_47 = tpu.memref_slice %arg7[%run_scoped3A, %dma_wait3A_46] : memref<2x40xi32, #tpu.memory_space<vmem>> -> memref<1x40xi32, #tpu.memory_space<vmem>>
      %dma_wait3A_48 = tpu.memref_squeeze %dma_wait3A_47 : memref<1x40xi32, #tpu.memory_space<vmem>> -> memref<40xi32, #tpu.memory_space<vmem>>
      %dma_wait3A_49 = tpu.memref_slice %arg3[%add3A_4] : memref<320000xi32, #tpu.memory_space<hbm>> -> memref<40xi32, #tpu.memory_space<hbm>>
      tpu.wait_dma2 semaphore(%run_scoped3A_33 : memref<!tpu.dma_semaphore, #tpu.memory_space<semaphore_mem>>) src(%dma_wait3A_49 : memref<40xi32, #tpu.memory_space<hbm>>) dst(%dma_wait3A_48 : memref<40xi32, #tpu.memory_space<vmem>>)
      tpu.yield
    }) : () -> ()
    %run_scoped3A_5 = arith.constant 0 : i32
    "tpu.region"() ({
      %run_scoped3A_33 = tpu.sem_alloc : memref<!tpu.dma_semaphore, #tpu.memory_space<semaphore_mem>>
      %dma_start3A_34 = arith.constant 0 : i32
      %dma_start3A_35 = tpu.memref_slice %arg8[%run_scoped3A_5, %dma_start3A_34] : memref<2x40xi32, #tpu.memory_space<vmem>> -> memref<1x40xi32, #tpu.memory_space<vmem>>
      %dma_start3A_36 = tpu.memref_squeeze %dma_start3A_35 : memref<1x40xi32, #tpu.memory_space<vmem>> -> memref<40xi32, #tpu.memory_space<vmem>>
      %dma_start3A_37 = tpu.memref_slice %arg4[%add3A_4] : memref<320000xi32, #tpu.memory_space<hbm>> -> memref<40xi32, #tpu.memory_space<hbm>>
      %dma_start3A_38 = arith.constant 0 : i32
      %dma_start3A_39 = tpu.memref_slice %arg8[%run_scoped3A_5, %dma_start3A_38] : memref<2x40xi32, #tpu.memory_space<vmem>> -> memref<1x40xi32, #tpu.memory_space<vmem>>
      %dma_start3A_40 = tpu.memref_squeeze %dma_start3A_39 : memref<1x40xi32, #tpu.memory_space<vmem>> -> memref<40xi32, #tpu.memory_space<vmem>>
      %dma_start3A_41 = tpu.memref_slice %arg4[%add3A_4] : memref<320000xi32, #tpu.memory_space<hbm>> -> memref<40xi32, #tpu.memory_space<hbm>>
      tpu.enqueue_dma source(%dma_start3A_41 : memref<40xi32, #tpu.memory_space<hbm>>) target(%dma_start3A_40 : memref<40xi32, #tpu.memory_space<vmem>>) target_semaphore(%run_scoped3A_33 : memref<!tpu.dma_semaphore, #tpu.memory_space<semaphore_mem>>)
      %dma_wait3A_42 = arith.constant 0 : i32
      %dma_wait3A_43 = tpu.memref_slice %arg8[%run_scoped3A_5, %dma_wait3A_42] : memref<2x40xi32, #tpu.memory_space<vmem>> -> memref<1x40xi32, #tpu.memory_space<vmem>>
      %dma_wait3A_44 = tpu.memref_squeeze %dma_wait3A_43 : memref<1x40xi32, #tpu.memory_space<vmem>> -> memref<40xi32, #tpu.memory_space<vmem>>
      %dma_wait3A_45 = tpu.memref_slice %arg4[%add3A_4] : memref<320000xi32, #tpu.memory_space<hbm>> -> memref<40xi32, #tpu.memory_space<hbm>>
      %dma_wait3A_46 = arith.constant 0 : i32
      %dma_wait3A_47 = tpu.memref_slice %arg8[%run_scoped3A_5, %dma_wait3A_46] : memref<2x40xi32, #tpu.memory_space<vmem>> -> memref<1x40xi32, #tpu.memory_space<vmem>>
      %dma_wait3A_48 = tpu.memref_squeeze %dma_wait3A_47 : memref<1x40xi32, #tpu.memory_space<vmem>> -> memref<40xi32, #tpu.memory_space<vmem>>
      %dma_wait3A_49 = tpu.memref_slice %arg4[%add3A_4] : memref<320000xi32, #tpu.memory_space<hbm>> -> memref<40xi32, #tpu.memory_space<hbm>>
      tpu.wait_dma2 semaphore(%run_scoped3A_33 : memref<!tpu.dma_semaphore, #tpu.memory_space<semaphore_mem>>) src(%dma_wait3A_49 : memref<40xi32, #tpu.memory_space<hbm>>) dst(%dma_wait3A_48 : memref<40xi32, #tpu.memory_space<vmem>>)
      tpu.yield
    }) : () -> ()
    %dma_start3A = arith.constant 0 : i32
    %dma_start3A_6 = arith.constant 0 : i32
    %dma_start3A_7 = tpu.memref_slice %arg7[%dma_start3A, %dma_start3A_6] : memref<2x40xi32, #tpu.memory_space<vmem>> -> memref<1x40xi32, #tpu.memory_space<vmem>>
    %dma_start3A_8 = tpu.memref_squeeze %dma_start3A_7 : memref<1x40xi32, #tpu.memory_space<vmem>> -> memref<40xi32, #tpu.memory_space<vmem>>
    %dma_start3A_9 = arith.constant 0 : i32
    %dma_start3A_10 = arith.constant 0 : i32
    %dma_start3A_11 = tpu.memref_slice %arg2[%dma_start3A_9, %dma_start3A_10] : memref<10240x128xf32, #tpu.memory_space<hbm>> -> memref<10240x128xf32, #tpu.memory_space<hbm>>
    tpu.enqueue_indirect_dma source(%dma_start3A_11 : memref<10240x128xf32, #tpu.memory_space<hbm>>) target(%arg9 : memref<40x128xf32, #tpu.memory_space<vmem>>) offsets(%dma_start3A_8 : memref<40xi32, #tpu.memory_space<vmem>>) semaphore(%arg13 : memref<!tpu.dma_semaphore, #tpu.memory_space<semaphore_mem>>)
    %dma_start3A_12 = arith.constant 0 : i32
    %dma_start3A_13 = arith.constant 0 : i32
    %dma_start3A_14 = tpu.memref_slice %arg8[%dma_start3A_12, %dma_start3A_13] : memref<2x40xi32, #tpu.memory_space<vmem>> -> memref<1x40xi32, #tpu.memory_space<vmem>>
    %dma_start3A_15 = tpu.memref_squeeze %dma_start3A_14 : memref<1x40xi32, #tpu.memory_space<vmem>> -> memref<40xi32, #tpu.memory_space<vmem>>
    %dma_start3A_16 = arith.constant 0 : i32
    %dma_start3A_17 = arith.constant 0 : i32
    %dma_start3A_18 = tpu.memref_slice %arg2[%dma_start3A_16, %dma_start3A_17] : memref<10240x128xf32, #tpu.memory_space<hbm>> -> memref<10240x128xf32, #tpu.memory_space<hbm>>
    tpu.enqueue_indirect_dma source(%dma_start3A_18 : memref<10240x128xf32, #tpu.memory_space<hbm>>) target(%arg10 : memref<40x128xf32, #tpu.memory_space<vmem>>) offsets(%dma_start3A_15 : memref<40xi32, #tpu.memory_space<vmem>>) semaphore(%arg14 : memref<!tpu.dma_semaphore, #tpu.memory_space<semaphore_mem>>)
    %scan3A = arith.constant 0 : i32
    %scan3A_19 = arith.constant 0 : i32
    %scan3A_20 = arith.constant 125 : i32
    %scan3A_21 = arith.addi %scan3A_19, %scan3A_20 : i32
    %scan3A_22 = arith.constant 1 : i32
    scf.for %scan3A_33 = %scan3A_19 to %scan3A_21 step %scan3A_22  : i32 {
      %mul3A_34 = arith.constant 2 : i32
      %mul3A_35 = arith.muli %mul3A_34, %scan3A_33 : i32
      %mul3A_36 = arith.constant 40 : i32
      %mul3A_37 = arith.muli %mul3A_35, %mul3A_36 : i32
      %add3A_38 = arith.addi %mul3A_2, %mul3A_37 : i32
      %add3A_39 = arith.constant 1 : i32
      %add3A_40 = arith.addi %mul3A_35, %add3A_39 : i32
      %mul3A_41 = arith.constant 40 : i32
      %mul3A_42 = arith.muli %add3A_40, %mul3A_41 : i32
      %add3A_43 = arith.addi %mul3A_2, %mul3A_42 : i32
      %add3A_44 = arith.constant 1 : i32
      %add3A_45 = arith.addi %mul3A_35, %add3A_44 : i32
      %mul3A_46 = arith.constant 40 : i32
      %mul3A_47 = arith.muli %add3A_45, %mul3A_46 : i32
      %add3A_48 = arith.addi %mul3A_2, %mul3A_47 : i32
      %run_scoped3A_49 = arith.constant 1 : i32
      "tpu.region"() ({
        %run_scoped3A_130 = tpu.sem_alloc : memref<!tpu.dma_semaphore, #tpu.memory_space<semaphore_mem>>
        %dma_start3A_131 = arith.constant 0 : i32
        %dma_start3A_132 = tpu.memref_slice %arg7[%run_scoped3A_49, %dma_start3A_131] : memref<2x40xi32, #tpu.memory_space<vmem>> -> memref<1x40xi32, #tpu.memory_space<vmem>>
        %dma_start3A_133 = tpu.memref_squeeze %dma_start3A_132 : memref<1x40xi32, #tpu.memory_space<vmem>> -> memref<40xi32, #tpu.memory_space<vmem>>
        %dma_start3A_134 = tpu.memref_slice %arg3[%add3A_48] : memref<320000xi32, #tpu.memory_space<hbm>> -> memref<40xi32, #tpu.memory_space<hbm>>
        %dma_start3A_135 = arith.constant 0 : i32
        %dma_start3A_136 = tpu.memref_slice %arg7[%run_scoped3A_49, %dma_start3A_135] : memref<2x40xi32, #tpu.memory_space<vmem>> -> memref<1x40xi32, #tpu.memory_space<vmem>>
        %dma_start3A_137 = tpu.memref_squeeze %dma_start3A_136 : memref<1x40xi32, #tpu.memory_space<vmem>> -> memref<40xi32, #tpu.memory_space<vmem>>
        %dma_start3A_138 = tpu.memref_slice %arg3[%add3A_48] : memref<320000xi32, #tpu.memory_space<hbm>> -> memref<40xi32, #tpu.memory_space<hbm>>
        tpu.enqueue_dma source(%dma_start3A_138 : memref<40xi32, #tpu.memory_space<hbm>>) target(%dma_start3A_137 : memref<40xi32, #tpu.memory_space<vmem>>) target_semaphore(%run_scoped3A_130 : memref<!tpu.dma_semaphore, #tpu.memory_space<semaphore_mem>>)
        %dma_wait3A_139 = arith.constant 0 : i32
        %dma_wait3A_140 = tpu.memref_slice %arg7[%run_scoped3A_49, %dma_wait3A_139] : memref<2x40xi32, #tpu.memory_space<vmem>> -> memref<1x40xi32, #tpu.memory_space<vmem>>
        %dma_wait3A_141 = tpu.memref_squeeze %dma_wait3A_140 : memref<1x40xi32, #tpu.memory_space<vmem>> -> memref<40xi32, #tpu.memory_space<vmem>>
        %dma_wait3A_142 = tpu.memref_slice %arg3[%add3A_48] : memref<320000xi32, #tpu.memory_space<hbm>> -> memref<40xi32, #tpu.memory_space<hbm>>
        %dma_wait3A_143 = arith.constant 0 : i32
        %dma_wait3A_144 = tpu.memref_slice %arg7[%run_scoped3A_49, %dma_wait3A_143] : memref<2x40xi32, #tpu.memory_space<vmem>> -> memref<1x40xi32, #tpu.memory_space<vmem>>
        %dma_wait3A_145 = tpu.memref_squeeze %dma_wait3A_144 : memref<1x40xi32, #tpu.memory_space<vmem>> -> memref<40xi32, #tpu.memory_space<vmem>>
        %dma_wait3A_146 = tpu.memref_slice %arg3[%add3A_48] : memref<320000xi32, #tpu.memory_space<hbm>> -> memref<40xi32, #tpu.memory_space<hbm>>
        tpu.wait_dma2 semaphore(%run_scoped3A_130 : memref<!tpu.dma_semaphore, #tpu.memory_space<semaphore_mem>>) src(%dma_wait3A_146 : memref<40xi32, #tpu.memory_space<hbm>>) dst(%dma_wait3A_145 : memref<40xi32, #tpu.memory_space<vmem>>)
        tpu.yield
      }) : () -> ()
      %run_scoped3A_50 = arith.constant 1 : i32
      "tpu.region"() ({
        %run_scoped3A_130 = tpu.sem_alloc : memref<!tpu.dma_semaphore, #tpu.memory_space<semaphore_mem>>
        %dma_start3A_131 = arith.constant 0 : i32
        %dma_start3A_132 = tpu.memref_slice %arg8[%run_scoped3A_50, %dma_start3A_131] : memref<2x40xi32, #tpu.memory_space<vmem>> -> memref<1x40xi32, #tpu.memory_space<vmem>>
        %dma_start3A_133 = tpu.memref_squeeze %dma_start3A_132 : memref<1x40xi32, #tpu.memory_space<vmem>> -> memref<40xi32, #tpu.memory_space<vmem>>
        %dma_start3A_134 = tpu.memref_slice %arg4[%add3A_48] : memref<320000xi32, #tpu.memory_space<hbm>> -> memref<40xi32, #tpu.memory_space<hbm>>
        %dma_start3A_135 = arith.constant 0 : i32
        %dma_start3A_136 = tpu.memref_slice %arg8[%run_scoped3A_50, %dma_start3A_135] : memref<2x40xi32, #tpu.memory_space<vmem>> -> memref<1x40xi32, #tpu.memory_space<vmem>>
        %dma_start3A_137 = tpu.memref_squeeze %dma_start3A_136 : memref<1x40xi32, #tpu.memory_space<vmem>> -> memref<40xi32, #tpu.memory_space<vmem>>
        %dma_start3A_138 = tpu.memref_slice %arg4[%add3A_48] : memref<320000xi32, #tpu.memory_space<hbm>> -> memref<40xi32, #tpu.memory_space<hbm>>
        tpu.enqueue_dma source(%dma_start3A_138 : memref<40xi32, #tpu.memory_space<hbm>>) target(%dma_start3A_137 : memref<40xi32, #tpu.memory_space<vmem>>) target_semaphore(%run_scoped3A_130 : memref<!tpu.dma_semaphore, #tpu.memory_space<semaphore_mem>>)
        %dma_wait3A_139 = arith.constant 0 : i32
        %dma_wait3A_140 = tpu.memref_slice %arg8[%run_scoped3A_50, %dma_wait3A_139] : memref<2x40xi32, #tpu.memory_space<vmem>> -> memref<1x40xi32, #tpu.memory_space<vmem>>
        %dma_wait3A_141 = tpu.memref_squeeze %dma_wait3A_140 : memref<1x40xi32, #tpu.memory_space<vmem>> -> memref<40xi32, #tpu.memory_space<vmem>>
        %dma_wait3A_142 = tpu.memref_slice %arg4[%add3A_48] : memref<320000xi32, #tpu.memory_space<hbm>> -> memref<40xi32, #tpu.memory_space<hbm>>
        %dma_wait3A_143 = arith.constant 0 : i32
        %dma_wait3A_144 = tpu.memref_slice %arg8[%run_scoped3A_50, %dma_wait3A_143] : memref<2x40xi32, #tpu.memory_space<vmem>> -> memref<1x40xi32, #tpu.memory_space<vmem>>
        %dma_wait3A_145 = tpu.memref_squeeze %dma_wait3A_144 : memref<1x40xi32, #tpu.memory_space<vmem>> -> memref<40xi32, #tpu.memory_space<vmem>>
        %dma_wait3A_146 = tpu.memref_slice %arg4[%add3A_48] : memref<320000xi32, #tpu.memory_space<hbm>> -> memref<40xi32, #tpu.memory_space<hbm>>
        tpu.wait_dma2 semaphore(%run_scoped3A_130 : memref<!tpu.dma_semaphore, #tpu.memory_space<semaphore_mem>>) src(%dma_wait3A_146 : memref<40xi32, #tpu.memory_space<hbm>>) dst(%dma_wait3A_145 : memref<40xi32, #tpu.memory_space<vmem>>)
        tpu.yield
      }) : () -> ()
      %gt3A = arith.constant 0 : i32
      %gt3A_51 = arith.cmpi sgt, %scan3A_33, %gt3A : i32
      %convert_element_type3A = arith.extui %gt3A_51 : i1 to i32
      %cond3A = arith.constant 0 : i32
      %cond3A_52 = arith.cmpi ne, %convert_element_type3A, %cond3A : i32
      scf.if %cond3A_52 {
        %sub3A = arith.constant 1 : i32
        %sub3A_130 = arith.subi %mul3A_35, %sub3A : i32
        %mul3A_131 = arith.constant 40 : i32
        %mul3A_132 = arith.muli %sub3A_130, %mul3A_131 : i32
        %add3A_133 = arith.addi %mul3A_2, %mul3A_132 : i32
        %dma_wait3A_134 = arith.constant 0 : i32
        %dma_wait3A_135 = tpu.memref_slice %arg5[%add3A_133, %dma_wait3A_134] : memref<320000x128xf32, #tpu.memory_space<hbm>> -> memref<40x128xf32, #tpu.memory_space<hbm>>
        %dma_wait3A_136 = arith.constant 0 : i32
        %dma_wait3A_137 = tpu.memref_slice %arg5[%add3A_133, %dma_wait3A_136] : memref<320000x128xf32, #tpu.memory_space<hbm>> -> memref<40x128xf32, #tpu.memory_space<hbm>>
        tpu.wait_dma2 semaphore(%arg19 : memref<!tpu.dma_semaphore, #tpu.memory_space<semaphore_mem>>) src(%arg11 : memref<40x128xf32, #tpu.memory_space<vmem>>) dst(%dma_wait3A_137 : memref<40x128xf32, #tpu.memory_space<hbm>>)
        %dma_wait3A_138 = arith.constant 0 : i32
        %dma_wait3A_139 = tpu.memref_slice %arg6[%add3A_133, %dma_wait3A_138] : memref<320000x128xf32, #tpu.memory_space<hbm>> -> memref<40x128xf32, #tpu.memory_space<hbm>>
        %dma_wait3A_140 = arith.constant 0 : i32
        %dma_wait3A_141 = tpu.memref_slice %arg6[%add3A_133, %dma_wait3A_140] : memref<320000x128xf32, #tpu.memory_space<hbm>> -> memref<40x128xf32, #tpu.memory_space<hbm>>
        tpu.wait_dma2 semaphore(%arg20 : memref<!tpu.dma_semaphore, #tpu.memory_space<semaphore_mem>>) src(%arg12 : memref<40x128xf32, #tpu.memory_space<vmem>>) dst(%dma_wait3A_141 : memref<40x128xf32, #tpu.memory_space<hbm>>)
      } else {
      }
      %dma_wait3A_53 = arith.constant 0 : i32
      %dma_wait3A_54 = arith.constant 0 : i32
      %dma_wait3A_55 = tpu.memref_slice %arg7[%dma_wait3A_53, %dma_wait3A_54] : memref<2x40xi32, #tpu.memory_space<vmem>> -> memref<1x40xi32, #tpu.memory_space<vmem>>
      %dma_wait3A_56 = tpu.memref_squeeze %dma_wait3A_55 : memref<1x40xi32, #tpu.memory_space<vmem>> -> memref<40xi32, #tpu.memory_space<vmem>>
      %dma_wait3A_57 = arith.constant 0 : i32
      %dma_wait3A_58 = arith.constant 0 : i32
      %dma_wait3A_59 = tpu.memref_slice %arg2[%dma_wait3A_57, %dma_wait3A_58] : memref<10240x128xf32, #tpu.memory_space<hbm>> -> memref<10240x128xf32, #tpu.memory_space<hbm>>
      tpu.wait_indirect_dma semaphore(%arg13 : memref<!tpu.dma_semaphore, #tpu.memory_space<semaphore_mem>>) src(%dma_wait3A_59 : memref<10240x128xf32, #tpu.memory_space<hbm>>) dst(%arg9 : memref<40x128xf32, #tpu.memory_space<vmem>>)
      %dma_wait3A_60 = arith.constant 0 : i32
      %dma_wait3A_61 = arith.constant 0 : i32
      %dma_wait3A_62 = tpu.memref_slice %arg8[%dma_wait3A_60, %dma_wait3A_61] : memref<2x40xi32, #tpu.memory_space<vmem>> -> memref<1x40xi32, #tpu.memory_space<vmem>>
      %dma_wait3A_63 = tpu.memref_squeeze %dma_wait3A_62 : memref<1x40xi32, #tpu.memory_space<vmem>> -> memref<40xi32, #tpu.memory_space<vmem>>
      %dma_wait3A_64 = arith.constant 0 : i32
      %dma_wait3A_65 = arith.constant 0 : i32
      %dma_wait3A_66 = tpu.memref_slice %arg2[%dma_wait3A_64, %dma_wait3A_65] : memref<10240x128xf32, #tpu.memory_space<hbm>> -> memref<10240x128xf32, #tpu.memory_space<hbm>>
      tpu.wait_indirect_dma semaphore(%arg14 : memref<!tpu.dma_semaphore, #tpu.memory_space<semaphore_mem>>) src(%dma_wait3A_66 : memref<10240x128xf32, #tpu.memory_space<hbm>>) dst(%arg10 : memref<40x128xf32, #tpu.memory_space<vmem>>)
      %add3A_67 = arith.constant 1 : i32
      %add3A_68 = arith.addi %mul3A_35, %add3A_67 : i32
      %dma_start3A_69 = arith.constant 1 : i32
      %dma_start3A_70 = arith.constant 0 : i32
      %dma_start3A_71 = tpu.memref_slice %arg7[%dma_start3A_69, %dma_start3A_70] : memref<2x40xi32, #tpu.memory_space<vmem>> -> memref<1x40xi32, #tpu.memory_space<vmem>>
      %dma_start3A_72 = tpu.memref_squeeze %dma_start3A_71 : memref<1x40xi32, #tpu.memory_space<vmem>> -> memref<40xi32, #tpu.memory_space<vmem>>
      %dma_start3A_73 = arith.constant 0 : i32
      %dma_start3A_74 = arith.constant 0 : i32
      %dma_start3A_75 = tpu.memref_slice %arg2[%dma_start3A_73, %dma_start3A_74] : memref<10240x128xf32, #tpu.memory_space<hbm>> -> memref<10240x128xf32, #tpu.memory_space<hbm>>
      tpu.enqueue_indirect_dma source(%dma_start3A_75 : memref<10240x128xf32, #tpu.memory_space<hbm>>) target(%arg11 : memref<40x128xf32, #tpu.memory_space<vmem>>) offsets(%dma_start3A_72 : memref<40xi32, #tpu.memory_space<vmem>>) semaphore(%arg15 : memref<!tpu.dma_semaphore, #tpu.memory_space<semaphore_mem>>)
      %dma_start3A_76 = arith.constant 1 : i32
      %dma_start3A_77 = arith.constant 0 : i32
      %dma_start3A_78 = tpu.memref_slice %arg8[%dma_start3A_76, %dma_start3A_77] : memref<2x40xi32, #tpu.memory_space<vmem>> -> memref<1x40xi32, #tpu.memory_space<vmem>>
      %dma_start3A_79 = tpu.memref_squeeze %dma_start3A_78 : memref<1x40xi32, #tpu.memory_space<vmem>> -> memref<40xi32, #tpu.memory_space<vmem>>
      %dma_start3A_80 = arith.constant 0 : i32
      %dma_start3A_81 = arith.constant 0 : i32
      %dma_start3A_82 = tpu.memref_slice %arg2[%dma_start3A_80, %dma_start3A_81] : memref<10240x128xf32, #tpu.memory_space<hbm>> -> memref<10240x128xf32, #tpu.memory_space<hbm>>
      tpu.enqueue_indirect_dma source(%dma_start3A_82 : memref<10240x128xf32, #tpu.memory_space<hbm>>) target(%arg12 : memref<40x128xf32, #tpu.memory_space<vmem>>) offsets(%dma_start3A_79 : memref<40xi32, #tpu.memory_space<vmem>>) semaphore(%arg16 : memref<!tpu.dma_semaphore, #tpu.memory_space<semaphore_mem>>)
      %dma_start3A_83 = arith.constant 0 : i32
      %dma_start3A_84 = tpu.memref_slice %arg5[%add3A_38, %dma_start3A_83] : memref<320000x128xf32, #tpu.memory_space<hbm>> -> memref<40x128xf32, #tpu.memory_space<hbm>>
      %dma_start3A_85 = arith.constant 0 : i32
      %dma_start3A_86 = tpu.memref_slice %arg5[%add3A_38, %dma_start3A_85] : memref<320000x128xf32, #tpu.memory_space<hbm>> -> memref<40x128xf32, #tpu.memory_space<hbm>>
      tpu.enqueue_dma source(%arg9 : memref<40x128xf32, #tpu.memory_space<vmem>>) target(%dma_start3A_86 : memref<40x128xf32, #tpu.memory_space<hbm>>) target_semaphore(%arg17 : memref<!tpu.dma_semaphore, #tpu.memory_space<semaphore_mem>>)
      %dma_start3A_87 = arith.constant 0 : i32
      %dma_start3A_88 = tpu.memref_slice %arg6[%add3A_38, %dma_start3A_87] : memref<320000x128xf32, #tpu.memory_space<hbm>> -> memref<40x128xf32, #tpu.memory_space<hbm>>
      %dma_start3A_89 = arith.constant 0 : i32
      %dma_start3A_90 = tpu.memref_slice %arg6[%add3A_38, %dma_start3A_89] : memref<320000x128xf32, #tpu.memory_space<hbm>> -> memref<40x128xf32, #tpu.memory_space<hbm>>
      tpu.enqueue_dma source(%arg10 : memref<40x128xf32, #tpu.memory_space<vmem>>) target(%dma_start3A_90 : memref<40x128xf32, #tpu.memory_space<hbm>>) target_semaphore(%arg18 : memref<!tpu.dma_semaphore, #tpu.memory_space<semaphore_mem>>)
      %lt3A = arith.constant 124 : i32
      %lt3A_91 = arith.cmpi slt, %scan3A_33, %lt3A : i32
      %convert_element_type3A_92 = arith.extui %lt3A_91 : i1 to i32
      %cond3A_93 = arith.constant 0 : i32
      %cond3A_94 = arith.cmpi ne, %convert_element_type3A_92, %cond3A_93 : i32
      scf.if %cond3A_94 {
        %add3A_130 = arith.constant 2 : i32
        %add3A_131 = arith.addi %mul3A_35, %add3A_130 : i32
        %mul3A_132 = arith.constant 40 : i32
        %mul3A_133 = arith.muli %add3A_131, %mul3A_132 : i32
        %add3A_134 = arith.addi %mul3A_2, %mul3A_133 : i32
        %run_scoped3A_135 = arith.constant 0 : i32
        "tpu.region"() ({
          %run_scoped3A_137 = tpu.sem_alloc : memref<!tpu.dma_semaphore, #tpu.memory_space<semaphore_mem>>
          %dma_start3A_138 = arith.constant 0 : i32
          %dma_start3A_139 = tpu.memref_slice %arg7[%run_scoped3A_135, %dma_start3A_138] : memref<2x40xi32, #tpu.memory_space<vmem>> -> memref<1x40xi32, #tpu.memory_space<vmem>>
          %dma_start3A_140 = tpu.memref_squeeze %dma_start3A_139 : memref<1x40xi32, #tpu.memory_space<vmem>> -> memref<40xi32, #tpu.memory_space<vmem>>
          %dma_start3A_141 = tpu.memref_slice %arg3[%add3A_134] : memref<320000xi32, #tpu.memory_space<hbm>> -> memref<40xi32, #tpu.memory_space<hbm>>
          %dma_start3A_142 = arith.constant 0 : i32
          %dma_start3A_143 = tpu.memref_slice %arg7[%run_scoped3A_135, %dma_start3A_142] : memref<2x40xi32, #tpu.memory_space<vmem>> -> memref<1x40xi32, #tpu.memory_space<vmem>>
          %dma_start3A_144 = tpu.memref_squeeze %dma_start3A_143 : memref<1x40xi32, #tpu.memory_space<vmem>> -> memref<40xi32, #tpu.memory_space<vmem>>
          %dma_start3A_145 = tpu.memref_slice %arg3[%add3A_134] : memref<320000xi32, #tpu.memory_space<hbm>> -> memref<40xi32, #tpu.memory_space<hbm>>
          tpu.enqueue_dma source(%dma_start3A_145 : memref<40xi32, #tpu.memory_space<hbm>>) target(%dma_start3A_144 : memref<40xi32, #tpu.memory_space<vmem>>) target_semaphore(%run_scoped3A_137 : memref<!tpu.dma_semaphore, #tpu.memory_space<semaphore_mem>>)
          %dma_wait3A_146 = arith.constant 0 : i32
          %dma_wait3A_147 = tpu.memref_slice %arg7[%run_scoped3A_135, %dma_wait3A_146] : memref<2x40xi32, #tpu.memory_space<vmem>> -> memref<1x40xi32, #tpu.memory_space<vmem>>
          %dma_wait3A_148 = tpu.memref_squeeze %dma_wait3A_147 : memref<1x40xi32, #tpu.memory_space<vmem>> -> memref<40xi32, #tpu.memory_space<vmem>>
          %dma_wait3A_149 = tpu.memref_slice %arg3[%add3A_134] : memref<320000xi32, #tpu.memory_space<hbm>> -> memref<40xi32, #tpu.memory_space<hbm>>
          %dma_wait3A_150 = arith.constant 0 : i32
          %dma_wait3A_151 = tpu.memref_slice %arg7[%run_scoped3A_135, %dma_wait3A_150] : memref<2x40xi32, #tpu.memory_space<vmem>> -> memref<1x40xi32, #tpu.memory_space<vmem>>
          %dma_wait3A_152 = tpu.memref_squeeze %dma_wait3A_151 : memref<1x40xi32, #tpu.memory_space<vmem>> -> memref<40xi32, #tpu.memory_space<vmem>>
          %dma_wait3A_153 = tpu.memref_slice %arg3[%add3A_134] : memref<320000xi32, #tpu.memory_space<hbm>> -> memref<40xi32, #tpu.memory_space<hbm>>
          tpu.wait_dma2 semaphore(%run_scoped3A_137 : memref<!tpu.dma_semaphore, #tpu.memory_space<semaphore_mem>>) src(%dma_wait3A_153 : memref<40xi32, #tpu.memory_space<hbm>>) dst(%dma_wait3A_152 : memref<40xi32, #tpu.memory_space<vmem>>)
          tpu.yield
        }) : () -> ()
        %run_scoped3A_136 = arith.constant 0 : i32
        "tpu.region"() ({
          %run_scoped3A_137 = tpu.sem_alloc : memref<!tpu.dma_semaphore, #tpu.memory_space<semaphore_mem>>
          %dma_start3A_138 = arith.constant 0 : i32
          %dma_start3A_139 = tpu.memref_slice %arg8[%run_scoped3A_136, %dma_start3A_138] : memref<2x40xi32, #tpu.memory_space<vmem>> -> memref<1x40xi32, #tpu.memory_space<vmem>>
          %dma_start3A_140 = tpu.memref_squeeze %dma_start3A_139 : memref<1x40xi32, #tpu.memory_space<vmem>> -> memref<40xi32, #tpu.memory_space<vmem>>
          %dma_start3A_141 = tpu.memref_slice %arg4[%add3A_134] : memref<320000xi32, #tpu.memory_space<hbm>> -> memref<40xi32, #tpu.memory_space<hbm>>
          %dma_start3A_142 = arith.constant 0 : i32
          %dma_start3A_143 = tpu.memref_slice %arg8[%run_scoped3A_136, %dma_start3A_142] : memref<2x40xi32, #tpu.memory_space<vmem>> -> memref<1x40xi32, #tpu.memory_space<vmem>>
          %dma_start3A_144 = tpu.memref_squeeze %dma_start3A_143 : memref<1x40xi32, #tpu.memory_space<vmem>> -> memref<40xi32, #tpu.memory_space<vmem>>
          %dma_start3A_145 = tpu.memref_slice %arg4[%add3A_134] : memref<320000xi32, #tpu.memory_space<hbm>> -> memref<40xi32, #tpu.memory_space<hbm>>
          tpu.enqueue_dma source(%dma_start3A_145 : memref<40xi32, #tpu.memory_space<hbm>>) target(%dma_start3A_144 : memref<40xi32, #tpu.memory_space<vmem>>) target_semaphore(%run_scoped3A_137 : memref<!tpu.dma_semaphore, #tpu.memory_space<semaphore_mem>>)
          %dma_wait3A_146 = arith.constant 0 : i32
          %dma_wait3A_147 = tpu.memref_slice %arg8[%run_scoped3A_136, %dma_wait3A_146] : memref<2x40xi32, #tpu.memory_space<vmem>> -> memref<1x40xi32, #tpu.memory_space<vmem>>
          %dma_wait3A_148 = tpu.memref_squeeze %dma_wait3A_147 : memref<1x40xi32, #tpu.memory_space<vmem>> -> memref<40xi32, #tpu.memory_space<vmem>>
          %dma_wait3A_149 = tpu.memref_slice %arg4[%add3A_134] : memref<320000xi32, #tpu.memory_space<hbm>> -> memref<40xi32, #tpu.memory_space<hbm>>
          %dma_wait3A_150 = arith.constant 0 : i32
          %dma_wait3A_151 = tpu.memref_slice %arg8[%run_scoped3A_136, %dma_wait3A_150] : memref<2x40xi32, #tpu.memory_space<vmem>> -> memref<1x40xi32, #tpu.memory_space<vmem>>
          %dma_wait3A_152 = tpu.memref_squeeze %dma_wait3A_151 : memref<1x40xi32, #tpu.memory_space<vmem>> -> memref<40xi32, #tpu.memory_space<vmem>>
          %dma_wait3A_153 = tpu.memref_slice %arg4[%add3A_134] : memref<320000xi32, #tpu.memory_space<hbm>> -> memref<40xi32, #tpu.memory_space<hbm>>
          tpu.wait_dma2 semaphore(%run_scoped3A_137 : memref<!tpu.dma_semaphore, #tpu.memory_space<semaphore_mem>>) src(%dma_wait3A_153 : memref<40xi32, #tpu.memory_space<hbm>>) dst(%dma_wait3A_152 : memref<40xi32, #tpu.memory_space<vmem>>)
          tpu.yield
        }) : () -> ()
      } else {
      }
      %dma_wait3A_95 = arith.constant 0 : i32
      %dma_wait3A_96 = tpu.memref_slice %arg5[%add3A_38, %dma_wait3A_95] : memref<320000x128xf32, #tpu.memory_space<hbm>> -> memref<40x128xf32, #tpu.memory_space<hbm>>
      %dma_wait3A_97 = arith.constant 0 : i32
      %dma_wait3A_98 = tpu.memref_slice %arg5[%add3A_38, %dma_wait3A_97] : memref<320000x128xf32, #tpu.memory_space<hbm>> -> memref<40x128xf32, #tpu.memory_space<hbm>>
      tpu.wait_dma2 semaphore(%arg17 : memref<!tpu.dma_semaphore, #tpu.memory_space<semaphore_mem>>) src(%arg9 : memref<40x128xf32, #tpu.memory_space<vmem>>) dst(%dma_wait3A_98 : memref<40x128xf32, #tpu.memory_space<hbm>>)
      %dma_wait3A_99 = arith.constant 0 : i32
      %dma_wait3A_100 = tpu.memref_slice %arg6[%add3A_38, %dma_wait3A_99] : memref<320000x128xf32, #tpu.memory_space<hbm>> -> memref<40x128xf32, #tpu.memory_space<hbm>>
      %dma_wait3A_101 = arith.constant 0 : i32
      %dma_wait3A_102 = tpu.memref_slice %arg6[%add3A_38, %dma_wait3A_101] : memref<320000x128xf32, #tpu.memory_space<hbm>> -> memref<40x128xf32, #tpu.memory_space<hbm>>
      tpu.wait_dma2 semaphore(%arg18 : memref<!tpu.dma_semaphore, #tpu.memory_space<semaphore_mem>>) src(%arg10 : memref<40x128xf32, #tpu.memory_space<vmem>>) dst(%dma_wait3A_102 : memref<40x128xf32, #tpu.memory_space<hbm>>)
      %dma_wait3A_103 = arith.constant 1 : i32
      %dma_wait3A_104 = arith.constant 0 : i32
      %dma_wait3A_105 = tpu.memref_slice %arg7[%dma_wait3A_103, %dma_wait3A_104] : memref<2x40xi32, #tpu.memory_space<vmem>> -> memref<1x40xi32, #tpu.memory_space<vmem>>
      %dma_wait3A_106 = tpu.memref_squeeze %dma_wait3A_105 : memref<1x40xi32, #tpu.memory_space<vmem>> -> memref<40xi32, #tpu.memory_space<vmem>>
      %dma_wait3A_107 = arith.constant 0 : i32
      %dma_wait3A_108 = arith.constant 0 : i32
      %dma_wait3A_109 = tpu.memref_slice %arg2[%dma_wait3A_107, %dma_wait3A_108] : memref<10240x128xf32, #tpu.memory_space<hbm>> -> memref<10240x128xf32, #tpu.memory_space<hbm>>
      tpu.wait_indirect_dma semaphore(%arg15 : memref<!tpu.dma_semaphore, #tpu.memory_space<semaphore_mem>>) src(%dma_wait3A_109 : memref<10240x128xf32, #tpu.memory_space<hbm>>) dst(%arg11 : memref<40x128xf32, #tpu.memory_space<vmem>>)
      %dma_wait3A_110 = arith.constant 1 : i32
      %dma_wait3A_111 = arith.constant 0 : i32
      %dma_wait3A_112 = tpu.memref_slice %arg8[%dma_wait3A_110, %dma_wait3A_111] : memref<2x40xi32, #tpu.memory_space<vmem>> -> memref<1x40xi32, #tpu.memory_space<vmem>>
      %dma_wait3A_113 = tpu.memref_squeeze %dma_wait3A_112 : memref<1x40xi32, #tpu.memory_space<vmem>> -> memref<40xi32, #tpu.memory_space<vmem>>
      %dma_wait3A_114 = arith.constant 0 : i32
      %dma_wait3A_115 = arith.constant 0 : i32
      %dma_wait3A_116 = tpu.memref_slice %arg2[%dma_wait3A_114, %dma_wait3A_115] : memref<10240x128xf32, #tpu.memory_space<hbm>> -> memref<10240x128xf32, #tpu.memory_space<hbm>>
      tpu.wait_indirect_dma semaphore(%arg16 : memref<!tpu.dma_semaphore, #tpu.memory_space<semaphore_mem>>) src(%dma_wait3A_116 : memref<10240x128xf32, #tpu.memory_space<hbm>>) dst(%arg12 : memref<40x128xf32, #tpu.memory_space<vmem>>)
      %lt3A_117 = arith.constant 124 : i32
      %lt3A_118 = arith.cmpi slt, %scan3A_33, %lt3A_117 : i32
      %convert_element_type3A_119 = arith.extui %lt3A_118 : i1 to i32
      %cond3A_120 = arith.constant 0 : i32
      %cond3A_121 = arith.cmpi ne, %convert_element_type3A_119, %cond3A_120 : i32
      scf.if %cond3A_121 {
        %add3A_130 = arith.constant 2 : i32
        %add3A_131 = arith.addi %mul3A_35, %add3A_130 : i32
        %dma_start3A_132 = arith.constant 0 : i32
        %dma_start3A_133 = arith.constant 0 : i32
        %dma_start3A_134 = tpu.memref_slice %arg7[%dma_start3A_132, %dma_start3A_133] : memref<2x40xi32, #tpu.memory_space<vmem>> -> memref<1x40xi32, #tpu.memory_space<vmem>>
        %dma_start3A_135 = tpu.memref_squeeze %dma_start3A_134 : memref<1x40xi32, #tpu.memory_space<vmem>> -> memref<40xi32, #tpu.memory_space<vmem>>
        %dma_start3A_136 = arith.constant 0 : i32
        %dma_start3A_137 = arith.constant 0 : i32
        %dma_start3A_138 = tpu.memref_slice %arg2[%dma_start3A_136, %dma_start3A_137] : memref<10240x128xf32, #tpu.memory_space<hbm>> -> memref<10240x128xf32, #tpu.memory_space<hbm>>
        tpu.enqueue_indirect_dma source(%dma_start3A_138 : memref<10240x128xf32, #tpu.memory_space<hbm>>) target(%arg9 : memref<40x128xf32, #tpu.memory_space<vmem>>) offsets(%dma_start3A_135 : memref<40xi32, #tpu.memory_space<vmem>>) semaphore(%arg13 : memref<!tpu.dma_semaphore, #tpu.memory_space<semaphore_mem>>)
        %dma_start3A_139 = arith.constant 0 : i32
        %dma_start3A_140 = arith.constant 0 : i32
        %dma_start3A_141 = tpu.memref_slice %arg8[%dma_start3A_139, %dma_start3A_140] : memref<2x40xi32, #tpu.memory_space<vmem>> -> memref<1x40xi32, #tpu.memory_space<vmem>>
        %dma_start3A_142 = tpu.memref_squeeze %dma_start3A_141 : memref<1x40xi32, #tpu.memory_space<vmem>> -> memref<40xi32, #tpu.memory_space<vmem>>
        %dma_start3A_143 = arith.constant 0 : i32
        %dma_start3A_144 = arith.constant 0 : i32
        %dma_start3A_145 = tpu.memref_slice %arg2[%dma_start3A_143, %dma_start3A_144] : memref<10240x128xf32, #tpu.memory_space<hbm>> -> memref<10240x128xf32, #tpu.memory_space<hbm>>
        tpu.enqueue_indirect_dma source(%dma_start3A_145 : memref<10240x128xf32, #tpu.memory_space<hbm>>) target(%arg10 : memref<40x128xf32, #tpu.memory_space<vmem>>) offsets(%dma_start3A_142 : memref<40xi32, #tpu.memory_space<vmem>>) semaphore(%arg14 : memref<!tpu.dma_semaphore, #tpu.memory_space<semaphore_mem>>)
      } else {
      }
      %dma_start3A_122 = arith.constant 0 : i32
      %dma_start3A_123 = tpu.memref_slice %arg5[%add3A_43, %dma_start3A_122] : memref<320000x128xf32, #tpu.memory_space<hbm>> -> memref<40x128xf32, #tpu.memory_space<hbm>>
      %dma_start3A_124 = arith.constant 0 : i32
      %dma_start3A_125 = tpu.memref_slice %arg5[%add3A_43, %dma_start3A_124] : memref<320000x128xf32, #tpu.memory_space<hbm>> -> memref<40x128xf32, #tpu.memory_space<hbm>>
      tpu.enqueue_dma source(%arg11 : memref<40x128xf32, #tpu.memory_space<vmem>>) target(%dma_start3A_125 : memref<40x128xf32, #tpu.memory_space<hbm>>) target_semaphore(%arg19 : memref<!tpu.dma_semaphore, #tpu.memory_space<semaphore_mem>>)
      %dma_start3A_126 = arith.constant 0 : i32
      %dma_start3A_127 = tpu.memref_slice %arg6[%add3A_43, %dma_start3A_126] : memref<320000x128xf32, #tpu.memory_space<hbm>> -> memref<40x128xf32, #tpu.memory_space<hbm>>
      %dma_start3A_128 = arith.constant 0 : i32
      %dma_start3A_129 = tpu.memref_slice %arg6[%add3A_43, %dma_start3A_128] : memref<320000x128xf32, #tpu.memory_space<hbm>> -> memref<40x128xf32, #tpu.memory_space<hbm>>
      tpu.enqueue_dma source(%arg12 : memref<40x128xf32, #tpu.memory_space<vmem>>) target(%dma_start3A_129 : memref<40x128xf32, #tpu.memory_space<hbm>>) target_semaphore(%arg20 : memref<!tpu.dma_semaphore, #tpu.memory_space<semaphore_mem>>)
    }
    %scan3A_23 = arith.constant 125 : i32
    %add3A_24 = arith.constant 9960 : i32
    %add3A_25 = arith.addi %mul3A_2, %add3A_24 : i32
    %dma_wait3A = arith.constant 0 : i32
    %dma_wait3A_26 = tpu.memref_slice %arg5[%add3A_25, %dma_wait3A] : memref<320000x128xf32, #tpu.memory_space<hbm>> -> memref<40x128xf32, #tpu.memory_space<hbm>>
    %dma_wait3A_27 = arith.constant 0 : i32
    %dma_wait3A_28 = tpu.memref_slice %arg5[%add3A_25, %dma_wait3A_27] : memref<320000x128xf32, #tpu.memory_space<hbm>> -> memref<40x128xf32, #tpu.memory_space<hbm>>
    tpu.wait_dma2 semaphore(%arg19 : memref<!tpu.dma_semaphore, #tpu.memory_space<semaphore_mem>>) src(%arg11 : memref<40x128xf32, #tpu.memory_space<vmem>>) dst(%dma_wait3A_28 : memref<40x128xf32, #tpu.memory_space<hbm>>)
    %dma_wait3A_29 = arith.constant 0 : i32
    %dma_wait3A_30 = tpu.memref_slice %arg6[%add3A_25, %dma_wait3A_29] : memref<320000x128xf32, #tpu.memory_space<hbm>> -> memref<40x128xf32, #tpu.memory_space<hbm>>
    %dma_wait3A_31 = arith.constant 0 : i32
    %dma_wait3A_32 = tpu.memref_slice %arg6[%add3A_25, %dma_wait3A_31] : memref<320000x128xf32, #tpu.memory_space<hbm>> -> memref<40x128xf32, #tpu.memory_space<hbm>>
    tpu.wait_dma2 semaphore(%arg20 : memref<!tpu.dma_semaphore, #tpu.memory_space<semaphore_mem>>) src(%arg12 : memref<40x128xf32, #tpu.memory_space<vmem>>) dst(%dma_wait3A_32 : memref<40x128xf32, #tpu.memory_space<hbm>>)
    return
  }
}

#map = affine_map<(d0, d1) -> (0, 0)>
#map1 = affine_map<(d0, d1) -> (0)>
module attributes {stable_mosaic.version = 14 : i64} {
  func.func @k(%arg0: i32, %arg1: i32, %arg2: memref<320000x128xf32, #tpu.memory_space<hbm>>, %arg3: memref<320000xi32, #tpu.memory_space<hbm>>, %arg4: memref<10240x128xf32, #tpu.memory_space<hbm>>, %arg5: memref<2x80xi32, #tpu.memory_space<vmem>>, %arg6: memref<80x128xf32, #tpu.memory_space<vmem>>, %arg7: memref<80x128xf32, #tpu.memory_space<vmem>>, %arg8: memref<168x128xf32, #tpu.memory_space<vmem>>, %arg9: memref<2688x128xf32, #tpu.memory_space<vmem_shared>>, %arg10: memref<!tpu.dma_semaphore, #tpu.memory_space<semaphore_mem>>, %arg11: memref<!tpu.dma_semaphore, #tpu.memory_space<semaphore_mem>>) attributes {dimension_semantics = [#tpu.dimension_semantics<core_parallel>, #tpu.dimension_semantics<subcore_parallel>], iteration_bounds = array<i64: 2, 16>, scalar_prefetch = 0 : i64, scratch_operands = 7 : i64, tpu.core_type = #tpu.core_type<sc_vector_subcore>, window_params = [{transform_indices = #map}, {transform_indices = #map1}, {transform_indices = #map}]} {
    %mul3A = arith.constant 20000 : i32
    %mul3A_0 = arith.muli %arg1, %mul3A : i32
    %scan3A = arith.constant 0 : i32
    %scan3A_1 = arith.constant 0 : i32
    %scan3A_2 = arith.constant 168 : i32
    %scan3A_3 = arith.addi %scan3A_1, %scan3A_2 : i32
    %scan3A_4 = arith.constant 1 : i32
    scf.for %scan3A_301 = %scan3A_1 to %scan3A_3 step %scan3A_4  : i32 {
      %scan3A_302 = arith.constant 0 : i32
      %scan3A_303 = arith.constant 8 : i32
      %scan3A_304 = arith.addi %scan3A_302, %scan3A_303 : i32
      %scan3A_305 = arith.constant 1 : i32
      scf.for %scan3A_307 = %scan3A_302 to %scan3A_304 step %scan3A_305  : i32 {
        %broadcast_in_dim3A_308 = arith.constant 0.000000e+00 : f32
        %broadcast_in_dim3A_309 = vector.broadcast %broadcast_in_dim3A_308 : f32 to vector<16xf32>
        %mul3A_310 = arith.constant 16 : i32
        %mul3A_311 = arith.muli %scan3A_307, %mul3A_310 : i32
        %swap3A_312 = arith.index_cast %scan3A_301 : i32 to index
        %swap3A_313 = arith.index_cast %mul3A_311 : i32 to index
        %swap3A_314 = tpu.vector_load %arg8[%swap3A_312, %swap3A_313] {strides = array<i32>} : memref<168x128xf32, #tpu.memory_space<vmem>>, vector<1x16xf32>,
        %swap3A_315 = vector.shape_cast %swap3A_314 : vector<1x16xf32> to vector<16xf32>
        %swap3A_316 = vector.shape_cast %broadcast_in_dim3A_309 : vector<16xf32> to vector<1x16xf32>
        tpu.vector_store %arg8[%swap3A_312, %swap3A_313], %swap3A_316 {strides = array<i32>} : memref<168x128xf32, #tpu.memory_space<vmem>>, vector<1x16xf32>,
      }
      %scan3A_306 = arith.constant 8 : i32
    }
    %scan3A_5 = arith.constant 168 : i32
    %mul3A_6 = arith.constant 2 : i32
    %mul3A_7 = arith.muli %mul3A_6, %arg0 : i32
    %add3A = arith.constant 0 : i32
    %add3A_8 = arith.addi %mul3A_7, %add3A : i32
    %mul3A_9 = arith.constant 2560 : i32
    %mul3A_10 = arith.muli %add3A_8, %mul3A_9 : i32
    %mul3A_11 = arith.constant 168 : i32
    %mul3A_12 = arith.muli %arg1, %mul3A_11 : i32
    "tpu.region"() ({
      %run_scoped3A_301 = tpu.sem_alloc : memref<!tpu.dma_semaphore, #tpu.memory_space<semaphore_mem>>
      %dma_start3A = arith.constant 0 : i32
      %dma_start3A_302 = tpu.memref_slice %arg9[%mul3A_12, %dma_start3A] : memref<2688x128xf32, #tpu.memory_space<vmem_shared>> -> memref<168x128xf32, #tpu.memory_space<vmem_shared>>
      %dma_start3A_303 = arith.constant 0 : i32
      %dma_start3A_304 = tpu.memref_slice %arg9[%mul3A_12, %dma_start3A_303] : memref<2688x128xf32, #tpu.memory_space<vmem_shared>> -> memref<168x128xf32, #tpu.memory_space<vmem_shared>>
      tpu.enqueue_dma source(%arg8 : memref<168x128xf32, #tpu.memory_space<vmem>>) target(%dma_start3A_304 : memref<168x128xf32, #tpu.memory_space<vmem_shared>>) target_semaphore(%run_scoped3A_301 : memref<!tpu.dma_semaphore, #tpu.memory_space<semaphore_mem>>)
      %dma_wait3A_305 = arith.constant 0 : i32
      %dma_wait3A_306 = tpu.memref_slice %arg9[%mul3A_12, %dma_wait3A_305] : memref<2688x128xf32, #tpu.memory_space<vmem_shared>> -> memref<168x128xf32, #tpu.memory_space<vmem_shared>>
      %dma_wait3A_307 = arith.constant 0 : i32
      %dma_wait3A_308 = tpu.memref_slice %arg9[%mul3A_12, %dma_wait3A_307] : memref<2688x128xf32, #tpu.memory_space<vmem_shared>> -> memref<168x128xf32, #tpu.memory_space<vmem_shared>>
      tpu.wait_dma2 semaphore(%run_scoped3A_301 : memref<!tpu.dma_semaphore, #tpu.memory_space<semaphore_mem>>) src(%arg8 : memref<168x128xf32, #tpu.memory_space<vmem>>) dst(%dma_wait3A_308 : memref<168x128xf32, #tpu.memory_space<vmem_shared>>)
      tpu.yield
    }) : () -> ()
    %barrier3A = arith.constant 0 : index
    tpu.barrier barrier_id(%barrier3A)
    %add3A_13 = arith.constant 0 : i32
    %add3A_14 = arith.addi %mul3A_0, %add3A_13 : i32
    %run_scoped3A = arith.constant 0 : i32
    "tpu.region"() ({
      %run_scoped3A_301 = tpu.sem_alloc : memref<!tpu.dma_semaphore, #tpu.memory_space<semaphore_mem>>
      %dma_start3A = arith.constant 0 : i32
      %dma_start3A_302 = tpu.memref_slice %arg5[%run_scoped3A, %dma_start3A] : memref<2x80xi32, #tpu.memory_space<vmem>> -> memref<1x80xi32, #tpu.memory_space<vmem>>
      %dma_start3A_303 = tpu.memref_squeeze %dma_start3A_302 : memref<1x80xi32, #tpu.memory_space<vmem>> -> memref<80xi32, #tpu.memory_space<vmem>>
      %dma_start3A_304 = tpu.memref_slice %arg3[%add3A_14] : memref<320000xi32, #tpu.memory_space<hbm>> -> memref<80xi32, #tpu.memory_space<hbm>>
      %dma_start3A_305 = arith.constant 0 : i32
      %dma_start3A_306 = tpu.memref_slice %arg5[%run_scoped3A, %dma_start3A_305] : memref<2x80xi32, #tpu.memory_space<vmem>> -> memref<1x80xi32, #tpu.memory_space<vmem>>
      %dma_start3A_307 = tpu.memref_squeeze %dma_start3A_306 : memref<1x80xi32, #tpu.memory_space<vmem>> -> memref<80xi32, #tpu.memory_space<vmem>>
      %dma_start3A_308 = tpu.memref_slice %arg3[%add3A_14] : memref<320000xi32, #tpu.memory_space<hbm>> -> memref<80xi32, #tpu.memory_space<hbm>>
      tpu.enqueue_dma source(%dma_start3A_308 : memref<80xi32, #tpu.memory_space<hbm>>) target(%dma_start3A_307 : memref<80xi32, #tpu.memory_space<vmem>>) target_semaphore(%run_scoped3A_301 : memref<!tpu.dma_semaphore, #tpu.memory_space<semaphore_mem>>)
      %dma_wait3A_309 = arith.constant 0 : i32
      %dma_wait3A_310 = tpu.memref_slice %arg5[%run_scoped3A, %dma_wait3A_309] : memref<2x80xi32, #tpu.memory_space<vmem>> -> memref<1x80xi32, #tpu.memory_space<vmem>>
      %dma_wait3A_311 = tpu.memref_squeeze %dma_wait3A_310 : memref<1x80xi32, #tpu.memory_space<vmem>> -> memref<80xi32, #tpu.memory_space<vmem>>
      %dma_wait3A_312 = tpu.memref_slice %arg3[%add3A_14] : memref<320000xi32, #tpu.memory_space<hbm>> -> memref<80xi32, #tpu.memory_space<hbm>>
      %dma_wait3A_313 = arith.constant 0 : i32
      %dma_wait3A_314 = tpu.memref_slice %arg5[%run_scoped3A, %dma_wait3A_313] : memref<2x80xi32, #tpu.memory_space<vmem>> -> memref<1x80xi32, #tpu.memory_space<vmem>>
      %dma_wait3A_315 = tpu.memref_squeeze %dma_wait3A_314 : memref<1x80xi32, #tpu.memory_space<vmem>> -> memref<80xi32, #tpu.memory_space<vmem>>
      %dma_wait3A_316 = tpu.memref_slice %arg3[%add3A_14] : memref<320000xi32, #tpu.memory_space<hbm>> -> memref<80xi32, #tpu.memory_space<hbm>>
      tpu.wait_dma2 semaphore(%run_scoped3A_301 : memref<!tpu.dma_semaphore, #tpu.memory_space<semaphore_mem>>) src(%dma_wait3A_316 : memref<80xi32, #tpu.memory_space<hbm>>) dst(%dma_wait3A_315 : memref<80xi32, #tpu.memory_space<vmem>>)
      tpu.yield
    }) : () -> ()
    "tpu.region"() ({
      %run_scoped3A_301 = tpu.sem_alloc : memref<!tpu.dma_semaphore, #tpu.memory_space<semaphore_mem>>
      %dma_start3A = arith.constant 0 : i32
      %dma_start3A_302 = tpu.memref_slice %arg2[%add3A_14, %dma_start3A] : memref<320000x128xf32, #tpu.memory_space<hbm>> -> memref<80x128xf32, #tpu.memory_space<hbm>>
      %dma_start3A_303 = arith.constant 0 : i32
      %dma_start3A_304 = tpu.memref_slice %arg2[%add3A_14, %dma_start3A_303] : memref<320000x128xf32, #tpu.memory_space<hbm>> -> memref<80x128xf32, #tpu.memory_space<hbm>>
      tpu.enqueue_dma source(%dma_start3A_304 : memref<80x128xf32, #tpu.memory_space<hbm>>) target(%arg6 : memref<80x128xf32, #tpu.memory_space<vmem>>) target_semaphore(%run_scoped3A_301 : memref<!tpu.dma_semaphore, #tpu.memory_space<semaphore_mem>>)
      %dma_wait3A_305 = arith.constant 0 : i32
      %dma_wait3A_306 = tpu.memref_slice %arg2[%add3A_14, %dma_wait3A_305] : memref<320000x128xf32, #tpu.memory_space<hbm>> -> memref<80x128xf32, #tpu.memory_space<hbm>>
      %dma_wait3A_307 = arith.constant 0 : i32
      %dma_wait3A_308 = tpu.memref_slice %arg2[%add3A_14, %dma_wait3A_307] : memref<320000x128xf32, #tpu.memory_space<hbm>> -> memref<80x128xf32, #tpu.memory_space<hbm>>
      tpu.wait_dma2 semaphore(%run_scoped3A_301 : memref<!tpu.dma_semaphore, #tpu.memory_space<semaphore_mem>>) src(%dma_wait3A_308 : memref<80x128xf32, #tpu.memory_space<hbm>>) dst(%arg6 : memref<80x128xf32, #tpu.memory_space<vmem>>)
      tpu.yield
    }) : () -> ()
    %get3A = arith.constant 0 : i32
    %get3A_15 = arith.index_cast %get3A : i32 to index
    %get3A_16 = arith.constant 0 : index
    %get3A_17 = tpu.vector_load %arg5[%get3A_15, %get3A_16] {strides = array<i32>} : memref<2x80xi32, #tpu.memory_space<vmem>>, vector<1x16xi32>,
    %get3A_18 = vector.shape_cast %get3A_17 : vector<1x16xi32> to vector<16xi32>
    %sub3A = vector.broadcast %mul3A_10 : i32 to vector<16xi32>
    %sub3A_19 = arith.subi %get3A_18, %sub3A : vector<16xi32>
    %lt3A = arith.constant 0 : i32
    %lt3A_20 = vector.broadcast %lt3A : i32 to vector<16xi32>
    %lt3A_21 = arith.cmpi slt, %sub3A_19, %lt3A_20 : vector<16xi32>
    %ge3A = arith.constant 2560 : i32
    %ge3A_22 = vector.broadcast %ge3A : i32 to vector<16xi32>
    %ge3A_23 = arith.cmpi sge, %sub3A_19, %ge3A_22 : vector<16xi32>
    %or3A = arith.ori %lt3A_21, %ge3A_23 : vector<16xi1>
    %jit3A = arith.constant 2560 : i32
    %broadcast_in_dim3A = vector.broadcast %jit3A : i32 to vector<16xi32>
    %select_n3A = arith.select %or3A, %broadcast_in_dim3A, %sub3A_19 : vector<16xi1>, vector<16xi32>
    %swap3A = arith.constant 0 : i32
    %swap3A_24 = arith.index_cast %swap3A : i32 to index
    %swap3A_25 = arith.constant 0 : index
    %swap3A_26 = tpu.vector_load %arg5[%swap3A_24, %swap3A_25] {strides = array<i32>} : memref<2x80xi32, #tpu.memory_space<vmem>>, vector<1x16xi32>,
    %swap3A_27 = vector.shape_cast %swap3A_26 : vector<1x16xi32> to vector<16xi32>
    %swap3A_28 = vector.shape_cast %select_n3A : vector<16xi32> to vector<1x16xi32>
    tpu.vector_store %arg5[%swap3A_24, %swap3A_25], %swap3A_28 {strides = array<i32>} : memref<2x80xi32, #tpu.memory_space<vmem>>, vector<1x16xi32>,
    %get3A_29 = arith.constant 0 : i32
    %get3A_30 = arith.index_cast %get3A_29 : i32 to index
    %get3A_31 = arith.constant 16 : index
    %get3A_32 = tpu.vector_load %arg5[%get3A_30, %get3A_31] {strides = array<i32>} : memref<2x80xi32, #tpu.memory_space<vmem>>, vector<1x16xi32>,
    %get3A_33 = vector.shape_cast %get3A_32 : vector<1x16xi32> to vector<16xi32>
    %sub3A_34 = vector.broadcast %mul3A_10 : i32 to vector<16xi32>
    %sub3A_35 = arith.subi %get3A_33, %sub3A_34 : vector<16xi32>
    %lt3A_36 = arith.constant 0 : i32
    %lt3A_37 = vector.broadcast %lt3A_36 : i32 to vector<16xi32>
    %lt3A_38 = arith.cmpi slt, %sub3A_35, %lt3A_37 : vector<16xi32>
    %ge3A_39 = arith.constant 2560 : i32
    %ge3A_40 = vector.broadcast %ge3A_39 : i32 to vector<16xi32>
    %ge3A_41 = arith.cmpi sge, %sub3A_35, %ge3A_40 : vector<16xi32>
    %or3A_42 = arith.ori %lt3A_38, %ge3A_41 : vector<16xi1>
    %jit3A_43 = arith.constant 2560 : i32
    %broadcast_in_dim3A_44 = vector.broadcast %jit3A_43 : i32 to vector<16xi32>
    %select_n3A_45 = arith.select %or3A_42, %broadcast_in_dim3A_44, %sub3A_35 : vector<16xi1>, vector<16xi32>
    %swap3A_46 = arith.constant 0 : i32
    %swap3A_47 = arith.index_cast %swap3A_46 : i32 to index
    %swap3A_48 = arith.constant 16 : index
    %swap3A_49 = tpu.vector_load %arg5[%swap3A_47, %swap3A_48] {strides = array<i32>} : memref<2x80xi32, #tpu.memory_space<vmem>>, vector<1x16xi32>,
    %swap3A_50 = vector.shape_cast %swap3A_49 : vector<1x16xi32> to vector<16xi32>
    %swap3A_51 = vector.shape_cast %select_n3A_45 : vector<16xi32> to vector<1x16xi32>
    tpu.vector_store %arg5[%swap3A_47, %swap3A_48], %swap3A_51 {strides = array<i32>} : memref<2x80xi32, #tpu.memory_space<vmem>>, vector<1x16xi32>,
    %get3A_52 = arith.constant 0 : i32
    %get3A_53 = arith.index_cast %get3A_52 : i32 to index
    %get3A_54 = arith.constant 32 : index
    %get3A_55 = tpu.vector_load %arg5[%get3A_53, %get3A_54] {strides = array<i32>} : memref<2x80xi32, #tpu.memory_space<vmem>>, vector<1x16xi32>,
    %get3A_56 = vector.shape_cast %get3A_55 : vector<1x16xi32> to vector<16xi32>
    %sub3A_57 = vector.broadcast %mul3A_10 : i32 to vector<16xi32>
    %sub3A_58 = arith.subi %get3A_56, %sub3A_57 : vector<16xi32>
    %lt3A_59 = arith.constant 0 : i32
    %lt3A_60 = vector.broadcast %lt3A_59 : i32 to vector<16xi32>
    %lt3A_61 = arith.cmpi slt, %sub3A_58, %lt3A_60 : vector<16xi32>
    %ge3A_62 = arith.constant 2560 : i32
    %ge3A_63 = vector.broadcast %ge3A_62 : i32 to vector<16xi32>
    %ge3A_64 = arith.cmpi sge, %sub3A_58, %ge3A_63 : vector<16xi32>
    %or3A_65 = arith.ori %lt3A_61, %ge3A_64 : vector<16xi1>
    %jit3A_66 = arith.constant 2560 : i32
    %broadcast_in_dim3A_67 = vector.broadcast %jit3A_66 : i32 to vector<16xi32>
    %select_n3A_68 = arith.select %or3A_65, %broadcast_in_dim3A_67, %sub3A_58 : vector<16xi1>, vector<16xi32>
    %swap3A_69 = arith.constant 0 : i32
    %swap3A_70 = arith.index_cast %swap3A_69 : i32 to index
    %swap3A_71 = arith.constant 32 : index
    %swap3A_72 = tpu.vector_load %arg5[%swap3A_70, %swap3A_71] {strides = array<i32>} : memref<2x80xi32, #tpu.memory_space<vmem>>, vector<1x16xi32>,
    %swap3A_73 = vector.shape_cast %swap3A_72 : vector<1x16xi32> to vector<16xi32>
    %swap3A_74 = vector.shape_cast %select_n3A_68 : vector<16xi32> to vector<1x16xi32>
    tpu.vector_store %arg5[%swap3A_70, %swap3A_71], %swap3A_74 {strides = array<i32>} : memref<2x80xi32, #tpu.memory_space<vmem>>, vector<1x16xi32>,
    %get3A_75 = arith.constant 0 : i32
    %get3A_76 = arith.index_cast %get3A_75 : i32 to index
    %get3A_77 = arith.constant 48 : index
    %get3A_78 = tpu.vector_load %arg5[%get3A_76, %get3A_77] {strides = array<i32>} : memref<2x80xi32, #tpu.memory_space<vmem>>, vector<1x16xi32>,
    %get3A_79 = vector.shape_cast %get3A_78 : vector<1x16xi32> to vector<16xi32>
    %sub3A_80 = vector.broadcast %mul3A_10 : i32 to vector<16xi32>
    %sub3A_81 = arith.subi %get3A_79, %sub3A_80 : vector<16xi32>
    %lt3A_82 = arith.constant 0 : i32
    %lt3A_83 = vector.broadcast %lt3A_82 : i32 to vector<16xi32>
    %lt3A_84 = arith.cmpi slt, %sub3A_81, %lt3A_83 : vector<16xi32>
    %ge3A_85 = arith.constant 2560 : i32
    %ge3A_86 = vector.broadcast %ge3A_85 : i32 to vector<16xi32>
    %ge3A_87 = arith.cmpi sge, %sub3A_81, %ge3A_86 : vector<16xi32>
    %or3A_88 = arith.ori %lt3A_84, %ge3A_87 : vector<16xi1>
    %jit3A_89 = arith.constant 2560 : i32
    %broadcast_in_dim3A_90 = vector.broadcast %jit3A_89 : i32 to vector<16xi32>
    %select_n3A_91 = arith.select %or3A_88, %broadcast_in_dim3A_90, %sub3A_81 : vector<16xi1>, vector<16xi32>
    %swap3A_92 = arith.constant 0 : i32
    %swap3A_93 = arith.index_cast %swap3A_92 : i32 to index
    %swap3A_94 = arith.constant 48 : index
    %swap3A_95 = tpu.vector_load %arg5[%swap3A_93, %swap3A_94] {strides = array<i32>} : memref<2x80xi32, #tpu.memory_space<vmem>>, vector<1x16xi32>,
    %swap3A_96 = vector.shape_cast %swap3A_95 : vector<1x16xi32> to vector<16xi32>
    %swap3A_97 = vector.shape_cast %select_n3A_91 : vector<16xi32> to vector<1x16xi32>
    tpu.vector_store %arg5[%swap3A_93, %swap3A_94], %swap3A_97 {strides = array<i32>} : memref<2x80xi32, #tpu.memory_space<vmem>>, vector<1x16xi32>,
    %get3A_98 = arith.constant 0 : i32
    %get3A_99 = arith.index_cast %get3A_98 : i32 to index
    %get3A_100 = arith.constant 64 : index
    %get3A_101 = tpu.vector_load %arg5[%get3A_99, %get3A_100] {strides = array<i32>} : memref<2x80xi32, #tpu.memory_space<vmem>>, vector<1x16xi32>,
    %get3A_102 = vector.shape_cast %get3A_101 : vector<1x16xi32> to vector<16xi32>
    %sub3A_103 = vector.broadcast %mul3A_10 : i32 to vector<16xi32>
    %sub3A_104 = arith.subi %get3A_102, %sub3A_103 : vector<16xi32>
    %lt3A_105 = arith.constant 0 : i32
    %lt3A_106 = vector.broadcast %lt3A_105 : i32 to vector<16xi32>
    %lt3A_107 = arith.cmpi slt, %sub3A_104, %lt3A_106 : vector<16xi32>
    %ge3A_108 = arith.constant 2560 : i32
    %ge3A_109 = vector.broadcast %ge3A_108 : i32 to vector<16xi32>
    %ge3A_110 = arith.cmpi sge, %sub3A_104, %ge3A_109 : vector<16xi32>
    %or3A_111 = arith.ori %lt3A_107, %ge3A_110 : vector<16xi1>
    %jit3A_112 = arith.constant 2560 : i32
    %broadcast_in_dim3A_113 = vector.broadcast %jit3A_112 : i32 to vector<16xi32>
    %select_n3A_114 = arith.select %or3A_111, %broadcast_in_dim3A_113, %sub3A_104 : vector<16xi1>, vector<16xi32>
    %swap3A_115 = arith.constant 0 : i32
    %swap3A_116 = arith.index_cast %swap3A_115 : i32 to index
    %swap3A_117 = arith.constant 64 : index
    %swap3A_118 = tpu.vector_load %arg5[%swap3A_116, %swap3A_117] {strides = array<i32>} : memref<2x80xi32, #tpu.memory_space<vmem>>, vector<1x16xi32>,
    %swap3A_119 = vector.shape_cast %swap3A_118 : vector<1x16xi32> to vector<16xi32>
    %swap3A_120 = vector.shape_cast %select_n3A_114 : vector<16xi32> to vector<1x16xi32>
    tpu.vector_store %arg5[%swap3A_116, %swap3A_117], %swap3A_120 {strides = array<i32>} : memref<2x80xi32, #tpu.memory_space<vmem>>, vector<1x16xi32>,
    %scan3A_121 = arith.constant 0 : i32
    %scan3A_122 = arith.constant 0 : i32
    %scan3A_123 = arith.constant 125 : i32
    %scan3A_124 = arith.addi %scan3A_122, %scan3A_123 : i32
    %scan3A_125 = arith.constant 1 : i32
    scf.for %scan3A_301 = %scan3A_122 to %scan3A_124 step %scan3A_125  : i32 {
      %mul3A_302 = arith.constant 2 : i32
      %mul3A_303 = arith.muli %mul3A_302, %scan3A_301 : i32
      %dma_start3A = arith.constant 0 : i32
      %dma_start3A_304 = arith.constant 0 : i32
      %dma_start3A_305 = tpu.memref_slice %arg5[%dma_start3A, %dma_start3A_304] : memref<2x80xi32, #tpu.memory_space<vmem>> -> memref<1x80xi32, #tpu.memory_space<vmem>>
      %dma_start3A_306 = tpu.memref_squeeze %dma_start3A_305 : memref<1x80xi32, #tpu.memory_space<vmem>> -> memref<80xi32, #tpu.memory_space<vmem>>
      %dma_start3A_307 = arith.constant 0 : i32
      %dma_start3A_308 = arith.constant 0 : i32
      %dma_start3A_309 = tpu.memref_slice %arg9[%dma_start3A_307, %dma_start3A_308] : memref<2688x128xf32, #tpu.memory_space<vmem_shared>> -> memref<2688x128xf32, #tpu.memory_space<vmem_shared>>
      tpu.enqueue_indirect_dma source(%arg6 : memref<80x128xf32, #tpu.memory_space<vmem>>) target(%dma_start3A_309 : memref<2688x128xf32, #tpu.memory_space<vmem_shared>>) offsets(%dma_start3A_306 : memref<80xi32, #tpu.memory_space<vmem>>) semaphore(%arg10 : memref<!tpu.dma_semaphore, #tpu.memory_space<semaphore_mem>>) {add = true}
      %gt3A = arith.constant 0 : i32
      %gt3A_310 = arith.cmpi sgt, %scan3A_301, %gt3A : i32
      %convert_element_type3A = arith.extui %gt3A_310 : i1 to i32
      %cond3A = arith.constant 0 : i32
      %cond3A_311 = arith.cmpi ne, %convert_element_type3A, %cond3A : i32
      scf.if %cond3A_311 {
        %dma_wait3A_445 = arith.constant 1 : i32
        %dma_wait3A_446 = arith.constant 0 : i32
        %dma_wait3A_447 = tpu.memref_slice %arg5[%dma_wait3A_445, %dma_wait3A_446] : memref<2x80xi32, #tpu.memory_space<vmem>> -> memref<1x80xi32, #tpu.memory_space<vmem>>
        %dma_wait3A_448 = tpu.memref_squeeze %dma_wait3A_447 : memref<1x80xi32, #tpu.memory_space<vmem>> -> memref<80xi32, #tpu.memory_space<vmem>>
        %dma_wait3A_449 = arith.constant 0 : i32
        %dma_wait3A_450 = arith.constant 0 : i32
        %dma_wait3A_451 = tpu.memref_slice %arg9[%dma_wait3A_449, %dma_wait3A_450] : memref<2688x128xf32, #tpu.memory_space<vmem_shared>> -> memref<2688x128xf32, #tpu.memory_space<vmem_shared>>
        tpu.wait_indirect_dma semaphore(%arg11 : memref<!tpu.dma_semaphore, #tpu.memory_space<semaphore_mem>>) src(%arg7 : memref<80x128xf32, #tpu.memory_space<vmem>>) dst(%dma_wait3A_451 : memref<2688x128xf32, #tpu.memory_space<vmem_shared>>)
      } else {
      }
      %add3A_312 = arith.constant 1 : i32
      %add3A_313 = arith.addi %mul3A_303, %add3A_312 : i32
      %mul3A_314 = arith.constant 80 : i32
      %mul3A_315 = arith.muli %add3A_313, %mul3A_314 : i32
      %add3A_316 = arith.addi %mul3A_0, %mul3A_315 : i32
      %run_scoped3A_317 = arith.constant 1 : i32
      "tpu.region"() ({
        %run_scoped3A_445 = tpu.sem_alloc : memref<!tpu.dma_semaphore, #tpu.memory_space<semaphore_mem>>
        %dma_start3A_446 = arith.constant 0 : i32
        %dma_start3A_447 = tpu.memref_slice %arg5[%run_scoped3A_317, %dma_start3A_446] : memref<2x80xi32, #tpu.memory_space<vmem>> -> memref<1x80xi32, #tpu.memory_space<vmem>>
        %dma_start3A_448 = tpu.memref_squeeze %dma_start3A_447 : memref<1x80xi32, #tpu.memory_space<vmem>> -> memref<80xi32, #tpu.memory_space<vmem>>
        %dma_start3A_449 = tpu.memref_slice %arg3[%add3A_316] : memref<320000xi32, #tpu.memory_space<hbm>> -> memref<80xi32, #tpu.memory_space<hbm>>
        %dma_start3A_450 = arith.constant 0 : i32
        %dma_start3A_451 = tpu.memref_slice %arg5[%run_scoped3A_317, %dma_start3A_450] : memref<2x80xi32, #tpu.memory_space<vmem>> -> memref<1x80xi32, #tpu.memory_space<vmem>>
        %dma_start3A_452 = tpu.memref_squeeze %dma_start3A_451 : memref<1x80xi32, #tpu.memory_space<vmem>> -> memref<80xi32, #tpu.memory_space<vmem>>
        %dma_start3A_453 = tpu.memref_slice %arg3[%add3A_316] : memref<320000xi32, #tpu.memory_space<hbm>> -> memref<80xi32, #tpu.memory_space<hbm>>
        tpu.enqueue_dma source(%dma_start3A_453 : memref<80xi32, #tpu.memory_space<hbm>>) target(%dma_start3A_452 : memref<80xi32, #tpu.memory_space<vmem>>) target_semaphore(%run_scoped3A_445 : memref<!tpu.dma_semaphore, #tpu.memory_space<semaphore_mem>>)
        %dma_wait3A_454 = arith.constant 0 : i32
        %dma_wait3A_455 = tpu.memref_slice %arg5[%run_scoped3A_317, %dma_wait3A_454] : memref<2x80xi32, #tpu.memory_space<vmem>> -> memref<1x80xi32, #tpu.memory_space<vmem>>
        %dma_wait3A_456 = tpu.memref_squeeze %dma_wait3A_455 : memref<1x80xi32, #tpu.memory_space<vmem>> -> memref<80xi32, #tpu.memory_space<vmem>>
        %dma_wait3A_457 = tpu.memref_slice %arg3[%add3A_316] : memref<320000xi32, #tpu.memory_space<hbm>> -> memref<80xi32, #tpu.memory_space<hbm>>
        %dma_wait3A_458 = arith.constant 0 : i32
        %dma_wait3A_459 = tpu.memref_slice %arg5[%run_scoped3A_317, %dma_wait3A_458] : memref<2x80xi32, #tpu.memory_space<vmem>> -> memref<1x80xi32, #tpu.memory_space<vmem>>
        %dma_wait3A_460 = tpu.memref_squeeze %dma_wait3A_459 : memref<1x80xi32, #tpu.memory_space<vmem>> -> memref<80xi32, #tpu.memory_space<vmem>>
        %dma_wait3A_461 = tpu.memref_slice %arg3[%add3A_316] : memref<320000xi32, #tpu.memory_space<hbm>> -> memref<80xi32, #tpu.memory_space<hbm>>
        tpu.wait_dma2 semaphore(%run_scoped3A_445 : memref<!tpu.dma_semaphore, #tpu.memory_space<semaphore_mem>>) src(%dma_wait3A_461 : memref<80xi32, #tpu.memory_space<hbm>>) dst(%dma_wait3A_460 : memref<80xi32, #tpu.memory_space<vmem>>)
        tpu.yield
      }) : () -> ()
      "tpu.region"() ({
        %run_scoped3A_445 = tpu.sem_alloc : memref<!tpu.dma_semaphore, #tpu.memory_space<semaphore_mem>>
        %dma_start3A_446 = arith.constant 0 : i32
        %dma_start3A_447 = tpu.memref_slice %arg2[%add3A_316, %dma_start3A_446] : memref<320000x128xf32, #tpu.memory_space<hbm>> -> memref<80x128xf32, #tpu.memory_space<hbm>>
        %dma_start3A_448 = arith.constant 0 : i32
        %dma_start3A_449 = tpu.memref_slice %arg2[%add3A_316, %dma_start3A_448] : memref<320000x128xf32, #tpu.memory_space<hbm>> -> memref<80x128xf32, #tpu.memory_space<hbm>>
        tpu.enqueue_dma source(%dma_start3A_449 : memref<80x128xf32, #tpu.memory_space<hbm>>) target(%arg7 : memref<80x128xf32, #tpu.memory_space<vmem>>) target_semaphore(%run_scoped3A_445 : memref<!tpu.dma_semaphore, #tpu.memory_space<semaphore_mem>>)
        %dma_wait3A_450 = arith.constant 0 : i32
        %dma_wait3A_451 = tpu.memref_slice %arg2[%add3A_316, %dma_wait3A_450] : memref<320000x128xf32, #tpu.memory_space<hbm>> -> memref<80x128xf32, #tpu.memory_space<hbm>>
        %dma_wait3A_452 = arith.constant 0 : i32
        %dma_wait3A_453 = tpu.memref_slice %arg2[%add3A_316, %dma_wait3A_452] : memref<320000x128xf32, #tpu.memory_space<hbm>> -> memref<80x128xf32, #tpu.memory_space<hbm>>
        tpu.wait_dma2 semaphore(%run_scoped3A_445 : memref<!tpu.dma_semaphore, #tpu.memory_space<semaphore_mem>>) src(%dma_wait3A_453 : memref<80x128xf32, #tpu.memory_space<hbm>>) dst(%arg7 : memref<80x128xf32, #tpu.memory_space<vmem>>)
        tpu.yield
      }) : () -> ()
      %get3A_318 = arith.constant 1 : i32
      %get3A_319 = arith.index_cast %get3A_318 : i32 to index
      %get3A_320 = arith.constant 0 : index
      %get3A_321 = tpu.vector_load %arg5[%get3A_319, %get3A_320] {strides = array<i32>} : memref<2x80xi32, #tpu.memory_space<vmem>>, vector<1x16xi32>,
      %get3A_322 = vector.shape_cast %get3A_321 : vector<1x16xi32> to vector<16xi32>
      %sub3A_323 = vector.broadcast %mul3A_10 : i32 to vector<16xi32>
      %sub3A_324 = arith.subi %get3A_322, %sub3A_323 : vector<16xi32>
      %lt3A_325 = arith.constant 0 : i32
      %lt3A_326 = vector.broadcast %lt3A_325 : i32 to vector<16xi32>
      %lt3A_327 = arith.cmpi slt, %sub3A_324, %lt3A_326 : vector<16xi32>
      %ge3A_328 = arith.constant 2560 : i32
      %ge3A_329 = vector.broadcast %ge3A_328 : i32 to vector<16xi32>
      %ge3A_330 = arith.cmpi sge, %sub3A_324, %ge3A_329 : vector<16xi32>
      %or3A_331 = arith.ori %lt3A_327, %ge3A_330 : vector<16xi1>
      %jit3A_332 = arith.constant 2560 : i32
      %broadcast_in_dim3A_333 = vector.broadcast %jit3A_332 : i32 to vector<16xi32>
      %select_n3A_334 = arith.select %or3A_331, %broadcast_in_dim3A_333, %sub3A_324 : vector<16xi1>, vector<16xi32>
      %swap3A_335 = arith.constant 1 : i32
      %swap3A_336 = arith.index_cast %swap3A_335 : i32 to index
      %swap3A_337 = arith.constant 0 : index
      %swap3A_338 = tpu.vector_load %arg5[%swap3A_336, %swap3A_337] {strides = array<i32>} : memref<2x80xi32, #tpu.memory_space<vmem>>, vector<1x16xi32>,
      %swap3A_339 = vector.shape_cast %swap3A_338 : vector<1x16xi32> to vector<16xi32>
      %swap3A_340 = vector.shape_cast %select_n3A_334 : vector<16xi32> to vector<1x16xi32>
      tpu.vector_store %arg5[%swap3A_336, %swap3A_337], %swap3A_340 {strides = array<i32>} : memref<2x80xi32, #tpu.memory_space<vmem>>, vector<1x16xi32>,
      %get3A_341 = arith.constant 1 : i32
      %get3A_342 = arith.index_cast %get3A_341 : i32 to index
      %get3A_343 = arith.constant 16 : index
      %get3A_344 = tpu.vector_load %arg5[%get3A_342, %get3A_343] {strides = array<i32>} : memref<2x80xi32, #tpu.memory_space<vmem>>, vector<1x16xi32>,
      %get3A_345 = vector.shape_cast %get3A_344 : vector<1x16xi32> to vector<16xi32>
      %sub3A_346 = vector.broadcast %mul3A_10 : i32 to vector<16xi32>
      %sub3A_347 = arith.subi %get3A_345, %sub3A_346 : vector<16xi32>
      %lt3A_348 = arith.constant 0 : i32
      %lt3A_349 = vector.broadcast %lt3A_348 : i32 to vector<16xi32>
      %lt3A_350 = arith.cmpi slt, %sub3A_347, %lt3A_349 : vector<16xi32>
      %ge3A_351 = arith.constant 2560 : i32
      %ge3A_352 = vector.broadcast %ge3A_351 : i32 to vector<16xi32>
      %ge3A_353 = arith.cmpi sge, %sub3A_347, %ge3A_352 : vector<16xi32>
      %or3A_354 = arith.ori %lt3A_350, %ge3A_353 : vector<16xi1>
      %jit3A_355 = arith.constant 2560 : i32
      %broadcast_in_dim3A_356 = vector.broadcast %jit3A_355 : i32 to vector<16xi32>
      %select_n3A_357 = arith.select %or3A_354, %broadcast_in_dim3A_356, %sub3A_347 : vector<16xi1>, vector<16xi32>
      %swap3A_358 = arith.constant 1 : i32
      %swap3A_359 = arith.index_cast %swap3A_358 : i32 to index
      %swap3A_360 = arith.constant 16 : index
      %swap3A_361 = tpu.vector_load %arg5[%swap3A_359, %swap3A_360] {strides = array<i32>} : memref<2x80xi32, #tpu.memory_space<vmem>>, vector<1x16xi32>,
      %swap3A_362 = vector.shape_cast %swap3A_361 : vector<1x16xi32> to vector<16xi32>
      %swap3A_363 = vector.shape_cast %select_n3A_357 : vector<16xi32> to vector<1x16xi32>
      tpu.vector_store %arg5[%swap3A_359, %swap3A_360], %swap3A_363 {strides = array<i32>} : memref<2x80xi32, #tpu.memory_space<vmem>>, vector<1x16xi32>,
      %get3A_364 = arith.constant 1 : i32
      %get3A_365 = arith.index_cast %get3A_364 : i32 to index
      %get3A_366 = arith.constant 32 : index
      %get3A_367 = tpu.vector_load %arg5[%get3A_365, %get3A_366] {strides = array<i32>} : memref<2x80xi32, #tpu.memory_space<vmem>>, vector<1x16xi32>,
      %get3A_368 = vector.shape_cast %get3A_367 : vector<1x16xi32> to vector<16xi32>
      %sub3A_369 = vector.broadcast %mul3A_10 : i32 to vector<16xi32>
      %sub3A_370 = arith.subi %get3A_368, %sub3A_369 : vector<16xi32>
      %lt3A_371 = arith.constant 0 : i32
      %lt3A_372 = vector.broadcast %lt3A_371 : i32 to vector<16xi32>
      %lt3A_373 = arith.cmpi slt, %sub3A_370, %lt3A_372 : vector<16xi32>
      %ge3A_374 = arith.constant 2560 : i32
      %ge3A_375 = vector.broadcast %ge3A_374 : i32 to vector<16xi32>
      %ge3A_376 = arith.cmpi sge, %sub3A_370, %ge3A_375 : vector<16xi32>
      %or3A_377 = arith.ori %lt3A_373, %ge3A_376 : vector<16xi1>
      %jit3A_378 = arith.constant 2560 : i32
      %broadcast_in_dim3A_379 = vector.broadcast %jit3A_378 : i32 to vector<16xi32>
      %select_n3A_380 = arith.select %or3A_377, %broadcast_in_dim3A_379, %sub3A_370 : vector<16xi1>, vector<16xi32>
      %swap3A_381 = arith.constant 1 : i32
      %swap3A_382 = arith.index_cast %swap3A_381 : i32 to index
      %swap3A_383 = arith.constant 32 : index
      %swap3A_384 = tpu.vector_load %arg5[%swap3A_382, %swap3A_383] {strides = array<i32>} : memref<2x80xi32, #tpu.memory_space<vmem>>, vector<1x16xi32>,
      %swap3A_385 = vector.shape_cast %swap3A_384 : vector<1x16xi32> to vector<16xi32>
      %swap3A_386 = vector.shape_cast %select_n3A_380 : vector<16xi32> to vector<1x16xi32>
      tpu.vector_store %arg5[%swap3A_382, %swap3A_383], %swap3A_386 {strides = array<i32>} : memref<2x80xi32, #tpu.memory_space<vmem>>, vector<1x16xi32>,
      %get3A_387 = arith.constant 1 : i32
      %get3A_388 = arith.index_cast %get3A_387 : i32 to index
      %get3A_389 = arith.constant 48 : index
      %get3A_390 = tpu.vector_load %arg5[%get3A_388, %get3A_389] {strides = array<i32>} : memref<2x80xi32, #tpu.memory_space<vmem>>, vector<1x16xi32>,
      %get3A_391 = vector.shape_cast %get3A_390 : vector<1x16xi32> to vector<16xi32>
      %sub3A_392 = vector.broadcast %mul3A_10 : i32 to vector<16xi32>
      %sub3A_393 = arith.subi %get3A_391, %sub3A_392 : vector<16xi32>
      %lt3A_394 = arith.constant 0 : i32
      %lt3A_395 = vector.broadcast %lt3A_394 : i32 to vector<16xi32>
      %lt3A_396 = arith.cmpi slt, %sub3A_393, %lt3A_395 : vector<16xi32>
      %ge3A_397 = arith.constant 2560 : i32
      %ge3A_398 = vector.broadcast %ge3A_397 : i32 to vector<16xi32>
      %ge3A_399 = arith.cmpi sge, %sub3A_393, %ge3A_398 : vector<16xi32>
      %or3A_400 = arith.ori %lt3A_396, %ge3A_399 : vector<16xi1>
      %jit3A_401 = arith.constant 2560 : i32
      %broadcast_in_dim3A_402 = vector.broadcast %jit3A_401 : i32 to vector<16xi32>
      %select_n3A_403 = arith.select %or3A_400, %broadcast_in_dim3A_402, %sub3A_393 : vector<16xi1>, vector<16xi32>
      %swap3A_404 = arith.constant 1 : i32
      %swap3A_405 = arith.index_cast %swap3A_404 : i32 to index
      %swap3A_406 = arith.constant 48 : index
      %swap3A_407 = tpu.vector_load %arg5[%swap3A_405, %swap3A_406] {strides = array<i32>} : memref<2x80xi32, #tpu.memory_space<vmem>>, vector<1x16xi32>,
      %swap3A_408 = vector.shape_cast %swap3A_407 : vector<1x16xi32> to vector<16xi32>
      %swap3A_409 = vector.shape_cast %select_n3A_403 : vector<16xi32> to vector<1x16xi32>
      tpu.vector_store %arg5[%swap3A_405, %swap3A_406], %swap3A_409 {strides = array<i32>} : memref<2x80xi32, #tpu.memory_space<vmem>>, vector<1x16xi32>,
      %get3A_410 = arith.constant 1 : i32
      %get3A_411 = arith.index_cast %get3A_410 : i32 to index
      %get3A_412 = arith.constant 64 : index
      %get3A_413 = tpu.vector_load %arg5[%get3A_411, %get3A_412] {strides = array<i32>} : memref<2x80xi32, #tpu.memory_space<vmem>>, vector<1x16xi32>,
      %get3A_414 = vector.shape_cast %get3A_413 : vector<1x16xi32> to vector<16xi32>
      %sub3A_415 = vector.broadcast %mul3A_10 : i32 to vector<16xi32>
      %sub3A_416 = arith.subi %get3A_414, %sub3A_415 : vector<16xi32>
      %lt3A_417 = arith.constant 0 : i32
      %lt3A_418 = vector.broadcast %lt3A_417 : i32 to vector<16xi32>
      %lt3A_419 = arith.cmpi slt, %sub3A_416, %lt3A_418 : vector<16xi32>
      %ge3A_420 = arith.constant 2560 : i32
      %ge3A_421 = vector.broadcast %ge3A_420 : i32 to vector<16xi32>
      %ge3A_422 = arith.cmpi sge, %sub3A_416, %ge3A_421 : vector<16xi32>
      %or3A_423 = arith.ori %lt3A_419, %ge3A_422 : vector<16xi1>
      %jit3A_424 = arith.constant 2560 : i32
      %broadcast_in_dim3A_425 = vector.broadcast %jit3A_424 : i32 to vector<16xi32>
      %select_n3A_426 = arith.select %or3A_423, %broadcast_in_dim3A_425, %sub3A_416 : vector<16xi1>, vector<16xi32>
      %swap3A_427 = arith.constant 1 : i32
      %swap3A_428 = arith.index_cast %swap3A_427 : i32 to index
      %swap3A_429 = arith.constant 64 : index
      %swap3A_430 = tpu.vector_load %arg5[%swap3A_428, %swap3A_429] {strides = array<i32>} : memref<2x80xi32, #tpu.memory_space<vmem>>, vector<1x16xi32>,
      %swap3A_431 = vector.shape_cast %swap3A_430 : vector<1x16xi32> to vector<16xi32>
      %swap3A_432 = vector.shape_cast %select_n3A_426 : vector<16xi32> to vector<1x16xi32>
      tpu.vector_store %arg5[%swap3A_428, %swap3A_429], %swap3A_432 {strides = array<i32>} : memref<2x80xi32, #tpu.memory_space<vmem>>, vector<1x16xi32>,
      %dma_start3A_433 = arith.constant 1 : i32
      %dma_start3A_434 = arith.constant 0 : i32
      %dma_start3A_435 = tpu.memref_slice %arg5[%dma_start3A_433, %dma_start3A_434] : memref<2x80xi32, #tpu.memory_space<vmem>> -> memref<1x80xi32, #tpu.memory_space<vmem>>
      %dma_start3A_436 = tpu.memref_squeeze %dma_start3A_435 : memref<1x80xi32, #tpu.memory_space<vmem>> -> memref<80xi32, #tpu.memory_space<vmem>>
      %dma_start3A_437 = arith.constant 0 : i32
      %dma_start3A_438 = arith.constant 0 : i32
      %dma_start3A_439 = tpu.memref_slice %arg9[%dma_start3A_437, %dma_start3A_438] : memref<2688x128xf32, #tpu.memory_space<vmem_shared>> -> memref<2688x128xf32, #tpu.memory_space<vmem_shared>>
      tpu.enqueue_indirect_dma source(%arg7 : memref<80x128xf32, #tpu.memory_space<vmem>>) target(%dma_start3A_439 : memref<2688x128xf32, #tpu.memory_space<vmem_shared>>) offsets(%dma_start3A_436 : memref<80xi32, #tpu.memory_space<vmem>>) semaphore(%arg11 : memref<!tpu.dma_semaphore, #tpu.memory_space<semaphore_mem>>) {add = true}
      %lt3A_440 = arith.constant 124 : i32
      %lt3A_441 = arith.cmpi slt, %scan3A_301, %lt3A_440 : i32
      %convert_element_type3A_442 = arith.extui %lt3A_441 : i1 to i32
      %cond3A_443 = arith.constant 0 : i32
      %cond3A_444 = arith.cmpi ne, %convert_element_type3A_442, %cond3A_443 : i32
      scf.if %cond3A_444 {
        %dma_wait3A_445 = arith.constant 0 : i32
        %dma_wait3A_446 = arith.constant 0 : i32
        %dma_wait3A_447 = tpu.memref_slice %arg5[%dma_wait3A_445, %dma_wait3A_446] : memref<2x80xi32, #tpu.memory_space<vmem>> -> memref<1x80xi32, #tpu.memory_space<vmem>>
        %dma_wait3A_448 = tpu.memref_squeeze %dma_wait3A_447 : memref<1x80xi32, #tpu.memory_space<vmem>> -> memref<80xi32, #tpu.memory_space<vmem>>
        %dma_wait3A_449 = arith.constant 0 : i32
        %dma_wait3A_450 = arith.constant 0 : i32
        %dma_wait3A_451 = tpu.memref_slice %arg9[%dma_wait3A_449, %dma_wait3A_450] : memref<2688x128xf32, #tpu.memory_space<vmem_shared>> -> memref<2688x128xf32, #tpu.memory_space<vmem_shared>>
        tpu.wait_indirect_dma semaphore(%arg10 : memref<!tpu.dma_semaphore, #tpu.memory_space<semaphore_mem>>) src(%arg6 : memref<80x128xf32, #tpu.memory_space<vmem>>) dst(%dma_wait3A_451 : memref<2688x128xf32, #tpu.memory_space<vmem_shared>>)
        %add3A_452 = arith.constant 2 : i32
        %add3A_453 = arith.addi %mul3A_303, %add3A_452 : i32
        %mul3A_454 = arith.constant 80 : i32
        %mul3A_455 = arith.muli %add3A_453, %mul3A_454 : i32
        %add3A_456 = arith.addi %mul3A_0, %mul3A_455 : i32
        %run_scoped3A_457 = arith.constant 0 : i32
        "tpu.region"() ({
          %run_scoped3A_573 = tpu.sem_alloc : memref<!tpu.dma_semaphore, #tpu.memory_space<semaphore_mem>>
          %dma_start3A_574 = arith.constant 0 : i32
          %dma_start3A_575 = tpu.memref_slice %arg5[%run_scoped3A_457, %dma_start3A_574] : memref<2x80xi32, #tpu.memory_space<vmem>> -> memref<1x80xi32, #tpu.memory_space<vmem>>
          %dma_start3A_576 = tpu.memref_squeeze %dma_start3A_575 : memref<1x80xi32, #tpu.memory_space<vmem>> -> memref<80xi32, #tpu.memory_space<vmem>>
          %dma_start3A_577 = tpu.memref_slice %arg3[%add3A_456] : memref<320000xi32, #tpu.memory_space<hbm>> -> memref<80xi32, #tpu.memory_space<hbm>>
          %dma_start3A_578 = arith.constant 0 : i32
          %dma_start3A_579 = tpu.memref_slice %arg5[%run_scoped3A_457, %dma_start3A_578] : memref<2x80xi32, #tpu.memory_space<vmem>> -> memref<1x80xi32, #tpu.memory_space<vmem>>
          %dma_start3A_580 = tpu.memref_squeeze %dma_start3A_579 : memref<1x80xi32, #tpu.memory_space<vmem>> -> memref<80xi32, #tpu.memory_space<vmem>>
          %dma_start3A_581 = tpu.memref_slice %arg3[%add3A_456] : memref<320000xi32, #tpu.memory_space<hbm>> -> memref<80xi32, #tpu.memory_space<hbm>>
          tpu.enqueue_dma source(%dma_start3A_581 : memref<80xi32, #tpu.memory_space<hbm>>) target(%dma_start3A_580 : memref<80xi32, #tpu.memory_space<vmem>>) target_semaphore(%run_scoped3A_573 : memref<!tpu.dma_semaphore, #tpu.memory_space<semaphore_mem>>)
          %dma_wait3A_582 = arith.constant 0 : i32
          %dma_wait3A_583 = tpu.memref_slice %arg5[%run_scoped3A_457, %dma_wait3A_582] : memref<2x80xi32, #tpu.memory_space<vmem>> -> memref<1x80xi32, #tpu.memory_space<vmem>>
          %dma_wait3A_584 = tpu.memref_squeeze %dma_wait3A_583 : memref<1x80xi32, #tpu.memory_space<vmem>> -> memref<80xi32, #tpu.memory_space<vmem>>
          %dma_wait3A_585 = tpu.memref_slice %arg3[%add3A_456] : memref<320000xi32, #tpu.memory_space<hbm>> -> memref<80xi32, #tpu.memory_space<hbm>>
          %dma_wait3A_586 = arith.constant 0 : i32
          %dma_wait3A_587 = tpu.memref_slice %arg5[%run_scoped3A_457, %dma_wait3A_586] : memref<2x80xi32, #tpu.memory_space<vmem>> -> memref<1x80xi32, #tpu.memory_space<vmem>>
          %dma_wait3A_588 = tpu.memref_squeeze %dma_wait3A_587 : memref<1x80xi32, #tpu.memory_space<vmem>> -> memref<80xi32, #tpu.memory_space<vmem>>
          %dma_wait3A_589 = tpu.memref_slice %arg3[%add3A_456] : memref<320000xi32, #tpu.memory_space<hbm>> -> memref<80xi32, #tpu.memory_space<hbm>>
          tpu.wait_dma2 semaphore(%run_scoped3A_573 : memref<!tpu.dma_semaphore, #tpu.memory_space<semaphore_mem>>) src(%dma_wait3A_589 : memref<80xi32, #tpu.memory_space<hbm>>) dst(%dma_wait3A_588 : memref<80xi32, #tpu.memory_space<vmem>>)
          tpu.yield
        }) : () -> ()
        "tpu.region"() ({
          %run_scoped3A_573 = tpu.sem_alloc : memref<!tpu.dma_semaphore, #tpu.memory_space<semaphore_mem>>
          %dma_start3A_574 = arith.constant 0 : i32
          %dma_start3A_575 = tpu.memref_slice %arg2[%add3A_456, %dma_start3A_574] : memref<320000x128xf32, #tpu.memory_space<hbm>> -> memref<80x128xf32, #tpu.memory_space<hbm>>
          %dma_start3A_576 = arith.constant 0 : i32
          %dma_start3A_577 = tpu.memref_slice %arg2[%add3A_456, %dma_start3A_576] : memref<320000x128xf32, #tpu.memory_space<hbm>> -> memref<80x128xf32, #tpu.memory_space<hbm>>
          tpu.enqueue_dma source(%dma_start3A_577 : memref<80x128xf32, #tpu.memory_space<hbm>>) target(%arg6 : memref<80x128xf32, #tpu.memory_space<vmem>>) target_semaphore(%run_scoped3A_573 : memref<!tpu.dma_semaphore, #tpu.memory_space<semaphore_mem>>)
          %dma_wait3A_578 = arith.constant 0 : i32
          %dma_wait3A_579 = tpu.memref_slice %arg2[%add3A_456, %dma_wait3A_578] : memref<320000x128xf32, #tpu.memory_space<hbm>> -> memref<80x128xf32, #tpu.memory_space<hbm>>
          %dma_wait3A_580 = arith.constant 0 : i32
          %dma_wait3A_581 = tpu.memref_slice %arg2[%add3A_456, %dma_wait3A_580] : memref<320000x128xf32, #tpu.memory_space<hbm>> -> memref<80x128xf32, #tpu.memory_space<hbm>>
          tpu.wait_dma2 semaphore(%run_scoped3A_573 : memref<!tpu.dma_semaphore, #tpu.memory_space<semaphore_mem>>) src(%dma_wait3A_581 : memref<80x128xf32, #tpu.memory_space<hbm>>) dst(%arg6 : memref<80x128xf32, #tpu.memory_space<vmem>>)
          tpu.yield
        }) : () -> ()
        %get3A_458 = arith.constant 0 : i32
        %get3A_459 = arith.index_cast %get3A_458 : i32 to index
        %get3A_460 = arith.constant 0 : index
        %get3A_461 = tpu.vector_load %arg5[%get3A_459, %get3A_460] {strides = array<i32>} : memref<2x80xi32, #tpu.memory_space<vmem>>, vector<1x16xi32>,
        %get3A_462 = vector.shape_cast %get3A_461 : vector<1x16xi32> to vector<16xi32>
        %sub3A_463 = vector.broadcast %mul3A_10 : i32 to vector<16xi32>
        %sub3A_464 = arith.subi %get3A_462, %sub3A_463 : vector<16xi32>
        %lt3A_465 = arith.constant 0 : i32
        %lt3A_466 = vector.broadcast %lt3A_465 : i32 to vector<16xi32>
        %lt3A_467 = arith.cmpi slt, %sub3A_464, %lt3A_466 : vector<16xi32>
        %ge3A_468 = arith.constant 2560 : i32
        %ge3A_469 = vector.broadcast %ge3A_468 : i32 to vector<16xi32>
        %ge3A_470 = arith.cmpi sge, %sub3A_464, %ge3A_469 : vector<16xi32>
        %or3A_471 = arith.ori %lt3A_467, %ge3A_470 : vector<16xi1>
        %jit3A_472 = arith.constant 2560 : i32
        %broadcast_in_dim3A_473 = vector.broadcast %jit3A_472 : i32 to vector<16xi32>
        %select_n3A_474 = arith.select %or3A_471, %broadcast_in_dim3A_473, %sub3A_464 : vector<16xi1>, vector<16xi32>
        %swap3A_475 = arith.constant 0 : i32
        %swap3A_476 = arith.index_cast %swap3A_475 : i32 to index
        %swap3A_477 = arith.constant 0 : index
        %swap3A_478 = tpu.vector_load %arg5[%swap3A_476, %swap3A_477] {strides = array<i32>} : memref<2x80xi32, #tpu.memory_space<vmem>>, vector<1x16xi32>,
        %swap3A_479 = vector.shape_cast %swap3A_478 : vector<1x16xi32> to vector<16xi32>
        %swap3A_480 = vector.shape_cast %select_n3A_474 : vector<16xi32> to vector<1x16xi32>
        tpu.vector_store %arg5[%swap3A_476, %swap3A_477], %swap3A_480 {strides = array<i32>} : memref<2x80xi32, #tpu.memory_space<vmem>>, vector<1x16xi32>,
        %get3A_481 = arith.constant 0 : i32
        %get3A_482 = arith.index_cast %get3A_481 : i32 to index
        %get3A_483 = arith.constant 16 : index
        %get3A_484 = tpu.vector_load %arg5[%get3A_482, %get3A_483] {strides = array<i32>} : memref<2x80xi32, #tpu.memory_space<vmem>>, vector<1x16xi32>,
        %get3A_485 = vector.shape_cast %get3A_484 : vector<1x16xi32> to vector<16xi32>
        %sub3A_486 = vector.broadcast %mul3A_10 : i32 to vector<16xi32>
        %sub3A_487 = arith.subi %get3A_485, %sub3A_486 : vector<16xi32>
        %lt3A_488 = arith.constant 0 : i32
        %lt3A_489 = vector.broadcast %lt3A_488 : i32 to vector<16xi32>
        %lt3A_490 = arith.cmpi slt, %sub3A_487, %lt3A_489 : vector<16xi32>
        %ge3A_491 = arith.constant 2560 : i32
        %ge3A_492 = vector.broadcast %ge3A_491 : i32 to vector<16xi32>
        %ge3A_493 = arith.cmpi sge, %sub3A_487, %ge3A_492 : vector<16xi32>
        %or3A_494 = arith.ori %lt3A_490, %ge3A_493 : vector<16xi1>
        %jit3A_495 = arith.constant 2560 : i32
        %broadcast_in_dim3A_496 = vector.broadcast %jit3A_495 : i32 to vector<16xi32>
        %select_n3A_497 = arith.select %or3A_494, %broadcast_in_dim3A_496, %sub3A_487 : vector<16xi1>, vector<16xi32>
        %swap3A_498 = arith.constant 0 : i32
        %swap3A_499 = arith.index_cast %swap3A_498 : i32 to index
        %swap3A_500 = arith.constant 16 : index
        %swap3A_501 = tpu.vector_load %arg5[%swap3A_499, %swap3A_500] {strides = array<i32>} : memref<2x80xi32, #tpu.memory_space<vmem>>, vector<1x16xi32>,
        %swap3A_502 = vector.shape_cast %swap3A_501 : vector<1x16xi32> to vector<16xi32>
        %swap3A_503 = vector.shape_cast %select_n3A_497 : vector<16xi32> to vector<1x16xi32>
        tpu.vector_store %arg5[%swap3A_499, %swap3A_500], %swap3A_503 {strides = array<i32>} : memref<2x80xi32, #tpu.memory_space<vmem>>, vector<1x16xi32>,
        %get3A_504 = arith.constant 0 : i32
        %get3A_505 = arith.index_cast %get3A_504 : i32 to index
        %get3A_506 = arith.constant 32 : index
        %get3A_507 = tpu.vector_load %arg5[%get3A_505, %get3A_506] {strides = array<i32>} : memref<2x80xi32, #tpu.memory_space<vmem>>, vector<1x16xi32>,
        %get3A_508 = vector.shape_cast %get3A_507 : vector<1x16xi32> to vector<16xi32>
        %sub3A_509 = vector.broadcast %mul3A_10 : i32 to vector<16xi32>
        %sub3A_510 = arith.subi %get3A_508, %sub3A_509 : vector<16xi32>
        %lt3A_511 = arith.constant 0 : i32
        %lt3A_512 = vector.broadcast %lt3A_511 : i32 to vector<16xi32>
        %lt3A_513 = arith.cmpi slt, %sub3A_510, %lt3A_512 : vector<16xi32>
        %ge3A_514 = arith.constant 2560 : i32
        %ge3A_515 = vector.broadcast %ge3A_514 : i32 to vector<16xi32>
        %ge3A_516 = arith.cmpi sge, %sub3A_510, %ge3A_515 : vector<16xi32>
        %or3A_517 = arith.ori %lt3A_513, %ge3A_516 : vector<16xi1>
        %jit3A_518 = arith.constant 2560 : i32
        %broadcast_in_dim3A_519 = vector.broadcast %jit3A_518 : i32 to vector<16xi32>
        %select_n3A_520 = arith.select %or3A_517, %broadcast_in_dim3A_519, %sub3A_510 : vector<16xi1>, vector<16xi32>
        %swap3A_521 = arith.constant 0 : i32
        %swap3A_522 = arith.index_cast %swap3A_521 : i32 to index
        %swap3A_523 = arith.constant 32 : index
        %swap3A_524 = tpu.vector_load %arg5[%swap3A_522, %swap3A_523] {strides = array<i32>} : memref<2x80xi32, #tpu.memory_space<vmem>>, vector<1x16xi32>,
        %swap3A_525 = vector.shape_cast %swap3A_524 : vector<1x16xi32> to vector<16xi32>
        %swap3A_526 = vector.shape_cast %select_n3A_520 : vector<16xi32> to vector<1x16xi32>
        tpu.vector_store %arg5[%swap3A_522, %swap3A_523], %swap3A_526 {strides = array<i32>} : memref<2x80xi32, #tpu.memory_space<vmem>>, vector<1x16xi32>,
        %get3A_527 = arith.constant 0 : i32
        %get3A_528 = arith.index_cast %get3A_527 : i32 to index
        %get3A_529 = arith.constant 48 : index
        %get3A_530 = tpu.vector_load %arg5[%get3A_528, %get3A_529] {strides = array<i32>} : memref<2x80xi32, #tpu.memory_space<vmem>>, vector<1x16xi32>,
        %get3A_531 = vector.shape_cast %get3A_530 : vector<1x16xi32> to vector<16xi32>
        %sub3A_532 = vector.broadcast %mul3A_10 : i32 to vector<16xi32>
        %sub3A_533 = arith.subi %get3A_531, %sub3A_532 : vector<16xi32>
        %lt3A_534 = arith.constant 0 : i32
        %lt3A_535 = vector.broadcast %lt3A_534 : i32 to vector<16xi32>
        %lt3A_536 = arith.cmpi slt, %sub3A_533, %lt3A_535 : vector<16xi32>
        %ge3A_537 = arith.constant 2560 : i32
        %ge3A_538 = vector.broadcast %ge3A_537 : i32 to vector<16xi32>
        %ge3A_539 = arith.cmpi sge, %sub3A_533, %ge3A_538 : vector<16xi32>
        %or3A_540 = arith.ori %lt3A_536, %ge3A_539 : vector<16xi1>
        %jit3A_541 = arith.constant 2560 : i32
        %broadcast_in_dim3A_542 = vector.broadcast %jit3A_541 : i32 to vector<16xi32>
        %select_n3A_543 = arith.select %or3A_540, %broadcast_in_dim3A_542, %sub3A_533 : vector<16xi1>, vector<16xi32>
        %swap3A_544 = arith.constant 0 : i32
        %swap3A_545 = arith.index_cast %swap3A_544 : i32 to index
        %swap3A_546 = arith.constant 48 : index
        %swap3A_547 = tpu.vector_load %arg5[%swap3A_545, %swap3A_546] {strides = array<i32>} : memref<2x80xi32, #tpu.memory_space<vmem>>, vector<1x16xi32>,
        %swap3A_548 = vector.shape_cast %swap3A_547 : vector<1x16xi32> to vector<16xi32>
        %swap3A_549 = vector.shape_cast %select_n3A_543 : vector<16xi32> to vector<1x16xi32>
        tpu.vector_store %arg5[%swap3A_545, %swap3A_546], %swap3A_549 {strides = array<i32>} : memref<2x80xi32, #tpu.memory_space<vmem>>, vector<1x16xi32>,
        %get3A_550 = arith.constant 0 : i32
        %get3A_551 = arith.index_cast %get3A_550 : i32 to index
        %get3A_552 = arith.constant 64 : index
        %get3A_553 = tpu.vector_load %arg5[%get3A_551, %get3A_552] {strides = array<i32>} : memref<2x80xi32, #tpu.memory_space<vmem>>, vector<1x16xi32>,
        %get3A_554 = vector.shape_cast %get3A_553 : vector<1x16xi32> to vector<16xi32>
        %sub3A_555 = vector.broadcast %mul3A_10 : i32 to vector<16xi32>
        %sub3A_556 = arith.subi %get3A_554, %sub3A_555 : vector<16xi32>
        %lt3A_557 = arith.constant 0 : i32
        %lt3A_558 = vector.broadcast %lt3A_557 : i32 to vector<16xi32>
        %lt3A_559 = arith.cmpi slt, %sub3A_556, %lt3A_558 : vector<16xi32>
        %ge3A_560 = arith.constant 2560 : i32
        %ge3A_561 = vector.broadcast %ge3A_560 : i32 to vector<16xi32>
        %ge3A_562 = arith.cmpi sge, %sub3A_556, %ge3A_561 : vector<16xi32>
        %or3A_563 = arith.ori %lt3A_559, %ge3A_562 : vector<16xi1>
        %jit3A_564 = arith.constant 2560 : i32
        %broadcast_in_dim3A_565 = vector.broadcast %jit3A_564 : i32 to vector<16xi32>
        %select_n3A_566 = arith.select %or3A_563, %broadcast_in_dim3A_565, %sub3A_556 : vector<16xi1>, vector<16xi32>
        %swap3A_567 = arith.constant 0 : i32
        %swap3A_568 = arith.index_cast %swap3A_567 : i32 to index
        %swap3A_569 = arith.constant 64 : index
        %swap3A_570 = tpu.vector_load %arg5[%swap3A_568, %swap3A_569] {strides = array<i32>} : memref<2x80xi32, #tpu.memory_space<vmem>>, vector<1x16xi32>,
        %swap3A_571 = vector.shape_cast %swap3A_570 : vector<1x16xi32> to vector<16xi32>
        %swap3A_572 = vector.shape_cast %select_n3A_566 : vector<16xi32> to vector<1x16xi32>
        tpu.vector_store %arg5[%swap3A_568, %swap3A_569], %swap3A_572 {strides = array<i32>} : memref<2x80xi32, #tpu.memory_space<vmem>>, vector<1x16xi32>,
      } else {
      }
    }
    %scan3A_126 = arith.constant 125 : i32
    %dma_wait3A = arith.constant 0 : i32
    %dma_wait3A_127 = arith.constant 0 : i32
    %dma_wait3A_128 = tpu.memref_slice %arg5[%dma_wait3A, %dma_wait3A_127] : memref<2x80xi32, #tpu.memory_space<vmem>> -> memref<1x80xi32, #tpu.memory_space<vmem>>
    %dma_wait3A_129 = tpu.memref_squeeze %dma_wait3A_128 : memref<1x80xi32, #tpu.memory_space<vmem>> -> memref<80xi32, #tpu.memory_space<vmem>>
    %dma_wait3A_130 = arith.constant 0 : i32
    %dma_wait3A_131 = arith.constant 0 : i32
    %dma_wait3A_132 = tpu.memref_slice %arg9[%dma_wait3A_130, %dma_wait3A_131] : memref<2688x128xf32, #tpu.memory_space<vmem_shared>> -> memref<2688x128xf32, #tpu.memory_space<vmem_shared>>
    tpu.wait_indirect_dma semaphore(%arg10 : memref<!tpu.dma_semaphore, #tpu.memory_space<semaphore_mem>>) src(%arg6 : memref<80x128xf32, #tpu.memory_space<vmem>>) dst(%dma_wait3A_132 : memref<2688x128xf32, #tpu.memory_space<vmem_shared>>)
    %dma_wait3A_133 = arith.constant 1 : i32
    %dma_wait3A_134 = arith.constant 0 : i32
    %dma_wait3A_135 = tpu.memref_slice %arg5[%dma_wait3A_133, %dma_wait3A_134] : memref<2x80xi32, #tpu.memory_space<vmem>> -> memref<1x80xi32, #tpu.memory_space<vmem>>
    %dma_wait3A_136 = tpu.memref_squeeze %dma_wait3A_135 : memref<1x80xi32, #tpu.memory_space<vmem>> -> memref<80xi32, #tpu.memory_space<vmem>>
    %dma_wait3A_137 = arith.constant 0 : i32
    %dma_wait3A_138 = arith.constant 0 : i32
    %dma_wait3A_139 = tpu.memref_slice %arg9[%dma_wait3A_137, %dma_wait3A_138] : memref<2688x128xf32, #tpu.memory_space<vmem_shared>> -> memref<2688x128xf32, #tpu.memory_space<vmem_shared>>
    tpu.wait_indirect_dma semaphore(%arg11 : memref<!tpu.dma_semaphore, #tpu.memory_space<semaphore_mem>>) src(%arg7 : memref<80x128xf32, #tpu.memory_space<vmem>>) dst(%dma_wait3A_139 : memref<2688x128xf32, #tpu.memory_space<vmem_shared>>)
    %barrier3A_140 = arith.constant 0 : index
    tpu.barrier barrier_id(%barrier3A_140)
    %mul3A_141 = arith.constant 160 : i32
    %mul3A_142 = arith.muli %arg1, %mul3A_141 : i32
    %mul3A_143 = arith.constant 160 : i32
    %mul3A_144 = arith.muli %arg1, %mul3A_143 : i32
    %add3A_145 = arith.addi %mul3A_10, %mul3A_144 : i32
    "tpu.region"() ({
      %run_scoped3A_301 = tpu.sem_alloc : memref<!tpu.dma_semaphore, #tpu.memory_space<semaphore_mem>>
      %dma_start3A = arith.constant 0 : i32
      %dma_start3A_302 = tpu.memref_slice %arg4[%add3A_145, %dma_start3A] : memref<10240x128xf32, #tpu.memory_space<hbm>> -> memref<160x128xf32, #tpu.memory_space<hbm>>
      %dma_start3A_303 = arith.constant 0 : i32
      %dma_start3A_304 = tpu.memref_slice %arg9[%mul3A_142, %dma_start3A_303] : memref<2688x128xf32, #tpu.memory_space<vmem_shared>> -> memref<160x128xf32, #tpu.memory_space<vmem_shared>>
      tpu.enqueue_dma source(%dma_start3A_304 : memref<160x128xf32, #tpu.memory_space<vmem_shared>>) target(%dma_start3A_302 : memref<160x128xf32, #tpu.memory_space<hbm>>) target_semaphore(%run_scoped3A_301 : memref<!tpu.dma_semaphore, #tpu.memory_space<semaphore_mem>>)
      %dma_wait3A_305 = arith.constant 0 : i32
      %dma_wait3A_306 = tpu.memref_slice %arg4[%add3A_145, %dma_wait3A_305] : memref<10240x128xf32, #tpu.memory_space<hbm>> -> memref<160x128xf32, #tpu.memory_space<hbm>>
      %dma_wait3A_307 = arith.constant 0 : i32
      %dma_wait3A_308 = tpu.memref_slice %arg9[%mul3A_142, %dma_wait3A_307] : memref<2688x128xf32, #tpu.memory_space<vmem_shared>> -> memref<160x128xf32, #tpu.memory_space<vmem_shared>>
      tpu.wait_dma2 semaphore(%run_scoped3A_301 : memref<!tpu.dma_semaphore, #tpu.memory_space<semaphore_mem>>) src(%dma_wait3A_308 : memref<160x128xf32, #tpu.memory_space<vmem_shared>>) dst(%dma_wait3A_306 : memref<160x128xf32, #tpu.memory_space<hbm>>)
      tpu.yield
    }) : () -> ()
    %barrier3A_146 = arith.constant 0 : index
    tpu.barrier barrier_id(%barrier3A_146)
    %mul3A_147 = arith.constant 2 : i32
    %mul3A_148 = arith.muli %mul3A_147, %arg0 : i32
    %add3A_149 = arith.constant 1 : i32
    %add3A_150 = arith.addi %mul3A_148, %add3A_149 : i32
    %mul3A_151 = arith.constant 2560 : i32
    %mul3A_152 = arith.muli %add3A_150, %mul3A_151 : i32
    %mul3A_153 = arith.constant 168 : i32
    %mul3A_154 = arith.muli %arg1, %mul3A_153 : i32
    "tpu.region"() ({
      %run_scoped3A_301 = tpu.sem_alloc : memref<!tpu.dma_semaphore, #tpu.memory_space<semaphore_mem>>
      %dma_start3A = arith.constant 0 : i32
      %dma_start3A_302 = tpu.memref_slice %arg9[%mul3A_154, %dma_start3A] : memref<2688x128xf32, #tpu.memory_space<vmem_shared>> -> memref<168x128xf32, #tpu.memory_space<vmem_shared>>
      %dma_start3A_303 = arith.constant 0 : i32
      %dma_start3A_304 = tpu.memref_slice %arg9[%mul3A_154, %dma_start3A_303] : memref<2688x128xf32, #tpu.memory_space<vmem_shared>> -> memref<168x128xf32, #tpu.memory_space<vmem_shared>>
      tpu.enqueue_dma source(%arg8 : memref<168x128xf32, #tpu.memory_space<vmem>>) target(%dma_start3A_304 : memref<168x128xf32, #tpu.memory_space<vmem_shared>>) target_semaphore(%run_scoped3A_301 : memref<!tpu.dma_semaphore, #tpu.memory_space<semaphore_mem>>)
      %dma_wait3A_305 = arith.constant 0 : i32
      %dma_wait3A_306 = tpu.memref_slice %arg9[%mul3A_154, %dma_wait3A_305] : memref<2688x128xf32, #tpu.memory_space<vmem_shared>> -> memref<168x128xf32, #tpu.memory_space<vmem_shared>>
      %dma_wait3A_307 = arith.constant 0 : i32
      %dma_wait3A_308 = tpu.memref_slice %arg9[%mul3A_154, %dma_wait3A_307] : memref<2688x128xf32, #tpu.memory_space<vmem_shared>> -> memref<168x128xf32, #tpu.memory_space<vmem_shared>>
      tpu.wait_dma2 semaphore(%run_scoped3A_301 : memref<!tpu.dma_semaphore, #tpu.memory_space<semaphore_mem>>) src(%arg8 : memref<168x128xf32, #tpu.memory_space<vmem>>) dst(%dma_wait3A_308 : memref<168x128xf32, #tpu.memory_space<vmem_shared>>)
      tpu.yield
    }) : () -> ()
    %barrier3A_155 = arith.constant 0 : index
    tpu.barrier barrier_id(%barrier3A_155)
    %add3A_156 = arith.constant 0 : i32
    %add3A_157 = arith.addi %mul3A_0, %add3A_156 : i32
    %run_scoped3A_158 = arith.constant 0 : i32
    "tpu.region"() ({
      %run_scoped3A_301 = tpu.sem_alloc : memref<!tpu.dma_semaphore, #tpu.memory_space<semaphore_mem>>
      %dma_start3A = arith.constant 0 : i32
      %dma_start3A_302 = tpu.memref_slice %arg5[%run_scoped3A_158, %dma_start3A] : memref<2x80xi32, #tpu.memory_space<vmem>> -> memref<1x80xi32, #tpu.memory_space<vmem>>
      %dma_start3A_303 = tpu.memref_squeeze %dma_start3A_302 : memref<1x80xi32, #tpu.memory_space<vmem>> -> memref<80xi32, #tpu.memory_space<vmem>>
      %dma_start3A_304 = tpu.memref_slice %arg3[%add3A_157] : memref<320000xi32, #tpu.memory_space<hbm>> -> memref<80xi32, #tpu.memory_space<hbm>>
      %dma_start3A_305 = arith.constant 0 : i32
      %dma_start3A_306 = tpu.memref_slice %arg5[%run_scoped3A_158, %dma_start3A_305] : memref<2x80xi32, #tpu.memory_space<vmem>> -> memref<1x80xi32, #tpu.memory_space<vmem>>
      %dma_start3A_307 = tpu.memref_squeeze %dma_start3A_306 : memref<1x80xi32, #tpu.memory_space<vmem>> -> memref<80xi32, #tpu.memory_space<vmem>>
      %dma_start3A_308 = tpu.memref_slice %arg3[%add3A_157] : memref<320000xi32, #tpu.memory_space<hbm>> -> memref<80xi32, #tpu.memory_space<hbm>>
      tpu.enqueue_dma source(%dma_start3A_308 : memref<80xi32, #tpu.memory_space<hbm>>) target(%dma_start3A_307 : memref<80xi32, #tpu.memory_space<vmem>>) target_semaphore(%run_scoped3A_301 : memref<!tpu.dma_semaphore, #tpu.memory_space<semaphore_mem>>)
      %dma_wait3A_309 = arith.constant 0 : i32
      %dma_wait3A_310 = tpu.memref_slice %arg5[%run_scoped3A_158, %dma_wait3A_309] : memref<2x80xi32, #tpu.memory_space<vmem>> -> memref<1x80xi32, #tpu.memory_space<vmem>>
      %dma_wait3A_311 = tpu.memref_squeeze %dma_wait3A_310 : memref<1x80xi32, #tpu.memory_space<vmem>> -> memref<80xi32, #tpu.memory_space<vmem>>
      %dma_wait3A_312 = tpu.memref_slice %arg3[%add3A_157] : memref<320000xi32, #tpu.memory_space<hbm>> -> memref<80xi32, #tpu.memory_space<hbm>>
      %dma_wait3A_313 = arith.constant 0 : i32
      %dma_wait3A_314 = tpu.memref_slice %arg5[%run_scoped3A_158, %dma_wait3A_313] : memref<2x80xi32, #tpu.memory_space<vmem>> -> memref<1x80xi32, #tpu.memory_space<vmem>>
      %dma_wait3A_315 = tpu.memref_squeeze %dma_wait3A_314 : memref<1x80xi32, #tpu.memory_space<vmem>> -> memref<80xi32, #tpu.memory_space<vmem>>
      %dma_wait3A_316 = tpu.memref_slice %arg3[%add3A_157] : memref<320000xi32, #tpu.memory_space<hbm>> -> memref<80xi32, #tpu.memory_space<hbm>>
      tpu.wait_dma2 semaphore(%run_scoped3A_301 : memref<!tpu.dma_semaphore, #tpu.memory_space<semaphore_mem>>) src(%dma_wait3A_316 : memref<80xi32, #tpu.memory_space<hbm>>) dst(%dma_wait3A_315 : memref<80xi32, #tpu.memory_space<vmem>>)
      tpu.yield
    }) : () -> ()
    "tpu.region"() ({
      %run_scoped3A_301 = tpu.sem_alloc : memref<!tpu.dma_semaphore, #tpu.memory_space<semaphore_mem>>
      %dma_start3A = arith.constant 0 : i32
      %dma_start3A_302 = tpu.memref_slice %arg2[%add3A_157, %dma_start3A] : memref<320000x128xf32, #tpu.memory_space<hbm>> -> memref<80x128xf32, #tpu.memory_space<hbm>>
      %dma_start3A_303 = arith.constant 0 : i32
      %dma_start3A_304 = tpu.memref_slice %arg2[%add3A_157, %dma_start3A_303] : memref<320000x128xf32, #tpu.memory_space<hbm>> -> memref<80x128xf32, #tpu.memory_space<hbm>>
      tpu.enqueue_dma source(%dma_start3A_304 : memref<80x128xf32, #tpu.memory_space<hbm>>) target(%arg6 : memref<80x128xf32, #tpu.memory_space<vmem>>) target_semaphore(%run_scoped3A_301 : memref<!tpu.dma_semaphore, #tpu.memory_space<semaphore_mem>>)
      %dma_wait3A_305 = arith.constant 0 : i32
      %dma_wait3A_306 = tpu.memref_slice %arg2[%add3A_157, %dma_wait3A_305] : memref<320000x128xf32, #tpu.memory_space<hbm>> -> memref<80x128xf32, #tpu.memory_space<hbm>>
      %dma_wait3A_307 = arith.constant 0 : i32
      %dma_wait3A_308 = tpu.memref_slice %arg2[%add3A_157, %dma_wait3A_307] : memref<320000x128xf32, #tpu.memory_space<hbm>> -> memref<80x128xf32, #tpu.memory_space<hbm>>
      tpu.wait_dma2 semaphore(%run_scoped3A_301 : memref<!tpu.dma_semaphore, #tpu.memory_space<semaphore_mem>>) src(%dma_wait3A_308 : memref<80x128xf32, #tpu.memory_space<hbm>>) dst(%arg6 : memref<80x128xf32, #tpu.memory_space<vmem>>)
      tpu.yield
    }) : () -> ()
    %get3A_159 = arith.constant 0 : i32
    %get3A_160 = arith.index_cast %get3A_159 : i32 to index
    %get3A_161 = arith.constant 0 : index
    %get3A_162 = tpu.vector_load %arg5[%get3A_160, %get3A_161] {strides = array<i32>} : memref<2x80xi32, #tpu.memory_space<vmem>>, vector<1x16xi32>,
    %get3A_163 = vector.shape_cast %get3A_162 : vector<1x16xi32> to vector<16xi32>
    %sub3A_164 = vector.broadcast %mul3A_152 : i32 to vector<16xi32>
    %sub3A_165 = arith.subi %get3A_163, %sub3A_164 : vector<16xi32>
    %lt3A_166 = arith.constant 0 : i32
    %lt3A_167 = vector.broadcast %lt3A_166 : i32 to vector<16xi32>
    %lt3A_168 = arith.cmpi slt, %sub3A_165, %lt3A_167 : vector<16xi32>
    %ge3A_169 = arith.constant 2560 : i32
    %ge3A_170 = vector.broadcast %ge3A_169 : i32 to vector<16xi32>
    %ge3A_171 = arith.cmpi sge, %sub3A_165, %ge3A_170 : vector<16xi32>
    %or3A_172 = arith.ori %lt3A_168, %ge3A_171 : vector<16xi1>
    %jit3A_173 = arith.constant 2560 : i32
    %broadcast_in_dim3A_174 = vector.broadcast %jit3A_173 : i32 to vector<16xi32>
    %select_n3A_175 = arith.select %or3A_172, %broadcast_in_dim3A_174, %sub3A_165 : vector<16xi1>, vector<16xi32>
    %swap3A_176 = arith.constant 0 : i32
    %swap3A_177 = arith.index_cast %swap3A_176 : i32 to index
    %swap3A_178 = arith.constant 0 : index
    %swap3A_179 = tpu.vector_load %arg5[%swap3A_177, %swap3A_178] {strides = array<i32>} : memref<2x80xi32, #tpu.memory_space<vmem>>, vector<1x16xi32>,
    %swap3A_180 = vector.shape_cast %swap3A_179 : vector<1x16xi32> to vector<16xi32>
    %swap3A_181 = vector.shape_cast %select_n3A_175 : vector<16xi32> to vector<1x16xi32>
    tpu.vector_store %arg5[%swap3A_177, %swap3A_178], %swap3A_181 {strides = array<i32>} : memref<2x80xi32, #tpu.memory_space<vmem>>, vector<1x16xi32>,
    %get3A_182 = arith.constant 0 : i32
    %get3A_183 = arith.index_cast %get3A_182 : i32 to index
    %get3A_184 = arith.constant 16 : index
    %get3A_185 = tpu.vector_load %arg5[%get3A_183, %get3A_184] {strides = array<i32>} : memref<2x80xi32, #tpu.memory_space<vmem>>, vector<1x16xi32>,
    %get3A_186 = vector.shape_cast %get3A_185 : vector<1x16xi32> to vector<16xi32>
    %sub3A_187 = vector.broadcast %mul3A_152 : i32 to vector<16xi32>
    %sub3A_188 = arith.subi %get3A_186, %sub3A_187 : vector<16xi32>
    %lt3A_189 = arith.constant 0 : i32
    %lt3A_190 = vector.broadcast %lt3A_189 : i32 to vector<16xi32>
    %lt3A_191 = arith.cmpi slt, %sub3A_188, %lt3A_190 : vector<16xi32>
    %ge3A_192 = arith.constant 2560 : i32
    %ge3A_193 = vector.broadcast %ge3A_192 : i32 to vector<16xi32>
    %ge3A_194 = arith.cmpi sge, %sub3A_188, %ge3A_193 : vector<16xi32>
    %or3A_195 = arith.ori %lt3A_191, %ge3A_194 : vector<16xi1>
    %jit3A_196 = arith.constant 2560 : i32
    %broadcast_in_dim3A_197 = vector.broadcast %jit3A_196 : i32 to vector<16xi32>
    %select_n3A_198 = arith.select %or3A_195, %broadcast_in_dim3A_197, %sub3A_188 : vector<16xi1>, vector<16xi32>
    %swap3A_199 = arith.constant 0 : i32
    %swap3A_200 = arith.index_cast %swap3A_199 : i32 to index
    %swap3A_201 = arith.constant 16 : index
    %swap3A_202 = tpu.vector_load %arg5[%swap3A_200, %swap3A_201] {strides = array<i32>} : memref<2x80xi32, #tpu.memory_space<vmem>>, vector<1x16xi32>,
    %swap3A_203 = vector.shape_cast %swap3A_202 : vector<1x16xi32> to vector<16xi32>
    %swap3A_204 = vector.shape_cast %select_n3A_198 : vector<16xi32> to vector<1x16xi32>
    tpu.vector_store %arg5[%swap3A_200, %swap3A_201], %swap3A_204 {strides = array<i32>} : memref<2x80xi32, #tpu.memory_space<vmem>>, vector<1x16xi32>,
    %get3A_205 = arith.constant 0 : i32
    %get3A_206 = arith.index_cast %get3A_205 : i32 to index
    %get3A_207 = arith.constant 32 : index
    %get3A_208 = tpu.vector_load %arg5[%get3A_206, %get3A_207] {strides = array<i32>} : memref<2x80xi32, #tpu.memory_space<vmem>>, vector<1x16xi32>,
    %get3A_209 = vector.shape_cast %get3A_208 : vector<1x16xi32> to vector<16xi32>
    %sub3A_210 = vector.broadcast %mul3A_152 : i32 to vector<16xi32>
    %sub3A_211 = arith.subi %get3A_209, %sub3A_210 : vector<16xi32>
    %lt3A_212 = arith.constant 0 : i32
    %lt3A_213 = vector.broadcast %lt3A_212 : i32 to vector<16xi32>
    %lt3A_214 = arith.cmpi slt, %sub3A_211, %lt3A_213 : vector<16xi32>
    %ge3A_215 = arith.constant 2560 : i32
    %ge3A_216 = vector.broadcast %ge3A_215 : i32 to vector<16xi32>
    %ge3A_217 = arith.cmpi sge, %sub3A_211, %ge3A_216 : vector<16xi32>
    %or3A_218 = arith.ori %lt3A_214, %ge3A_217 : vector<16xi1>
    %jit3A_219 = arith.constant 2560 : i32
    %broadcast_in_dim3A_220 = vector.broadcast %jit3A_219 : i32 to vector<16xi32>
    %select_n3A_221 = arith.select %or3A_218, %broadcast_in_dim3A_220, %sub3A_211 : vector<16xi1>, vector<16xi32>
    %swap3A_222 = arith.constant 0 : i32
    %swap3A_223 = arith.index_cast %swap3A_222 : i32 to index
    %swap3A_224 = arith.constant 32 : index
    %swap3A_225 = tpu.vector_load %arg5[%swap3A_223, %swap3A_224] {strides = array<i32>} : memref<2x80xi32, #tpu.memory_space<vmem>>, vector<1x16xi32>,
    %swap3A_226 = vector.shape_cast %swap3A_225 : vector<1x16xi32> to vector<16xi32>
    %swap3A_227 = vector.shape_cast %select_n3A_221 : vector<16xi32> to vector<1x16xi32>
    tpu.vector_store %arg5[%swap3A_223, %swap3A_224], %swap3A_227 {strides = array<i32>} : memref<2x80xi32, #tpu.memory_space<vmem>>, vector<1x16xi32>,
    %get3A_228 = arith.constant 0 : i32
    %get3A_229 = arith.index_cast %get3A_228 : i32 to index
    %get3A_230 = arith.constant 48 : index
    %get3A_231 = tpu.vector_load %arg5[%get3A_229, %get3A_230] {strides = array<i32>} : memref<2x80xi32, #tpu.memory_space<vmem>>, vector<1x16xi32>,
    %get3A_232 = vector.shape_cast %get3A_231 : vector<1x16xi32> to vector<16xi32>
    %sub3A_233 = vector.broadcast %mul3A_152 : i32 to vector<16xi32>
    %sub3A_234 = arith.subi %get3A_232, %sub3A_233 : vector<16xi32>
    %lt3A_235 = arith.constant 0 : i32
    %lt3A_236 = vector.broadcast %lt3A_235 : i32 to vector<16xi32>
    %lt3A_237 = arith.cmpi slt, %sub3A_234, %lt3A_236 : vector<16xi32>
    %ge3A_238 = arith.constant 2560 : i32
    %ge3A_239 = vector.broadcast %ge3A_238 : i32 to vector<16xi32>
    %ge3A_240 = arith.cmpi sge, %sub3A_234, %ge3A_239 : vector<16xi32>
    %or3A_241 = arith.ori %lt3A_237, %ge3A_240 : vector<16xi1>
    %jit3A_242 = arith.constant 2560 : i32
    %broadcast_in_dim3A_243 = vector.broadcast %jit3A_242 : i32 to vector<16xi32>
    %select_n3A_244 = arith.select %or3A_241, %broadcast_in_dim3A_243, %sub3A_234 : vector<16xi1>, vector<16xi32>
    %swap3A_245 = arith.constant 0 : i32
    %swap3A_246 = arith.index_cast %swap3A_245 : i32 to index
    %swap3A_247 = arith.constant 48 : index
    %swap3A_248 = tpu.vector_load %arg5[%swap3A_246, %swap3A_247] {strides = array<i32>} : memref<2x80xi32, #tpu.memory_space<vmem>>, vector<1x16xi32>,
    %swap3A_249 = vector.shape_cast %swap3A_248 : vector<1x16xi32> to vector<16xi32>
    %swap3A_250 = vector.shape_cast %select_n3A_244 : vector<16xi32> to vector<1x16xi32>
    tpu.vector_store %arg5[%swap3A_246, %swap3A_247], %swap3A_250 {strides = array<i32>} : memref<2x80xi32, #tpu.memory_space<vmem>>, vector<1x16xi32>,
    %get3A_251 = arith.constant 0 : i32
    %get3A_252 = arith.index_cast %get3A_251 : i32 to index
    %get3A_253 = arith.constant 64 : index
    %get3A_254 = tpu.vector_load %arg5[%get3A_252, %get3A_253] {strides = array<i32>} : memref<2x80xi32, #tpu.memory_space<vmem>>, vector<1x16xi32>,
    %get3A_255 = vector.shape_cast %get3A_254 : vector<1x16xi32> to vector<16xi32>
    %sub3A_256 = vector.broadcast %mul3A_152 : i32 to vector<16xi32>
    %sub3A_257 = arith.subi %get3A_255, %sub3A_256 : vector<16xi32>
    %lt3A_258 = arith.constant 0 : i32
    %lt3A_259 = vector.broadcast %lt3A_258 : i32 to vector<16xi32>
    %lt3A_260 = arith.cmpi slt, %sub3A_257, %lt3A_259 : vector<16xi32>
    %ge3A_261 = arith.constant 2560 : i32
    %ge3A_262 = vector.broadcast %ge3A_261 : i32 to vector<16xi32>
    %ge3A_263 = arith.cmpi sge, %sub3A_257, %ge3A_262 : vector<16xi32>
    %or3A_264 = arith.ori %lt3A_260, %ge3A_263 : vector<16xi1>
    %jit3A_265 = arith.constant 2560 : i32
    %broadcast_in_dim3A_266 = vector.broadcast %jit3A_265 : i32 to vector<16xi32>
    %select_n3A_267 = arith.select %or3A_264, %broadcast_in_dim3A_266, %sub3A_257 : vector<16xi1>, vector<16xi32>
    %swap3A_268 = arith.constant 0 : i32
    %swap3A_269 = arith.index_cast %swap3A_268 : i32 to index
    %swap3A_270 = arith.constant 64 : index
    %swap3A_271 = tpu.vector_load %arg5[%swap3A_269, %swap3A_270] {strides = array<i32>} : memref<2x80xi32, #tpu.memory_space<vmem>>, vector<1x16xi32>,
    %swap3A_272 = vector.shape_cast %swap3A_271 : vector<1x16xi32> to vector<16xi32>
    %swap3A_273 = vector.shape_cast %select_n3A_267 : vector<16xi32> to vector<1x16xi32>
    tpu.vector_store %arg5[%swap3A_269, %swap3A_270], %swap3A_273 {strides = array<i32>} : memref<2x80xi32, #tpu.memory_space<vmem>>, vector<1x16xi32>,
    %scan3A_274 = arith.constant 0 : i32
    %scan3A_275 = arith.constant 0 : i32
    %scan3A_276 = arith.constant 125 : i32
    %scan3A_277 = arith.addi %scan3A_275, %scan3A_276 : i32
    %scan3A_278 = arith.constant 1 : i32
    scf.for %scan3A_301 = %scan3A_275 to %scan3A_277 step %scan3A_278  : i32 {
      %mul3A_302 = arith.constant 2 : i32
      %mul3A_303 = arith.muli %mul3A_302, %scan3A_301 : i32
      %dma_start3A = arith.constant 0 : i32
      %dma_start3A_304 = arith.constant 0 : i32
      %dma_start3A_305 = tpu.memref_slice %arg5[%dma_start3A, %dma_start3A_304] : memref<2x80xi32, #tpu.memory_space<vmem>> -> memref<1x80xi32, #tpu.memory_space<vmem>>
      %dma_start3A_306 = tpu.memref_squeeze %dma_start3A_305 : memref<1x80xi32, #tpu.memory_space<vmem>> -> memref<80xi32, #tpu.memory_space<vmem>>
      %dma_start3A_307 = arith.constant 0 : i32
      %dma_start3A_308 = arith.constant 0 : i32
      %dma_start3A_309 = tpu.memref_slice %arg9[%dma_start3A_307, %dma_start3A_308] : memref<2688x128xf32, #tpu.memory_space<vmem_shared>> -> memref<2688x128xf32, #tpu.memory_space<vmem_shared>>
      tpu.enqueue_indirect_dma source(%arg6 : memref<80x128xf32, #tpu.memory_space<vmem>>) target(%dma_start3A_309 : memref<2688x128xf32, #tpu.memory_space<vmem_shared>>) offsets(%dma_start3A_306 : memref<80xi32, #tpu.memory_space<vmem>>) semaphore(%arg10 : memref<!tpu.dma_semaphore, #tpu.memory_space<semaphore_mem>>) {add = true}
      %gt3A = arith.constant 0 : i32
      %gt3A_310 = arith.cmpi sgt, %scan3A_301, %gt3A : i32
      %convert_element_type3A = arith.extui %gt3A_310 : i1 to i32
      %cond3A = arith.constant 0 : i32
      %cond3A_311 = arith.cmpi ne, %convert_element_type3A, %cond3A : i32
      scf.if %cond3A_311 {
        %dma_wait3A_445 = arith.constant 1 : i32
        %dma_wait3A_446 = arith.constant 0 : i32
        %dma_wait3A_447 = tpu.memref_slice %arg5[%dma_wait3A_445, %dma_wait3A_446] : memref<2x80xi32, #tpu.memory_space<vmem>> -> memref<1x80xi32, #tpu.memory_space<vmem>>
        %dma_wait3A_448 = tpu.memref_squeeze %dma_wait3A_447 : memref<1x80xi32, #tpu.memory_space<vmem>> -> memref<80xi32, #tpu.memory_space<vmem>>
        %dma_wait3A_449 = arith.constant 0 : i32
        %dma_wait3A_450 = arith.constant 0 : i32
        %dma_wait3A_451 = tpu.memref_slice %arg9[%dma_wait3A_449, %dma_wait3A_450] : memref<2688x128xf32, #tpu.memory_space<vmem_shared>> -> memref<2688x128xf32, #tpu.memory_space<vmem_shared>>
        tpu.wait_indirect_dma semaphore(%arg11 : memref<!tpu.dma_semaphore, #tpu.memory_space<semaphore_mem>>) src(%arg7 : memref<80x128xf32, #tpu.memory_space<vmem>>) dst(%dma_wait3A_451 : memref<2688x128xf32, #tpu.memory_space<vmem_shared>>)
      } else {
      }
      %add3A_312 = arith.constant 1 : i32
      %add3A_313 = arith.addi %mul3A_303, %add3A_312 : i32
      %mul3A_314 = arith.constant 80 : i32
      %mul3A_315 = arith.muli %add3A_313, %mul3A_314 : i32
      %add3A_316 = arith.addi %mul3A_0, %mul3A_315 : i32
      %run_scoped3A_317 = arith.constant 1 : i32
      "tpu.region"() ({
        %run_scoped3A_445 = tpu.sem_alloc : memref<!tpu.dma_semaphore, #tpu.memory_space<semaphore_mem>>
        %dma_start3A_446 = arith.constant 0 : i32
        %dma_start3A_447 = tpu.memref_slice %arg5[%run_scoped3A_317, %dma_start3A_446] : memref<2x80xi32, #tpu.memory_space<vmem>> -> memref<1x80xi32, #tpu.memory_space<vmem>>
        %dma_start3A_448 = tpu.memref_squeeze %dma_start3A_447 : memref<1x80xi32, #tpu.memory_space<vmem>> -> memref<80xi32, #tpu.memory_space<vmem>>
        %dma_start3A_449 = tpu.memref_slice %arg3[%add3A_316] : memref<320000xi32, #tpu.memory_space<hbm>> -> memref<80xi32, #tpu.memory_space<hbm>>
        %dma_start3A_450 = arith.constant 0 : i32
        %dma_start3A_451 = tpu.memref_slice %arg5[%run_scoped3A_317, %dma_start3A_450] : memref<2x80xi32, #tpu.memory_space<vmem>> -> memref<1x80xi32, #tpu.memory_space<vmem>>
        %dma_start3A_452 = tpu.memref_squeeze %dma_start3A_451 : memref<1x80xi32, #tpu.memory_space<vmem>> -> memref<80xi32, #tpu.memory_space<vmem>>
        %dma_start3A_453 = tpu.memref_slice %arg3[%add3A_316] : memref<320000xi32, #tpu.memory_space<hbm>> -> memref<80xi32, #tpu.memory_space<hbm>>
        tpu.enqueue_dma source(%dma_start3A_453 : memref<80xi32, #tpu.memory_space<hbm>>) target(%dma_start3A_452 : memref<80xi32, #tpu.memory_space<vmem>>) target_semaphore(%run_scoped3A_445 : memref<!tpu.dma_semaphore, #tpu.memory_space<semaphore_mem>>)
        %dma_wait3A_454 = arith.constant 0 : i32
        %dma_wait3A_455 = tpu.memref_slice %arg5[%run_scoped3A_317, %dma_wait3A_454] : memref<2x80xi32, #tpu.memory_space<vmem>> -> memref<1x80xi32, #tpu.memory_space<vmem>>
        %dma_wait3A_456 = tpu.memref_squeeze %dma_wait3A_455 : memref<1x80xi32, #tpu.memory_space<vmem>> -> memref<80xi32, #tpu.memory_space<vmem>>
        %dma_wait3A_457 = tpu.memref_slice %arg3[%add3A_316] : memref<320000xi32, #tpu.memory_space<hbm>> -> memref<80xi32, #tpu.memory_space<hbm>>
        %dma_wait3A_458 = arith.constant 0 : i32
        %dma_wait3A_459 = tpu.memref_slice %arg5[%run_scoped3A_317, %dma_wait3A_458] : memref<2x80xi32, #tpu.memory_space<vmem>> -> memref<1x80xi32, #tpu.memory_space<vmem>>
        %dma_wait3A_460 = tpu.memref_squeeze %dma_wait3A_459 : memref<1x80xi32, #tpu.memory_space<vmem>> -> memref<80xi32, #tpu.memory_space<vmem>>
        %dma_wait3A_461 = tpu.memref_slice %arg3[%add3A_316] : memref<320000xi32, #tpu.memory_space<hbm>> -> memref<80xi32, #tpu.memory_space<hbm>>
        tpu.wait_dma2 semaphore(%run_scoped3A_445 : memref<!tpu.dma_semaphore, #tpu.memory_space<semaphore_mem>>) src(%dma_wait3A_461 : memref<80xi32, #tpu.memory_space<hbm>>) dst(%dma_wait3A_460 : memref<80xi32, #tpu.memory_space<vmem>>)
        tpu.yield
      }) : () -> ()
      "tpu.region"() ({
        %run_scoped3A_445 = tpu.sem_alloc : memref<!tpu.dma_semaphore, #tpu.memory_space<semaphore_mem>>
        %dma_start3A_446 = arith.constant 0 : i32
        %dma_start3A_447 = tpu.memref_slice %arg2[%add3A_316, %dma_start3A_446] : memref<320000x128xf32, #tpu.memory_space<hbm>> -> memref<80x128xf32, #tpu.memory_space<hbm>>
        %dma_start3A_448 = arith.constant 0 : i32
        %dma_start3A_449 = tpu.memref_slice %arg2[%add3A_316, %dma_start3A_448] : memref<320000x128xf32, #tpu.memory_space<hbm>> -> memref<80x128xf32, #tpu.memory_space<hbm>>
        tpu.enqueue_dma source(%dma_start3A_449 : memref<80x128xf32, #tpu.memory_space<hbm>>) target(%arg7 : memref<80x128xf32, #tpu.memory_space<vmem>>) target_semaphore(%run_scoped3A_445 : memref<!tpu.dma_semaphore, #tpu.memory_space<semaphore_mem>>)
        %dma_wait3A_450 = arith.constant 0 : i32
        %dma_wait3A_451 = tpu.memref_slice %arg2[%add3A_316, %dma_wait3A_450] : memref<320000x128xf32, #tpu.memory_space<hbm>> -> memref<80x128xf32, #tpu.memory_space<hbm>>
        %dma_wait3A_452 = arith.constant 0 : i32
        %dma_wait3A_453 = tpu.memref_slice %arg2[%add3A_316, %dma_wait3A_452] : memref<320000x128xf32, #tpu.memory_space<hbm>> -> memref<80x128xf32, #tpu.memory_space<hbm>>
        tpu.wait_dma2 semaphore(%run_scoped3A_445 : memref<!tpu.dma_semaphore, #tpu.memory_space<semaphore_mem>>) src(%dma_wait3A_453 : memref<80x128xf32, #tpu.memory_space<hbm>>) dst(%arg7 : memref<80x128xf32, #tpu.memory_space<vmem>>)
        tpu.yield
      }) : () -> ()
      %get3A_318 = arith.constant 1 : i32
      %get3A_319 = arith.index_cast %get3A_318 : i32 to index
      %get3A_320 = arith.constant 0 : index
      %get3A_321 = tpu.vector_load %arg5[%get3A_319, %get3A_320] {strides = array<i32>} : memref<2x80xi32, #tpu.memory_space<vmem>>, vector<1x16xi32>,
      %get3A_322 = vector.shape_cast %get3A_321 : vector<1x16xi32> to vector<16xi32>
      %sub3A_323 = vector.broadcast %mul3A_152 : i32 to vector<16xi32>
      %sub3A_324 = arith.subi %get3A_322, %sub3A_323 : vector<16xi32>
      %lt3A_325 = arith.constant 0 : i32
      %lt3A_326 = vector.broadcast %lt3A_325 : i32 to vector<16xi32>
      %lt3A_327 = arith.cmpi slt, %sub3A_324, %lt3A_326 : vector<16xi32>
      %ge3A_328 = arith.constant 2560 : i32
      %ge3A_329 = vector.broadcast %ge3A_328 : i32 to vector<16xi32>
      %ge3A_330 = arith.cmpi sge, %sub3A_324, %ge3A_329 : vector<16xi32>
      %or3A_331 = arith.ori %lt3A_327, %ge3A_330 : vector<16xi1>
      %jit3A_332 = arith.constant 2560 : i32
      %broadcast_in_dim3A_333 = vector.broadcast %jit3A_332 : i32 to vector<16xi32>
      %select_n3A_334 = arith.select %or3A_331, %broadcast_in_dim3A_333, %sub3A_324 : vector<16xi1>, vector<16xi32>
      %swap3A_335 = arith.constant 1 : i32
      %swap3A_336 = arith.index_cast %swap3A_335 : i32 to index
      %swap3A_337 = arith.constant 0 : index
      %swap3A_338 = tpu.vector_load %arg5[%swap3A_336, %swap3A_337] {strides = array<i32>} : memref<2x80xi32, #tpu.memory_space<vmem>>, vector<1x16xi32>,
      %swap3A_339 = vector.shape_cast %swap3A_338 : vector<1x16xi32> to vector<16xi32>
      %swap3A_340 = vector.shape_cast %select_n3A_334 : vector<16xi32> to vector<1x16xi32>
      tpu.vector_store %arg5[%swap3A_336, %swap3A_337], %swap3A_340 {strides = array<i32>} : memref<2x80xi32, #tpu.memory_space<vmem>>, vector<1x16xi32>,
      %get3A_341 = arith.constant 1 : i32
      %get3A_342 = arith.index_cast %get3A_341 : i32 to index
      %get3A_343 = arith.constant 16 : index
      %get3A_344 = tpu.vector_load %arg5[%get3A_342, %get3A_343] {strides = array<i32>} : memref<2x80xi32, #tpu.memory_space<vmem>>, vector<1x16xi32>,
      %get3A_345 = vector.shape_cast %get3A_344 : vector<1x16xi32> to vector<16xi32>
      %sub3A_346 = vector.broadcast %mul3A_152 : i32 to vector<16xi32>
      %sub3A_347 = arith.subi %get3A_345, %sub3A_346 : vector<16xi32>
      %lt3A_348 = arith.constant 0 : i32
      %lt3A_349 = vector.broadcast %lt3A_348 : i32 to vector<16xi32>
      %lt3A_350 = arith.cmpi slt, %sub3A_347, %lt3A_349 : vector<16xi32>
      %ge3A_351 = arith.constant 2560 : i32
      %ge3A_352 = vector.broadcast %ge3A_351 : i32 to vector<16xi32>
      %ge3A_353 = arith.cmpi sge, %sub3A_347, %ge3A_352 : vector<16xi32>
      %or3A_354 = arith.ori %lt3A_350, %ge3A_353 : vector<16xi1>
      %jit3A_355 = arith.constant 2560 : i32
      %broadcast_in_dim3A_356 = vector.broadcast %jit3A_355 : i32 to vector<16xi32>
      %select_n3A_357 = arith.select %or3A_354, %broadcast_in_dim3A_356, %sub3A_347 : vector<16xi1>, vector<16xi32>
      %swap3A_358 = arith.constant 1 : i32
      %swap3A_359 = arith.index_cast %swap3A_358 : i32 to index
      %swap3A_360 = arith.constant 16 : index
      %swap3A_361 = tpu.vector_load %arg5[%swap3A_359, %swap3A_360] {strides = array<i32>} : memref<2x80xi32, #tpu.memory_space<vmem>>, vector<1x16xi32>,
      %swap3A_362 = vector.shape_cast %swap3A_361 : vector<1x16xi32> to vector<16xi32>
      %swap3A_363 = vector.shape_cast %select_n3A_357 : vector<16xi32> to vector<1x16xi32>
      tpu.vector_store %arg5[%swap3A_359, %swap3A_360], %swap3A_363 {strides = array<i32>} : memref<2x80xi32, #tpu.memory_space<vmem>>, vector<1x16xi32>,
      %get3A_364 = arith.constant 1 : i32
      %get3A_365 = arith.index_cast %get3A_364 : i32 to index
      %get3A_366 = arith.constant 32 : index
      %get3A_367 = tpu.vector_load %arg5[%get3A_365, %get3A_366] {strides = array<i32>} : memref<2x80xi32, #tpu.memory_space<vmem>>, vector<1x16xi32>,
      %get3A_368 = vector.shape_cast %get3A_367 : vector<1x16xi32> to vector<16xi32>
      %sub3A_369 = vector.broadcast %mul3A_152 : i32 to vector<16xi32>
      %sub3A_370 = arith.subi %get3A_368, %sub3A_369 : vector<16xi32>
      %lt3A_371 = arith.constant 0 : i32
      %lt3A_372 = vector.broadcast %lt3A_371 : i32 to vector<16xi32>
      %lt3A_373 = arith.cmpi slt, %sub3A_370, %lt3A_372 : vector<16xi32>
      %ge3A_374 = arith.constant 2560 : i32
      %ge3A_375 = vector.broadcast %ge3A_374 : i32 to vector<16xi32>
      %ge3A_376 = arith.cmpi sge, %sub3A_370, %ge3A_375 : vector<16xi32>
      %or3A_377 = arith.ori %lt3A_373, %ge3A_376 : vector<16xi1>
      %jit3A_378 = arith.constant 2560 : i32
      %broadcast_in_dim3A_379 = vector.broadcast %jit3A_378 : i32 to vector<16xi32>
      %select_n3A_380 = arith.select %or3A_377, %broadcast_in_dim3A_379, %sub3A_370 : vector<16xi1>, vector<16xi32>
      %swap3A_381 = arith.constant 1 : i32
      %swap3A_382 = arith.index_cast %swap3A_381 : i32 to index
      %swap3A_383 = arith.constant 32 : index
      %swap3A_384 = tpu.vector_load %arg5[%swap3A_382, %swap3A_383] {strides = array<i32>} : memref<2x80xi32, #tpu.memory_space<vmem>>, vector<1x16xi32>,
      %swap3A_385 = vector.shape_cast %swap3A_384 : vector<1x16xi32> to vector<16xi32>
      %swap3A_386 = vector.shape_cast %select_n3A_380 : vector<16xi32> to vector<1x16xi32>
      tpu.vector_store %arg5[%swap3A_382, %swap3A_383], %swap3A_386 {strides = array<i32>} : memref<2x80xi32, #tpu.memory_space<vmem>>, vector<1x16xi32>,
      %get3A_387 = arith.constant 1 : i32
      %get3A_388 = arith.index_cast %get3A_387 : i32 to index
      %get3A_389 = arith.constant 48 : index
      %get3A_390 = tpu.vector_load %arg5[%get3A_388, %get3A_389] {strides = array<i32>} : memref<2x80xi32, #tpu.memory_space<vmem>>, vector<1x16xi32>,
      %get3A_391 = vector.shape_cast %get3A_390 : vector<1x16xi32> to vector<16xi32>
      %sub3A_392 = vector.broadcast %mul3A_152 : i32 to vector<16xi32>
      %sub3A_393 = arith.subi %get3A_391, %sub3A_392 : vector<16xi32>
      %lt3A_394 = arith.constant 0 : i32
      %lt3A_395 = vector.broadcast %lt3A_394 : i32 to vector<16xi32>
      %lt3A_396 = arith.cmpi slt, %sub3A_393, %lt3A_395 : vector<16xi32>
      %ge3A_397 = arith.constant 2560 : i32
      %ge3A_398 = vector.broadcast %ge3A_397 : i32 to vector<16xi32>
      %ge3A_399 = arith.cmpi sge, %sub3A_393, %ge3A_398 : vector<16xi32>
      %or3A_400 = arith.ori %lt3A_396, %ge3A_399 : vector<16xi1>
      %jit3A_401 = arith.constant 2560 : i32
      %broadcast_in_dim3A_402 = vector.broadcast %jit3A_401 : i32 to vector<16xi32>
      %select_n3A_403 = arith.select %or3A_400, %broadcast_in_dim3A_402, %sub3A_393 : vector<16xi1>, vector<16xi32>
      %swap3A_404 = arith.constant 1 : i32
      %swap3A_405 = arith.index_cast %swap3A_404 : i32 to index
      %swap3A_406 = arith.constant 48 : index
      %swap3A_407 = tpu.vector_load %arg5[%swap3A_405, %swap3A_406] {strides = array<i32>} : memref<2x80xi32, #tpu.memory_space<vmem>>, vector<1x16xi32>,
      %swap3A_408 = vector.shape_cast %swap3A_407 : vector<1x16xi32> to vector<16xi32>
      %swap3A_409 = vector.shape_cast %select_n3A_403 : vector<16xi32> to vector<1x16xi32>
      tpu.vector_store %arg5[%swap3A_405, %swap3A_406], %swap3A_409 {strides = array<i32>} : memref<2x80xi32, #tpu.memory_space<vmem>>, vector<1x16xi32>,
      %get3A_410 = arith.constant 1 : i32
      %get3A_411 = arith.index_cast %get3A_410 : i32 to index
      %get3A_412 = arith.constant 64 : index
      %get3A_413 = tpu.vector_load %arg5[%get3A_411, %get3A_412] {strides = array<i32>} : memref<2x80xi32, #tpu.memory_space<vmem>>, vector<1x16xi32>,
      %get3A_414 = vector.shape_cast %get3A_413 : vector<1x16xi32> to vector<16xi32>
      %sub3A_415 = vector.broadcast %mul3A_152 : i32 to vector<16xi32>
      %sub3A_416 = arith.subi %get3A_414, %sub3A_415 : vector<16xi32>
      %lt3A_417 = arith.constant 0 : i32
      %lt3A_418 = vector.broadcast %lt3A_417 : i32 to vector<16xi32>
      %lt3A_419 = arith.cmpi slt, %sub3A_416, %lt3A_418 : vector<16xi32>
      %ge3A_420 = arith.constant 2560 : i32
      %ge3A_421 = vector.broadcast %ge3A_420 : i32 to vector<16xi32>
      %ge3A_422 = arith.cmpi sge, %sub3A_416, %ge3A_421 : vector<16xi32>
      %or3A_423 = arith.ori %lt3A_419, %ge3A_422 : vector<16xi1>
      %jit3A_424 = arith.constant 2560 : i32
      %broadcast_in_dim3A_425 = vector.broadcast %jit3A_424 : i32 to vector<16xi32>
      %select_n3A_426 = arith.select %or3A_423, %broadcast_in_dim3A_425, %sub3A_416 : vector<16xi1>, vector<16xi32>
      %swap3A_427 = arith.constant 1 : i32
      %swap3A_428 = arith.index_cast %swap3A_427 : i32 to index
      %swap3A_429 = arith.constant 64 : index
      %swap3A_430 = tpu.vector_load %arg5[%swap3A_428, %swap3A_429] {strides = array<i32>} : memref<2x80xi32, #tpu.memory_space<vmem>>, vector<1x16xi32>,
      %swap3A_431 = vector.shape_cast %swap3A_430 : vector<1x16xi32> to vector<16xi32>
      %swap3A_432 = vector.shape_cast %select_n3A_426 : vector<16xi32> to vector<1x16xi32>
      tpu.vector_store %arg5[%swap3A_428, %swap3A_429], %swap3A_432 {strides = array<i32>} : memref<2x80xi32, #tpu.memory_space<vmem>>, vector<1x16xi32>,
      %dma_start3A_433 = arith.constant 1 : i32
      %dma_start3A_434 = arith.constant 0 : i32
      %dma_start3A_435 = tpu.memref_slice %arg5[%dma_start3A_433, %dma_start3A_434] : memref<2x80xi32, #tpu.memory_space<vmem>> -> memref<1x80xi32, #tpu.memory_space<vmem>>
      %dma_start3A_436 = tpu.memref_squeeze %dma_start3A_435 : memref<1x80xi32, #tpu.memory_space<vmem>> -> memref<80xi32, #tpu.memory_space<vmem>>
      %dma_start3A_437 = arith.constant 0 : i32
      %dma_start3A_438 = arith.constant 0 : i32
      %dma_start3A_439 = tpu.memref_slice %arg9[%dma_start3A_437, %dma_start3A_438] : memref<2688x128xf32, #tpu.memory_space<vmem_shared>> -> memref<2688x128xf32, #tpu.memory_space<vmem_shared>>
      tpu.enqueue_indirect_dma source(%arg7 : memref<80x128xf32, #tpu.memory_space<vmem>>) target(%dma_start3A_439 : memref<2688x128xf32, #tpu.memory_space<vmem_shared>>) offsets(%dma_start3A_436 : memref<80xi32, #tpu.memory_space<vmem>>) semaphore(%arg11 : memref<!tpu.dma_semaphore, #tpu.memory_space<semaphore_mem>>) {add = true}
      %lt3A_440 = arith.constant 124 : i32
      %lt3A_441 = arith.cmpi slt, %scan3A_301, %lt3A_440 : i32
      %convert_element_type3A_442 = arith.extui %lt3A_441 : i1 to i32
      %cond3A_443 = arith.constant 0 : i32
      %cond3A_444 = arith.cmpi ne, %convert_element_type3A_442, %cond3A_443 : i32
      scf.if %cond3A_444 {
        %dma_wait3A_445 = arith.constant 0 : i32
        %dma_wait3A_446 = arith.constant 0 : i32
        %dma_wait3A_447 = tpu.memref_slice %arg5[%dma_wait3A_445, %dma_wait3A_446] : memref<2x80xi32, #tpu.memory_space<vmem>> -> memref<1x80xi32, #tpu.memory_space<vmem>>
        %dma_wait3A_448 = tpu.memref_squeeze %dma_wait3A_447 : memref<1x80xi32, #tpu.memory_space<vmem>> -> memref<80xi32, #tpu.memory_space<vmem>>
        %dma_wait3A_449 = arith.constant 0 : i32
        %dma_wait3A_450 = arith.constant 0 : i32
        %dma_wait3A_451 = tpu.memref_slice %arg9[%dma_wait3A_449, %dma_wait3A_450] : memref<2688x128xf32, #tpu.memory_space<vmem_shared>> -> memref<2688x128xf32, #tpu.memory_space<vmem_shared>>
        tpu.wait_indirect_dma semaphore(%arg10 : memref<!tpu.dma_semaphore, #tpu.memory_space<semaphore_mem>>) src(%arg6 : memref<80x128xf32, #tpu.memory_space<vmem>>) dst(%dma_wait3A_451 : memref<2688x128xf32, #tpu.memory_space<vmem_shared>>)
        %add3A_452 = arith.constant 2 : i32
        %add3A_453 = arith.addi %mul3A_303, %add3A_452 : i32
        %mul3A_454 = arith.constant 80 : i32
        %mul3A_455 = arith.muli %add3A_453, %mul3A_454 : i32
        %add3A_456 = arith.addi %mul3A_0, %mul3A_455 : i32
        %run_scoped3A_457 = arith.constant 0 : i32
        "tpu.region"() ({
          %run_scoped3A_573 = tpu.sem_alloc : memref<!tpu.dma_semaphore, #tpu.memory_space<semaphore_mem>>
          %dma_start3A_574 = arith.constant 0 : i32
          %dma_start3A_575 = tpu.memref_slice %arg5[%run_scoped3A_457, %dma_start3A_574] : memref<2x80xi32, #tpu.memory_space<vmem>> -> memref<1x80xi32, #tpu.memory_space<vmem>>
          %dma_start3A_576 = tpu.memref_squeeze %dma_start3A_575 : memref<1x80xi32, #tpu.memory_space<vmem>> -> memref<80xi32, #tpu.memory_space<vmem>>
          %dma_start3A_577 = tpu.memref_slice %arg3[%add3A_456] : memref<320000xi32, #tpu.memory_space<hbm>> -> memref<80xi32, #tpu.memory_space<hbm>>
          %dma_start3A_578 = arith.constant 0 : i32
          %dma_start3A_579 = tpu.memref_slice %arg5[%run_scoped3A_457, %dma_start3A_578] : memref<2x80xi32, #tpu.memory_space<vmem>> -> memref<1x80xi32, #tpu.memory_space<vmem>>
          %dma_start3A_580 = tpu.memref_squeeze %dma_start3A_579 : memref<1x80xi32, #tpu.memory_space<vmem>> -> memref<80xi32, #tpu.memory_space<vmem>>
          %dma_start3A_581 = tpu.memref_slice %arg3[%add3A_456] : memref<320000xi32, #tpu.memory_space<hbm>> -> memref<80xi32, #tpu.memory_space<hbm>>
          tpu.enqueue_dma source(%dma_start3A_581 : memref<80xi32, #tpu.memory_space<hbm>>) target(%dma_start3A_580 : memref<80xi32, #tpu.memory_space<vmem>>) target_semaphore(%run_scoped3A_573 : memref<!tpu.dma_semaphore, #tpu.memory_space<semaphore_mem>>)
          %dma_wait3A_582 = arith.constant 0 : i32
          %dma_wait3A_583 = tpu.memref_slice %arg5[%run_scoped3A_457, %dma_wait3A_582] : memref<2x80xi32, #tpu.memory_space<vmem>> -> memref<1x80xi32, #tpu.memory_space<vmem>>
          %dma_wait3A_584 = tpu.memref_squeeze %dma_wait3A_583 : memref<1x80xi32, #tpu.memory_space<vmem>> -> memref<80xi32, #tpu.memory_space<vmem>>
          %dma_wait3A_585 = tpu.memref_slice %arg3[%add3A_456] : memref<320000xi32, #tpu.memory_space<hbm>> -> memref<80xi32, #tpu.memory_space<hbm>>
          %dma_wait3A_586 = arith.constant 0 : i32
          %dma_wait3A_587 = tpu.memref_slice %arg5[%run_scoped3A_457, %dma_wait3A_586] : memref<2x80xi32, #tpu.memory_space<vmem>> -> memref<1x80xi32, #tpu.memory_space<vmem>>
          %dma_wait3A_588 = tpu.memref_squeeze %dma_wait3A_587 : memref<1x80xi32, #tpu.memory_space<vmem>> -> memref<80xi32, #tpu.memory_space<vmem>>
          %dma_wait3A_589 = tpu.memref_slice %arg3[%add3A_456] : memref<320000xi32, #tpu.memory_space<hbm>> -> memref<80xi32, #tpu.memory_space<hbm>>
          tpu.wait_dma2 semaphore(%run_scoped3A_573 : memref<!tpu.dma_semaphore, #tpu.memory_space<semaphore_mem>>) src(%dma_wait3A_589 : memref<80xi32, #tpu.memory_space<hbm>>) dst(%dma_wait3A_588 : memref<80xi32, #tpu.memory_space<vmem>>)
          tpu.yield
        }) : () -> ()
        "tpu.region"() ({
          %run_scoped3A_573 = tpu.sem_alloc : memref<!tpu.dma_semaphore, #tpu.memory_space<semaphore_mem>>
          %dma_start3A_574 = arith.constant 0 : i32
          %dma_start3A_575 = tpu.memref_slice %arg2[%add3A_456, %dma_start3A_574] : memref<320000x128xf32, #tpu.memory_space<hbm>> -> memref<80x128xf32, #tpu.memory_space<hbm>>
          %dma_start3A_576 = arith.constant 0 : i32
          %dma_start3A_577 = tpu.memref_slice %arg2[%add3A_456, %dma_start3A_576] : memref<320000x128xf32, #tpu.memory_space<hbm>> -> memref<80x128xf32, #tpu.memory_space<hbm>>
          tpu.enqueue_dma source(%dma_start3A_577 : memref<80x128xf32, #tpu.memory_space<hbm>>) target(%arg6 : memref<80x128xf32, #tpu.memory_space<vmem>>) target_semaphore(%run_scoped3A_573 : memref<!tpu.dma_semaphore, #tpu.memory_space<semaphore_mem>>)
          %dma_wait3A_578 = arith.constant 0 : i32
          %dma_wait3A_579 = tpu.memref_slice %arg2[%add3A_456, %dma_wait3A_578] : memref<320000x128xf32, #tpu.memory_space<hbm>> -> memref<80x128xf32, #tpu.memory_space<hbm>>
          %dma_wait3A_580 = arith.constant 0 : i32
          %dma_wait3A_581 = tpu.memref_slice %arg2[%add3A_456, %dma_wait3A_580] : memref<320000x128xf32, #tpu.memory_space<hbm>> -> memref<80x128xf32, #tpu.memory_space<hbm>>
          tpu.wait_dma2 semaphore(%run_scoped3A_573 : memref<!tpu.dma_semaphore, #tpu.memory_space<semaphore_mem>>) src(%dma_wait3A_581 : memref<80x128xf32, #tpu.memory_space<hbm>>) dst(%arg6 : memref<80x128xf32, #tpu.memory_space<vmem>>)
          tpu.yield
        }) : () -> ()
        %get3A_458 = arith.constant 0 : i32
        %get3A_459 = arith.index_cast %get3A_458 : i32 to index
        %get3A_460 = arith.constant 0 : index
        %get3A_461 = tpu.vector_load %arg5[%get3A_459, %get3A_460] {strides = array<i32>} : memref<2x80xi32, #tpu.memory_space<vmem>>, vector<1x16xi32>,
        %get3A_462 = vector.shape_cast %get3A_461 : vector<1x16xi32> to vector<16xi32>
        %sub3A_463 = vector.broadcast %mul3A_152 : i32 to vector<16xi32>
        %sub3A_464 = arith.subi %get3A_462, %sub3A_463 : vector<16xi32>
        %lt3A_465 = arith.constant 0 : i32
        %lt3A_466 = vector.broadcast %lt3A_465 : i32 to vector<16xi32>
        %lt3A_467 = arith.cmpi slt, %sub3A_464, %lt3A_466 : vector<16xi32>
        %ge3A_468 = arith.constant 2560 : i32
        %ge3A_469 = vector.broadcast %ge3A_468 : i32 to vector<16xi32>
        %ge3A_470 = arith.cmpi sge, %sub3A_464, %ge3A_469 : vector<16xi32>
        %or3A_471 = arith.ori %lt3A_467, %ge3A_470 : vector<16xi1>
        %jit3A_472 = arith.constant 2560 : i32
        %broadcast_in_dim3A_473 = vector.broadcast %jit3A_472 : i32 to vector<16xi32>
        %select_n3A_474 = arith.select %or3A_471, %broadcast_in_dim3A_473, %sub3A_464 : vector<16xi1>, vector<16xi32>
        %swap3A_475 = arith.constant 0 : i32
        %swap3A_476 = arith.index_cast %swap3A_475 : i32 to index
        %swap3A_477 = arith.constant 0 : index
        %swap3A_478 = tpu.vector_load %arg5[%swap3A_476, %swap3A_477] {strides = array<i32>} : memref<2x80xi32, #tpu.memory_space<vmem>>, vector<1x16xi32>,
        %swap3A_479 = vector.shape_cast %swap3A_478 : vector<1x16xi32> to vector<16xi32>
        %swap3A_480 = vector.shape_cast %select_n3A_474 : vector<16xi32> to vector<1x16xi32>
        tpu.vector_store %arg5[%swap3A_476, %swap3A_477], %swap3A_480 {strides = array<i32>} : memref<2x80xi32, #tpu.memory_space<vmem>>, vector<1x16xi32>,
        %get3A_481 = arith.constant 0 : i32
        %get3A_482 = arith.index_cast %get3A_481 : i32 to index
        %get3A_483 = arith.constant 16 : index
        %get3A_484 = tpu.vector_load %arg5[%get3A_482, %get3A_483] {strides = array<i32>} : memref<2x80xi32, #tpu.memory_space<vmem>>, vector<1x16xi32>,
        %get3A_485 = vector.shape_cast %get3A_484 : vector<1x16xi32> to vector<16xi32>
        %sub3A_486 = vector.broadcast %mul3A_152 : i32 to vector<16xi32>
        %sub3A_487 = arith.subi %get3A_485, %sub3A_486 : vector<16xi32>
        %lt3A_488 = arith.constant 0 : i32
        %lt3A_489 = vector.broadcast %lt3A_488 : i32 to vector<16xi32>
        %lt3A_490 = arith.cmpi slt, %sub3A_487, %lt3A_489 : vector<16xi32>
        %ge3A_491 = arith.constant 2560 : i32
        %ge3A_492 = vector.broadcast %ge3A_491 : i32 to vector<16xi32>
        %ge3A_493 = arith.cmpi sge, %sub3A_487, %ge3A_492 : vector<16xi32>
        %or3A_494 = arith.ori %lt3A_490, %ge3A_493 : vector<16xi1>
        %jit3A_495 = arith.constant 2560 : i32
        %broadcast_in_dim3A_496 = vector.broadcast %jit3A_495 : i32 to vector<16xi32>
        %select_n3A_497 = arith.select %or3A_494, %broadcast_in_dim3A_496, %sub3A_487 : vector<16xi1>, vector<16xi32>
        %swap3A_498 = arith.constant 0 : i32
        %swap3A_499 = arith.index_cast %swap3A_498 : i32 to index
        %swap3A_500 = arith.constant 16 : index
        %swap3A_501 = tpu.vector_load %arg5[%swap3A_499, %swap3A_500] {strides = array<i32>} : memref<2x80xi32, #tpu.memory_space<vmem>>, vector<1x16xi32>,
        %swap3A_502 = vector.shape_cast %swap3A_501 : vector<1x16xi32> to vector<16xi32>
        %swap3A_503 = vector.shape_cast %select_n3A_497 : vector<16xi32> to vector<1x16xi32>
        tpu.vector_store %arg5[%swap3A_499, %swap3A_500], %swap3A_503 {strides = array<i32>} : memref<2x80xi32, #tpu.memory_space<vmem>>, vector<1x16xi32>,
        %get3A_504 = arith.constant 0 : i32
        %get3A_505 = arith.index_cast %get3A_504 : i32 to index
        %get3A_506 = arith.constant 32 : index
        %get3A_507 = tpu.vector_load %arg5[%get3A_505, %get3A_506] {strides = array<i32>} : memref<2x80xi32, #tpu.memory_space<vmem>>, vector<1x16xi32>,
        %get3A_508 = vector.shape_cast %get3A_507 : vector<1x16xi32> to vector<16xi32>
        %sub3A_509 = vector.broadcast %mul3A_152 : i32 to vector<16xi32>
        %sub3A_510 = arith.subi %get3A_508, %sub3A_509 : vector<16xi32>
        %lt3A_511 = arith.constant 0 : i32
        %lt3A_512 = vector.broadcast %lt3A_511 : i32 to vector<16xi32>
        %lt3A_513 = arith.cmpi slt, %sub3A_510, %lt3A_512 : vector<16xi32>
        %ge3A_514 = arith.constant 2560 : i32
        %ge3A_515 = vector.broadcast %ge3A_514 : i32 to vector<16xi32>
        %ge3A_516 = arith.cmpi sge, %sub3A_510, %ge3A_515 : vector<16xi32>
        %or3A_517 = arith.ori %lt3A_513, %ge3A_516 : vector<16xi1>
        %jit3A_518 = arith.constant 2560 : i32
        %broadcast_in_dim3A_519 = vector.broadcast %jit3A_518 : i32 to vector<16xi32>
        %select_n3A_520 = arith.select %or3A_517, %broadcast_in_dim3A_519, %sub3A_510 : vector<16xi1>, vector<16xi32>
        %swap3A_521 = arith.constant 0 : i32
        %swap3A_522 = arith.index_cast %swap3A_521 : i32 to index
        %swap3A_523 = arith.constant 32 : index
        %swap3A_524 = tpu.vector_load %arg5[%swap3A_522, %swap3A_523] {strides = array<i32>} : memref<2x80xi32, #tpu.memory_space<vmem>>, vector<1x16xi32>,
        %swap3A_525 = vector.shape_cast %swap3A_524 : vector<1x16xi32> to vector<16xi32>
        %swap3A_526 = vector.shape_cast %select_n3A_520 : vector<16xi32> to vector<1x16xi32>
        tpu.vector_store %arg5[%swap3A_522, %swap3A_523], %swap3A_526 {strides = array<i32>} : memref<2x80xi32, #tpu.memory_space<vmem>>, vector<1x16xi32>,
        %get3A_527 = arith.constant 0 : i32
        %get3A_528 = arith.index_cast %get3A_527 : i32 to index
        %get3A_529 = arith.constant 48 : index
        %get3A_530 = tpu.vector_load %arg5[%get3A_528, %get3A_529] {strides = array<i32>} : memref<2x80xi32, #tpu.memory_space<vmem>>, vector<1x16xi32>,
        %get3A_531 = vector.shape_cast %get3A_530 : vector<1x16xi32> to vector<16xi32>
        %sub3A_532 = vector.broadcast %mul3A_152 : i32 to vector<16xi32>
        %sub3A_533 = arith.subi %get3A_531, %sub3A_532 : vector<16xi32>
        %lt3A_534 = arith.constant 0 : i32
        %lt3A_535 = vector.broadcast %lt3A_534 : i32 to vector<16xi32>
        %lt3A_536 = arith.cmpi slt, %sub3A_533, %lt3A_535 : vector<16xi32>
        %ge3A_537 = arith.constant 2560 : i32
        %ge3A_538 = vector.broadcast %ge3A_537 : i32 to vector<16xi32>
        %ge3A_539 = arith.cmpi sge, %sub3A_533, %ge3A_538 : vector<16xi32>
        %or3A_540 = arith.ori %lt3A_536, %ge3A_539 : vector<16xi1>
        %jit3A_541 = arith.constant 2560 : i32
        %broadcast_in_dim3A_542 = vector.broadcast %jit3A_541 : i32 to vector<16xi32>
        %select_n3A_543 = arith.select %or3A_540, %broadcast_in_dim3A_542, %sub3A_533 : vector<16xi1>, vector<16xi32>
        %swap3A_544 = arith.constant 0 : i32
        %swap3A_545 = arith.index_cast %swap3A_544 : i32 to index
        %swap3A_546 = arith.constant 48 : index
        %swap3A_547 = tpu.vector_load %arg5[%swap3A_545, %swap3A_546] {strides = array<i32>} : memref<2x80xi32, #tpu.memory_space<vmem>>, vector<1x16xi32>,
        %swap3A_548 = vector.shape_cast %swap3A_547 : vector<1x16xi32> to vector<16xi32>
        %swap3A_549 = vector.shape_cast %select_n3A_543 : vector<16xi32> to vector<1x16xi32>
        tpu.vector_store %arg5[%swap3A_545, %swap3A_546], %swap3A_549 {strides = array<i32>} : memref<2x80xi32, #tpu.memory_space<vmem>>, vector<1x16xi32>,
        %get3A_550 = arith.constant 0 : i32
        %get3A_551 = arith.index_cast %get3A_550 : i32 to index
        %get3A_552 = arith.constant 64 : index
        %get3A_553 = tpu.vector_load %arg5[%get3A_551, %get3A_552] {strides = array<i32>} : memref<2x80xi32, #tpu.memory_space<vmem>>, vector<1x16xi32>,
        %get3A_554 = vector.shape_cast %get3A_553 : vector<1x16xi32> to vector<16xi32>
        %sub3A_555 = vector.broadcast %mul3A_152 : i32 to vector<16xi32>
        %sub3A_556 = arith.subi %get3A_554, %sub3A_555 : vector<16xi32>
        %lt3A_557 = arith.constant 0 : i32
        %lt3A_558 = vector.broadcast %lt3A_557 : i32 to vector<16xi32>
        %lt3A_559 = arith.cmpi slt, %sub3A_556, %lt3A_558 : vector<16xi32>
        %ge3A_560 = arith.constant 2560 : i32
        %ge3A_561 = vector.broadcast %ge3A_560 : i32 to vector<16xi32>
        %ge3A_562 = arith.cmpi sge, %sub3A_556, %ge3A_561 : vector<16xi32>
        %or3A_563 = arith.ori %lt3A_559, %ge3A_562 : vector<16xi1>
        %jit3A_564 = arith.constant 2560 : i32
        %broadcast_in_dim3A_565 = vector.broadcast %jit3A_564 : i32 to vector<16xi32>
        %select_n3A_566 = arith.select %or3A_563, %broadcast_in_dim3A_565, %sub3A_556 : vector<16xi1>, vector<16xi32>
        %swap3A_567 = arith.constant 0 : i32
        %swap3A_568 = arith.index_cast %swap3A_567 : i32 to index
        %swap3A_569 = arith.constant 64 : index
        %swap3A_570 = tpu.vector_load %arg5[%swap3A_568, %swap3A_569] {strides = array<i32>} : memref<2x80xi32, #tpu.memory_space<vmem>>, vector<1x16xi32>,
        %swap3A_571 = vector.shape_cast %swap3A_570 : vector<1x16xi32> to vector<16xi32>
        %swap3A_572 = vector.shape_cast %select_n3A_566 : vector<16xi32> to vector<1x16xi32>
        tpu.vector_store %arg5[%swap3A_568, %swap3A_569], %swap3A_572 {strides = array<i32>} : memref<2x80xi32, #tpu.memory_space<vmem>>, vector<1x16xi32>,
      } else {
      }
    }
    %scan3A_279 = arith.constant 125 : i32
    %dma_wait3A_280 = arith.constant 0 : i32
    %dma_wait3A_281 = arith.constant 0 : i32
    %dma_wait3A_282 = tpu.memref_slice %arg5[%dma_wait3A_280, %dma_wait3A_281] : memref<2x80xi32, #tpu.memory_space<vmem>> -> memref<1x80xi32, #tpu.memory_space<vmem>>
    %dma_wait3A_283 = tpu.memref_squeeze %dma_wait3A_282 : memref<1x80xi32, #tpu.memory_space<vmem>> -> memref<80xi32, #tpu.memory_space<vmem>>
    %dma_wait3A_284 = arith.constant 0 : i32
    %dma_wait3A_285 = arith.constant 0 : i32
    %dma_wait3A_286 = tpu.memref_slice %arg9[%dma_wait3A_284, %dma_wait3A_285] : memref<2688x128xf32, #tpu.memory_space<vmem_shared>> -> memref<2688x128xf32, #tpu.memory_space<vmem_shared>>
    tpu.wait_indirect_dma semaphore(%arg10 : memref<!tpu.dma_semaphore, #tpu.memory_space<semaphore_mem>>) src(%arg6 : memref<80x128xf32, #tpu.memory_space<vmem>>) dst(%dma_wait3A_286 : memref<2688x128xf32, #tpu.memory_space<vmem_shared>>)
    %dma_wait3A_287 = arith.constant 1 : i32
    %dma_wait3A_288 = arith.constant 0 : i32
    %dma_wait3A_289 = tpu.memref_slice %arg5[%dma_wait3A_287, %dma_wait3A_288] : memref<2x80xi32, #tpu.memory_space<vmem>> -> memref<1x80xi32, #tpu.memory_space<vmem>>
    %dma_wait3A_290 = tpu.memref_squeeze %dma_wait3A_289 : memref<1x80xi32, #tpu.memory_space<vmem>> -> memref<80xi32, #tpu.memory_space<vmem>>
    %dma_wait3A_291 = arith.constant 0 : i32
    %dma_wait3A_292 = arith.constant 0 : i32
    %dma_wait3A_293 = tpu.memref_slice %arg9[%dma_wait3A_291, %dma_wait3A_292] : memref<2688x128xf32, #tpu.memory_space<vmem_shared>> -> memref<2688x128xf32, #tpu.memory_space<vmem_shared>>
    tpu.wait_indirect_dma semaphore(%arg11 : memref<!tpu.dma_semaphore, #tpu.memory_space<semaphore_mem>>) src(%arg7 : memref<80x128xf32, #tpu.memory_space<vmem>>) dst(%dma_wait3A_293 : memref<2688x128xf32, #tpu.memory_space<vmem_shared>>)
    %barrier3A_294 = arith.constant 0 : index
    tpu.barrier barrier_id(%barrier3A_294)
    %mul3A_295 = arith.constant 160 : i32
    %mul3A_296 = arith.muli %arg1, %mul3A_295 : i32
    %mul3A_297 = arith.constant 160 : i32
    %mul3A_298 = arith.muli %arg1, %mul3A_297 : i32
    %add3A_299 = arith.addi %mul3A_152, %mul3A_298 : i32
    "tpu.region"() ({
      %run_scoped3A_301 = tpu.sem_alloc : memref<!tpu.dma_semaphore, #tpu.memory_space<semaphore_mem>>
      %dma_start3A = arith.constant 0 : i32
      %dma_start3A_302 = tpu.memref_slice %arg4[%add3A_299, %dma_start3A] : memref<10240x128xf32, #tpu.memory_space<hbm>> -> memref<160x128xf32, #tpu.memory_space<hbm>>
      %dma_start3A_303 = arith.constant 0 : i32
      %dma_start3A_304 = tpu.memref_slice %arg9[%mul3A_296, %dma_start3A_303] : memref<2688x128xf32, #tpu.memory_space<vmem_shared>> -> memref<160x128xf32, #tpu.memory_space<vmem_shared>>
      tpu.enqueue_dma source(%dma_start3A_304 : memref<160x128xf32, #tpu.memory_space<vmem_shared>>) target(%dma_start3A_302 : memref<160x128xf32, #tpu.memory_space<hbm>>) target_semaphore(%run_scoped3A_301 : memref<!tpu.dma_semaphore, #tpu.memory_space<semaphore_mem>>)
      %dma_wait3A_305 = arith.constant 0 : i32
      %dma_wait3A_306 = tpu.memref_slice %arg4[%add3A_299, %dma_wait3A_305] : memref<10240x128xf32, #tpu.memory_space<hbm>> -> memref<160x128xf32, #tpu.memory_space<hbm>>
      %dma_wait3A_307 = arith.constant 0 : i32
      %dma_wait3A_308 = tpu.memref_slice %arg9[%mul3A_296, %dma_wait3A_307] : memref<2688x128xf32, #tpu.memory_space<vmem_shared>> -> memref<160x128xf32, #tpu.memory_space<vmem_shared>>
      tpu.wait_dma2 semaphore(%run_scoped3A_301 : memref<!tpu.dma_semaphore, #tpu.memory_space<semaphore_mem>>) src(%dma_wait3A_308 : memref<160x128xf32, #tpu.memory_space<vmem_shared>>) dst(%dma_wait3A_306 : memref<160x128xf32, #tpu.memory_space<hbm>>)
      tpu.yield
    }) : () -> ()
    %barrier3A_300 = arith.constant 0 : index
    tpu.barrier barrier_id(%barrier3A_300)
    return
  }
}

#map = affine_map<(d0, d1) -> (0, 0)>
#map1 = affine_map<(d0, d1) -> (0)>
module attributes {stable_mosaic.version = 14 : i64} {
  func.func @k(%arg0: i32, %arg1: i32, %arg2: memref<10240x256xf32, #tpu.memory_space<hbm>>, %arg3: memref<320000xi32, #tpu.memory_space<hbm>>, %arg4: memref<320000xi32, #tpu.memory_space<hbm>>, %arg5: memref<320000x256xf32, #tpu.memory_space<hbm>>, %arg6: memref<320000x256xf32, #tpu.memory_space<hbm>>, %arg7: memref<2x40xi32, #tpu.memory_space<vmem>>, %arg8: memref<2x40xi32, #tpu.memory_space<vmem>>, %arg9: memref<40x256xf32, #tpu.memory_space<vmem>>, %arg10: memref<40x256xf32, #tpu.memory_space<vmem>>, %arg11: memref<40x256xf32, #tpu.memory_space<vmem>>, %arg12: memref<40x256xf32, #tpu.memory_space<vmem>>, %arg13: memref<!tpu.dma_semaphore, #tpu.memory_space<semaphore_mem>>, %arg14: memref<!tpu.dma_semaphore, #tpu.memory_space<semaphore_mem>>, %arg15: memref<!tpu.dma_semaphore, #tpu.memory_space<semaphore_mem>>, %arg16: memref<!tpu.dma_semaphore, #tpu.memory_space<semaphore_mem>>, %arg17: memref<!tpu.dma_semaphore, #tpu.memory_space<semaphore_mem>>, %arg18: memref<!tpu.dma_semaphore, #tpu.memory_space<semaphore_mem>>, %arg19: memref<!tpu.dma_semaphore, #tpu.memory_space<semaphore_mem>>, %arg20: memref<!tpu.dma_semaphore, #tpu.memory_space<semaphore_mem>>) attributes {dimension_semantics = [#tpu.dimension_semantics<core_parallel>, #tpu.dimension_semantics<subcore_parallel>], iteration_bounds = array<i64: 2, 16>, scalar_prefetch = 0 : i64, scratch_operands = 14 : i64, tpu.core_type = #tpu.core_type<sc_vector_subcore>, window_params = [{transform_indices = #map}, {transform_indices = #map1}, {transform_indices = #map1}, {transform_indices = #map}, {transform_indices = #map}]} {
    %mul3A = arith.constant 2 : i32
    %mul3A_0 = arith.muli %arg1, %mul3A : i32
    %add3A = arith.addi %mul3A_0, %arg0 : i32
    %mul3A_1 = arith.constant 10000 : i32
    %mul3A_2 = arith.muli %add3A, %mul3A_1 : i32
    %add3A_3 = arith.constant 0 : i32
    %add3A_4 = arith.addi %mul3A_2, %add3A_3 : i32
    %run_scoped3A = arith.constant 0 : i32
    "tpu.region"() ({
      %run_scoped3A_33 = tpu.sem_alloc : memref<!tpu.dma_semaphore, #tpu.memory_space<semaphore_mem>>
      %dma_start3A_34 = arith.constant 0 : i32
      %dma_start3A_35 = tpu.memref_slice %arg7[%run_scoped3A, %dma_start3A_34] : memref<2x40xi32, #tpu.memory_space<vmem>> -> memref<1x40xi32, #tpu.memory_space<vmem>>
      %dma_start3A_36 = tpu.memref_squeeze %dma_start3A_35 : memref<1x40xi32, #tpu.memory_space<vmem>> -> memref<40xi32, #tpu.memory_space<vmem>>
      %dma_start3A_37 = tpu.memref_slice %arg3[%add3A_4] : memref<320000xi32, #tpu.memory_space<hbm>> -> memref<40xi32, #tpu.memory_space<hbm>>
      %dma_start3A_38 = arith.constant 0 : i32
      %dma_start3A_39 = tpu.memref_slice %arg7[%run_scoped3A, %dma_start3A_38] : memref<2x40xi32, #tpu.memory_space<vmem>> -> memref<1x40xi32, #tpu.memory_space<vmem>>
      %dma_start3A_40 = tpu.memref_squeeze %dma_start3A_39 : memref<1x40xi32, #tpu.memory_space<vmem>> -> memref<40xi32, #tpu.memory_space<vmem>>
      %dma_start3A_41 = tpu.memref_slice %arg3[%add3A_4] : memref<320000xi32, #tpu.memory_space<hbm>> -> memref<40xi32, #tpu.memory_space<hbm>>
      tpu.enqueue_dma source(%dma_start3A_41 : memref<40xi32, #tpu.memory_space<hbm>>) target(%dma_start3A_40 : memref<40xi32, #tpu.memory_space<vmem>>) target_semaphore(%run_scoped3A_33 : memref<!tpu.dma_semaphore, #tpu.memory_space<semaphore_mem>>)
      %dma_wait3A_42 = arith.constant 0 : i32
      %dma_wait3A_43 = tpu.memref_slice %arg7[%run_scoped3A, %dma_wait3A_42] : memref<2x40xi32, #tpu.memory_space<vmem>> -> memref<1x40xi32, #tpu.memory_space<vmem>>
      %dma_wait3A_44 = tpu.memref_squeeze %dma_wait3A_43 : memref<1x40xi32, #tpu.memory_space<vmem>> -> memref<40xi32, #tpu.memory_space<vmem>>
      %dma_wait3A_45 = tpu.memref_slice %arg3[%add3A_4] : memref<320000xi32, #tpu.memory_space<hbm>> -> memref<40xi32, #tpu.memory_space<hbm>>
      %dma_wait3A_46 = arith.constant 0 : i32
      %dma_wait3A_47 = tpu.memref_slice %arg7[%run_scoped3A, %dma_wait3A_46] : memref<2x40xi32, #tpu.memory_space<vmem>> -> memref<1x40xi32, #tpu.memory_space<vmem>>
      %dma_wait3A_48 = tpu.memref_squeeze %dma_wait3A_47 : memref<1x40xi32, #tpu.memory_space<vmem>> -> memref<40xi32, #tpu.memory_space<vmem>>
      %dma_wait3A_49 = tpu.memref_slice %arg3[%add3A_4] : memref<320000xi32, #tpu.memory_space<hbm>> -> memref<40xi32, #tpu.memory_space<hbm>>
      tpu.wait_dma2 semaphore(%run_scoped3A_33 : memref<!tpu.dma_semaphore, #tpu.memory_space<semaphore_mem>>) src(%dma_wait3A_49 : memref<40xi32, #tpu.memory_space<hbm>>) dst(%dma_wait3A_48 : memref<40xi32, #tpu.memory_space<vmem>>)
      tpu.yield
    }) : () -> ()
    %run_scoped3A_5 = arith.constant 0 : i32
    "tpu.region"() ({
      %run_scoped3A_33 = tpu.sem_alloc : memref<!tpu.dma_semaphore, #tpu.memory_space<semaphore_mem>>
      %dma_start3A_34 = arith.constant 0 : i32
      %dma_start3A_35 = tpu.memref_slice %arg8[%run_scoped3A_5, %dma_start3A_34] : memref<2x40xi32, #tpu.memory_space<vmem>> -> memref<1x40xi32, #tpu.memory_space<vmem>>
      %dma_start3A_36 = tpu.memref_squeeze %dma_start3A_35 : memref<1x40xi32, #tpu.memory_space<vmem>> -> memref<40xi32, #tpu.memory_space<vmem>>
      %dma_start3A_37 = tpu.memref_slice %arg4[%add3A_4] : memref<320000xi32, #tpu.memory_space<hbm>> -> memref<40xi32, #tpu.memory_space<hbm>>
      %dma_start3A_38 = arith.constant 0 : i32
      %dma_start3A_39 = tpu.memref_slice %arg8[%run_scoped3A_5, %dma_start3A_38] : memref<2x40xi32, #tpu.memory_space<vmem>> -> memref<1x40xi32, #tpu.memory_space<vmem>>
      %dma_start3A_40 = tpu.memref_squeeze %dma_start3A_39 : memref<1x40xi32, #tpu.memory_space<vmem>> -> memref<40xi32, #tpu.memory_space<vmem>>
      %dma_start3A_41 = tpu.memref_slice %arg4[%add3A_4] : memref<320000xi32, #tpu.memory_space<hbm>> -> memref<40xi32, #tpu.memory_space<hbm>>
      tpu.enqueue_dma source(%dma_start3A_41 : memref<40xi32, #tpu.memory_space<hbm>>) target(%dma_start3A_40 : memref<40xi32, #tpu.memory_space<vmem>>) target_semaphore(%run_scoped3A_33 : memref<!tpu.dma_semaphore, #tpu.memory_space<semaphore_mem>>)
      %dma_wait3A_42 = arith.constant 0 : i32
      %dma_wait3A_43 = tpu.memref_slice %arg8[%run_scoped3A_5, %dma_wait3A_42] : memref<2x40xi32, #tpu.memory_space<vmem>> -> memref<1x40xi32, #tpu.memory_space<vmem>>
      %dma_wait3A_44 = tpu.memref_squeeze %dma_wait3A_43 : memref<1x40xi32, #tpu.memory_space<vmem>> -> memref<40xi32, #tpu.memory_space<vmem>>
      %dma_wait3A_45 = tpu.memref_slice %arg4[%add3A_4] : memref<320000xi32, #tpu.memory_space<hbm>> -> memref<40xi32, #tpu.memory_space<hbm>>
      %dma_wait3A_46 = arith.constant 0 : i32
      %dma_wait3A_47 = tpu.memref_slice %arg8[%run_scoped3A_5, %dma_wait3A_46] : memref<2x40xi32, #tpu.memory_space<vmem>> -> memref<1x40xi32, #tpu.memory_space<vmem>>
      %dma_wait3A_48 = tpu.memref_squeeze %dma_wait3A_47 : memref<1x40xi32, #tpu.memory_space<vmem>> -> memref<40xi32, #tpu.memory_space<vmem>>
      %dma_wait3A_49 = tpu.memref_slice %arg4[%add3A_4] : memref<320000xi32, #tpu.memory_space<hbm>> -> memref<40xi32, #tpu.memory_space<hbm>>
      tpu.wait_dma2 semaphore(%run_scoped3A_33 : memref<!tpu.dma_semaphore, #tpu.memory_space<semaphore_mem>>) src(%dma_wait3A_49 : memref<40xi32, #tpu.memory_space<hbm>>) dst(%dma_wait3A_48 : memref<40xi32, #tpu.memory_space<vmem>>)
      tpu.yield
    }) : () -> ()
    %dma_start3A = arith.constant 0 : i32
    %dma_start3A_6 = arith.constant 0 : i32
    %dma_start3A_7 = tpu.memref_slice %arg7[%dma_start3A, %dma_start3A_6] : memref<2x40xi32, #tpu.memory_space<vmem>> -> memref<1x40xi32, #tpu.memory_space<vmem>>
    %dma_start3A_8 = tpu.memref_squeeze %dma_start3A_7 : memref<1x40xi32, #tpu.memory_space<vmem>> -> memref<40xi32, #tpu.memory_space<vmem>>
    %dma_start3A_9 = arith.constant 0 : i32
    %dma_start3A_10 = arith.constant 0 : i32
    %dma_start3A_11 = tpu.memref_slice %arg2[%dma_start3A_9, %dma_start3A_10] : memref<10240x256xf32, #tpu.memory_space<hbm>> -> memref<10240x256xf32, #tpu.memory_space<hbm>>
    tpu.enqueue_indirect_dma source(%dma_start3A_11 : memref<10240x256xf32, #tpu.memory_space<hbm>>) target(%arg9 : memref<40x256xf32, #tpu.memory_space<vmem>>) offsets(%dma_start3A_8 : memref<40xi32, #tpu.memory_space<vmem>>) semaphore(%arg13 : memref<!tpu.dma_semaphore, #tpu.memory_space<semaphore_mem>>)
    %dma_start3A_12 = arith.constant 0 : i32
    %dma_start3A_13 = arith.constant 0 : i32
    %dma_start3A_14 = tpu.memref_slice %arg8[%dma_start3A_12, %dma_start3A_13] : memref<2x40xi32, #tpu.memory_space<vmem>> -> memref<1x40xi32, #tpu.memory_space<vmem>>
    %dma_start3A_15 = tpu.memref_squeeze %dma_start3A_14 : memref<1x40xi32, #tpu.memory_space<vmem>> -> memref<40xi32, #tpu.memory_space<vmem>>
    %dma_start3A_16 = arith.constant 0 : i32
    %dma_start3A_17 = arith.constant 0 : i32
    %dma_start3A_18 = tpu.memref_slice %arg2[%dma_start3A_16, %dma_start3A_17] : memref<10240x256xf32, #tpu.memory_space<hbm>> -> memref<10240x256xf32, #tpu.memory_space<hbm>>
    tpu.enqueue_indirect_dma source(%dma_start3A_18 : memref<10240x256xf32, #tpu.memory_space<hbm>>) target(%arg10 : memref<40x256xf32, #tpu.memory_space<vmem>>) offsets(%dma_start3A_15 : memref<40xi32, #tpu.memory_space<vmem>>) semaphore(%arg14 : memref<!tpu.dma_semaphore, #tpu.memory_space<semaphore_mem>>)
    %scan3A = arith.constant 0 : i32
    %scan3A_19 = arith.constant 0 : i32
    %scan3A_20 = arith.constant 125 : i32
    %scan3A_21 = arith.addi %scan3A_19, %scan3A_20 : i32
    %scan3A_22 = arith.constant 1 : i32
    scf.for %scan3A_33 = %scan3A_19 to %scan3A_21 step %scan3A_22  : i32 {
      %mul3A_34 = arith.constant 2 : i32
      %mul3A_35 = arith.muli %mul3A_34, %scan3A_33 : i32
      %mul3A_36 = arith.constant 40 : i32
      %mul3A_37 = arith.muli %mul3A_35, %mul3A_36 : i32
      %add3A_38 = arith.addi %mul3A_2, %mul3A_37 : i32
      %add3A_39 = arith.constant 1 : i32
      %add3A_40 = arith.addi %mul3A_35, %add3A_39 : i32
      %mul3A_41 = arith.constant 40 : i32
      %mul3A_42 = arith.muli %add3A_40, %mul3A_41 : i32
      %add3A_43 = arith.addi %mul3A_2, %mul3A_42 : i32
      %add3A_44 = arith.constant 1 : i32
      %add3A_45 = arith.addi %mul3A_35, %add3A_44 : i32
      %mul3A_46 = arith.constant 40 : i32
      %mul3A_47 = arith.muli %add3A_45, %mul3A_46 : i32
      %add3A_48 = arith.addi %mul3A_2, %mul3A_47 : i32
      %run_scoped3A_49 = arith.constant 1 : i32
      "tpu.region"() ({
        %run_scoped3A_130 = tpu.sem_alloc : memref<!tpu.dma_semaphore, #tpu.memory_space<semaphore_mem>>
        %dma_start3A_131 = arith.constant 0 : i32
        %dma_start3A_132 = tpu.memref_slice %arg7[%run_scoped3A_49, %dma_start3A_131] : memref<2x40xi32, #tpu.memory_space<vmem>> -> memref<1x40xi32, #tpu.memory_space<vmem>>
        %dma_start3A_133 = tpu.memref_squeeze %dma_start3A_132 : memref<1x40xi32, #tpu.memory_space<vmem>> -> memref<40xi32, #tpu.memory_space<vmem>>
        %dma_start3A_134 = tpu.memref_slice %arg3[%add3A_48] : memref<320000xi32, #tpu.memory_space<hbm>> -> memref<40xi32, #tpu.memory_space<hbm>>
        %dma_start3A_135 = arith.constant 0 : i32
        %dma_start3A_136 = tpu.memref_slice %arg7[%run_scoped3A_49, %dma_start3A_135] : memref<2x40xi32, #tpu.memory_space<vmem>> -> memref<1x40xi32, #tpu.memory_space<vmem>>
        %dma_start3A_137 = tpu.memref_squeeze %dma_start3A_136 : memref<1x40xi32, #tpu.memory_space<vmem>> -> memref<40xi32, #tpu.memory_space<vmem>>
        %dma_start3A_138 = tpu.memref_slice %arg3[%add3A_48] : memref<320000xi32, #tpu.memory_space<hbm>> -> memref<40xi32, #tpu.memory_space<hbm>>
        tpu.enqueue_dma source(%dma_start3A_138 : memref<40xi32, #tpu.memory_space<hbm>>) target(%dma_start3A_137 : memref<40xi32, #tpu.memory_space<vmem>>) target_semaphore(%run_scoped3A_130 : memref<!tpu.dma_semaphore, #tpu.memory_space<semaphore_mem>>)
        %dma_wait3A_139 = arith.constant 0 : i32
        %dma_wait3A_140 = tpu.memref_slice %arg7[%run_scoped3A_49, %dma_wait3A_139] : memref<2x40xi32, #tpu.memory_space<vmem>> -> memref<1x40xi32, #tpu.memory_space<vmem>>
        %dma_wait3A_141 = tpu.memref_squeeze %dma_wait3A_140 : memref<1x40xi32, #tpu.memory_space<vmem>> -> memref<40xi32, #tpu.memory_space<vmem>>
        %dma_wait3A_142 = tpu.memref_slice %arg3[%add3A_48] : memref<320000xi32, #tpu.memory_space<hbm>> -> memref<40xi32, #tpu.memory_space<hbm>>
        %dma_wait3A_143 = arith.constant 0 : i32
        %dma_wait3A_144 = tpu.memref_slice %arg7[%run_scoped3A_49, %dma_wait3A_143] : memref<2x40xi32, #tpu.memory_space<vmem>> -> memref<1x40xi32, #tpu.memory_space<vmem>>
        %dma_wait3A_145 = tpu.memref_squeeze %dma_wait3A_144 : memref<1x40xi32, #tpu.memory_space<vmem>> -> memref<40xi32, #tpu.memory_space<vmem>>
        %dma_wait3A_146 = tpu.memref_slice %arg3[%add3A_48] : memref<320000xi32, #tpu.memory_space<hbm>> -> memref<40xi32, #tpu.memory_space<hbm>>
        tpu.wait_dma2 semaphore(%run_scoped3A_130 : memref<!tpu.dma_semaphore, #tpu.memory_space<semaphore_mem>>) src(%dma_wait3A_146 : memref<40xi32, #tpu.memory_space<hbm>>) dst(%dma_wait3A_145 : memref<40xi32, #tpu.memory_space<vmem>>)
        tpu.yield
      }) : () -> ()
      %run_scoped3A_50 = arith.constant 1 : i32
      "tpu.region"() ({
        %run_scoped3A_130 = tpu.sem_alloc : memref<!tpu.dma_semaphore, #tpu.memory_space<semaphore_mem>>
        %dma_start3A_131 = arith.constant 0 : i32
        %dma_start3A_132 = tpu.memref_slice %arg8[%run_scoped3A_50, %dma_start3A_131] : memref<2x40xi32, #tpu.memory_space<vmem>> -> memref<1x40xi32, #tpu.memory_space<vmem>>
        %dma_start3A_133 = tpu.memref_squeeze %dma_start3A_132 : memref<1x40xi32, #tpu.memory_space<vmem>> -> memref<40xi32, #tpu.memory_space<vmem>>
        %dma_start3A_134 = tpu.memref_slice %arg4[%add3A_48] : memref<320000xi32, #tpu.memory_space<hbm>> -> memref<40xi32, #tpu.memory_space<hbm>>
        %dma_start3A_135 = arith.constant 0 : i32
        %dma_start3A_136 = tpu.memref_slice %arg8[%run_scoped3A_50, %dma_start3A_135] : memref<2x40xi32, #tpu.memory_space<vmem>> -> memref<1x40xi32, #tpu.memory_space<vmem>>
        %dma_start3A_137 = tpu.memref_squeeze %dma_start3A_136 : memref<1x40xi32, #tpu.memory_space<vmem>> -> memref<40xi32, #tpu.memory_space<vmem>>
        %dma_start3A_138 = tpu.memref_slice %arg4[%add3A_48] : memref<320000xi32, #tpu.memory_space<hbm>> -> memref<40xi32, #tpu.memory_space<hbm>>
        tpu.enqueue_dma source(%dma_start3A_138 : memref<40xi32, #tpu.memory_space<hbm>>) target(%dma_start3A_137 : memref<40xi32, #tpu.memory_space<vmem>>) target_semaphore(%run_scoped3A_130 : memref<!tpu.dma_semaphore, #tpu.memory_space<semaphore_mem>>)
        %dma_wait3A_139 = arith.constant 0 : i32
        %dma_wait3A_140 = tpu.memref_slice %arg8[%run_scoped3A_50, %dma_wait3A_139] : memref<2x40xi32, #tpu.memory_space<vmem>> -> memref<1x40xi32, #tpu.memory_space<vmem>>
        %dma_wait3A_141 = tpu.memref_squeeze %dma_wait3A_140 : memref<1x40xi32, #tpu.memory_space<vmem>> -> memref<40xi32, #tpu.memory_space<vmem>>
        %dma_wait3A_142 = tpu.memref_slice %arg4[%add3A_48] : memref<320000xi32, #tpu.memory_space<hbm>> -> memref<40xi32, #tpu.memory_space<hbm>>
        %dma_wait3A_143 = arith.constant 0 : i32
        %dma_wait3A_144 = tpu.memref_slice %arg8[%run_scoped3A_50, %dma_wait3A_143] : memref<2x40xi32, #tpu.memory_space<vmem>> -> memref<1x40xi32, #tpu.memory_space<vmem>>
        %dma_wait3A_145 = tpu.memref_squeeze %dma_wait3A_144 : memref<1x40xi32, #tpu.memory_space<vmem>> -> memref<40xi32, #tpu.memory_space<vmem>>
        %dma_wait3A_146 = tpu.memref_slice %arg4[%add3A_48] : memref<320000xi32, #tpu.memory_space<hbm>> -> memref<40xi32, #tpu.memory_space<hbm>>
        tpu.wait_dma2 semaphore(%run_scoped3A_130 : memref<!tpu.dma_semaphore, #tpu.memory_space<semaphore_mem>>) src(%dma_wait3A_146 : memref<40xi32, #tpu.memory_space<hbm>>) dst(%dma_wait3A_145 : memref<40xi32, #tpu.memory_space<vmem>>)
        tpu.yield
      }) : () -> ()
      %gt3A = arith.constant 0 : i32
      %gt3A_51 = arith.cmpi sgt, %scan3A_33, %gt3A : i32
      %convert_element_type3A = arith.extui %gt3A_51 : i1 to i32
      %cond3A = arith.constant 0 : i32
      %cond3A_52 = arith.cmpi ne, %convert_element_type3A, %cond3A : i32
      scf.if %cond3A_52 {
        %sub3A = arith.constant 1 : i32
        %sub3A_130 = arith.subi %mul3A_35, %sub3A : i32
        %mul3A_131 = arith.constant 40 : i32
        %mul3A_132 = arith.muli %sub3A_130, %mul3A_131 : i32
        %add3A_133 = arith.addi %mul3A_2, %mul3A_132 : i32
        %dma_wait3A_134 = arith.constant 0 : i32
        %dma_wait3A_135 = tpu.memref_slice %arg5[%add3A_133, %dma_wait3A_134] : memref<320000x256xf32, #tpu.memory_space<hbm>> -> memref<40x256xf32, #tpu.memory_space<hbm>>
        %dma_wait3A_136 = arith.constant 0 : i32
        %dma_wait3A_137 = tpu.memref_slice %arg5[%add3A_133, %dma_wait3A_136] : memref<320000x256xf32, #tpu.memory_space<hbm>> -> memref<40x256xf32, #tpu.memory_space<hbm>>
        tpu.wait_dma2 semaphore(%arg19 : memref<!tpu.dma_semaphore, #tpu.memory_space<semaphore_mem>>) src(%arg11 : memref<40x256xf32, #tpu.memory_space<vmem>>) dst(%dma_wait3A_137 : memref<40x256xf32, #tpu.memory_space<hbm>>)
        %dma_wait3A_138 = arith.constant 0 : i32
        %dma_wait3A_139 = tpu.memref_slice %arg6[%add3A_133, %dma_wait3A_138] : memref<320000x256xf32, #tpu.memory_space<hbm>> -> memref<40x256xf32, #tpu.memory_space<hbm>>
        %dma_wait3A_140 = arith.constant 0 : i32
        %dma_wait3A_141 = tpu.memref_slice %arg6[%add3A_133, %dma_wait3A_140] : memref<320000x256xf32, #tpu.memory_space<hbm>> -> memref<40x256xf32, #tpu.memory_space<hbm>>
        tpu.wait_dma2 semaphore(%arg20 : memref<!tpu.dma_semaphore, #tpu.memory_space<semaphore_mem>>) src(%arg12 : memref<40x256xf32, #tpu.memory_space<vmem>>) dst(%dma_wait3A_141 : memref<40x256xf32, #tpu.memory_space<hbm>>)
      } else {
      }
      %dma_wait3A_53 = arith.constant 0 : i32
      %dma_wait3A_54 = arith.constant 0 : i32
      %dma_wait3A_55 = tpu.memref_slice %arg7[%dma_wait3A_53, %dma_wait3A_54] : memref<2x40xi32, #tpu.memory_space<vmem>> -> memref<1x40xi32, #tpu.memory_space<vmem>>
      %dma_wait3A_56 = tpu.memref_squeeze %dma_wait3A_55 : memref<1x40xi32, #tpu.memory_space<vmem>> -> memref<40xi32, #tpu.memory_space<vmem>>
      %dma_wait3A_57 = arith.constant 0 : i32
      %dma_wait3A_58 = arith.constant 0 : i32
      %dma_wait3A_59 = tpu.memref_slice %arg2[%dma_wait3A_57, %dma_wait3A_58] : memref<10240x256xf32, #tpu.memory_space<hbm>> -> memref<10240x256xf32, #tpu.memory_space<hbm>>
      tpu.wait_indirect_dma semaphore(%arg13 : memref<!tpu.dma_semaphore, #tpu.memory_space<semaphore_mem>>) src(%dma_wait3A_59 : memref<10240x256xf32, #tpu.memory_space<hbm>>) dst(%arg9 : memref<40x256xf32, #tpu.memory_space<vmem>>)
      %dma_wait3A_60 = arith.constant 0 : i32
      %dma_wait3A_61 = arith.constant 0 : i32
      %dma_wait3A_62 = tpu.memref_slice %arg8[%dma_wait3A_60, %dma_wait3A_61] : memref<2x40xi32, #tpu.memory_space<vmem>> -> memref<1x40xi32, #tpu.memory_space<vmem>>
      %dma_wait3A_63 = tpu.memref_squeeze %dma_wait3A_62 : memref<1x40xi32, #tpu.memory_space<vmem>> -> memref<40xi32, #tpu.memory_space<vmem>>
      %dma_wait3A_64 = arith.constant 0 : i32
      %dma_wait3A_65 = arith.constant 0 : i32
      %dma_wait3A_66 = tpu.memref_slice %arg2[%dma_wait3A_64, %dma_wait3A_65] : memref<10240x256xf32, #tpu.memory_space<hbm>> -> memref<10240x256xf32, #tpu.memory_space<hbm>>
      tpu.wait_indirect_dma semaphore(%arg14 : memref<!tpu.dma_semaphore, #tpu.memory_space<semaphore_mem>>) src(%dma_wait3A_66 : memref<10240x256xf32, #tpu.memory_space<hbm>>) dst(%arg10 : memref<40x256xf32, #tpu.memory_space<vmem>>)
      %add3A_67 = arith.constant 1 : i32
      %add3A_68 = arith.addi %mul3A_35, %add3A_67 : i32
      %dma_start3A_69 = arith.constant 1 : i32
      %dma_start3A_70 = arith.constant 0 : i32
      %dma_start3A_71 = tpu.memref_slice %arg7[%dma_start3A_69, %dma_start3A_70] : memref<2x40xi32, #tpu.memory_space<vmem>> -> memref<1x40xi32, #tpu.memory_space<vmem>>
      %dma_start3A_72 = tpu.memref_squeeze %dma_start3A_71 : memref<1x40xi32, #tpu.memory_space<vmem>> -> memref<40xi32, #tpu.memory_space<vmem>>
      %dma_start3A_73 = arith.constant 0 : i32
      %dma_start3A_74 = arith.constant 0 : i32
      %dma_start3A_75 = tpu.memref_slice %arg2[%dma_start3A_73, %dma_start3A_74] : memref<10240x256xf32, #tpu.memory_space<hbm>> -> memref<10240x256xf32, #tpu.memory_space<hbm>>
      tpu.enqueue_indirect_dma source(%dma_start3A_75 : memref<10240x256xf32, #tpu.memory_space<hbm>>) target(%arg11 : memref<40x256xf32, #tpu.memory_space<vmem>>) offsets(%dma_start3A_72 : memref<40xi32, #tpu.memory_space<vmem>>) semaphore(%arg15 : memref<!tpu.dma_semaphore, #tpu.memory_space<semaphore_mem>>)
      %dma_start3A_76 = arith.constant 1 : i32
      %dma_start3A_77 = arith.constant 0 : i32
      %dma_start3A_78 = tpu.memref_slice %arg8[%dma_start3A_76, %dma_start3A_77] : memref<2x40xi32, #tpu.memory_space<vmem>> -> memref<1x40xi32, #tpu.memory_space<vmem>>
      %dma_start3A_79 = tpu.memref_squeeze %dma_start3A_78 : memref<1x40xi32, #tpu.memory_space<vmem>> -> memref<40xi32, #tpu.memory_space<vmem>>
      %dma_start3A_80 = arith.constant 0 : i32
      %dma_start3A_81 = arith.constant 0 : i32
      %dma_start3A_82 = tpu.memref_slice %arg2[%dma_start3A_80, %dma_start3A_81] : memref<10240x256xf32, #tpu.memory_space<hbm>> -> memref<10240x256xf32, #tpu.memory_space<hbm>>
      tpu.enqueue_indirect_dma source(%dma_start3A_82 : memref<10240x256xf32, #tpu.memory_space<hbm>>) target(%arg12 : memref<40x256xf32, #tpu.memory_space<vmem>>) offsets(%dma_start3A_79 : memref<40xi32, #tpu.memory_space<vmem>>) semaphore(%arg16 : memref<!tpu.dma_semaphore, #tpu.memory_space<semaphore_mem>>)
      %dma_start3A_83 = arith.constant 0 : i32
      %dma_start3A_84 = tpu.memref_slice %arg5[%add3A_38, %dma_start3A_83] : memref<320000x256xf32, #tpu.memory_space<hbm>> -> memref<40x256xf32, #tpu.memory_space<hbm>>
      %dma_start3A_85 = arith.constant 0 : i32
      %dma_start3A_86 = tpu.memref_slice %arg5[%add3A_38, %dma_start3A_85] : memref<320000x256xf32, #tpu.memory_space<hbm>> -> memref<40x256xf32, #tpu.memory_space<hbm>>
      tpu.enqueue_dma source(%arg9 : memref<40x256xf32, #tpu.memory_space<vmem>>) target(%dma_start3A_86 : memref<40x256xf32, #tpu.memory_space<hbm>>) target_semaphore(%arg17 : memref<!tpu.dma_semaphore, #tpu.memory_space<semaphore_mem>>)
      %dma_start3A_87 = arith.constant 0 : i32
      %dma_start3A_88 = tpu.memref_slice %arg6[%add3A_38, %dma_start3A_87] : memref<320000x256xf32, #tpu.memory_space<hbm>> -> memref<40x256xf32, #tpu.memory_space<hbm>>
      %dma_start3A_89 = arith.constant 0 : i32
      %dma_start3A_90 = tpu.memref_slice %arg6[%add3A_38, %dma_start3A_89] : memref<320000x256xf32, #tpu.memory_space<hbm>> -> memref<40x256xf32, #tpu.memory_space<hbm>>
      tpu.enqueue_dma source(%arg10 : memref<40x256xf32, #tpu.memory_space<vmem>>) target(%dma_start3A_90 : memref<40x256xf32, #tpu.memory_space<hbm>>) target_semaphore(%arg18 : memref<!tpu.dma_semaphore, #tpu.memory_space<semaphore_mem>>)
      %lt3A = arith.constant 124 : i32
      %lt3A_91 = arith.cmpi slt, %scan3A_33, %lt3A : i32
      %convert_element_type3A_92 = arith.extui %lt3A_91 : i1 to i32
      %cond3A_93 = arith.constant 0 : i32
      %cond3A_94 = arith.cmpi ne, %convert_element_type3A_92, %cond3A_93 : i32
      scf.if %cond3A_94 {
        %add3A_130 = arith.constant 2 : i32
        %add3A_131 = arith.addi %mul3A_35, %add3A_130 : i32
        %mul3A_132 = arith.constant 40 : i32
        %mul3A_133 = arith.muli %add3A_131, %mul3A_132 : i32
        %add3A_134 = arith.addi %mul3A_2, %mul3A_133 : i32
        %run_scoped3A_135 = arith.constant 0 : i32
        "tpu.region"() ({
          %run_scoped3A_137 = tpu.sem_alloc : memref<!tpu.dma_semaphore, #tpu.memory_space<semaphore_mem>>
          %dma_start3A_138 = arith.constant 0 : i32
          %dma_start3A_139 = tpu.memref_slice %arg7[%run_scoped3A_135, %dma_start3A_138] : memref<2x40xi32, #tpu.memory_space<vmem>> -> memref<1x40xi32, #tpu.memory_space<vmem>>
          %dma_start3A_140 = tpu.memref_squeeze %dma_start3A_139 : memref<1x40xi32, #tpu.memory_space<vmem>> -> memref<40xi32, #tpu.memory_space<vmem>>
          %dma_start3A_141 = tpu.memref_slice %arg3[%add3A_134] : memref<320000xi32, #tpu.memory_space<hbm>> -> memref<40xi32, #tpu.memory_space<hbm>>
          %dma_start3A_142 = arith.constant 0 : i32
          %dma_start3A_143 = tpu.memref_slice %arg7[%run_scoped3A_135, %dma_start3A_142] : memref<2x40xi32, #tpu.memory_space<vmem>> -> memref<1x40xi32, #tpu.memory_space<vmem>>
          %dma_start3A_144 = tpu.memref_squeeze %dma_start3A_143 : memref<1x40xi32, #tpu.memory_space<vmem>> -> memref<40xi32, #tpu.memory_space<vmem>>
          %dma_start3A_145 = tpu.memref_slice %arg3[%add3A_134] : memref<320000xi32, #tpu.memory_space<hbm>> -> memref<40xi32, #tpu.memory_space<hbm>>
          tpu.enqueue_dma source(%dma_start3A_145 : memref<40xi32, #tpu.memory_space<hbm>>) target(%dma_start3A_144 : memref<40xi32, #tpu.memory_space<vmem>>) target_semaphore(%run_scoped3A_137 : memref<!tpu.dma_semaphore, #tpu.memory_space<semaphore_mem>>)
          %dma_wait3A_146 = arith.constant 0 : i32
          %dma_wait3A_147 = tpu.memref_slice %arg7[%run_scoped3A_135, %dma_wait3A_146] : memref<2x40xi32, #tpu.memory_space<vmem>> -> memref<1x40xi32, #tpu.memory_space<vmem>>
          %dma_wait3A_148 = tpu.memref_squeeze %dma_wait3A_147 : memref<1x40xi32, #tpu.memory_space<vmem>> -> memref<40xi32, #tpu.memory_space<vmem>>
          %dma_wait3A_149 = tpu.memref_slice %arg3[%add3A_134] : memref<320000xi32, #tpu.memory_space<hbm>> -> memref<40xi32, #tpu.memory_space<hbm>>
          %dma_wait3A_150 = arith.constant 0 : i32
          %dma_wait3A_151 = tpu.memref_slice %arg7[%run_scoped3A_135, %dma_wait3A_150] : memref<2x40xi32, #tpu.memory_space<vmem>> -> memref<1x40xi32, #tpu.memory_space<vmem>>
          %dma_wait3A_152 = tpu.memref_squeeze %dma_wait3A_151 : memref<1x40xi32, #tpu.memory_space<vmem>> -> memref<40xi32, #tpu.memory_space<vmem>>
          %dma_wait3A_153 = tpu.memref_slice %arg3[%add3A_134] : memref<320000xi32, #tpu.memory_space<hbm>> -> memref<40xi32, #tpu.memory_space<hbm>>
          tpu.wait_dma2 semaphore(%run_scoped3A_137 : memref<!tpu.dma_semaphore, #tpu.memory_space<semaphore_mem>>) src(%dma_wait3A_153 : memref<40xi32, #tpu.memory_space<hbm>>) dst(%dma_wait3A_152 : memref<40xi32, #tpu.memory_space<vmem>>)
          tpu.yield
        }) : () -> ()
        %run_scoped3A_136 = arith.constant 0 : i32
        "tpu.region"() ({
          %run_scoped3A_137 = tpu.sem_alloc : memref<!tpu.dma_semaphore, #tpu.memory_space<semaphore_mem>>
          %dma_start3A_138 = arith.constant 0 : i32
          %dma_start3A_139 = tpu.memref_slice %arg8[%run_scoped3A_136, %dma_start3A_138] : memref<2x40xi32, #tpu.memory_space<vmem>> -> memref<1x40xi32, #tpu.memory_space<vmem>>
          %dma_start3A_140 = tpu.memref_squeeze %dma_start3A_139 : memref<1x40xi32, #tpu.memory_space<vmem>> -> memref<40xi32, #tpu.memory_space<vmem>>
          %dma_start3A_141 = tpu.memref_slice %arg4[%add3A_134] : memref<320000xi32, #tpu.memory_space<hbm>> -> memref<40xi32, #tpu.memory_space<hbm>>
          %dma_start3A_142 = arith.constant 0 : i32
          %dma_start3A_143 = tpu.memref_slice %arg8[%run_scoped3A_136, %dma_start3A_142] : memref<2x40xi32, #tpu.memory_space<vmem>> -> memref<1x40xi32, #tpu.memory_space<vmem>>
          %dma_start3A_144 = tpu.memref_squeeze %dma_start3A_143 : memref<1x40xi32, #tpu.memory_space<vmem>> -> memref<40xi32, #tpu.memory_space<vmem>>
          %dma_start3A_145 = tpu.memref_slice %arg4[%add3A_134] : memref<320000xi32, #tpu.memory_space<hbm>> -> memref<40xi32, #tpu.memory_space<hbm>>
          tpu.enqueue_dma source(%dma_start3A_145 : memref<40xi32, #tpu.memory_space<hbm>>) target(%dma_start3A_144 : memref<40xi32, #tpu.memory_space<vmem>>) target_semaphore(%run_scoped3A_137 : memref<!tpu.dma_semaphore, #tpu.memory_space<semaphore_mem>>)
          %dma_wait3A_146 = arith.constant 0 : i32
          %dma_wait3A_147 = tpu.memref_slice %arg8[%run_scoped3A_136, %dma_wait3A_146] : memref<2x40xi32, #tpu.memory_space<vmem>> -> memref<1x40xi32, #tpu.memory_space<vmem>>
          %dma_wait3A_148 = tpu.memref_squeeze %dma_wait3A_147 : memref<1x40xi32, #tpu.memory_space<vmem>> -> memref<40xi32, #tpu.memory_space<vmem>>
          %dma_wait3A_149 = tpu.memref_slice %arg4[%add3A_134] : memref<320000xi32, #tpu.memory_space<hbm>> -> memref<40xi32, #tpu.memory_space<hbm>>
          %dma_wait3A_150 = arith.constant 0 : i32
          %dma_wait3A_151 = tpu.memref_slice %arg8[%run_scoped3A_136, %dma_wait3A_150] : memref<2x40xi32, #tpu.memory_space<vmem>> -> memref<1x40xi32, #tpu.memory_space<vmem>>
          %dma_wait3A_152 = tpu.memref_squeeze %dma_wait3A_151 : memref<1x40xi32, #tpu.memory_space<vmem>> -> memref<40xi32, #tpu.memory_space<vmem>>
          %dma_wait3A_153 = tpu.memref_slice %arg4[%add3A_134] : memref<320000xi32, #tpu.memory_space<hbm>> -> memref<40xi32, #tpu.memory_space<hbm>>
          tpu.wait_dma2 semaphore(%run_scoped3A_137 : memref<!tpu.dma_semaphore, #tpu.memory_space<semaphore_mem>>) src(%dma_wait3A_153 : memref<40xi32, #tpu.memory_space<hbm>>) dst(%dma_wait3A_152 : memref<40xi32, #tpu.memory_space<vmem>>)
          tpu.yield
        }) : () -> ()
      } else {
      }
      %dma_wait3A_95 = arith.constant 0 : i32
      %dma_wait3A_96 = tpu.memref_slice %arg5[%add3A_38, %dma_wait3A_95] : memref<320000x256xf32, #tpu.memory_space<hbm>> -> memref<40x256xf32, #tpu.memory_space<hbm>>
      %dma_wait3A_97 = arith.constant 0 : i32
      %dma_wait3A_98 = tpu.memref_slice %arg5[%add3A_38, %dma_wait3A_97] : memref<320000x256xf32, #tpu.memory_space<hbm>> -> memref<40x256xf32, #tpu.memory_space<hbm>>
      tpu.wait_dma2 semaphore(%arg17 : memref<!tpu.dma_semaphore, #tpu.memory_space<semaphore_mem>>) src(%arg9 : memref<40x256xf32, #tpu.memory_space<vmem>>) dst(%dma_wait3A_98 : memref<40x256xf32, #tpu.memory_space<hbm>>)
      %dma_wait3A_99 = arith.constant 0 : i32
      %dma_wait3A_100 = tpu.memref_slice %arg6[%add3A_38, %dma_wait3A_99] : memref<320000x256xf32, #tpu.memory_space<hbm>> -> memref<40x256xf32, #tpu.memory_space<hbm>>
      %dma_wait3A_101 = arith.constant 0 : i32
      %dma_wait3A_102 = tpu.memref_slice %arg6[%add3A_38, %dma_wait3A_101] : memref<320000x256xf32, #tpu.memory_space<hbm>> -> memref<40x256xf32, #tpu.memory_space<hbm>>
      tpu.wait_dma2 semaphore(%arg18 : memref<!tpu.dma_semaphore, #tpu.memory_space<semaphore_mem>>) src(%arg10 : memref<40x256xf32, #tpu.memory_space<vmem>>) dst(%dma_wait3A_102 : memref<40x256xf32, #tpu.memory_space<hbm>>)
      %dma_wait3A_103 = arith.constant 1 : i32
      %dma_wait3A_104 = arith.constant 0 : i32
      %dma_wait3A_105 = tpu.memref_slice %arg7[%dma_wait3A_103, %dma_wait3A_104] : memref<2x40xi32, #tpu.memory_space<vmem>> -> memref<1x40xi32, #tpu.memory_space<vmem>>
      %dma_wait3A_106 = tpu.memref_squeeze %dma_wait3A_105 : memref<1x40xi32, #tpu.memory_space<vmem>> -> memref<40xi32, #tpu.memory_space<vmem>>
      %dma_wait3A_107 = arith.constant 0 : i32
      %dma_wait3A_108 = arith.constant 0 : i32
      %dma_wait3A_109 = tpu.memref_slice %arg2[%dma_wait3A_107, %dma_wait3A_108] : memref<10240x256xf32, #tpu.memory_space<hbm>> -> memref<10240x256xf32, #tpu.memory_space<hbm>>
      tpu.wait_indirect_dma semaphore(%arg15 : memref<!tpu.dma_semaphore, #tpu.memory_space<semaphore_mem>>) src(%dma_wait3A_109 : memref<10240x256xf32, #tpu.memory_space<hbm>>) dst(%arg11 : memref<40x256xf32, #tpu.memory_space<vmem>>)
      %dma_wait3A_110 = arith.constant 1 : i32
      %dma_wait3A_111 = arith.constant 0 : i32
      %dma_wait3A_112 = tpu.memref_slice %arg8[%dma_wait3A_110, %dma_wait3A_111] : memref<2x40xi32, #tpu.memory_space<vmem>> -> memref<1x40xi32, #tpu.memory_space<vmem>>
      %dma_wait3A_113 = tpu.memref_squeeze %dma_wait3A_112 : memref<1x40xi32, #tpu.memory_space<vmem>> -> memref<40xi32, #tpu.memory_space<vmem>>
      %dma_wait3A_114 = arith.constant 0 : i32
      %dma_wait3A_115 = arith.constant 0 : i32
      %dma_wait3A_116 = tpu.memref_slice %arg2[%dma_wait3A_114, %dma_wait3A_115] : memref<10240x256xf32, #tpu.memory_space<hbm>> -> memref<10240x256xf32, #tpu.memory_space<hbm>>
      tpu.wait_indirect_dma semaphore(%arg16 : memref<!tpu.dma_semaphore, #tpu.memory_space<semaphore_mem>>) src(%dma_wait3A_116 : memref<10240x256xf32, #tpu.memory_space<hbm>>) dst(%arg12 : memref<40x256xf32, #tpu.memory_space<vmem>>)
      %lt3A_117 = arith.constant 124 : i32
      %lt3A_118 = arith.cmpi slt, %scan3A_33, %lt3A_117 : i32
      %convert_element_type3A_119 = arith.extui %lt3A_118 : i1 to i32
      %cond3A_120 = arith.constant 0 : i32
      %cond3A_121 = arith.cmpi ne, %convert_element_type3A_119, %cond3A_120 : i32
      scf.if %cond3A_121 {
        %add3A_130 = arith.constant 2 : i32
        %add3A_131 = arith.addi %mul3A_35, %add3A_130 : i32
        %dma_start3A_132 = arith.constant 0 : i32
        %dma_start3A_133 = arith.constant 0 : i32
        %dma_start3A_134 = tpu.memref_slice %arg7[%dma_start3A_132, %dma_start3A_133] : memref<2x40xi32, #tpu.memory_space<vmem>> -> memref<1x40xi32, #tpu.memory_space<vmem>>
        %dma_start3A_135 = tpu.memref_squeeze %dma_start3A_134 : memref<1x40xi32, #tpu.memory_space<vmem>> -> memref<40xi32, #tpu.memory_space<vmem>>
        %dma_start3A_136 = arith.constant 0 : i32
        %dma_start3A_137 = arith.constant 0 : i32
        %dma_start3A_138 = tpu.memref_slice %arg2[%dma_start3A_136, %dma_start3A_137] : memref<10240x256xf32, #tpu.memory_space<hbm>> -> memref<10240x256xf32, #tpu.memory_space<hbm>>
        tpu.enqueue_indirect_dma source(%dma_start3A_138 : memref<10240x256xf32, #tpu.memory_space<hbm>>) target(%arg9 : memref<40x256xf32, #tpu.memory_space<vmem>>) offsets(%dma_start3A_135 : memref<40xi32, #tpu.memory_space<vmem>>) semaphore(%arg13 : memref<!tpu.dma_semaphore, #tpu.memory_space<semaphore_mem>>)
        %dma_start3A_139 = arith.constant 0 : i32
        %dma_start3A_140 = arith.constant 0 : i32
        %dma_start3A_141 = tpu.memref_slice %arg8[%dma_start3A_139, %dma_start3A_140] : memref<2x40xi32, #tpu.memory_space<vmem>> -> memref<1x40xi32, #tpu.memory_space<vmem>>
        %dma_start3A_142 = tpu.memref_squeeze %dma_start3A_141 : memref<1x40xi32, #tpu.memory_space<vmem>> -> memref<40xi32, #tpu.memory_space<vmem>>
        %dma_start3A_143 = arith.constant 0 : i32
        %dma_start3A_144 = arith.constant 0 : i32
        %dma_start3A_145 = tpu.memref_slice %arg2[%dma_start3A_143, %dma_start3A_144] : memref<10240x256xf32, #tpu.memory_space<hbm>> -> memref<10240x256xf32, #tpu.memory_space<hbm>>
        tpu.enqueue_indirect_dma source(%dma_start3A_145 : memref<10240x256xf32, #tpu.memory_space<hbm>>) target(%arg10 : memref<40x256xf32, #tpu.memory_space<vmem>>) offsets(%dma_start3A_142 : memref<40xi32, #tpu.memory_space<vmem>>) semaphore(%arg14 : memref<!tpu.dma_semaphore, #tpu.memory_space<semaphore_mem>>)
      } else {
      }
      %dma_start3A_122 = arith.constant 0 : i32
      %dma_start3A_123 = tpu.memref_slice %arg5[%add3A_43, %dma_start3A_122] : memref<320000x256xf32, #tpu.memory_space<hbm>> -> memref<40x256xf32, #tpu.memory_space<hbm>>
      %dma_start3A_124 = arith.constant 0 : i32
      %dma_start3A_125 = tpu.memref_slice %arg5[%add3A_43, %dma_start3A_124] : memref<320000x256xf32, #tpu.memory_space<hbm>> -> memref<40x256xf32, #tpu.memory_space<hbm>>
      tpu.enqueue_dma source(%arg11 : memref<40x256xf32, #tpu.memory_space<vmem>>) target(%dma_start3A_125 : memref<40x256xf32, #tpu.memory_space<hbm>>) target_semaphore(%arg19 : memref<!tpu.dma_semaphore, #tpu.memory_space<semaphore_mem>>)
      %dma_start3A_126 = arith.constant 0 : i32
      %dma_start3A_127 = tpu.memref_slice %arg6[%add3A_43, %dma_start3A_126] : memref<320000x256xf32, #tpu.memory_space<hbm>> -> memref<40x256xf32, #tpu.memory_space<hbm>>
      %dma_start3A_128 = arith.constant 0 : i32
      %dma_start3A_129 = tpu.memref_slice %arg6[%add3A_43, %dma_start3A_128] : memref<320000x256xf32, #tpu.memory_space<hbm>> -> memref<40x256xf32, #tpu.memory_space<hbm>>
      tpu.enqueue_dma source(%arg12 : memref<40x256xf32, #tpu.memory_space<vmem>>) target(%dma_start3A_129 : memref<40x256xf32, #tpu.memory_space<hbm>>) target_semaphore(%arg20 : memref<!tpu.dma_semaphore, #tpu.memory_space<semaphore_mem>>)
    }
    %scan3A_23 = arith.constant 125 : i32
    %add3A_24 = arith.constant 9960 : i32
    %add3A_25 = arith.addi %mul3A_2, %add3A_24 : i32
    %dma_wait3A = arith.constant 0 : i32
    %dma_wait3A_26 = tpu.memref_slice %arg5[%add3A_25, %dma_wait3A] : memref<320000x256xf32, #tpu.memory_space<hbm>> -> memref<40x256xf32, #tpu.memory_space<hbm>>
    %dma_wait3A_27 = arith.constant 0 : i32
    %dma_wait3A_28 = tpu.memref_slice %arg5[%add3A_25, %dma_wait3A_27] : memref<320000x256xf32, #tpu.memory_space<hbm>> -> memref<40x256xf32, #tpu.memory_space<hbm>>
    tpu.wait_dma2 semaphore(%arg19 : memref<!tpu.dma_semaphore, #tpu.memory_space<semaphore_mem>>) src(%arg11 : memref<40x256xf32, #tpu.memory_space<vmem>>) dst(%dma_wait3A_28 : memref<40x256xf32, #tpu.memory_space<hbm>>)
    %dma_wait3A_29 = arith.constant 0 : i32
    %dma_wait3A_30 = tpu.memref_slice %arg6[%add3A_25, %dma_wait3A_29] : memref<320000x256xf32, #tpu.memory_space<hbm>> -> memref<40x256xf32, #tpu.memory_space<hbm>>
    %dma_wait3A_31 = arith.constant 0 : i32
    %dma_wait3A_32 = tpu.memref_slice %arg6[%add3A_25, %dma_wait3A_31] : memref<320000x256xf32, #tpu.memory_space<hbm>> -> memref<40x256xf32, #tpu.memory_space<hbm>>
    tpu.wait_dma2 semaphore(%arg20 : memref<!tpu.dma_semaphore, #tpu.memory_space<semaphore_mem>>) src(%arg12 : memref<40x256xf32, #tpu.memory_space<vmem>>) dst(%dma_wait3A_32 : memref<40x256xf32, #tpu.memory_space<hbm>>)
    return
  }
}

#map = affine_map<(d0, d1) -> (0, 0)>
#map1 = affine_map<(d0, d1) -> (0)>
module attributes {stable_mosaic.version = 14 : i64} {
  func.func @k(%arg0: i32, %arg1: i32, %arg2: memref<320000x128xf32, #tpu.memory_space<hbm>>, %arg3: memref<320000xi32, #tpu.memory_space<hbm>>, %arg4: memref<10240x128xf32, #tpu.memory_space<hbm>>, %arg5: memref<10240x128xf32, #tpu.memory_space<hbm>>, %arg6: memref<2x80xi32, #tpu.memory_space<vmem>>, %arg7: memref<80x128xf32, #tpu.memory_space<vmem>>, %arg8: memref<80x128xf32, #tpu.memory_space<vmem>>, %arg9: memref<328x128xf32, #tpu.memory_space<vmem>>, %arg10: memref<5248x128xf32, #tpu.memory_space<vmem_shared>>, %arg11: memref<!tpu.dma_semaphore, #tpu.memory_space<semaphore_mem>>, %arg12: memref<!tpu.dma_semaphore, #tpu.memory_space<semaphore_mem>>) attributes {dimension_semantics = [#tpu.dimension_semantics<core_parallel>, #tpu.dimension_semantics<subcore_parallel>], iteration_bounds = array<i64: 2, 16>, scalar_prefetch = 0 : i64, scratch_operands = 7 : i64, tpu.core_type = #tpu.core_type<sc_vector_subcore>, window_params = [{transform_indices = #map}, {transform_indices = #map1}, {transform_indices = #map}, {transform_indices = #map}]} {
    %mul3A = arith.constant 20000 : i32
    %mul3A_0 = arith.muli %arg1, %mul3A : i32
    %mul3A_1 = arith.constant 5120 : i32
    %mul3A_2 = arith.muli %arg0, %mul3A_1 : i32
    %scan3A = arith.constant 0 : i32
    %scan3A_3 = arith.constant 0 : i32
    %scan3A_4 = arith.constant 328 : i32
    %scan3A_5 = arith.addi %scan3A_3, %scan3A_4 : i32
    %scan3A_6 = arith.constant 1 : i32
    scf.for %scan3A_302 = %scan3A_3 to %scan3A_5 step %scan3A_6  : i32 {
      %scan3A_303 = arith.constant 0 : i32
      %scan3A_304 = arith.constant 8 : i32
      %scan3A_305 = arith.addi %scan3A_303, %scan3A_304 : i32
      %scan3A_306 = arith.constant 1 : i32
      scf.for %scan3A_308 = %scan3A_303 to %scan3A_305 step %scan3A_306  : i32 {
        %broadcast_in_dim3A_309 = arith.constant 0.000000e+00 : f32
        %broadcast_in_dim3A_310 = vector.broadcast %broadcast_in_dim3A_309 : f32 to vector<16xf32>
        %mul3A_311 = arith.constant 16 : i32
        %mul3A_312 = arith.muli %scan3A_308, %mul3A_311 : i32
        %swap3A_313 = arith.index_cast %scan3A_302 : i32 to index
        %swap3A_314 = arith.index_cast %mul3A_312 : i32 to index
        %swap3A_315 = tpu.vector_load %arg9[%swap3A_313, %swap3A_314] {strides = array<i32>} : memref<328x128xf32, #tpu.memory_space<vmem>>, vector<1x16xf32>,
        %swap3A_316 = vector.shape_cast %swap3A_315 : vector<1x16xf32> to vector<16xf32>
        %swap3A_317 = vector.shape_cast %broadcast_in_dim3A_310 : vector<16xf32> to vector<1x16xf32>
        tpu.vector_store %arg9[%swap3A_313, %swap3A_314], %swap3A_317 {strides = array<i32>} : memref<328x128xf32, #tpu.memory_space<vmem>>, vector<1x16xf32>,
      }
      %scan3A_307 = arith.constant 8 : i32
    }
    %scan3A_7 = arith.constant 328 : i32
    %mul3A_8 = arith.constant 328 : i32
    %mul3A_9 = arith.muli %arg1, %mul3A_8 : i32
    "tpu.region"() ({
      %run_scoped3A_302 = tpu.sem_alloc : memref<!tpu.dma_semaphore, #tpu.memory_space<semaphore_mem>>
      %dma_start3A = arith.constant 0 : i32
      %dma_start3A_303 = tpu.memref_slice %arg10[%mul3A_9, %dma_start3A] : memref<5248x128xf32, #tpu.memory_space<vmem_shared>> -> memref<328x128xf32, #tpu.memory_space<vmem_shared>>
      %dma_start3A_304 = arith.constant 0 : i32
      %dma_start3A_305 = tpu.memref_slice %arg10[%mul3A_9, %dma_start3A_304] : memref<5248x128xf32, #tpu.memory_space<vmem_shared>> -> memref<328x128xf32, #tpu.memory_space<vmem_shared>>
      tpu.enqueue_dma source(%arg9 : memref<328x128xf32, #tpu.memory_space<vmem>>) target(%dma_start3A_305 : memref<328x128xf32, #tpu.memory_space<vmem_shared>>) target_semaphore(%run_scoped3A_302 : memref<!tpu.dma_semaphore, #tpu.memory_space<semaphore_mem>>)
      %dma_wait3A_306 = arith.constant 0 : i32
      %dma_wait3A_307 = tpu.memref_slice %arg10[%mul3A_9, %dma_wait3A_306] : memref<5248x128xf32, #tpu.memory_space<vmem_shared>> -> memref<328x128xf32, #tpu.memory_space<vmem_shared>>
      %dma_wait3A_308 = arith.constant 0 : i32
      %dma_wait3A_309 = tpu.memref_slice %arg10[%mul3A_9, %dma_wait3A_308] : memref<5248x128xf32, #tpu.memory_space<vmem_shared>> -> memref<328x128xf32, #tpu.memory_space<vmem_shared>>
      tpu.wait_dma2 semaphore(%run_scoped3A_302 : memref<!tpu.dma_semaphore, #tpu.memory_space<semaphore_mem>>) src(%arg9 : memref<328x128xf32, #tpu.memory_space<vmem>>) dst(%dma_wait3A_309 : memref<328x128xf32, #tpu.memory_space<vmem_shared>>)
      tpu.yield
    }) : () -> ()
    %barrier3A = arith.constant 0 : index
    tpu.barrier barrier_id(%barrier3A)
    %add3A = arith.constant 0 : i32
    %add3A_10 = arith.addi %mul3A_0, %add3A : i32
    %run_scoped3A = arith.constant 0 : i32
    "tpu.region"() ({
      %run_scoped3A_302 = tpu.sem_alloc : memref<!tpu.dma_semaphore, #tpu.memory_space<semaphore_mem>>
      %dma_start3A = arith.constant 0 : i32
      %dma_start3A_303 = tpu.memref_slice %arg6[%run_scoped3A, %dma_start3A] : memref<2x80xi32, #tpu.memory_space<vmem>> -> memref<1x80xi32, #tpu.memory_space<vmem>>
      %dma_start3A_304 = tpu.memref_squeeze %dma_start3A_303 : memref<1x80xi32, #tpu.memory_space<vmem>> -> memref<80xi32, #tpu.memory_space<vmem>>
      %dma_start3A_305 = tpu.memref_slice %arg3[%add3A_10] : memref<320000xi32, #tpu.memory_space<hbm>> -> memref<80xi32, #tpu.memory_space<hbm>>
      %dma_start3A_306 = arith.constant 0 : i32
      %dma_start3A_307 = tpu.memref_slice %arg6[%run_scoped3A, %dma_start3A_306] : memref<2x80xi32, #tpu.memory_space<vmem>> -> memref<1x80xi32, #tpu.memory_space<vmem>>
      %dma_start3A_308 = tpu.memref_squeeze %dma_start3A_307 : memref<1x80xi32, #tpu.memory_space<vmem>> -> memref<80xi32, #tpu.memory_space<vmem>>
      %dma_start3A_309 = tpu.memref_slice %arg3[%add3A_10] : memref<320000xi32, #tpu.memory_space<hbm>> -> memref<80xi32, #tpu.memory_space<hbm>>
      tpu.enqueue_dma source(%dma_start3A_309 : memref<80xi32, #tpu.memory_space<hbm>>) target(%dma_start3A_308 : memref<80xi32, #tpu.memory_space<vmem>>) target_semaphore(%run_scoped3A_302 : memref<!tpu.dma_semaphore, #tpu.memory_space<semaphore_mem>>)
      %dma_wait3A_310 = arith.constant 0 : i32
      %dma_wait3A_311 = tpu.memref_slice %arg6[%run_scoped3A, %dma_wait3A_310] : memref<2x80xi32, #tpu.memory_space<vmem>> -> memref<1x80xi32, #tpu.memory_space<vmem>>
      %dma_wait3A_312 = tpu.memref_squeeze %dma_wait3A_311 : memref<1x80xi32, #tpu.memory_space<vmem>> -> memref<80xi32, #tpu.memory_space<vmem>>
      %dma_wait3A_313 = tpu.memref_slice %arg3[%add3A_10] : memref<320000xi32, #tpu.memory_space<hbm>> -> memref<80xi32, #tpu.memory_space<hbm>>
      %dma_wait3A_314 = arith.constant 0 : i32
      %dma_wait3A_315 = tpu.memref_slice %arg6[%run_scoped3A, %dma_wait3A_314] : memref<2x80xi32, #tpu.memory_space<vmem>> -> memref<1x80xi32, #tpu.memory_space<vmem>>
      %dma_wait3A_316 = tpu.memref_squeeze %dma_wait3A_315 : memref<1x80xi32, #tpu.memory_space<vmem>> -> memref<80xi32, #tpu.memory_space<vmem>>
      %dma_wait3A_317 = tpu.memref_slice %arg3[%add3A_10] : memref<320000xi32, #tpu.memory_space<hbm>> -> memref<80xi32, #tpu.memory_space<hbm>>
      tpu.wait_dma2 semaphore(%run_scoped3A_302 : memref<!tpu.dma_semaphore, #tpu.memory_space<semaphore_mem>>) src(%dma_wait3A_317 : memref<80xi32, #tpu.memory_space<hbm>>) dst(%dma_wait3A_316 : memref<80xi32, #tpu.memory_space<vmem>>)
      tpu.yield
    }) : () -> ()
    "tpu.region"() ({
      %run_scoped3A_302 = tpu.sem_alloc : memref<!tpu.dma_semaphore, #tpu.memory_space<semaphore_mem>>
      %dma_start3A = arith.constant 0 : i32
      %dma_start3A_303 = tpu.memref_slice %arg2[%add3A_10, %dma_start3A] : memref<320000x128xf32, #tpu.memory_space<hbm>> -> memref<80x128xf32, #tpu.memory_space<hbm>>
      %dma_start3A_304 = arith.constant 0 : i32
      %dma_start3A_305 = tpu.memref_slice %arg2[%add3A_10, %dma_start3A_304] : memref<320000x128xf32, #tpu.memory_space<hbm>> -> memref<80x128xf32, #tpu.memory_space<hbm>>
      tpu.enqueue_dma source(%dma_start3A_305 : memref<80x128xf32, #tpu.memory_space<hbm>>) target(%arg7 : memref<80x128xf32, #tpu.memory_space<vmem>>) target_semaphore(%run_scoped3A_302 : memref<!tpu.dma_semaphore, #tpu.memory_space<semaphore_mem>>)
      %dma_wait3A_306 = arith.constant 0 : i32
      %dma_wait3A_307 = tpu.memref_slice %arg2[%add3A_10, %dma_wait3A_306] : memref<320000x128xf32, #tpu.memory_space<hbm>> -> memref<80x128xf32, #tpu.memory_space<hbm>>
      %dma_wait3A_308 = arith.constant 0 : i32
      %dma_wait3A_309 = tpu.memref_slice %arg2[%add3A_10, %dma_wait3A_308] : memref<320000x128xf32, #tpu.memory_space<hbm>> -> memref<80x128xf32, #tpu.memory_space<hbm>>
      tpu.wait_dma2 semaphore(%run_scoped3A_302 : memref<!tpu.dma_semaphore, #tpu.memory_space<semaphore_mem>>) src(%dma_wait3A_309 : memref<80x128xf32, #tpu.memory_space<hbm>>) dst(%arg7 : memref<80x128xf32, #tpu.memory_space<vmem>>)
      tpu.yield
    }) : () -> ()
    %get3A = arith.constant 0 : i32
    %get3A_11 = arith.index_cast %get3A : i32 to index
    %get3A_12 = arith.constant 0 : index
    %get3A_13 = tpu.vector_load %arg6[%get3A_11, %get3A_12] {strides = array<i32>} : memref<2x80xi32, #tpu.memory_space<vmem>>, vector<1x16xi32>,
    %get3A_14 = vector.shape_cast %get3A_13 : vector<1x16xi32> to vector<16xi32>
    %sub3A = vector.broadcast %mul3A_2 : i32 to vector<16xi32>
    %sub3A_15 = arith.subi %get3A_14, %sub3A : vector<16xi32>
    %lt3A = arith.constant 0 : i32
    %lt3A_16 = vector.broadcast %lt3A : i32 to vector<16xi32>
    %lt3A_17 = arith.cmpi slt, %sub3A_15, %lt3A_16 : vector<16xi32>
    %ge3A = arith.constant 5120 : i32
    %ge3A_18 = vector.broadcast %ge3A : i32 to vector<16xi32>
    %ge3A_19 = arith.cmpi sge, %sub3A_15, %ge3A_18 : vector<16xi32>
    %or3A = arith.ori %lt3A_17, %ge3A_19 : vector<16xi1>
    %jit3A = arith.constant 5120 : i32
    %broadcast_in_dim3A = vector.broadcast %jit3A : i32 to vector<16xi32>
    %select_n3A = arith.select %or3A, %broadcast_in_dim3A, %sub3A_15 : vector<16xi1>, vector<16xi32>
    %swap3A = arith.constant 0 : i32
    %swap3A_20 = arith.index_cast %swap3A : i32 to index
    %swap3A_21 = arith.constant 0 : index
    %swap3A_22 = tpu.vector_load %arg6[%swap3A_20, %swap3A_21] {strides = array<i32>} : memref<2x80xi32, #tpu.memory_space<vmem>>, vector<1x16xi32>,
    %swap3A_23 = vector.shape_cast %swap3A_22 : vector<1x16xi32> to vector<16xi32>
    %swap3A_24 = vector.shape_cast %select_n3A : vector<16xi32> to vector<1x16xi32>
    tpu.vector_store %arg6[%swap3A_20, %swap3A_21], %swap3A_24 {strides = array<i32>} : memref<2x80xi32, #tpu.memory_space<vmem>>, vector<1x16xi32>,
    %get3A_25 = arith.constant 0 : i32
    %get3A_26 = arith.index_cast %get3A_25 : i32 to index
    %get3A_27 = arith.constant 16 : index
    %get3A_28 = tpu.vector_load %arg6[%get3A_26, %get3A_27] {strides = array<i32>} : memref<2x80xi32, #tpu.memory_space<vmem>>, vector<1x16xi32>,
    %get3A_29 = vector.shape_cast %get3A_28 : vector<1x16xi32> to vector<16xi32>
    %sub3A_30 = vector.broadcast %mul3A_2 : i32 to vector<16xi32>
    %sub3A_31 = arith.subi %get3A_29, %sub3A_30 : vector<16xi32>
    %lt3A_32 = arith.constant 0 : i32
    %lt3A_33 = vector.broadcast %lt3A_32 : i32 to vector<16xi32>
    %lt3A_34 = arith.cmpi slt, %sub3A_31, %lt3A_33 : vector<16xi32>
    %ge3A_35 = arith.constant 5120 : i32
    %ge3A_36 = vector.broadcast %ge3A_35 : i32 to vector<16xi32>
    %ge3A_37 = arith.cmpi sge, %sub3A_31, %ge3A_36 : vector<16xi32>
    %or3A_38 = arith.ori %lt3A_34, %ge3A_37 : vector<16xi1>
    %jit3A_39 = arith.constant 5120 : i32
    %broadcast_in_dim3A_40 = vector.broadcast %jit3A_39 : i32 to vector<16xi32>
    %select_n3A_41 = arith.select %or3A_38, %broadcast_in_dim3A_40, %sub3A_31 : vector<16xi1>, vector<16xi32>
    %swap3A_42 = arith.constant 0 : i32
    %swap3A_43 = arith.index_cast %swap3A_42 : i32 to index
    %swap3A_44 = arith.constant 16 : index
    %swap3A_45 = tpu.vector_load %arg6[%swap3A_43, %swap3A_44] {strides = array<i32>} : memref<2x80xi32, #tpu.memory_space<vmem>>, vector<1x16xi32>,
    %swap3A_46 = vector.shape_cast %swap3A_45 : vector<1x16xi32> to vector<16xi32>
    %swap3A_47 = vector.shape_cast %select_n3A_41 : vector<16xi32> to vector<1x16xi32>
    tpu.vector_store %arg6[%swap3A_43, %swap3A_44], %swap3A_47 {strides = array<i32>} : memref<2x80xi32, #tpu.memory_space<vmem>>, vector<1x16xi32>,
    %get3A_48 = arith.constant 0 : i32
    %get3A_49 = arith.index_cast %get3A_48 : i32 to index
    %get3A_50 = arith.constant 32 : index
    %get3A_51 = tpu.vector_load %arg6[%get3A_49, %get3A_50] {strides = array<i32>} : memref<2x80xi32, #tpu.memory_space<vmem>>, vector<1x16xi32>,
    %get3A_52 = vector.shape_cast %get3A_51 : vector<1x16xi32> to vector<16xi32>
    %sub3A_53 = vector.broadcast %mul3A_2 : i32 to vector<16xi32>
    %sub3A_54 = arith.subi %get3A_52, %sub3A_53 : vector<16xi32>
    %lt3A_55 = arith.constant 0 : i32
    %lt3A_56 = vector.broadcast %lt3A_55 : i32 to vector<16xi32>
    %lt3A_57 = arith.cmpi slt, %sub3A_54, %lt3A_56 : vector<16xi32>
    %ge3A_58 = arith.constant 5120 : i32
    %ge3A_59 = vector.broadcast %ge3A_58 : i32 to vector<16xi32>
    %ge3A_60 = arith.cmpi sge, %sub3A_54, %ge3A_59 : vector<16xi32>
    %or3A_61 = arith.ori %lt3A_57, %ge3A_60 : vector<16xi1>
    %jit3A_62 = arith.constant 5120 : i32
    %broadcast_in_dim3A_63 = vector.broadcast %jit3A_62 : i32 to vector<16xi32>
    %select_n3A_64 = arith.select %or3A_61, %broadcast_in_dim3A_63, %sub3A_54 : vector<16xi1>, vector<16xi32>
    %swap3A_65 = arith.constant 0 : i32
    %swap3A_66 = arith.index_cast %swap3A_65 : i32 to index
    %swap3A_67 = arith.constant 32 : index
    %swap3A_68 = tpu.vector_load %arg6[%swap3A_66, %swap3A_67] {strides = array<i32>} : memref<2x80xi32, #tpu.memory_space<vmem>>, vector<1x16xi32>,
    %swap3A_69 = vector.shape_cast %swap3A_68 : vector<1x16xi32> to vector<16xi32>
    %swap3A_70 = vector.shape_cast %select_n3A_64 : vector<16xi32> to vector<1x16xi32>
    tpu.vector_store %arg6[%swap3A_66, %swap3A_67], %swap3A_70 {strides = array<i32>} : memref<2x80xi32, #tpu.memory_space<vmem>>, vector<1x16xi32>,
    %get3A_71 = arith.constant 0 : i32
    %get3A_72 = arith.index_cast %get3A_71 : i32 to index
    %get3A_73 = arith.constant 48 : index
    %get3A_74 = tpu.vector_load %arg6[%get3A_72, %get3A_73] {strides = array<i32>} : memref<2x80xi32, #tpu.memory_space<vmem>>, vector<1x16xi32>,
    %get3A_75 = vector.shape_cast %get3A_74 : vector<1x16xi32> to vector<16xi32>
    %sub3A_76 = vector.broadcast %mul3A_2 : i32 to vector<16xi32>
    %sub3A_77 = arith.subi %get3A_75, %sub3A_76 : vector<16xi32>
    %lt3A_78 = arith.constant 0 : i32
    %lt3A_79 = vector.broadcast %lt3A_78 : i32 to vector<16xi32>
    %lt3A_80 = arith.cmpi slt, %sub3A_77, %lt3A_79 : vector<16xi32>
    %ge3A_81 = arith.constant 5120 : i32
    %ge3A_82 = vector.broadcast %ge3A_81 : i32 to vector<16xi32>
    %ge3A_83 = arith.cmpi sge, %sub3A_77, %ge3A_82 : vector<16xi32>
    %or3A_84 = arith.ori %lt3A_80, %ge3A_83 : vector<16xi1>
    %jit3A_85 = arith.constant 5120 : i32
    %broadcast_in_dim3A_86 = vector.broadcast %jit3A_85 : i32 to vector<16xi32>
    %select_n3A_87 = arith.select %or3A_84, %broadcast_in_dim3A_86, %sub3A_77 : vector<16xi1>, vector<16xi32>
    %swap3A_88 = arith.constant 0 : i32
    %swap3A_89 = arith.index_cast %swap3A_88 : i32 to index
    %swap3A_90 = arith.constant 48 : index
    %swap3A_91 = tpu.vector_load %arg6[%swap3A_89, %swap3A_90] {strides = array<i32>} : memref<2x80xi32, #tpu.memory_space<vmem>>, vector<1x16xi32>,
    %swap3A_92 = vector.shape_cast %swap3A_91 : vector<1x16xi32> to vector<16xi32>
    %swap3A_93 = vector.shape_cast %select_n3A_87 : vector<16xi32> to vector<1x16xi32>
    tpu.vector_store %arg6[%swap3A_89, %swap3A_90], %swap3A_93 {strides = array<i32>} : memref<2x80xi32, #tpu.memory_space<vmem>>, vector<1x16xi32>,
    %get3A_94 = arith.constant 0 : i32
    %get3A_95 = arith.index_cast %get3A_94 : i32 to index
    %get3A_96 = arith.constant 64 : index
    %get3A_97 = tpu.vector_load %arg6[%get3A_95, %get3A_96] {strides = array<i32>} : memref<2x80xi32, #tpu.memory_space<vmem>>, vector<1x16xi32>,
    %get3A_98 = vector.shape_cast %get3A_97 : vector<1x16xi32> to vector<16xi32>
    %sub3A_99 = vector.broadcast %mul3A_2 : i32 to vector<16xi32>
    %sub3A_100 = arith.subi %get3A_98, %sub3A_99 : vector<16xi32>
    %lt3A_101 = arith.constant 0 : i32
    %lt3A_102 = vector.broadcast %lt3A_101 : i32 to vector<16xi32>
    %lt3A_103 = arith.cmpi slt, %sub3A_100, %lt3A_102 : vector<16xi32>
    %ge3A_104 = arith.constant 5120 : i32
    %ge3A_105 = vector.broadcast %ge3A_104 : i32 to vector<16xi32>
    %ge3A_106 = arith.cmpi sge, %sub3A_100, %ge3A_105 : vector<16xi32>
    %or3A_107 = arith.ori %lt3A_103, %ge3A_106 : vector<16xi1>
    %jit3A_108 = arith.constant 5120 : i32
    %broadcast_in_dim3A_109 = vector.broadcast %jit3A_108 : i32 to vector<16xi32>
    %select_n3A_110 = arith.select %or3A_107, %broadcast_in_dim3A_109, %sub3A_100 : vector<16xi1>, vector<16xi32>
    %swap3A_111 = arith.constant 0 : i32
    %swap3A_112 = arith.index_cast %swap3A_111 : i32 to index
    %swap3A_113 = arith.constant 64 : index
    %swap3A_114 = tpu.vector_load %arg6[%swap3A_112, %swap3A_113] {strides = array<i32>} : memref<2x80xi32, #tpu.memory_space<vmem>>, vector<1x16xi32>,
    %swap3A_115 = vector.shape_cast %swap3A_114 : vector<1x16xi32> to vector<16xi32>
    %swap3A_116 = vector.shape_cast %select_n3A_110 : vector<16xi32> to vector<1x16xi32>
    tpu.vector_store %arg6[%swap3A_112, %swap3A_113], %swap3A_116 {strides = array<i32>} : memref<2x80xi32, #tpu.memory_space<vmem>>, vector<1x16xi32>,
    %scan3A_117 = arith.constant 0 : i32
    %scan3A_118 = arith.constant 0 : i32
    %scan3A_119 = arith.constant 125 : i32
    %scan3A_120 = arith.addi %scan3A_118, %scan3A_119 : i32
    %scan3A_121 = arith.constant 1 : i32
    scf.for %scan3A_302 = %scan3A_118 to %scan3A_120 step %scan3A_121  : i32 {
      %mul3A_303 = arith.constant 2 : i32
      %mul3A_304 = arith.muli %mul3A_303, %scan3A_302 : i32
      %dma_start3A = arith.constant 0 : i32
      %dma_start3A_305 = arith.constant 0 : i32
      %dma_start3A_306 = tpu.memref_slice %arg6[%dma_start3A, %dma_start3A_305] : memref<2x80xi32, #tpu.memory_space<vmem>> -> memref<1x80xi32, #tpu.memory_space<vmem>>
      %dma_start3A_307 = tpu.memref_squeeze %dma_start3A_306 : memref<1x80xi32, #tpu.memory_space<vmem>> -> memref<80xi32, #tpu.memory_space<vmem>>
      %dma_start3A_308 = arith.constant 0 : i32
      %dma_start3A_309 = arith.constant 0 : i32
      %dma_start3A_310 = tpu.memref_slice %arg10[%dma_start3A_308, %dma_start3A_309] : memref<5248x128xf32, #tpu.memory_space<vmem_shared>> -> memref<5248x128xf32, #tpu.memory_space<vmem_shared>>
      tpu.enqueue_indirect_dma source(%arg7 : memref<80x128xf32, #tpu.memory_space<vmem>>) target(%dma_start3A_310 : memref<5248x128xf32, #tpu.memory_space<vmem_shared>>) offsets(%dma_start3A_307 : memref<80xi32, #tpu.memory_space<vmem>>) semaphore(%arg11 : memref<!tpu.dma_semaphore, #tpu.memory_space<semaphore_mem>>) {add = true}
      %gt3A = arith.constant 0 : i32
      %gt3A_311 = arith.cmpi sgt, %scan3A_302, %gt3A : i32
      %convert_element_type3A = arith.extui %gt3A_311 : i1 to i32
      %cond3A = arith.constant 0 : i32
      %cond3A_312 = arith.cmpi ne, %convert_element_type3A, %cond3A : i32
      scf.if %cond3A_312 {
        %dma_wait3A_446 = arith.constant 1 : i32
        %dma_wait3A_447 = arith.constant 0 : i32
        %dma_wait3A_448 = tpu.memref_slice %arg6[%dma_wait3A_446, %dma_wait3A_447] : memref<2x80xi32, #tpu.memory_space<vmem>> -> memref<1x80xi32, #tpu.memory_space<vmem>>
        %dma_wait3A_449 = tpu.memref_squeeze %dma_wait3A_448 : memref<1x80xi32, #tpu.memory_space<vmem>> -> memref<80xi32, #tpu.memory_space<vmem>>
        %dma_wait3A_450 = arith.constant 0 : i32
        %dma_wait3A_451 = arith.constant 0 : i32
        %dma_wait3A_452 = tpu.memref_slice %arg10[%dma_wait3A_450, %dma_wait3A_451] : memref<5248x128xf32, #tpu.memory_space<vmem_shared>> -> memref<5248x128xf32, #tpu.memory_space<vmem_shared>>
        tpu.wait_indirect_dma semaphore(%arg12 : memref<!tpu.dma_semaphore, #tpu.memory_space<semaphore_mem>>) src(%arg8 : memref<80x128xf32, #tpu.memory_space<vmem>>) dst(%dma_wait3A_452 : memref<5248x128xf32, #tpu.memory_space<vmem_shared>>)
      } else {
      }
      %add3A_313 = arith.constant 1 : i32
      %add3A_314 = arith.addi %mul3A_304, %add3A_313 : i32
      %mul3A_315 = arith.constant 80 : i32
      %mul3A_316 = arith.muli %add3A_314, %mul3A_315 : i32
      %add3A_317 = arith.addi %mul3A_0, %mul3A_316 : i32
      %run_scoped3A_318 = arith.constant 1 : i32
      "tpu.region"() ({
        %run_scoped3A_446 = tpu.sem_alloc : memref<!tpu.dma_semaphore, #tpu.memory_space<semaphore_mem>>
        %dma_start3A_447 = arith.constant 0 : i32
        %dma_start3A_448 = tpu.memref_slice %arg6[%run_scoped3A_318, %dma_start3A_447] : memref<2x80xi32, #tpu.memory_space<vmem>> -> memref<1x80xi32, #tpu.memory_space<vmem>>
        %dma_start3A_449 = tpu.memref_squeeze %dma_start3A_448 : memref<1x80xi32, #tpu.memory_space<vmem>> -> memref<80xi32, #tpu.memory_space<vmem>>
        %dma_start3A_450 = tpu.memref_slice %arg3[%add3A_317] : memref<320000xi32, #tpu.memory_space<hbm>> -> memref<80xi32, #tpu.memory_space<hbm>>
        %dma_start3A_451 = arith.constant 0 : i32
        %dma_start3A_452 = tpu.memref_slice %arg6[%run_scoped3A_318, %dma_start3A_451] : memref<2x80xi32, #tpu.memory_space<vmem>> -> memref<1x80xi32, #tpu.memory_space<vmem>>
        %dma_start3A_453 = tpu.memref_squeeze %dma_start3A_452 : memref<1x80xi32, #tpu.memory_space<vmem>> -> memref<80xi32, #tpu.memory_space<vmem>>
        %dma_start3A_454 = tpu.memref_slice %arg3[%add3A_317] : memref<320000xi32, #tpu.memory_space<hbm>> -> memref<80xi32, #tpu.memory_space<hbm>>
        tpu.enqueue_dma source(%dma_start3A_454 : memref<80xi32, #tpu.memory_space<hbm>>) target(%dma_start3A_453 : memref<80xi32, #tpu.memory_space<vmem>>) target_semaphore(%run_scoped3A_446 : memref<!tpu.dma_semaphore, #tpu.memory_space<semaphore_mem>>)
        %dma_wait3A_455 = arith.constant 0 : i32
        %dma_wait3A_456 = tpu.memref_slice %arg6[%run_scoped3A_318, %dma_wait3A_455] : memref<2x80xi32, #tpu.memory_space<vmem>> -> memref<1x80xi32, #tpu.memory_space<vmem>>
        %dma_wait3A_457 = tpu.memref_squeeze %dma_wait3A_456 : memref<1x80xi32, #tpu.memory_space<vmem>> -> memref<80xi32, #tpu.memory_space<vmem>>
        %dma_wait3A_458 = tpu.memref_slice %arg3[%add3A_317] : memref<320000xi32, #tpu.memory_space<hbm>> -> memref<80xi32, #tpu.memory_space<hbm>>
        %dma_wait3A_459 = arith.constant 0 : i32
        %dma_wait3A_460 = tpu.memref_slice %arg6[%run_scoped3A_318, %dma_wait3A_459] : memref<2x80xi32, #tpu.memory_space<vmem>> -> memref<1x80xi32, #tpu.memory_space<vmem>>
        %dma_wait3A_461 = tpu.memref_squeeze %dma_wait3A_460 : memref<1x80xi32, #tpu.memory_space<vmem>> -> memref<80xi32, #tpu.memory_space<vmem>>
        %dma_wait3A_462 = tpu.memref_slice %arg3[%add3A_317] : memref<320000xi32, #tpu.memory_space<hbm>> -> memref<80xi32, #tpu.memory_space<hbm>>
        tpu.wait_dma2 semaphore(%run_scoped3A_446 : memref<!tpu.dma_semaphore, #tpu.memory_space<semaphore_mem>>) src(%dma_wait3A_462 : memref<80xi32, #tpu.memory_space<hbm>>) dst(%dma_wait3A_461 : memref<80xi32, #tpu.memory_space<vmem>>)
        tpu.yield
      }) : () -> ()
      "tpu.region"() ({
        %run_scoped3A_446 = tpu.sem_alloc : memref<!tpu.dma_semaphore, #tpu.memory_space<semaphore_mem>>
        %dma_start3A_447 = arith.constant 0 : i32
        %dma_start3A_448 = tpu.memref_slice %arg2[%add3A_317, %dma_start3A_447] : memref<320000x128xf32, #tpu.memory_space<hbm>> -> memref<80x128xf32, #tpu.memory_space<hbm>>
        %dma_start3A_449 = arith.constant 0 : i32
        %dma_start3A_450 = tpu.memref_slice %arg2[%add3A_317, %dma_start3A_449] : memref<320000x128xf32, #tpu.memory_space<hbm>> -> memref<80x128xf32, #tpu.memory_space<hbm>>
        tpu.enqueue_dma source(%dma_start3A_450 : memref<80x128xf32, #tpu.memory_space<hbm>>) target(%arg8 : memref<80x128xf32, #tpu.memory_space<vmem>>) target_semaphore(%run_scoped3A_446 : memref<!tpu.dma_semaphore, #tpu.memory_space<semaphore_mem>>)
        %dma_wait3A_451 = arith.constant 0 : i32
        %dma_wait3A_452 = tpu.memref_slice %arg2[%add3A_317, %dma_wait3A_451] : memref<320000x128xf32, #tpu.memory_space<hbm>> -> memref<80x128xf32, #tpu.memory_space<hbm>>
        %dma_wait3A_453 = arith.constant 0 : i32
        %dma_wait3A_454 = tpu.memref_slice %arg2[%add3A_317, %dma_wait3A_453] : memref<320000x128xf32, #tpu.memory_space<hbm>> -> memref<80x128xf32, #tpu.memory_space<hbm>>
        tpu.wait_dma2 semaphore(%run_scoped3A_446 : memref<!tpu.dma_semaphore, #tpu.memory_space<semaphore_mem>>) src(%dma_wait3A_454 : memref<80x128xf32, #tpu.memory_space<hbm>>) dst(%arg8 : memref<80x128xf32, #tpu.memory_space<vmem>>)
        tpu.yield
      }) : () -> ()
      %get3A_319 = arith.constant 1 : i32
      %get3A_320 = arith.index_cast %get3A_319 : i32 to index
      %get3A_321 = arith.constant 0 : index
      %get3A_322 = tpu.vector_load %arg6[%get3A_320, %get3A_321] {strides = array<i32>} : memref<2x80xi32, #tpu.memory_space<vmem>>, vector<1x16xi32>,
      %get3A_323 = vector.shape_cast %get3A_322 : vector<1x16xi32> to vector<16xi32>
      %sub3A_324 = vector.broadcast %mul3A_2 : i32 to vector<16xi32>
      %sub3A_325 = arith.subi %get3A_323, %sub3A_324 : vector<16xi32>
      %lt3A_326 = arith.constant 0 : i32
      %lt3A_327 = vector.broadcast %lt3A_326 : i32 to vector<16xi32>
      %lt3A_328 = arith.cmpi slt, %sub3A_325, %lt3A_327 : vector<16xi32>
      %ge3A_329 = arith.constant 5120 : i32
      %ge3A_330 = vector.broadcast %ge3A_329 : i32 to vector<16xi32>
      %ge3A_331 = arith.cmpi sge, %sub3A_325, %ge3A_330 : vector<16xi32>
      %or3A_332 = arith.ori %lt3A_328, %ge3A_331 : vector<16xi1>
      %jit3A_333 = arith.constant 5120 : i32
      %broadcast_in_dim3A_334 = vector.broadcast %jit3A_333 : i32 to vector<16xi32>
      %select_n3A_335 = arith.select %or3A_332, %broadcast_in_dim3A_334, %sub3A_325 : vector<16xi1>, vector<16xi32>
      %swap3A_336 = arith.constant 1 : i32
      %swap3A_337 = arith.index_cast %swap3A_336 : i32 to index
      %swap3A_338 = arith.constant 0 : index
      %swap3A_339 = tpu.vector_load %arg6[%swap3A_337, %swap3A_338] {strides = array<i32>} : memref<2x80xi32, #tpu.memory_space<vmem>>, vector<1x16xi32>,
      %swap3A_340 = vector.shape_cast %swap3A_339 : vector<1x16xi32> to vector<16xi32>
      %swap3A_341 = vector.shape_cast %select_n3A_335 : vector<16xi32> to vector<1x16xi32>
      tpu.vector_store %arg6[%swap3A_337, %swap3A_338], %swap3A_341 {strides = array<i32>} : memref<2x80xi32, #tpu.memory_space<vmem>>, vector<1x16xi32>,
      %get3A_342 = arith.constant 1 : i32
      %get3A_343 = arith.index_cast %get3A_342 : i32 to index
      %get3A_344 = arith.constant 16 : index
      %get3A_345 = tpu.vector_load %arg6[%get3A_343, %get3A_344] {strides = array<i32>} : memref<2x80xi32, #tpu.memory_space<vmem>>, vector<1x16xi32>,
      %get3A_346 = vector.shape_cast %get3A_345 : vector<1x16xi32> to vector<16xi32>
      %sub3A_347 = vector.broadcast %mul3A_2 : i32 to vector<16xi32>
      %sub3A_348 = arith.subi %get3A_346, %sub3A_347 : vector<16xi32>
      %lt3A_349 = arith.constant 0 : i32
      %lt3A_350 = vector.broadcast %lt3A_349 : i32 to vector<16xi32>
      %lt3A_351 = arith.cmpi slt, %sub3A_348, %lt3A_350 : vector<16xi32>
      %ge3A_352 = arith.constant 5120 : i32
      %ge3A_353 = vector.broadcast %ge3A_352 : i32 to vector<16xi32>
      %ge3A_354 = arith.cmpi sge, %sub3A_348, %ge3A_353 : vector<16xi32>
      %or3A_355 = arith.ori %lt3A_351, %ge3A_354 : vector<16xi1>
      %jit3A_356 = arith.constant 5120 : i32
      %broadcast_in_dim3A_357 = vector.broadcast %jit3A_356 : i32 to vector<16xi32>
      %select_n3A_358 = arith.select %or3A_355, %broadcast_in_dim3A_357, %sub3A_348 : vector<16xi1>, vector<16xi32>
      %swap3A_359 = arith.constant 1 : i32
      %swap3A_360 = arith.index_cast %swap3A_359 : i32 to index
      %swap3A_361 = arith.constant 16 : index
      %swap3A_362 = tpu.vector_load %arg6[%swap3A_360, %swap3A_361] {strides = array<i32>} : memref<2x80xi32, #tpu.memory_space<vmem>>, vector<1x16xi32>,
      %swap3A_363 = vector.shape_cast %swap3A_362 : vector<1x16xi32> to vector<16xi32>
      %swap3A_364 = vector.shape_cast %select_n3A_358 : vector<16xi32> to vector<1x16xi32>
      tpu.vector_store %arg6[%swap3A_360, %swap3A_361], %swap3A_364 {strides = array<i32>} : memref<2x80xi32, #tpu.memory_space<vmem>>, vector<1x16xi32>,
      %get3A_365 = arith.constant 1 : i32
      %get3A_366 = arith.index_cast %get3A_365 : i32 to index
      %get3A_367 = arith.constant 32 : index
      %get3A_368 = tpu.vector_load %arg6[%get3A_366, %get3A_367] {strides = array<i32>} : memref<2x80xi32, #tpu.memory_space<vmem>>, vector<1x16xi32>,
      %get3A_369 = vector.shape_cast %get3A_368 : vector<1x16xi32> to vector<16xi32>
      %sub3A_370 = vector.broadcast %mul3A_2 : i32 to vector<16xi32>
      %sub3A_371 = arith.subi %get3A_369, %sub3A_370 : vector<16xi32>
      %lt3A_372 = arith.constant 0 : i32
      %lt3A_373 = vector.broadcast %lt3A_372 : i32 to vector<16xi32>
      %lt3A_374 = arith.cmpi slt, %sub3A_371, %lt3A_373 : vector<16xi32>
      %ge3A_375 = arith.constant 5120 : i32
      %ge3A_376 = vector.broadcast %ge3A_375 : i32 to vector<16xi32>
      %ge3A_377 = arith.cmpi sge, %sub3A_371, %ge3A_376 : vector<16xi32>
      %or3A_378 = arith.ori %lt3A_374, %ge3A_377 : vector<16xi1>
      %jit3A_379 = arith.constant 5120 : i32
      %broadcast_in_dim3A_380 = vector.broadcast %jit3A_379 : i32 to vector<16xi32>
      %select_n3A_381 = arith.select %or3A_378, %broadcast_in_dim3A_380, %sub3A_371 : vector<16xi1>, vector<16xi32>
      %swap3A_382 = arith.constant 1 : i32
      %swap3A_383 = arith.index_cast %swap3A_382 : i32 to index
      %swap3A_384 = arith.constant 32 : index
      %swap3A_385 = tpu.vector_load %arg6[%swap3A_383, %swap3A_384] {strides = array<i32>} : memref<2x80xi32, #tpu.memory_space<vmem>>, vector<1x16xi32>,
      %swap3A_386 = vector.shape_cast %swap3A_385 : vector<1x16xi32> to vector<16xi32>
      %swap3A_387 = vector.shape_cast %select_n3A_381 : vector<16xi32> to vector<1x16xi32>
      tpu.vector_store %arg6[%swap3A_383, %swap3A_384], %swap3A_387 {strides = array<i32>} : memref<2x80xi32, #tpu.memory_space<vmem>>, vector<1x16xi32>,
      %get3A_388 = arith.constant 1 : i32
      %get3A_389 = arith.index_cast %get3A_388 : i32 to index
      %get3A_390 = arith.constant 48 : index
      %get3A_391 = tpu.vector_load %arg6[%get3A_389, %get3A_390] {strides = array<i32>} : memref<2x80xi32, #tpu.memory_space<vmem>>, vector<1x16xi32>,
      %get3A_392 = vector.shape_cast %get3A_391 : vector<1x16xi32> to vector<16xi32>
      %sub3A_393 = vector.broadcast %mul3A_2 : i32 to vector<16xi32>
      %sub3A_394 = arith.subi %get3A_392, %sub3A_393 : vector<16xi32>
      %lt3A_395 = arith.constant 0 : i32
      %lt3A_396 = vector.broadcast %lt3A_395 : i32 to vector<16xi32>
      %lt3A_397 = arith.cmpi slt, %sub3A_394, %lt3A_396 : vector<16xi32>
      %ge3A_398 = arith.constant 5120 : i32
      %ge3A_399 = vector.broadcast %ge3A_398 : i32 to vector<16xi32>
      %ge3A_400 = arith.cmpi sge, %sub3A_394, %ge3A_399 : vector<16xi32>
      %or3A_401 = arith.ori %lt3A_397, %ge3A_400 : vector<16xi1>
      %jit3A_402 = arith.constant 5120 : i32
      %broadcast_in_dim3A_403 = vector.broadcast %jit3A_402 : i32 to vector<16xi32>
      %select_n3A_404 = arith.select %or3A_401, %broadcast_in_dim3A_403, %sub3A_394 : vector<16xi1>, vector<16xi32>
      %swap3A_405 = arith.constant 1 : i32
      %swap3A_406 = arith.index_cast %swap3A_405 : i32 to index
      %swap3A_407 = arith.constant 48 : index
      %swap3A_408 = tpu.vector_load %arg6[%swap3A_406, %swap3A_407] {strides = array<i32>} : memref<2x80xi32, #tpu.memory_space<vmem>>, vector<1x16xi32>,
      %swap3A_409 = vector.shape_cast %swap3A_408 : vector<1x16xi32> to vector<16xi32>
      %swap3A_410 = vector.shape_cast %select_n3A_404 : vector<16xi32> to vector<1x16xi32>
      tpu.vector_store %arg6[%swap3A_406, %swap3A_407], %swap3A_410 {strides = array<i32>} : memref<2x80xi32, #tpu.memory_space<vmem>>, vector<1x16xi32>,
      %get3A_411 = arith.constant 1 : i32
      %get3A_412 = arith.index_cast %get3A_411 : i32 to index
      %get3A_413 = arith.constant 64 : index
      %get3A_414 = tpu.vector_load %arg6[%get3A_412, %get3A_413] {strides = array<i32>} : memref<2x80xi32, #tpu.memory_space<vmem>>, vector<1x16xi32>,
      %get3A_415 = vector.shape_cast %get3A_414 : vector<1x16xi32> to vector<16xi32>
      %sub3A_416 = vector.broadcast %mul3A_2 : i32 to vector<16xi32>
      %sub3A_417 = arith.subi %get3A_415, %sub3A_416 : vector<16xi32>
      %lt3A_418 = arith.constant 0 : i32
      %lt3A_419 = vector.broadcast %lt3A_418 : i32 to vector<16xi32>
      %lt3A_420 = arith.cmpi slt, %sub3A_417, %lt3A_419 : vector<16xi32>
      %ge3A_421 = arith.constant 5120 : i32
      %ge3A_422 = vector.broadcast %ge3A_421 : i32 to vector<16xi32>
      %ge3A_423 = arith.cmpi sge, %sub3A_417, %ge3A_422 : vector<16xi32>
      %or3A_424 = arith.ori %lt3A_420, %ge3A_423 : vector<16xi1>
      %jit3A_425 = arith.constant 5120 : i32
      %broadcast_in_dim3A_426 = vector.broadcast %jit3A_425 : i32 to vector<16xi32>
      %select_n3A_427 = arith.select %or3A_424, %broadcast_in_dim3A_426, %sub3A_417 : vector<16xi1>, vector<16xi32>
      %swap3A_428 = arith.constant 1 : i32
      %swap3A_429 = arith.index_cast %swap3A_428 : i32 to index
      %swap3A_430 = arith.constant 64 : index
      %swap3A_431 = tpu.vector_load %arg6[%swap3A_429, %swap3A_430] {strides = array<i32>} : memref<2x80xi32, #tpu.memory_space<vmem>>, vector<1x16xi32>,
      %swap3A_432 = vector.shape_cast %swap3A_431 : vector<1x16xi32> to vector<16xi32>
      %swap3A_433 = vector.shape_cast %select_n3A_427 : vector<16xi32> to vector<1x16xi32>
      tpu.vector_store %arg6[%swap3A_429, %swap3A_430], %swap3A_433 {strides = array<i32>} : memref<2x80xi32, #tpu.memory_space<vmem>>, vector<1x16xi32>,
      %dma_start3A_434 = arith.constant 1 : i32
      %dma_start3A_435 = arith.constant 0 : i32
      %dma_start3A_436 = tpu.memref_slice %arg6[%dma_start3A_434, %dma_start3A_435] : memref<2x80xi32, #tpu.memory_space<vmem>> -> memref<1x80xi32, #tpu.memory_space<vmem>>
      %dma_start3A_437 = tpu.memref_squeeze %dma_start3A_436 : memref<1x80xi32, #tpu.memory_space<vmem>> -> memref<80xi32, #tpu.memory_space<vmem>>
      %dma_start3A_438 = arith.constant 0 : i32
      %dma_start3A_439 = arith.constant 0 : i32
      %dma_start3A_440 = tpu.memref_slice %arg10[%dma_start3A_438, %dma_start3A_439] : memref<5248x128xf32, #tpu.memory_space<vmem_shared>> -> memref<5248x128xf32, #tpu.memory_space<vmem_shared>>
      tpu.enqueue_indirect_dma source(%arg8 : memref<80x128xf32, #tpu.memory_space<vmem>>) target(%dma_start3A_440 : memref<5248x128xf32, #tpu.memory_space<vmem_shared>>) offsets(%dma_start3A_437 : memref<80xi32, #tpu.memory_space<vmem>>) semaphore(%arg12 : memref<!tpu.dma_semaphore, #tpu.memory_space<semaphore_mem>>) {add = true}
      %lt3A_441 = arith.constant 124 : i32
      %lt3A_442 = arith.cmpi slt, %scan3A_302, %lt3A_441 : i32
      %convert_element_type3A_443 = arith.extui %lt3A_442 : i1 to i32
      %cond3A_444 = arith.constant 0 : i32
      %cond3A_445 = arith.cmpi ne, %convert_element_type3A_443, %cond3A_444 : i32
      scf.if %cond3A_445 {
        %dma_wait3A_446 = arith.constant 0 : i32
        %dma_wait3A_447 = arith.constant 0 : i32
        %dma_wait3A_448 = tpu.memref_slice %arg6[%dma_wait3A_446, %dma_wait3A_447] : memref<2x80xi32, #tpu.memory_space<vmem>> -> memref<1x80xi32, #tpu.memory_space<vmem>>
        %dma_wait3A_449 = tpu.memref_squeeze %dma_wait3A_448 : memref<1x80xi32, #tpu.memory_space<vmem>> -> memref<80xi32, #tpu.memory_space<vmem>>
        %dma_wait3A_450 = arith.constant 0 : i32
        %dma_wait3A_451 = arith.constant 0 : i32
        %dma_wait3A_452 = tpu.memref_slice %arg10[%dma_wait3A_450, %dma_wait3A_451] : memref<5248x128xf32, #tpu.memory_space<vmem_shared>> -> memref<5248x128xf32, #tpu.memory_space<vmem_shared>>
        tpu.wait_indirect_dma semaphore(%arg11 : memref<!tpu.dma_semaphore, #tpu.memory_space<semaphore_mem>>) src(%arg7 : memref<80x128xf32, #tpu.memory_space<vmem>>) dst(%dma_wait3A_452 : memref<5248x128xf32, #tpu.memory_space<vmem_shared>>)
        %add3A_453 = arith.constant 2 : i32
        %add3A_454 = arith.addi %mul3A_304, %add3A_453 : i32
        %mul3A_455 = arith.constant 80 : i32
        %mul3A_456 = arith.muli %add3A_454, %mul3A_455 : i32
        %add3A_457 = arith.addi %mul3A_0, %mul3A_456 : i32
        %run_scoped3A_458 = arith.constant 0 : i32
        "tpu.region"() ({
          %run_scoped3A_574 = tpu.sem_alloc : memref<!tpu.dma_semaphore, #tpu.memory_space<semaphore_mem>>
          %dma_start3A_575 = arith.constant 0 : i32
          %dma_start3A_576 = tpu.memref_slice %arg6[%run_scoped3A_458, %dma_start3A_575] : memref<2x80xi32, #tpu.memory_space<vmem>> -> memref<1x80xi32, #tpu.memory_space<vmem>>
          %dma_start3A_577 = tpu.memref_squeeze %dma_start3A_576 : memref<1x80xi32, #tpu.memory_space<vmem>> -> memref<80xi32, #tpu.memory_space<vmem>>
          %dma_start3A_578 = tpu.memref_slice %arg3[%add3A_457] : memref<320000xi32, #tpu.memory_space<hbm>> -> memref<80xi32, #tpu.memory_space<hbm>>
          %dma_start3A_579 = arith.constant 0 : i32
          %dma_start3A_580 = tpu.memref_slice %arg6[%run_scoped3A_458, %dma_start3A_579] : memref<2x80xi32, #tpu.memory_space<vmem>> -> memref<1x80xi32, #tpu.memory_space<vmem>>
          %dma_start3A_581 = tpu.memref_squeeze %dma_start3A_580 : memref<1x80xi32, #tpu.memory_space<vmem>> -> memref<80xi32, #tpu.memory_space<vmem>>
          %dma_start3A_582 = tpu.memref_slice %arg3[%add3A_457] : memref<320000xi32, #tpu.memory_space<hbm>> -> memref<80xi32, #tpu.memory_space<hbm>>
          tpu.enqueue_dma source(%dma_start3A_582 : memref<80xi32, #tpu.memory_space<hbm>>) target(%dma_start3A_581 : memref<80xi32, #tpu.memory_space<vmem>>) target_semaphore(%run_scoped3A_574 : memref<!tpu.dma_semaphore, #tpu.memory_space<semaphore_mem>>)
          %dma_wait3A_583 = arith.constant 0 : i32
          %dma_wait3A_584 = tpu.memref_slice %arg6[%run_scoped3A_458, %dma_wait3A_583] : memref<2x80xi32, #tpu.memory_space<vmem>> -> memref<1x80xi32, #tpu.memory_space<vmem>>
          %dma_wait3A_585 = tpu.memref_squeeze %dma_wait3A_584 : memref<1x80xi32, #tpu.memory_space<vmem>> -> memref<80xi32, #tpu.memory_space<vmem>>
          %dma_wait3A_586 = tpu.memref_slice %arg3[%add3A_457] : memref<320000xi32, #tpu.memory_space<hbm>> -> memref<80xi32, #tpu.memory_space<hbm>>
          %dma_wait3A_587 = arith.constant 0 : i32
          %dma_wait3A_588 = tpu.memref_slice %arg6[%run_scoped3A_458, %dma_wait3A_587] : memref<2x80xi32, #tpu.memory_space<vmem>> -> memref<1x80xi32, #tpu.memory_space<vmem>>
          %dma_wait3A_589 = tpu.memref_squeeze %dma_wait3A_588 : memref<1x80xi32, #tpu.memory_space<vmem>> -> memref<80xi32, #tpu.memory_space<vmem>>
          %dma_wait3A_590 = tpu.memref_slice %arg3[%add3A_457] : memref<320000xi32, #tpu.memory_space<hbm>> -> memref<80xi32, #tpu.memory_space<hbm>>
          tpu.wait_dma2 semaphore(%run_scoped3A_574 : memref<!tpu.dma_semaphore, #tpu.memory_space<semaphore_mem>>) src(%dma_wait3A_590 : memref<80xi32, #tpu.memory_space<hbm>>) dst(%dma_wait3A_589 : memref<80xi32, #tpu.memory_space<vmem>>)
          tpu.yield
        }) : () -> ()
        "tpu.region"() ({
          %run_scoped3A_574 = tpu.sem_alloc : memref<!tpu.dma_semaphore, #tpu.memory_space<semaphore_mem>>
          %dma_start3A_575 = arith.constant 0 : i32
          %dma_start3A_576 = tpu.memref_slice %arg2[%add3A_457, %dma_start3A_575] : memref<320000x128xf32, #tpu.memory_space<hbm>> -> memref<80x128xf32, #tpu.memory_space<hbm>>
          %dma_start3A_577 = arith.constant 0 : i32
          %dma_start3A_578 = tpu.memref_slice %arg2[%add3A_457, %dma_start3A_577] : memref<320000x128xf32, #tpu.memory_space<hbm>> -> memref<80x128xf32, #tpu.memory_space<hbm>>
          tpu.enqueue_dma source(%dma_start3A_578 : memref<80x128xf32, #tpu.memory_space<hbm>>) target(%arg7 : memref<80x128xf32, #tpu.memory_space<vmem>>) target_semaphore(%run_scoped3A_574 : memref<!tpu.dma_semaphore, #tpu.memory_space<semaphore_mem>>)
          %dma_wait3A_579 = arith.constant 0 : i32
          %dma_wait3A_580 = tpu.memref_slice %arg2[%add3A_457, %dma_wait3A_579] : memref<320000x128xf32, #tpu.memory_space<hbm>> -> memref<80x128xf32, #tpu.memory_space<hbm>>
          %dma_wait3A_581 = arith.constant 0 : i32
          %dma_wait3A_582 = tpu.memref_slice %arg2[%add3A_457, %dma_wait3A_581] : memref<320000x128xf32, #tpu.memory_space<hbm>> -> memref<80x128xf32, #tpu.memory_space<hbm>>
          tpu.wait_dma2 semaphore(%run_scoped3A_574 : memref<!tpu.dma_semaphore, #tpu.memory_space<semaphore_mem>>) src(%dma_wait3A_582 : memref<80x128xf32, #tpu.memory_space<hbm>>) dst(%arg7 : memref<80x128xf32, #tpu.memory_space<vmem>>)
          tpu.yield
        }) : () -> ()
        %get3A_459 = arith.constant 0 : i32
        %get3A_460 = arith.index_cast %get3A_459 : i32 to index
        %get3A_461 = arith.constant 0 : index
        %get3A_462 = tpu.vector_load %arg6[%get3A_460, %get3A_461] {strides = array<i32>} : memref<2x80xi32, #tpu.memory_space<vmem>>, vector<1x16xi32>,
        %get3A_463 = vector.shape_cast %get3A_462 : vector<1x16xi32> to vector<16xi32>
        %sub3A_464 = vector.broadcast %mul3A_2 : i32 to vector<16xi32>
        %sub3A_465 = arith.subi %get3A_463, %sub3A_464 : vector<16xi32>
        %lt3A_466 = arith.constant 0 : i32
        %lt3A_467 = vector.broadcast %lt3A_466 : i32 to vector<16xi32>
        %lt3A_468 = arith.cmpi slt, %sub3A_465, %lt3A_467 : vector<16xi32>
        %ge3A_469 = arith.constant 5120 : i32
        %ge3A_470 = vector.broadcast %ge3A_469 : i32 to vector<16xi32>
        %ge3A_471 = arith.cmpi sge, %sub3A_465, %ge3A_470 : vector<16xi32>
        %or3A_472 = arith.ori %lt3A_468, %ge3A_471 : vector<16xi1>
        %jit3A_473 = arith.constant 5120 : i32
        %broadcast_in_dim3A_474 = vector.broadcast %jit3A_473 : i32 to vector<16xi32>
        %select_n3A_475 = arith.select %or3A_472, %broadcast_in_dim3A_474, %sub3A_465 : vector<16xi1>, vector<16xi32>
        %swap3A_476 = arith.constant 0 : i32
        %swap3A_477 = arith.index_cast %swap3A_476 : i32 to index
        %swap3A_478 = arith.constant 0 : index
        %swap3A_479 = tpu.vector_load %arg6[%swap3A_477, %swap3A_478] {strides = array<i32>} : memref<2x80xi32, #tpu.memory_space<vmem>>, vector<1x16xi32>,
        %swap3A_480 = vector.shape_cast %swap3A_479 : vector<1x16xi32> to vector<16xi32>
        %swap3A_481 = vector.shape_cast %select_n3A_475 : vector<16xi32> to vector<1x16xi32>
        tpu.vector_store %arg6[%swap3A_477, %swap3A_478], %swap3A_481 {strides = array<i32>} : memref<2x80xi32, #tpu.memory_space<vmem>>, vector<1x16xi32>,
        %get3A_482 = arith.constant 0 : i32
        %get3A_483 = arith.index_cast %get3A_482 : i32 to index
        %get3A_484 = arith.constant 16 : index
        %get3A_485 = tpu.vector_load %arg6[%get3A_483, %get3A_484] {strides = array<i32>} : memref<2x80xi32, #tpu.memory_space<vmem>>, vector<1x16xi32>,
        %get3A_486 = vector.shape_cast %get3A_485 : vector<1x16xi32> to vector<16xi32>
        %sub3A_487 = vector.broadcast %mul3A_2 : i32 to vector<16xi32>
        %sub3A_488 = arith.subi %get3A_486, %sub3A_487 : vector<16xi32>
        %lt3A_489 = arith.constant 0 : i32
        %lt3A_490 = vector.broadcast %lt3A_489 : i32 to vector<16xi32>
        %lt3A_491 = arith.cmpi slt, %sub3A_488, %lt3A_490 : vector<16xi32>
        %ge3A_492 = arith.constant 5120 : i32
        %ge3A_493 = vector.broadcast %ge3A_492 : i32 to vector<16xi32>
        %ge3A_494 = arith.cmpi sge, %sub3A_488, %ge3A_493 : vector<16xi32>
        %or3A_495 = arith.ori %lt3A_491, %ge3A_494 : vector<16xi1>
        %jit3A_496 = arith.constant 5120 : i32
        %broadcast_in_dim3A_497 = vector.broadcast %jit3A_496 : i32 to vector<16xi32>
        %select_n3A_498 = arith.select %or3A_495, %broadcast_in_dim3A_497, %sub3A_488 : vector<16xi1>, vector<16xi32>
        %swap3A_499 = arith.constant 0 : i32
        %swap3A_500 = arith.index_cast %swap3A_499 : i32 to index
        %swap3A_501 = arith.constant 16 : index
        %swap3A_502 = tpu.vector_load %arg6[%swap3A_500, %swap3A_501] {strides = array<i32>} : memref<2x80xi32, #tpu.memory_space<vmem>>, vector<1x16xi32>,
        %swap3A_503 = vector.shape_cast %swap3A_502 : vector<1x16xi32> to vector<16xi32>
        %swap3A_504 = vector.shape_cast %select_n3A_498 : vector<16xi32> to vector<1x16xi32>
        tpu.vector_store %arg6[%swap3A_500, %swap3A_501], %swap3A_504 {strides = array<i32>} : memref<2x80xi32, #tpu.memory_space<vmem>>, vector<1x16xi32>,
        %get3A_505 = arith.constant 0 : i32
        %get3A_506 = arith.index_cast %get3A_505 : i32 to index
        %get3A_507 = arith.constant 32 : index
        %get3A_508 = tpu.vector_load %arg6[%get3A_506, %get3A_507] {strides = array<i32>} : memref<2x80xi32, #tpu.memory_space<vmem>>, vector<1x16xi32>,
        %get3A_509 = vector.shape_cast %get3A_508 : vector<1x16xi32> to vector<16xi32>
        %sub3A_510 = vector.broadcast %mul3A_2 : i32 to vector<16xi32>
        %sub3A_511 = arith.subi %get3A_509, %sub3A_510 : vector<16xi32>
        %lt3A_512 = arith.constant 0 : i32
        %lt3A_513 = vector.broadcast %lt3A_512 : i32 to vector<16xi32>
        %lt3A_514 = arith.cmpi slt, %sub3A_511, %lt3A_513 : vector<16xi32>
        %ge3A_515 = arith.constant 5120 : i32
        %ge3A_516 = vector.broadcast %ge3A_515 : i32 to vector<16xi32>
        %ge3A_517 = arith.cmpi sge, %sub3A_511, %ge3A_516 : vector<16xi32>
        %or3A_518 = arith.ori %lt3A_514, %ge3A_517 : vector<16xi1>
        %jit3A_519 = arith.constant 5120 : i32
        %broadcast_in_dim3A_520 = vector.broadcast %jit3A_519 : i32 to vector<16xi32>
        %select_n3A_521 = arith.select %or3A_518, %broadcast_in_dim3A_520, %sub3A_511 : vector<16xi1>, vector<16xi32>
        %swap3A_522 = arith.constant 0 : i32
        %swap3A_523 = arith.index_cast %swap3A_522 : i32 to index
        %swap3A_524 = arith.constant 32 : index
        %swap3A_525 = tpu.vector_load %arg6[%swap3A_523, %swap3A_524] {strides = array<i32>} : memref<2x80xi32, #tpu.memory_space<vmem>>, vector<1x16xi32>,
        %swap3A_526 = vector.shape_cast %swap3A_525 : vector<1x16xi32> to vector<16xi32>
        %swap3A_527 = vector.shape_cast %select_n3A_521 : vector<16xi32> to vector<1x16xi32>
        tpu.vector_store %arg6[%swap3A_523, %swap3A_524], %swap3A_527 {strides = array<i32>} : memref<2x80xi32, #tpu.memory_space<vmem>>, vector<1x16xi32>,
        %get3A_528 = arith.constant 0 : i32
        %get3A_529 = arith.index_cast %get3A_528 : i32 to index
        %get3A_530 = arith.constant 48 : index
        %get3A_531 = tpu.vector_load %arg6[%get3A_529, %get3A_530] {strides = array<i32>} : memref<2x80xi32, #tpu.memory_space<vmem>>, vector<1x16xi32>,
        %get3A_532 = vector.shape_cast %get3A_531 : vector<1x16xi32> to vector<16xi32>
        %sub3A_533 = vector.broadcast %mul3A_2 : i32 to vector<16xi32>
        %sub3A_534 = arith.subi %get3A_532, %sub3A_533 : vector<16xi32>
        %lt3A_535 = arith.constant 0 : i32
        %lt3A_536 = vector.broadcast %lt3A_535 : i32 to vector<16xi32>
        %lt3A_537 = arith.cmpi slt, %sub3A_534, %lt3A_536 : vector<16xi32>
        %ge3A_538 = arith.constant 5120 : i32
        %ge3A_539 = vector.broadcast %ge3A_538 : i32 to vector<16xi32>
        %ge3A_540 = arith.cmpi sge, %sub3A_534, %ge3A_539 : vector<16xi32>
        %or3A_541 = arith.ori %lt3A_537, %ge3A_540 : vector<16xi1>
        %jit3A_542 = arith.constant 5120 : i32
        %broadcast_in_dim3A_543 = vector.broadcast %jit3A_542 : i32 to vector<16xi32>
        %select_n3A_544 = arith.select %or3A_541, %broadcast_in_dim3A_543, %sub3A_534 : vector<16xi1>, vector<16xi32>
        %swap3A_545 = arith.constant 0 : i32
        %swap3A_546 = arith.index_cast %swap3A_545 : i32 to index
        %swap3A_547 = arith.constant 48 : index
        %swap3A_548 = tpu.vector_load %arg6[%swap3A_546, %swap3A_547] {strides = array<i32>} : memref<2x80xi32, #tpu.memory_space<vmem>>, vector<1x16xi32>,
        %swap3A_549 = vector.shape_cast %swap3A_548 : vector<1x16xi32> to vector<16xi32>
        %swap3A_550 = vector.shape_cast %select_n3A_544 : vector<16xi32> to vector<1x16xi32>
        tpu.vector_store %arg6[%swap3A_546, %swap3A_547], %swap3A_550 {strides = array<i32>} : memref<2x80xi32, #tpu.memory_space<vmem>>, vector<1x16xi32>,
        %get3A_551 = arith.constant 0 : i32
        %get3A_552 = arith.index_cast %get3A_551 : i32 to index
        %get3A_553 = arith.constant 64 : index
        %get3A_554 = tpu.vector_load %arg6[%get3A_552, %get3A_553] {strides = array<i32>} : memref<2x80xi32, #tpu.memory_space<vmem>>, vector<1x16xi32>,
        %get3A_555 = vector.shape_cast %get3A_554 : vector<1x16xi32> to vector<16xi32>
        %sub3A_556 = vector.broadcast %mul3A_2 : i32 to vector<16xi32>
        %sub3A_557 = arith.subi %get3A_555, %sub3A_556 : vector<16xi32>
        %lt3A_558 = arith.constant 0 : i32
        %lt3A_559 = vector.broadcast %lt3A_558 : i32 to vector<16xi32>
        %lt3A_560 = arith.cmpi slt, %sub3A_557, %lt3A_559 : vector<16xi32>
        %ge3A_561 = arith.constant 5120 : i32
        %ge3A_562 = vector.broadcast %ge3A_561 : i32 to vector<16xi32>
        %ge3A_563 = arith.cmpi sge, %sub3A_557, %ge3A_562 : vector<16xi32>
        %or3A_564 = arith.ori %lt3A_560, %ge3A_563 : vector<16xi1>
        %jit3A_565 = arith.constant 5120 : i32
        %broadcast_in_dim3A_566 = vector.broadcast %jit3A_565 : i32 to vector<16xi32>
        %select_n3A_567 = arith.select %or3A_564, %broadcast_in_dim3A_566, %sub3A_557 : vector<16xi1>, vector<16xi32>
        %swap3A_568 = arith.constant 0 : i32
        %swap3A_569 = arith.index_cast %swap3A_568 : i32 to index
        %swap3A_570 = arith.constant 64 : index
        %swap3A_571 = tpu.vector_load %arg6[%swap3A_569, %swap3A_570] {strides = array<i32>} : memref<2x80xi32, #tpu.memory_space<vmem>>, vector<1x16xi32>,
        %swap3A_572 = vector.shape_cast %swap3A_571 : vector<1x16xi32> to vector<16xi32>
        %swap3A_573 = vector.shape_cast %select_n3A_567 : vector<16xi32> to vector<1x16xi32>
        tpu.vector_store %arg6[%swap3A_569, %swap3A_570], %swap3A_573 {strides = array<i32>} : memref<2x80xi32, #tpu.memory_space<vmem>>, vector<1x16xi32>,
      } else {
      }
    }
    %scan3A_122 = arith.constant 125 : i32
    %dma_wait3A = arith.constant 0 : i32
    %dma_wait3A_123 = arith.constant 0 : i32
    %dma_wait3A_124 = tpu.memref_slice %arg6[%dma_wait3A, %dma_wait3A_123] : memref<2x80xi32, #tpu.memory_space<vmem>> -> memref<1x80xi32, #tpu.memory_space<vmem>>
    %dma_wait3A_125 = tpu.memref_squeeze %dma_wait3A_124 : memref<1x80xi32, #tpu.memory_space<vmem>> -> memref<80xi32, #tpu.memory_space<vmem>>
    %dma_wait3A_126 = arith.constant 0 : i32
    %dma_wait3A_127 = arith.constant 0 : i32
    %dma_wait3A_128 = tpu.memref_slice %arg10[%dma_wait3A_126, %dma_wait3A_127] : memref<5248x128xf32, #tpu.memory_space<vmem_shared>> -> memref<5248x128xf32, #tpu.memory_space<vmem_shared>>
    tpu.wait_indirect_dma semaphore(%arg11 : memref<!tpu.dma_semaphore, #tpu.memory_space<semaphore_mem>>) src(%arg7 : memref<80x128xf32, #tpu.memory_space<vmem>>) dst(%dma_wait3A_128 : memref<5248x128xf32, #tpu.memory_space<vmem_shared>>)
    %dma_wait3A_129 = arith.constant 1 : i32
    %dma_wait3A_130 = arith.constant 0 : i32
    %dma_wait3A_131 = tpu.memref_slice %arg6[%dma_wait3A_129, %dma_wait3A_130] : memref<2x80xi32, #tpu.memory_space<vmem>> -> memref<1x80xi32, #tpu.memory_space<vmem>>
    %dma_wait3A_132 = tpu.memref_squeeze %dma_wait3A_131 : memref<1x80xi32, #tpu.memory_space<vmem>> -> memref<80xi32, #tpu.memory_space<vmem>>
    %dma_wait3A_133 = arith.constant 0 : i32
    %dma_wait3A_134 = arith.constant 0 : i32
    %dma_wait3A_135 = tpu.memref_slice %arg10[%dma_wait3A_133, %dma_wait3A_134] : memref<5248x128xf32, #tpu.memory_space<vmem_shared>> -> memref<5248x128xf32, #tpu.memory_space<vmem_shared>>
    tpu.wait_indirect_dma semaphore(%arg12 : memref<!tpu.dma_semaphore, #tpu.memory_space<semaphore_mem>>) src(%arg8 : memref<80x128xf32, #tpu.memory_space<vmem>>) dst(%dma_wait3A_135 : memref<5248x128xf32, #tpu.memory_space<vmem_shared>>)
    %barrier3A_136 = arith.constant 0 : index
    tpu.barrier barrier_id(%barrier3A_136)
    %mul3A_137 = arith.constant 320 : i32
    %mul3A_138 = arith.muli %arg1, %mul3A_137 : i32
    %mul3A_139 = arith.constant 320 : i32
    %mul3A_140 = arith.muli %arg1, %mul3A_139 : i32
    %add3A_141 = arith.addi %mul3A_2, %mul3A_140 : i32
    "tpu.region"() ({
      %run_scoped3A_302 = tpu.sem_alloc : memref<!tpu.dma_semaphore, #tpu.memory_space<semaphore_mem>>
      %dma_start3A = arith.constant 0 : i32
      %dma_start3A_303 = tpu.memref_slice %arg4[%add3A_141, %dma_start3A] : memref<10240x128xf32, #tpu.memory_space<hbm>> -> memref<320x128xf32, #tpu.memory_space<hbm>>
      %dma_start3A_304 = arith.constant 0 : i32
      %dma_start3A_305 = tpu.memref_slice %arg10[%mul3A_138, %dma_start3A_304] : memref<5248x128xf32, #tpu.memory_space<vmem_shared>> -> memref<320x128xf32, #tpu.memory_space<vmem_shared>>
      tpu.enqueue_dma source(%dma_start3A_305 : memref<320x128xf32, #tpu.memory_space<vmem_shared>>) target(%dma_start3A_303 : memref<320x128xf32, #tpu.memory_space<hbm>>) target_semaphore(%run_scoped3A_302 : memref<!tpu.dma_semaphore, #tpu.memory_space<semaphore_mem>>)
      %dma_wait3A_306 = arith.constant 0 : i32
      %dma_wait3A_307 = tpu.memref_slice %arg4[%add3A_141, %dma_wait3A_306] : memref<10240x128xf32, #tpu.memory_space<hbm>> -> memref<320x128xf32, #tpu.memory_space<hbm>>
      %dma_wait3A_308 = arith.constant 0 : i32
      %dma_wait3A_309 = tpu.memref_slice %arg10[%mul3A_138, %dma_wait3A_308] : memref<5248x128xf32, #tpu.memory_space<vmem_shared>> -> memref<320x128xf32, #tpu.memory_space<vmem_shared>>
      tpu.wait_dma2 semaphore(%run_scoped3A_302 : memref<!tpu.dma_semaphore, #tpu.memory_space<semaphore_mem>>) src(%dma_wait3A_309 : memref<320x128xf32, #tpu.memory_space<vmem_shared>>) dst(%dma_wait3A_307 : memref<320x128xf32, #tpu.memory_space<hbm>>)
      tpu.yield
    }) : () -> ()
    %barrier3A_142 = arith.constant 0 : index
    tpu.barrier barrier_id(%barrier3A_142)
    %mul3A_143 = arith.constant 328 : i32
    %mul3A_144 = arith.muli %arg1, %mul3A_143 : i32
    "tpu.region"() ({
      %run_scoped3A_302 = tpu.sem_alloc : memref<!tpu.dma_semaphore, #tpu.memory_space<semaphore_mem>>
      %dma_start3A = arith.constant 0 : i32
      %dma_start3A_303 = tpu.memref_slice %arg10[%mul3A_144, %dma_start3A] : memref<5248x128xf32, #tpu.memory_space<vmem_shared>> -> memref<328x128xf32, #tpu.memory_space<vmem_shared>>
      %dma_start3A_304 = arith.constant 0 : i32
      %dma_start3A_305 = tpu.memref_slice %arg10[%mul3A_144, %dma_start3A_304] : memref<5248x128xf32, #tpu.memory_space<vmem_shared>> -> memref<328x128xf32, #tpu.memory_space<vmem_shared>>
      tpu.enqueue_dma source(%arg9 : memref<328x128xf32, #tpu.memory_space<vmem>>) target(%dma_start3A_305 : memref<328x128xf32, #tpu.memory_space<vmem_shared>>) target_semaphore(%run_scoped3A_302 : memref<!tpu.dma_semaphore, #tpu.memory_space<semaphore_mem>>)
      %dma_wait3A_306 = arith.constant 0 : i32
      %dma_wait3A_307 = tpu.memref_slice %arg10[%mul3A_144, %dma_wait3A_306] : memref<5248x128xf32, #tpu.memory_space<vmem_shared>> -> memref<328x128xf32, #tpu.memory_space<vmem_shared>>
      %dma_wait3A_308 = arith.constant 0 : i32
      %dma_wait3A_309 = tpu.memref_slice %arg10[%mul3A_144, %dma_wait3A_308] : memref<5248x128xf32, #tpu.memory_space<vmem_shared>> -> memref<328x128xf32, #tpu.memory_space<vmem_shared>>
      tpu.wait_dma2 semaphore(%run_scoped3A_302 : memref<!tpu.dma_semaphore, #tpu.memory_space<semaphore_mem>>) src(%arg9 : memref<328x128xf32, #tpu.memory_space<vmem>>) dst(%dma_wait3A_309 : memref<328x128xf32, #tpu.memory_space<vmem_shared>>)
      tpu.yield
    }) : () -> ()
    %scan3A_145 = arith.constant 0 : i32
    %scan3A_146 = arith.constant 0 : i32
    %scan3A_147 = arith.constant 80 : i32
    %scan3A_148 = arith.addi %scan3A_146, %scan3A_147 : i32
    %scan3A_149 = arith.constant 1 : i32
    scf.for %scan3A_302 = %scan3A_146 to %scan3A_148 step %scan3A_149  : i32 {
      %scan3A_303 = arith.constant 0 : i32
      %scan3A_304 = arith.constant 8 : i32
      %scan3A_305 = arith.addi %scan3A_303, %scan3A_304 : i32
      %scan3A_306 = arith.constant 1 : i32
      scf.for %scan3A_308 = %scan3A_303 to %scan3A_305 step %scan3A_306  : i32 {
        %broadcast_in_dim3A_309 = arith.constant 1.000000e+00 : f32
        %broadcast_in_dim3A_310 = vector.broadcast %broadcast_in_dim3A_309 : f32 to vector<16xf32>
        %mul3A_311 = arith.constant 16 : i32
        %mul3A_312 = arith.muli %scan3A_308, %mul3A_311 : i32
        %swap3A_313 = arith.index_cast %scan3A_302 : i32 to index
        %swap3A_314 = arith.index_cast %mul3A_312 : i32 to index
        %swap3A_315 = tpu.vector_load %arg7[%swap3A_313, %swap3A_314] {strides = array<i32>} : memref<80x128xf32, #tpu.memory_space<vmem>>, vector<1x16xf32>,
        %swap3A_316 = vector.shape_cast %swap3A_315 : vector<1x16xf32> to vector<16xf32>
        %swap3A_317 = vector.shape_cast %broadcast_in_dim3A_310 : vector<16xf32> to vector<1x16xf32>
        tpu.vector_store %arg7[%swap3A_313, %swap3A_314], %swap3A_317 {strides = array<i32>} : memref<80x128xf32, #tpu.memory_space<vmem>>, vector<1x16xf32>,
      }
      %scan3A_307 = arith.constant 8 : i32
    }
    %scan3A_150 = arith.constant 80 : i32
    %scan3A_151 = arith.constant 0 : i32
    %scan3A_152 = arith.constant 0 : i32
    %scan3A_153 = arith.constant 80 : i32
    %scan3A_154 = arith.addi %scan3A_152, %scan3A_153 : i32
    %scan3A_155 = arith.constant 1 : i32
    scf.for %scan3A_302 = %scan3A_152 to %scan3A_154 step %scan3A_155  : i32 {
      %scan3A_303 = arith.constant 0 : i32
      %scan3A_304 = arith.constant 8 : i32
      %scan3A_305 = arith.addi %scan3A_303, %scan3A_304 : i32
      %scan3A_306 = arith.constant 1 : i32
      scf.for %scan3A_308 = %scan3A_303 to %scan3A_305 step %scan3A_306  : i32 {
        %broadcast_in_dim3A_309 = arith.constant 1.000000e+00 : f32
        %broadcast_in_dim3A_310 = vector.broadcast %broadcast_in_dim3A_309 : f32 to vector<16xf32>
        %mul3A_311 = arith.constant 16 : i32
        %mul3A_312 = arith.muli %scan3A_308, %mul3A_311 : i32
        %swap3A_313 = arith.index_cast %scan3A_302 : i32 to index
        %swap3A_314 = arith.index_cast %mul3A_312 : i32 to index
        %swap3A_315 = tpu.vector_load %arg8[%swap3A_313, %swap3A_314] {strides = array<i32>} : memref<80x128xf32, #tpu.memory_space<vmem>>, vector<1x16xf32>,
        %swap3A_316 = vector.shape_cast %swap3A_315 : vector<1x16xf32> to vector<16xf32>
        %swap3A_317 = vector.shape_cast %broadcast_in_dim3A_310 : vector<16xf32> to vector<1x16xf32>
        tpu.vector_store %arg8[%swap3A_313, %swap3A_314], %swap3A_317 {strides = array<i32>} : memref<80x128xf32, #tpu.memory_space<vmem>>, vector<1x16xf32>,
      }
      %scan3A_307 = arith.constant 8 : i32
    }
    %scan3A_156 = arith.constant 80 : i32
    %barrier3A_157 = arith.constant 0 : index
    tpu.barrier barrier_id(%barrier3A_157)
    %add3A_158 = arith.constant 0 : i32
    %add3A_159 = arith.addi %mul3A_0, %add3A_158 : i32
    %run_scoped3A_160 = arith.constant 0 : i32
    "tpu.region"() ({
      %run_scoped3A_302 = tpu.sem_alloc : memref<!tpu.dma_semaphore, #tpu.memory_space<semaphore_mem>>
      %dma_start3A = arith.constant 0 : i32
      %dma_start3A_303 = tpu.memref_slice %arg6[%run_scoped3A_160, %dma_start3A] : memref<2x80xi32, #tpu.memory_space<vmem>> -> memref<1x80xi32, #tpu.memory_space<vmem>>
      %dma_start3A_304 = tpu.memref_squeeze %dma_start3A_303 : memref<1x80xi32, #tpu.memory_space<vmem>> -> memref<80xi32, #tpu.memory_space<vmem>>
      %dma_start3A_305 = tpu.memref_slice %arg3[%add3A_159] : memref<320000xi32, #tpu.memory_space<hbm>> -> memref<80xi32, #tpu.memory_space<hbm>>
      %dma_start3A_306 = arith.constant 0 : i32
      %dma_start3A_307 = tpu.memref_slice %arg6[%run_scoped3A_160, %dma_start3A_306] : memref<2x80xi32, #tpu.memory_space<vmem>> -> memref<1x80xi32, #tpu.memory_space<vmem>>
      %dma_start3A_308 = tpu.memref_squeeze %dma_start3A_307 : memref<1x80xi32, #tpu.memory_space<vmem>> -> memref<80xi32, #tpu.memory_space<vmem>>
      %dma_start3A_309 = tpu.memref_slice %arg3[%add3A_159] : memref<320000xi32, #tpu.memory_space<hbm>> -> memref<80xi32, #tpu.memory_space<hbm>>
      tpu.enqueue_dma source(%dma_start3A_309 : memref<80xi32, #tpu.memory_space<hbm>>) target(%dma_start3A_308 : memref<80xi32, #tpu.memory_space<vmem>>) target_semaphore(%run_scoped3A_302 : memref<!tpu.dma_semaphore, #tpu.memory_space<semaphore_mem>>)
      %dma_wait3A_310 = arith.constant 0 : i32
      %dma_wait3A_311 = tpu.memref_slice %arg6[%run_scoped3A_160, %dma_wait3A_310] : memref<2x80xi32, #tpu.memory_space<vmem>> -> memref<1x80xi32, #tpu.memory_space<vmem>>
      %dma_wait3A_312 = tpu.memref_squeeze %dma_wait3A_311 : memref<1x80xi32, #tpu.memory_space<vmem>> -> memref<80xi32, #tpu.memory_space<vmem>>
      %dma_wait3A_313 = tpu.memref_slice %arg3[%add3A_159] : memref<320000xi32, #tpu.memory_space<hbm>> -> memref<80xi32, #tpu.memory_space<hbm>>
      %dma_wait3A_314 = arith.constant 0 : i32
      %dma_wait3A_315 = tpu.memref_slice %arg6[%run_scoped3A_160, %dma_wait3A_314] : memref<2x80xi32, #tpu.memory_space<vmem>> -> memref<1x80xi32, #tpu.memory_space<vmem>>
      %dma_wait3A_316 = tpu.memref_squeeze %dma_wait3A_315 : memref<1x80xi32, #tpu.memory_space<vmem>> -> memref<80xi32, #tpu.memory_space<vmem>>
      %dma_wait3A_317 = tpu.memref_slice %arg3[%add3A_159] : memref<320000xi32, #tpu.memory_space<hbm>> -> memref<80xi32, #tpu.memory_space<hbm>>
      tpu.wait_dma2 semaphore(%run_scoped3A_302 : memref<!tpu.dma_semaphore, #tpu.memory_space<semaphore_mem>>) src(%dma_wait3A_317 : memref<80xi32, #tpu.memory_space<hbm>>) dst(%dma_wait3A_316 : memref<80xi32, #tpu.memory_space<vmem>>)
      tpu.yield
    }) : () -> ()
    %get3A_161 = arith.constant 0 : i32
    %get3A_162 = arith.index_cast %get3A_161 : i32 to index
    %get3A_163 = arith.constant 0 : index
    %get3A_164 = tpu.vector_load %arg6[%get3A_162, %get3A_163] {strides = array<i32>} : memref<2x80xi32, #tpu.memory_space<vmem>>, vector<1x16xi32>,
    %get3A_165 = vector.shape_cast %get3A_164 : vector<1x16xi32> to vector<16xi32>
    %sub3A_166 = vector.broadcast %mul3A_2 : i32 to vector<16xi32>
    %sub3A_167 = arith.subi %get3A_165, %sub3A_166 : vector<16xi32>
    %lt3A_168 = arith.constant 0 : i32
    %lt3A_169 = vector.broadcast %lt3A_168 : i32 to vector<16xi32>
    %lt3A_170 = arith.cmpi slt, %sub3A_167, %lt3A_169 : vector<16xi32>
    %ge3A_171 = arith.constant 5120 : i32
    %ge3A_172 = vector.broadcast %ge3A_171 : i32 to vector<16xi32>
    %ge3A_173 = arith.cmpi sge, %sub3A_167, %ge3A_172 : vector<16xi32>
    %or3A_174 = arith.ori %lt3A_170, %ge3A_173 : vector<16xi1>
    %jit3A_175 = arith.constant 5120 : i32
    %broadcast_in_dim3A_176 = vector.broadcast %jit3A_175 : i32 to vector<16xi32>
    %select_n3A_177 = arith.select %or3A_174, %broadcast_in_dim3A_176, %sub3A_167 : vector<16xi1>, vector<16xi32>
    %swap3A_178 = arith.constant 0 : i32
    %swap3A_179 = arith.index_cast %swap3A_178 : i32 to index
    %swap3A_180 = arith.constant 0 : index
    %swap3A_181 = tpu.vector_load %arg6[%swap3A_179, %swap3A_180] {strides = array<i32>} : memref<2x80xi32, #tpu.memory_space<vmem>>, vector<1x16xi32>,
    %swap3A_182 = vector.shape_cast %swap3A_181 : vector<1x16xi32> to vector<16xi32>
    %swap3A_183 = vector.shape_cast %select_n3A_177 : vector<16xi32> to vector<1x16xi32>
    tpu.vector_store %arg6[%swap3A_179, %swap3A_180], %swap3A_183 {strides = array<i32>} : memref<2x80xi32, #tpu.memory_space<vmem>>, vector<1x16xi32>,
    %get3A_184 = arith.constant 0 : i32
    %get3A_185 = arith.index_cast %get3A_184 : i32 to index
    %get3A_186 = arith.constant 16 : index
    %get3A_187 = tpu.vector_load %arg6[%get3A_185, %get3A_186] {strides = array<i32>} : memref<2x80xi32, #tpu.memory_space<vmem>>, vector<1x16xi32>,
    %get3A_188 = vector.shape_cast %get3A_187 : vector<1x16xi32> to vector<16xi32>
    %sub3A_189 = vector.broadcast %mul3A_2 : i32 to vector<16xi32>
    %sub3A_190 = arith.subi %get3A_188, %sub3A_189 : vector<16xi32>
    %lt3A_191 = arith.constant 0 : i32
    %lt3A_192 = vector.broadcast %lt3A_191 : i32 to vector<16xi32>
    %lt3A_193 = arith.cmpi slt, %sub3A_190, %lt3A_192 : vector<16xi32>
    %ge3A_194 = arith.constant 5120 : i32
    %ge3A_195 = vector.broadcast %ge3A_194 : i32 to vector<16xi32>
    %ge3A_196 = arith.cmpi sge, %sub3A_190, %ge3A_195 : vector<16xi32>
    %or3A_197 = arith.ori %lt3A_193, %ge3A_196 : vector<16xi1>
    %jit3A_198 = arith.constant 5120 : i32
    %broadcast_in_dim3A_199 = vector.broadcast %jit3A_198 : i32 to vector<16xi32>
    %select_n3A_200 = arith.select %or3A_197, %broadcast_in_dim3A_199, %sub3A_190 : vector<16xi1>, vector<16xi32>
    %swap3A_201 = arith.constant 0 : i32
    %swap3A_202 = arith.index_cast %swap3A_201 : i32 to index
    %swap3A_203 = arith.constant 16 : index
    %swap3A_204 = tpu.vector_load %arg6[%swap3A_202, %swap3A_203] {strides = array<i32>} : memref<2x80xi32, #tpu.memory_space<vmem>>, vector<1x16xi32>,
    %swap3A_205 = vector.shape_cast %swap3A_204 : vector<1x16xi32> to vector<16xi32>
    %swap3A_206 = vector.shape_cast %select_n3A_200 : vector<16xi32> to vector<1x16xi32>
    tpu.vector_store %arg6[%swap3A_202, %swap3A_203], %swap3A_206 {strides = array<i32>} : memref<2x80xi32, #tpu.memory_space<vmem>>, vector<1x16xi32>,
    %get3A_207 = arith.constant 0 : i32
    %get3A_208 = arith.index_cast %get3A_207 : i32 to index
    %get3A_209 = arith.constant 32 : index
    %get3A_210 = tpu.vector_load %arg6[%get3A_208, %get3A_209] {strides = array<i32>} : memref<2x80xi32, #tpu.memory_space<vmem>>, vector<1x16xi32>,
    %get3A_211 = vector.shape_cast %get3A_210 : vector<1x16xi32> to vector<16xi32>
    %sub3A_212 = vector.broadcast %mul3A_2 : i32 to vector<16xi32>
    %sub3A_213 = arith.subi %get3A_211, %sub3A_212 : vector<16xi32>
    %lt3A_214 = arith.constant 0 : i32
    %lt3A_215 = vector.broadcast %lt3A_214 : i32 to vector<16xi32>
    %lt3A_216 = arith.cmpi slt, %sub3A_213, %lt3A_215 : vector<16xi32>
    %ge3A_217 = arith.constant 5120 : i32
    %ge3A_218 = vector.broadcast %ge3A_217 : i32 to vector<16xi32>
    %ge3A_219 = arith.cmpi sge, %sub3A_213, %ge3A_218 : vector<16xi32>
    %or3A_220 = arith.ori %lt3A_216, %ge3A_219 : vector<16xi1>
    %jit3A_221 = arith.constant 5120 : i32
    %broadcast_in_dim3A_222 = vector.broadcast %jit3A_221 : i32 to vector<16xi32>
    %select_n3A_223 = arith.select %or3A_220, %broadcast_in_dim3A_222, %sub3A_213 : vector<16xi1>, vector<16xi32>
    %swap3A_224 = arith.constant 0 : i32
    %swap3A_225 = arith.index_cast %swap3A_224 : i32 to index
    %swap3A_226 = arith.constant 32 : index
    %swap3A_227 = tpu.vector_load %arg6[%swap3A_225, %swap3A_226] {strides = array<i32>} : memref<2x80xi32, #tpu.memory_space<vmem>>, vector<1x16xi32>,
    %swap3A_228 = vector.shape_cast %swap3A_227 : vector<1x16xi32> to vector<16xi32>
    %swap3A_229 = vector.shape_cast %select_n3A_223 : vector<16xi32> to vector<1x16xi32>
    tpu.vector_store %arg6[%swap3A_225, %swap3A_226], %swap3A_229 {strides = array<i32>} : memref<2x80xi32, #tpu.memory_space<vmem>>, vector<1x16xi32>,
    %get3A_230 = arith.constant 0 : i32
    %get3A_231 = arith.index_cast %get3A_230 : i32 to index
    %get3A_232 = arith.constant 48 : index
    %get3A_233 = tpu.vector_load %arg6[%get3A_231, %get3A_232] {strides = array<i32>} : memref<2x80xi32, #tpu.memory_space<vmem>>, vector<1x16xi32>,
    %get3A_234 = vector.shape_cast %get3A_233 : vector<1x16xi32> to vector<16xi32>
    %sub3A_235 = vector.broadcast %mul3A_2 : i32 to vector<16xi32>
    %sub3A_236 = arith.subi %get3A_234, %sub3A_235 : vector<16xi32>
    %lt3A_237 = arith.constant 0 : i32
    %lt3A_238 = vector.broadcast %lt3A_237 : i32 to vector<16xi32>
    %lt3A_239 = arith.cmpi slt, %sub3A_236, %lt3A_238 : vector<16xi32>
    %ge3A_240 = arith.constant 5120 : i32
    %ge3A_241 = vector.broadcast %ge3A_240 : i32 to vector<16xi32>
    %ge3A_242 = arith.cmpi sge, %sub3A_236, %ge3A_241 : vector<16xi32>
    %or3A_243 = arith.ori %lt3A_239, %ge3A_242 : vector<16xi1>
    %jit3A_244 = arith.constant 5120 : i32
    %broadcast_in_dim3A_245 = vector.broadcast %jit3A_244 : i32 to vector<16xi32>
    %select_n3A_246 = arith.select %or3A_243, %broadcast_in_dim3A_245, %sub3A_236 : vector<16xi1>, vector<16xi32>
    %swap3A_247 = arith.constant 0 : i32
    %swap3A_248 = arith.index_cast %swap3A_247 : i32 to index
    %swap3A_249 = arith.constant 48 : index
    %swap3A_250 = tpu.vector_load %arg6[%swap3A_248, %swap3A_249] {strides = array<i32>} : memref<2x80xi32, #tpu.memory_space<vmem>>, vector<1x16xi32>,
    %swap3A_251 = vector.shape_cast %swap3A_250 : vector<1x16xi32> to vector<16xi32>
    %swap3A_252 = vector.shape_cast %select_n3A_246 : vector<16xi32> to vector<1x16xi32>
    tpu.vector_store %arg6[%swap3A_248, %swap3A_249], %swap3A_252 {strides = array<i32>} : memref<2x80xi32, #tpu.memory_space<vmem>>, vector<1x16xi32>,
    %get3A_253 = arith.constant 0 : i32
    %get3A_254 = arith.index_cast %get3A_253 : i32 to index
    %get3A_255 = arith.constant 64 : index
    %get3A_256 = tpu.vector_load %arg6[%get3A_254, %get3A_255] {strides = array<i32>} : memref<2x80xi32, #tpu.memory_space<vmem>>, vector<1x16xi32>,
    %get3A_257 = vector.shape_cast %get3A_256 : vector<1x16xi32> to vector<16xi32>
    %sub3A_258 = vector.broadcast %mul3A_2 : i32 to vector<16xi32>
    %sub3A_259 = arith.subi %get3A_257, %sub3A_258 : vector<16xi32>
    %lt3A_260 = arith.constant 0 : i32
    %lt3A_261 = vector.broadcast %lt3A_260 : i32 to vector<16xi32>
    %lt3A_262 = arith.cmpi slt, %sub3A_259, %lt3A_261 : vector<16xi32>
    %ge3A_263 = arith.constant 5120 : i32
    %ge3A_264 = vector.broadcast %ge3A_263 : i32 to vector<16xi32>
    %ge3A_265 = arith.cmpi sge, %sub3A_259, %ge3A_264 : vector<16xi32>
    %or3A_266 = arith.ori %lt3A_262, %ge3A_265 : vector<16xi1>
    %jit3A_267 = arith.constant 5120 : i32
    %broadcast_in_dim3A_268 = vector.broadcast %jit3A_267 : i32 to vector<16xi32>
    %select_n3A_269 = arith.select %or3A_266, %broadcast_in_dim3A_268, %sub3A_259 : vector<16xi1>, vector<16xi32>
    %swap3A_270 = arith.constant 0 : i32
    %swap3A_271 = arith.index_cast %swap3A_270 : i32 to index
    %swap3A_272 = arith.constant 64 : index
    %swap3A_273 = tpu.vector_load %arg6[%swap3A_271, %swap3A_272] {strides = array<i32>} : memref<2x80xi32, #tpu.memory_space<vmem>>, vector<1x16xi32>,
    %swap3A_274 = vector.shape_cast %swap3A_273 : vector<1x16xi32> to vector<16xi32>
    %swap3A_275 = vector.shape_cast %select_n3A_269 : vector<16xi32> to vector<1x16xi32>
    tpu.vector_store %arg6[%swap3A_271, %swap3A_272], %swap3A_275 {strides = array<i32>} : memref<2x80xi32, #tpu.memory_space<vmem>>, vector<1x16xi32>,
    %scan3A_276 = arith.constant 0 : i32
    %scan3A_277 = arith.constant 0 : i32
    %scan3A_278 = arith.constant 125 : i32
    %scan3A_279 = arith.addi %scan3A_277, %scan3A_278 : i32
    %scan3A_280 = arith.constant 1 : i32
    scf.for %scan3A_302 = %scan3A_277 to %scan3A_279 step %scan3A_280  : i32 {
      %mul3A_303 = arith.constant 2 : i32
      %mul3A_304 = arith.muli %mul3A_303, %scan3A_302 : i32
      %dma_start3A = arith.constant 0 : i32
      %dma_start3A_305 = arith.constant 0 : i32
      %dma_start3A_306 = tpu.memref_slice %arg6[%dma_start3A, %dma_start3A_305] : memref<2x80xi32, #tpu.memory_space<vmem>> -> memref<1x80xi32, #tpu.memory_space<vmem>>
      %dma_start3A_307 = tpu.memref_squeeze %dma_start3A_306 : memref<1x80xi32, #tpu.memory_space<vmem>> -> memref<80xi32, #tpu.memory_space<vmem>>
      %dma_start3A_308 = arith.constant 0 : i32
      %dma_start3A_309 = arith.constant 0 : i32
      %dma_start3A_310 = tpu.memref_slice %arg10[%dma_start3A_308, %dma_start3A_309] : memref<5248x128xf32, #tpu.memory_space<vmem_shared>> -> memref<5248x128xf32, #tpu.memory_space<vmem_shared>>
      tpu.enqueue_indirect_dma source(%arg7 : memref<80x128xf32, #tpu.memory_space<vmem>>) target(%dma_start3A_310 : memref<5248x128xf32, #tpu.memory_space<vmem_shared>>) offsets(%dma_start3A_307 : memref<80xi32, #tpu.memory_space<vmem>>) semaphore(%arg11 : memref<!tpu.dma_semaphore, #tpu.memory_space<semaphore_mem>>) {add = true}
      %gt3A = arith.constant 0 : i32
      %gt3A_311 = arith.cmpi sgt, %scan3A_302, %gt3A : i32
      %convert_element_type3A = arith.extui %gt3A_311 : i1 to i32
      %cond3A = arith.constant 0 : i32
      %cond3A_312 = arith.cmpi ne, %convert_element_type3A, %cond3A : i32
      scf.if %cond3A_312 {
        %dma_wait3A_446 = arith.constant 1 : i32
        %dma_wait3A_447 = arith.constant 0 : i32
        %dma_wait3A_448 = tpu.memref_slice %arg6[%dma_wait3A_446, %dma_wait3A_447] : memref<2x80xi32, #tpu.memory_space<vmem>> -> memref<1x80xi32, #tpu.memory_space<vmem>>
        %dma_wait3A_449 = tpu.memref_squeeze %dma_wait3A_448 : memref<1x80xi32, #tpu.memory_space<vmem>> -> memref<80xi32, #tpu.memory_space<vmem>>
        %dma_wait3A_450 = arith.constant 0 : i32
        %dma_wait3A_451 = arith.constant 0 : i32
        %dma_wait3A_452 = tpu.memref_slice %arg10[%dma_wait3A_450, %dma_wait3A_451] : memref<5248x128xf32, #tpu.memory_space<vmem_shared>> -> memref<5248x128xf32, #tpu.memory_space<vmem_shared>>
        tpu.wait_indirect_dma semaphore(%arg12 : memref<!tpu.dma_semaphore, #tpu.memory_space<semaphore_mem>>) src(%arg8 : memref<80x128xf32, #tpu.memory_space<vmem>>) dst(%dma_wait3A_452 : memref<5248x128xf32, #tpu.memory_space<vmem_shared>>)
      } else {
      }
      %add3A_313 = arith.constant 1 : i32
      %add3A_314 = arith.addi %mul3A_304, %add3A_313 : i32
      %mul3A_315 = arith.constant 80 : i32
      %mul3A_316 = arith.muli %add3A_314, %mul3A_315 : i32
      %add3A_317 = arith.addi %mul3A_0, %mul3A_316 : i32
      %run_scoped3A_318 = arith.constant 1 : i32
      "tpu.region"() ({
        %run_scoped3A_446 = tpu.sem_alloc : memref<!tpu.dma_semaphore, #tpu.memory_space<semaphore_mem>>
        %dma_start3A_447 = arith.constant 0 : i32
        %dma_start3A_448 = tpu.memref_slice %arg6[%run_scoped3A_318, %dma_start3A_447] : memref<2x80xi32, #tpu.memory_space<vmem>> -> memref<1x80xi32, #tpu.memory_space<vmem>>
        %dma_start3A_449 = tpu.memref_squeeze %dma_start3A_448 : memref<1x80xi32, #tpu.memory_space<vmem>> -> memref<80xi32, #tpu.memory_space<vmem>>
        %dma_start3A_450 = tpu.memref_slice %arg3[%add3A_317] : memref<320000xi32, #tpu.memory_space<hbm>> -> memref<80xi32, #tpu.memory_space<hbm>>
        %dma_start3A_451 = arith.constant 0 : i32
        %dma_start3A_452 = tpu.memref_slice %arg6[%run_scoped3A_318, %dma_start3A_451] : memref<2x80xi32, #tpu.memory_space<vmem>> -> memref<1x80xi32, #tpu.memory_space<vmem>>
        %dma_start3A_453 = tpu.memref_squeeze %dma_start3A_452 : memref<1x80xi32, #tpu.memory_space<vmem>> -> memref<80xi32, #tpu.memory_space<vmem>>
        %dma_start3A_454 = tpu.memref_slice %arg3[%add3A_317] : memref<320000xi32, #tpu.memory_space<hbm>> -> memref<80xi32, #tpu.memory_space<hbm>>
        tpu.enqueue_dma source(%dma_start3A_454 : memref<80xi32, #tpu.memory_space<hbm>>) target(%dma_start3A_453 : memref<80xi32, #tpu.memory_space<vmem>>) target_semaphore(%run_scoped3A_446 : memref<!tpu.dma_semaphore, #tpu.memory_space<semaphore_mem>>)
        %dma_wait3A_455 = arith.constant 0 : i32
        %dma_wait3A_456 = tpu.memref_slice %arg6[%run_scoped3A_318, %dma_wait3A_455] : memref<2x80xi32, #tpu.memory_space<vmem>> -> memref<1x80xi32, #tpu.memory_space<vmem>>
        %dma_wait3A_457 = tpu.memref_squeeze %dma_wait3A_456 : memref<1x80xi32, #tpu.memory_space<vmem>> -> memref<80xi32, #tpu.memory_space<vmem>>
        %dma_wait3A_458 = tpu.memref_slice %arg3[%add3A_317] : memref<320000xi32, #tpu.memory_space<hbm>> -> memref<80xi32, #tpu.memory_space<hbm>>
        %dma_wait3A_459 = arith.constant 0 : i32
        %dma_wait3A_460 = tpu.memref_slice %arg6[%run_scoped3A_318, %dma_wait3A_459] : memref<2x80xi32, #tpu.memory_space<vmem>> -> memref<1x80xi32, #tpu.memory_space<vmem>>
        %dma_wait3A_461 = tpu.memref_squeeze %dma_wait3A_460 : memref<1x80xi32, #tpu.memory_space<vmem>> -> memref<80xi32, #tpu.memory_space<vmem>>
        %dma_wait3A_462 = tpu.memref_slice %arg3[%add3A_317] : memref<320000xi32, #tpu.memory_space<hbm>> -> memref<80xi32, #tpu.memory_space<hbm>>
        tpu.wait_dma2 semaphore(%run_scoped3A_446 : memref<!tpu.dma_semaphore, #tpu.memory_space<semaphore_mem>>) src(%dma_wait3A_462 : memref<80xi32, #tpu.memory_space<hbm>>) dst(%dma_wait3A_461 : memref<80xi32, #tpu.memory_space<vmem>>)
        tpu.yield
      }) : () -> ()
      %get3A_319 = arith.constant 1 : i32
      %get3A_320 = arith.index_cast %get3A_319 : i32 to index
      %get3A_321 = arith.constant 0 : index
      %get3A_322 = tpu.vector_load %arg6[%get3A_320, %get3A_321] {strides = array<i32>} : memref<2x80xi32, #tpu.memory_space<vmem>>, vector<1x16xi32>,
      %get3A_323 = vector.shape_cast %get3A_322 : vector<1x16xi32> to vector<16xi32>
      %sub3A_324 = vector.broadcast %mul3A_2 : i32 to vector<16xi32>
      %sub3A_325 = arith.subi %get3A_323, %sub3A_324 : vector<16xi32>
      %lt3A_326 = arith.constant 0 : i32
      %lt3A_327 = vector.broadcast %lt3A_326 : i32 to vector<16xi32>
      %lt3A_328 = arith.cmpi slt, %sub3A_325, %lt3A_327 : vector<16xi32>
      %ge3A_329 = arith.constant 5120 : i32
      %ge3A_330 = vector.broadcast %ge3A_329 : i32 to vector<16xi32>
      %ge3A_331 = arith.cmpi sge, %sub3A_325, %ge3A_330 : vector<16xi32>
      %or3A_332 = arith.ori %lt3A_328, %ge3A_331 : vector<16xi1>
      %jit3A_333 = arith.constant 5120 : i32
      %broadcast_in_dim3A_334 = vector.broadcast %jit3A_333 : i32 to vector<16xi32>
      %select_n3A_335 = arith.select %or3A_332, %broadcast_in_dim3A_334, %sub3A_325 : vector<16xi1>, vector<16xi32>
      %swap3A_336 = arith.constant 1 : i32
      %swap3A_337 = arith.index_cast %swap3A_336 : i32 to index
      %swap3A_338 = arith.constant 0 : index
      %swap3A_339 = tpu.vector_load %arg6[%swap3A_337, %swap3A_338] {strides = array<i32>} : memref<2x80xi32, #tpu.memory_space<vmem>>, vector<1x16xi32>,
      %swap3A_340 = vector.shape_cast %swap3A_339 : vector<1x16xi32> to vector<16xi32>
      %swap3A_341 = vector.shape_cast %select_n3A_335 : vector<16xi32> to vector<1x16xi32>
      tpu.vector_store %arg6[%swap3A_337, %swap3A_338], %swap3A_341 {strides = array<i32>} : memref<2x80xi32, #tpu.memory_space<vmem>>, vector<1x16xi32>,
      %get3A_342 = arith.constant 1 : i32
      %get3A_343 = arith.index_cast %get3A_342 : i32 to index
      %get3A_344 = arith.constant 16 : index
      %get3A_345 = tpu.vector_load %arg6[%get3A_343, %get3A_344] {strides = array<i32>} : memref<2x80xi32, #tpu.memory_space<vmem>>, vector<1x16xi32>,
      %get3A_346 = vector.shape_cast %get3A_345 : vector<1x16xi32> to vector<16xi32>
      %sub3A_347 = vector.broadcast %mul3A_2 : i32 to vector<16xi32>
      %sub3A_348 = arith.subi %get3A_346, %sub3A_347 : vector<16xi32>
      %lt3A_349 = arith.constant 0 : i32
      %lt3A_350 = vector.broadcast %lt3A_349 : i32 to vector<16xi32>
      %lt3A_351 = arith.cmpi slt, %sub3A_348, %lt3A_350 : vector<16xi32>
      %ge3A_352 = arith.constant 5120 : i32
      %ge3A_353 = vector.broadcast %ge3A_352 : i32 to vector<16xi32>
      %ge3A_354 = arith.cmpi sge, %sub3A_348, %ge3A_353 : vector<16xi32>
      %or3A_355 = arith.ori %lt3A_351, %ge3A_354 : vector<16xi1>
      %jit3A_356 = arith.constant 5120 : i32
      %broadcast_in_dim3A_357 = vector.broadcast %jit3A_356 : i32 to vector<16xi32>
      %select_n3A_358 = arith.select %or3A_355, %broadcast_in_dim3A_357, %sub3A_348 : vector<16xi1>, vector<16xi32>
      %swap3A_359 = arith.constant 1 : i32
      %swap3A_360 = arith.index_cast %swap3A_359 : i32 to index
      %swap3A_361 = arith.constant 16 : index
      %swap3A_362 = tpu.vector_load %arg6[%swap3A_360, %swap3A_361] {strides = array<i32>} : memref<2x80xi32, #tpu.memory_space<vmem>>, vector<1x16xi32>,
      %swap3A_363 = vector.shape_cast %swap3A_362 : vector<1x16xi32> to vector<16xi32>
      %swap3A_364 = vector.shape_cast %select_n3A_358 : vector<16xi32> to vector<1x16xi32>
      tpu.vector_store %arg6[%swap3A_360, %swap3A_361], %swap3A_364 {strides = array<i32>} : memref<2x80xi32, #tpu.memory_space<vmem>>, vector<1x16xi32>,
      %get3A_365 = arith.constant 1 : i32
      %get3A_366 = arith.index_cast %get3A_365 : i32 to index
      %get3A_367 = arith.constant 32 : index
      %get3A_368 = tpu.vector_load %arg6[%get3A_366, %get3A_367] {strides = array<i32>} : memref<2x80xi32, #tpu.memory_space<vmem>>, vector<1x16xi32>,
      %get3A_369 = vector.shape_cast %get3A_368 : vector<1x16xi32> to vector<16xi32>
      %sub3A_370 = vector.broadcast %mul3A_2 : i32 to vector<16xi32>
      %sub3A_371 = arith.subi %get3A_369, %sub3A_370 : vector<16xi32>
      %lt3A_372 = arith.constant 0 : i32
      %lt3A_373 = vector.broadcast %lt3A_372 : i32 to vector<16xi32>
      %lt3A_374 = arith.cmpi slt, %sub3A_371, %lt3A_373 : vector<16xi32>
      %ge3A_375 = arith.constant 5120 : i32
      %ge3A_376 = vector.broadcast %ge3A_375 : i32 to vector<16xi32>
      %ge3A_377 = arith.cmpi sge, %sub3A_371, %ge3A_376 : vector<16xi32>
      %or3A_378 = arith.ori %lt3A_374, %ge3A_377 : vector<16xi1>
      %jit3A_379 = arith.constant 5120 : i32
      %broadcast_in_dim3A_380 = vector.broadcast %jit3A_379 : i32 to vector<16xi32>
      %select_n3A_381 = arith.select %or3A_378, %broadcast_in_dim3A_380, %sub3A_371 : vector<16xi1>, vector<16xi32>
      %swap3A_382 = arith.constant 1 : i32
      %swap3A_383 = arith.index_cast %swap3A_382 : i32 to index
      %swap3A_384 = arith.constant 32 : index
      %swap3A_385 = tpu.vector_load %arg6[%swap3A_383, %swap3A_384] {strides = array<i32>} : memref<2x80xi32, #tpu.memory_space<vmem>>, vector<1x16xi32>,
      %swap3A_386 = vector.shape_cast %swap3A_385 : vector<1x16xi32> to vector<16xi32>
      %swap3A_387 = vector.shape_cast %select_n3A_381 : vector<16xi32> to vector<1x16xi32>
      tpu.vector_store %arg6[%swap3A_383, %swap3A_384], %swap3A_387 {strides = array<i32>} : memref<2x80xi32, #tpu.memory_space<vmem>>, vector<1x16xi32>,
      %get3A_388 = arith.constant 1 : i32
      %get3A_389 = arith.index_cast %get3A_388 : i32 to index
      %get3A_390 = arith.constant 48 : index
      %get3A_391 = tpu.vector_load %arg6[%get3A_389, %get3A_390] {strides = array<i32>} : memref<2x80xi32, #tpu.memory_space<vmem>>, vector<1x16xi32>,
      %get3A_392 = vector.shape_cast %get3A_391 : vector<1x16xi32> to vector<16xi32>
      %sub3A_393 = vector.broadcast %mul3A_2 : i32 to vector<16xi32>
      %sub3A_394 = arith.subi %get3A_392, %sub3A_393 : vector<16xi32>
      %lt3A_395 = arith.constant 0 : i32
      %lt3A_396 = vector.broadcast %lt3A_395 : i32 to vector<16xi32>
      %lt3A_397 = arith.cmpi slt, %sub3A_394, %lt3A_396 : vector<16xi32>
      %ge3A_398 = arith.constant 5120 : i32
      %ge3A_399 = vector.broadcast %ge3A_398 : i32 to vector<16xi32>
      %ge3A_400 = arith.cmpi sge, %sub3A_394, %ge3A_399 : vector<16xi32>
      %or3A_401 = arith.ori %lt3A_397, %ge3A_400 : vector<16xi1>
      %jit3A_402 = arith.constant 5120 : i32
      %broadcast_in_dim3A_403 = vector.broadcast %jit3A_402 : i32 to vector<16xi32>
      %select_n3A_404 = arith.select %or3A_401, %broadcast_in_dim3A_403, %sub3A_394 : vector<16xi1>, vector<16xi32>
      %swap3A_405 = arith.constant 1 : i32
      %swap3A_406 = arith.index_cast %swap3A_405 : i32 to index
      %swap3A_407 = arith.constant 48 : index
      %swap3A_408 = tpu.vector_load %arg6[%swap3A_406, %swap3A_407] {strides = array<i32>} : memref<2x80xi32, #tpu.memory_space<vmem>>, vector<1x16xi32>,
      %swap3A_409 = vector.shape_cast %swap3A_408 : vector<1x16xi32> to vector<16xi32>
      %swap3A_410 = vector.shape_cast %select_n3A_404 : vector<16xi32> to vector<1x16xi32>
      tpu.vector_store %arg6[%swap3A_406, %swap3A_407], %swap3A_410 {strides = array<i32>} : memref<2x80xi32, #tpu.memory_space<vmem>>, vector<1x16xi32>,
      %get3A_411 = arith.constant 1 : i32
      %get3A_412 = arith.index_cast %get3A_411 : i32 to index
      %get3A_413 = arith.constant 64 : index
      %get3A_414 = tpu.vector_load %arg6[%get3A_412, %get3A_413] {strides = array<i32>} : memref<2x80xi32, #tpu.memory_space<vmem>>, vector<1x16xi32>,
      %get3A_415 = vector.shape_cast %get3A_414 : vector<1x16xi32> to vector<16xi32>
      %sub3A_416 = vector.broadcast %mul3A_2 : i32 to vector<16xi32>
      %sub3A_417 = arith.subi %get3A_415, %sub3A_416 : vector<16xi32>
      %lt3A_418 = arith.constant 0 : i32
      %lt3A_419 = vector.broadcast %lt3A_418 : i32 to vector<16xi32>
      %lt3A_420 = arith.cmpi slt, %sub3A_417, %lt3A_419 : vector<16xi32>
      %ge3A_421 = arith.constant 5120 : i32
      %ge3A_422 = vector.broadcast %ge3A_421 : i32 to vector<16xi32>
      %ge3A_423 = arith.cmpi sge, %sub3A_417, %ge3A_422 : vector<16xi32>
      %or3A_424 = arith.ori %lt3A_420, %ge3A_423 : vector<16xi1>
      %jit3A_425 = arith.constant 5120 : i32
      %broadcast_in_dim3A_426 = vector.broadcast %jit3A_425 : i32 to vector<16xi32>
      %select_n3A_427 = arith.select %or3A_424, %broadcast_in_dim3A_426, %sub3A_417 : vector<16xi1>, vector<16xi32>
      %swap3A_428 = arith.constant 1 : i32
      %swap3A_429 = arith.index_cast %swap3A_428 : i32 to index
      %swap3A_430 = arith.constant 64 : index
      %swap3A_431 = tpu.vector_load %arg6[%swap3A_429, %swap3A_430] {strides = array<i32>} : memref<2x80xi32, #tpu.memory_space<vmem>>, vector<1x16xi32>,
      %swap3A_432 = vector.shape_cast %swap3A_431 : vector<1x16xi32> to vector<16xi32>
      %swap3A_433 = vector.shape_cast %select_n3A_427 : vector<16xi32> to vector<1x16xi32>
      tpu.vector_store %arg6[%swap3A_429, %swap3A_430], %swap3A_433 {strides = array<i32>} : memref<2x80xi32, #tpu.memory_space<vmem>>, vector<1x16xi32>,
      %dma_start3A_434 = arith.constant 1 : i32
      %dma_start3A_435 = arith.constant 0 : i32
      %dma_start3A_436 = tpu.memref_slice %arg6[%dma_start3A_434, %dma_start3A_435] : memref<2x80xi32, #tpu.memory_space<vmem>> -> memref<1x80xi32, #tpu.memory_space<vmem>>
      %dma_start3A_437 = tpu.memref_squeeze %dma_start3A_436 : memref<1x80xi32, #tpu.memory_space<vmem>> -> memref<80xi32, #tpu.memory_space<vmem>>
      %dma_start3A_438 = arith.constant 0 : i32
      %dma_start3A_439 = arith.constant 0 : i32
      %dma_start3A_440 = tpu.memref_slice %arg10[%dma_start3A_438, %dma_start3A_439] : memref<5248x128xf32, #tpu.memory_space<vmem_shared>> -> memref<5248x128xf32, #tpu.memory_space<vmem_shared>>
      tpu.enqueue_indirect_dma source(%arg8 : memref<80x128xf32, #tpu.memory_space<vmem>>) target(%dma_start3A_440 : memref<5248x128xf32, #tpu.memory_space<vmem_shared>>) offsets(%dma_start3A_437 : memref<80xi32, #tpu.memory_space<vmem>>) semaphore(%arg12 : memref<!tpu.dma_semaphore, #tpu.memory_space<semaphore_mem>>) {add = true}
      %lt3A_441 = arith.constant 124 : i32
      %lt3A_442 = arith.cmpi slt, %scan3A_302, %lt3A_441 : i32
      %convert_element_type3A_443 = arith.extui %lt3A_442 : i1 to i32
      %cond3A_444 = arith.constant 0 : i32
      %cond3A_445 = arith.cmpi ne, %convert_element_type3A_443, %cond3A_444 : i32
      scf.if %cond3A_445 {
        %dma_wait3A_446 = arith.constant 0 : i32
        %dma_wait3A_447 = arith.constant 0 : i32
        %dma_wait3A_448 = tpu.memref_slice %arg6[%dma_wait3A_446, %dma_wait3A_447] : memref<2x80xi32, #tpu.memory_space<vmem>> -> memref<1x80xi32, #tpu.memory_space<vmem>>
        %dma_wait3A_449 = tpu.memref_squeeze %dma_wait3A_448 : memref<1x80xi32, #tpu.memory_space<vmem>> -> memref<80xi32, #tpu.memory_space<vmem>>
        %dma_wait3A_450 = arith.constant 0 : i32
        %dma_wait3A_451 = arith.constant 0 : i32
        %dma_wait3A_452 = tpu.memref_slice %arg10[%dma_wait3A_450, %dma_wait3A_451] : memref<5248x128xf32, #tpu.memory_space<vmem_shared>> -> memref<5248x128xf32, #tpu.memory_space<vmem_shared>>
        tpu.wait_indirect_dma semaphore(%arg11 : memref<!tpu.dma_semaphore, #tpu.memory_space<semaphore_mem>>) src(%arg7 : memref<80x128xf32, #tpu.memory_space<vmem>>) dst(%dma_wait3A_452 : memref<5248x128xf32, #tpu.memory_space<vmem_shared>>)
        %add3A_453 = arith.constant 2 : i32
        %add3A_454 = arith.addi %mul3A_304, %add3A_453 : i32
        %mul3A_455 = arith.constant 80 : i32
        %mul3A_456 = arith.muli %add3A_454, %mul3A_455 : i32
        %add3A_457 = arith.addi %mul3A_0, %mul3A_456 : i32
        %run_scoped3A_458 = arith.constant 0 : i32
        "tpu.region"() ({
          %run_scoped3A_574 = tpu.sem_alloc : memref<!tpu.dma_semaphore, #tpu.memory_space<semaphore_mem>>
          %dma_start3A_575 = arith.constant 0 : i32
          %dma_start3A_576 = tpu.memref_slice %arg6[%run_scoped3A_458, %dma_start3A_575] : memref<2x80xi32, #tpu.memory_space<vmem>> -> memref<1x80xi32, #tpu.memory_space<vmem>>
          %dma_start3A_577 = tpu.memref_squeeze %dma_start3A_576 : memref<1x80xi32, #tpu.memory_space<vmem>> -> memref<80xi32, #tpu.memory_space<vmem>>
          %dma_start3A_578 = tpu.memref_slice %arg3[%add3A_457] : memref<320000xi32, #tpu.memory_space<hbm>> -> memref<80xi32, #tpu.memory_space<hbm>>
          %dma_start3A_579 = arith.constant 0 : i32
          %dma_start3A_580 = tpu.memref_slice %arg6[%run_scoped3A_458, %dma_start3A_579] : memref<2x80xi32, #tpu.memory_space<vmem>> -> memref<1x80xi32, #tpu.memory_space<vmem>>
          %dma_start3A_581 = tpu.memref_squeeze %dma_start3A_580 : memref<1x80xi32, #tpu.memory_space<vmem>> -> memref<80xi32, #tpu.memory_space<vmem>>
          %dma_start3A_582 = tpu.memref_slice %arg3[%add3A_457] : memref<320000xi32, #tpu.memory_space<hbm>> -> memref<80xi32, #tpu.memory_space<hbm>>
          tpu.enqueue_dma source(%dma_start3A_582 : memref<80xi32, #tpu.memory_space<hbm>>) target(%dma_start3A_581 : memref<80xi32, #tpu.memory_space<vmem>>) target_semaphore(%run_scoped3A_574 : memref<!tpu.dma_semaphore, #tpu.memory_space<semaphore_mem>>)
          %dma_wait3A_583 = arith.constant 0 : i32
          %dma_wait3A_584 = tpu.memref_slice %arg6[%run_scoped3A_458, %dma_wait3A_583] : memref<2x80xi32, #tpu.memory_space<vmem>> -> memref<1x80xi32, #tpu.memory_space<vmem>>
          %dma_wait3A_585 = tpu.memref_squeeze %dma_wait3A_584 : memref<1x80xi32, #tpu.memory_space<vmem>> -> memref<80xi32, #tpu.memory_space<vmem>>
          %dma_wait3A_586 = tpu.memref_slice %arg3[%add3A_457] : memref<320000xi32, #tpu.memory_space<hbm>> -> memref<80xi32, #tpu.memory_space<hbm>>
          %dma_wait3A_587 = arith.constant 0 : i32
          %dma_wait3A_588 = tpu.memref_slice %arg6[%run_scoped3A_458, %dma_wait3A_587] : memref<2x80xi32, #tpu.memory_space<vmem>> -> memref<1x80xi32, #tpu.memory_space<vmem>>
          %dma_wait3A_589 = tpu.memref_squeeze %dma_wait3A_588 : memref<1x80xi32, #tpu.memory_space<vmem>> -> memref<80xi32, #tpu.memory_space<vmem>>
          %dma_wait3A_590 = tpu.memref_slice %arg3[%add3A_457] : memref<320000xi32, #tpu.memory_space<hbm>> -> memref<80xi32, #tpu.memory_space<hbm>>
          tpu.wait_dma2 semaphore(%run_scoped3A_574 : memref<!tpu.dma_semaphore, #tpu.memory_space<semaphore_mem>>) src(%dma_wait3A_590 : memref<80xi32, #tpu.memory_space<hbm>>) dst(%dma_wait3A_589 : memref<80xi32, #tpu.memory_space<vmem>>)
          tpu.yield
        }) : () -> ()
        %get3A_459 = arith.constant 0 : i32
        %get3A_460 = arith.index_cast %get3A_459 : i32 to index
        %get3A_461 = arith.constant 0 : index
        %get3A_462 = tpu.vector_load %arg6[%get3A_460, %get3A_461] {strides = array<i32>} : memref<2x80xi32, #tpu.memory_space<vmem>>, vector<1x16xi32>,
        %get3A_463 = vector.shape_cast %get3A_462 : vector<1x16xi32> to vector<16xi32>
        %sub3A_464 = vector.broadcast %mul3A_2 : i32 to vector<16xi32>
        %sub3A_465 = arith.subi %get3A_463, %sub3A_464 : vector<16xi32>
        %lt3A_466 = arith.constant 0 : i32
        %lt3A_467 = vector.broadcast %lt3A_466 : i32 to vector<16xi32>
        %lt3A_468 = arith.cmpi slt, %sub3A_465, %lt3A_467 : vector<16xi32>
        %ge3A_469 = arith.constant 5120 : i32
        %ge3A_470 = vector.broadcast %ge3A_469 : i32 to vector<16xi32>
        %ge3A_471 = arith.cmpi sge, %sub3A_465, %ge3A_470 : vector<16xi32>
        %or3A_472 = arith.ori %lt3A_468, %ge3A_471 : vector<16xi1>
        %jit3A_473 = arith.constant 5120 : i32
        %broadcast_in_dim3A_474 = vector.broadcast %jit3A_473 : i32 to vector<16xi32>
        %select_n3A_475 = arith.select %or3A_472, %broadcast_in_dim3A_474, %sub3A_465 : vector<16xi1>, vector<16xi32>
        %swap3A_476 = arith.constant 0 : i32
        %swap3A_477 = arith.index_cast %swap3A_476 : i32 to index
        %swap3A_478 = arith.constant 0 : index
        %swap3A_479 = tpu.vector_load %arg6[%swap3A_477, %swap3A_478] {strides = array<i32>} : memref<2x80xi32, #tpu.memory_space<vmem>>, vector<1x16xi32>,
        %swap3A_480 = vector.shape_cast %swap3A_479 : vector<1x16xi32> to vector<16xi32>
        %swap3A_481 = vector.shape_cast %select_n3A_475 : vector<16xi32> to vector<1x16xi32>
        tpu.vector_store %arg6[%swap3A_477, %swap3A_478], %swap3A_481 {strides = array<i32>} : memref<2x80xi32, #tpu.memory_space<vmem>>, vector<1x16xi32>,
        %get3A_482 = arith.constant 0 : i32
        %get3A_483 = arith.index_cast %get3A_482 : i32 to index
        %get3A_484 = arith.constant 16 : index
        %get3A_485 = tpu.vector_load %arg6[%get3A_483, %get3A_484] {strides = array<i32>} : memref<2x80xi32, #tpu.memory_space<vmem>>, vector<1x16xi32>,
        %get3A_486 = vector.shape_cast %get3A_485 : vector<1x16xi32> to vector<16xi32>
        %sub3A_487 = vector.broadcast %mul3A_2 : i32 to vector<16xi32>
        %sub3A_488 = arith.subi %get3A_486, %sub3A_487 : vector<16xi32>
        %lt3A_489 = arith.constant 0 : i32
        %lt3A_490 = vector.broadcast %lt3A_489 : i32 to vector<16xi32>
        %lt3A_491 = arith.cmpi slt, %sub3A_488, %lt3A_490 : vector<16xi32>
        %ge3A_492 = arith.constant 5120 : i32
        %ge3A_493 = vector.broadcast %ge3A_492 : i32 to vector<16xi32>
        %ge3A_494 = arith.cmpi sge, %sub3A_488, %ge3A_493 : vector<16xi32>
        %or3A_495 = arith.ori %lt3A_491, %ge3A_494 : vector<16xi1>
        %jit3A_496 = arith.constant 5120 : i32
        %broadcast_in_dim3A_497 = vector.broadcast %jit3A_496 : i32 to vector<16xi32>
        %select_n3A_498 = arith.select %or3A_495, %broadcast_in_dim3A_497, %sub3A_488 : vector<16xi1>, vector<16xi32>
        %swap3A_499 = arith.constant 0 : i32
        %swap3A_500 = arith.index_cast %swap3A_499 : i32 to index
        %swap3A_501 = arith.constant 16 : index
        %swap3A_502 = tpu.vector_load %arg6[%swap3A_500, %swap3A_501] {strides = array<i32>} : memref<2x80xi32, #tpu.memory_space<vmem>>, vector<1x16xi32>,
        %swap3A_503 = vector.shape_cast %swap3A_502 : vector<1x16xi32> to vector<16xi32>
        %swap3A_504 = vector.shape_cast %select_n3A_498 : vector<16xi32> to vector<1x16xi32>
        tpu.vector_store %arg6[%swap3A_500, %swap3A_501], %swap3A_504 {strides = array<i32>} : memref<2x80xi32, #tpu.memory_space<vmem>>, vector<1x16xi32>,
        %get3A_505 = arith.constant 0 : i32
        %get3A_506 = arith.index_cast %get3A_505 : i32 to index
        %get3A_507 = arith.constant 32 : index
        %get3A_508 = tpu.vector_load %arg6[%get3A_506, %get3A_507] {strides = array<i32>} : memref<2x80xi32, #tpu.memory_space<vmem>>, vector<1x16xi32>,
        %get3A_509 = vector.shape_cast %get3A_508 : vector<1x16xi32> to vector<16xi32>
        %sub3A_510 = vector.broadcast %mul3A_2 : i32 to vector<16xi32>
        %sub3A_511 = arith.subi %get3A_509, %sub3A_510 : vector<16xi32>
        %lt3A_512 = arith.constant 0 : i32
        %lt3A_513 = vector.broadcast %lt3A_512 : i32 to vector<16xi32>
        %lt3A_514 = arith.cmpi slt, %sub3A_511, %lt3A_513 : vector<16xi32>
        %ge3A_515 = arith.constant 5120 : i32
        %ge3A_516 = vector.broadcast %ge3A_515 : i32 to vector<16xi32>
        %ge3A_517 = arith.cmpi sge, %sub3A_511, %ge3A_516 : vector<16xi32>
        %or3A_518 = arith.ori %lt3A_514, %ge3A_517 : vector<16xi1>
        %jit3A_519 = arith.constant 5120 : i32
        %broadcast_in_dim3A_520 = vector.broadcast %jit3A_519 : i32 to vector<16xi32>
        %select_n3A_521 = arith.select %or3A_518, %broadcast_in_dim3A_520, %sub3A_511 : vector<16xi1>, vector<16xi32>
        %swap3A_522 = arith.constant 0 : i32
        %swap3A_523 = arith.index_cast %swap3A_522 : i32 to index
        %swap3A_524 = arith.constant 32 : index
        %swap3A_525 = tpu.vector_load %arg6[%swap3A_523, %swap3A_524] {strides = array<i32>} : memref<2x80xi32, #tpu.memory_space<vmem>>, vector<1x16xi32>,
        %swap3A_526 = vector.shape_cast %swap3A_525 : vector<1x16xi32> to vector<16xi32>
        %swap3A_527 = vector.shape_cast %select_n3A_521 : vector<16xi32> to vector<1x16xi32>
        tpu.vector_store %arg6[%swap3A_523, %swap3A_524], %swap3A_527 {strides = array<i32>} : memref<2x80xi32, #tpu.memory_space<vmem>>, vector<1x16xi32>,
        %get3A_528 = arith.constant 0 : i32
        %get3A_529 = arith.index_cast %get3A_528 : i32 to index
        %get3A_530 = arith.constant 48 : index
        %get3A_531 = tpu.vector_load %arg6[%get3A_529, %get3A_530] {strides = array<i32>} : memref<2x80xi32, #tpu.memory_space<vmem>>, vector<1x16xi32>,
        %get3A_532 = vector.shape_cast %get3A_531 : vector<1x16xi32> to vector<16xi32>
        %sub3A_533 = vector.broadcast %mul3A_2 : i32 to vector<16xi32>
        %sub3A_534 = arith.subi %get3A_532, %sub3A_533 : vector<16xi32>
        %lt3A_535 = arith.constant 0 : i32
        %lt3A_536 = vector.broadcast %lt3A_535 : i32 to vector<16xi32>
        %lt3A_537 = arith.cmpi slt, %sub3A_534, %lt3A_536 : vector<16xi32>
        %ge3A_538 = arith.constant 5120 : i32
        %ge3A_539 = vector.broadcast %ge3A_538 : i32 to vector<16xi32>
        %ge3A_540 = arith.cmpi sge, %sub3A_534, %ge3A_539 : vector<16xi32>
        %or3A_541 = arith.ori %lt3A_537, %ge3A_540 : vector<16xi1>
        %jit3A_542 = arith.constant 5120 : i32
        %broadcast_in_dim3A_543 = vector.broadcast %jit3A_542 : i32 to vector<16xi32>
        %select_n3A_544 = arith.select %or3A_541, %broadcast_in_dim3A_543, %sub3A_534 : vector<16xi1>, vector<16xi32>
        %swap3A_545 = arith.constant 0 : i32
        %swap3A_546 = arith.index_cast %swap3A_545 : i32 to index
        %swap3A_547 = arith.constant 48 : index
        %swap3A_548 = tpu.vector_load %arg6[%swap3A_546, %swap3A_547] {strides = array<i32>} : memref<2x80xi32, #tpu.memory_space<vmem>>, vector<1x16xi32>,
        %swap3A_549 = vector.shape_cast %swap3A_548 : vector<1x16xi32> to vector<16xi32>
        %swap3A_550 = vector.shape_cast %select_n3A_544 : vector<16xi32> to vector<1x16xi32>
        tpu.vector_store %arg6[%swap3A_546, %swap3A_547], %swap3A_550 {strides = array<i32>} : memref<2x80xi32, #tpu.memory_space<vmem>>, vector<1x16xi32>,
        %get3A_551 = arith.constant 0 : i32
        %get3A_552 = arith.index_cast %get3A_551 : i32 to index
        %get3A_553 = arith.constant 64 : index
        %get3A_554 = tpu.vector_load %arg6[%get3A_552, %get3A_553] {strides = array<i32>} : memref<2x80xi32, #tpu.memory_space<vmem>>, vector<1x16xi32>,
        %get3A_555 = vector.shape_cast %get3A_554 : vector<1x16xi32> to vector<16xi32>
        %sub3A_556 = vector.broadcast %mul3A_2 : i32 to vector<16xi32>
        %sub3A_557 = arith.subi %get3A_555, %sub3A_556 : vector<16xi32>
        %lt3A_558 = arith.constant 0 : i32
        %lt3A_559 = vector.broadcast %lt3A_558 : i32 to vector<16xi32>
        %lt3A_560 = arith.cmpi slt, %sub3A_557, %lt3A_559 : vector<16xi32>
        %ge3A_561 = arith.constant 5120 : i32
        %ge3A_562 = vector.broadcast %ge3A_561 : i32 to vector<16xi32>
        %ge3A_563 = arith.cmpi sge, %sub3A_557, %ge3A_562 : vector<16xi32>
        %or3A_564 = arith.ori %lt3A_560, %ge3A_563 : vector<16xi1>
        %jit3A_565 = arith.constant 5120 : i32
        %broadcast_in_dim3A_566 = vector.broadcast %jit3A_565 : i32 to vector<16xi32>
        %select_n3A_567 = arith.select %or3A_564, %broadcast_in_dim3A_566, %sub3A_557 : vector<16xi1>, vector<16xi32>
        %swap3A_568 = arith.constant 0 : i32
        %swap3A_569 = arith.index_cast %swap3A_568 : i32 to index
        %swap3A_570 = arith.constant 64 : index
        %swap3A_571 = tpu.vector_load %arg6[%swap3A_569, %swap3A_570] {strides = array<i32>} : memref<2x80xi32, #tpu.memory_space<vmem>>, vector<1x16xi32>,
        %swap3A_572 = vector.shape_cast %swap3A_571 : vector<1x16xi32> to vector<16xi32>
        %swap3A_573 = vector.shape_cast %select_n3A_567 : vector<16xi32> to vector<1x16xi32>
        tpu.vector_store %arg6[%swap3A_569, %swap3A_570], %swap3A_573 {strides = array<i32>} : memref<2x80xi32, #tpu.memory_space<vmem>>, vector<1x16xi32>,
      } else {
      }
    }
    %scan3A_281 = arith.constant 125 : i32
    %dma_wait3A_282 = arith.constant 0 : i32
    %dma_wait3A_283 = arith.constant 0 : i32
    %dma_wait3A_284 = tpu.memref_slice %arg6[%dma_wait3A_282, %dma_wait3A_283] : memref<2x80xi32, #tpu.memory_space<vmem>> -> memref<1x80xi32, #tpu.memory_space<vmem>>
    %dma_wait3A_285 = tpu.memref_squeeze %dma_wait3A_284 : memref<1x80xi32, #tpu.memory_space<vmem>> -> memref<80xi32, #tpu.memory_space<vmem>>
    %dma_wait3A_286 = arith.constant 0 : i32
    %dma_wait3A_287 = arith.constant 0 : i32
    %dma_wait3A_288 = tpu.memref_slice %arg10[%dma_wait3A_286, %dma_wait3A_287] : memref<5248x128xf32, #tpu.memory_space<vmem_shared>> -> memref<5248x128xf32, #tpu.memory_space<vmem_shared>>
    tpu.wait_indirect_dma semaphore(%arg11 : memref<!tpu.dma_semaphore, #tpu.memory_space<semaphore_mem>>) src(%arg7 : memref<80x128xf32, #tpu.memory_space<vmem>>) dst(%dma_wait3A_288 : memref<5248x128xf32, #tpu.memory_space<vmem_shared>>)
    %dma_wait3A_289 = arith.constant 1 : i32
    %dma_wait3A_290 = arith.constant 0 : i32
    %dma_wait3A_291 = tpu.memref_slice %arg6[%dma_wait3A_289, %dma_wait3A_290] : memref<2x80xi32, #tpu.memory_space<vmem>> -> memref<1x80xi32, #tpu.memory_space<vmem>>
    %dma_wait3A_292 = tpu.memref_squeeze %dma_wait3A_291 : memref<1x80xi32, #tpu.memory_space<vmem>> -> memref<80xi32, #tpu.memory_space<vmem>>
    %dma_wait3A_293 = arith.constant 0 : i32
    %dma_wait3A_294 = arith.constant 0 : i32
    %dma_wait3A_295 = tpu.memref_slice %arg10[%dma_wait3A_293, %dma_wait3A_294] : memref<5248x128xf32, #tpu.memory_space<vmem_shared>> -> memref<5248x128xf32, #tpu.memory_space<vmem_shared>>
    tpu.wait_indirect_dma semaphore(%arg12 : memref<!tpu.dma_semaphore, #tpu.memory_space<semaphore_mem>>) src(%arg8 : memref<80x128xf32, #tpu.memory_space<vmem>>) dst(%dma_wait3A_295 : memref<5248x128xf32, #tpu.memory_space<vmem_shared>>)
    %barrier3A_296 = arith.constant 0 : index
    tpu.barrier barrier_id(%barrier3A_296)
    %mul3A_297 = arith.constant 320 : i32
    %mul3A_298 = arith.muli %arg1, %mul3A_297 : i32
    %mul3A_299 = arith.constant 320 : i32
    %mul3A_300 = arith.muli %arg1, %mul3A_299 : i32
    %add3A_301 = arith.addi %mul3A_2, %mul3A_300 : i32
    "tpu.region"() ({
      %run_scoped3A_302 = tpu.sem_alloc : memref<!tpu.dma_semaphore, #tpu.memory_space<semaphore_mem>>
      %dma_start3A = arith.constant 0 : i32
      %dma_start3A_303 = tpu.memref_slice %arg5[%add3A_301, %dma_start3A] : memref<10240x128xf32, #tpu.memory_space<hbm>> -> memref<320x128xf32, #tpu.memory_space<hbm>>
      %dma_start3A_304 = arith.constant 0 : i32
      %dma_start3A_305 = tpu.memref_slice %arg10[%mul3A_298, %dma_start3A_304] : memref<5248x128xf32, #tpu.memory_space<vmem_shared>> -> memref<320x128xf32, #tpu.memory_space<vmem_shared>>
      tpu.enqueue_dma source(%dma_start3A_305 : memref<320x128xf32, #tpu.memory_space<vmem_shared>>) target(%dma_start3A_303 : memref<320x128xf32, #tpu.memory_space<hbm>>) target_semaphore(%run_scoped3A_302 : memref<!tpu.dma_semaphore, #tpu.memory_space<semaphore_mem>>)
      %dma_wait3A_306 = arith.constant 0 : i32
      %dma_wait3A_307 = tpu.memref_slice %arg5[%add3A_301, %dma_wait3A_306] : memref<10240x128xf32, #tpu.memory_space<hbm>> -> memref<320x128xf32, #tpu.memory_space<hbm>>
      %dma_wait3A_308 = arith.constant 0 : i32
      %dma_wait3A_309 = tpu.memref_slice %arg10[%mul3A_298, %dma_wait3A_308] : memref<5248x128xf32, #tpu.memory_space<vmem_shared>> -> memref<320x128xf32, #tpu.memory_space<vmem_shared>>
      tpu.wait_dma2 semaphore(%run_scoped3A_302 : memref<!tpu.dma_semaphore, #tpu.memory_space<semaphore_mem>>) src(%dma_wait3A_309 : memref<320x128xf32, #tpu.memory_space<vmem_shared>>) dst(%dma_wait3A_307 : memref<320x128xf32, #tpu.memory_space<hbm>>)
      tpu.yield
    }) : () -> ()
    return
  }
}

module attributes {stable_mosaic.version = 14 : i64} {
  func.func @_edge1_body(%arg0: i32, %arg1: memref<2000x2xf32, #tpu.memory_space<vmem>>, %arg2: memref<2000x128xf32, #tpu.memory_space<vmem>>, %arg3: memref<2000x128xf32, #tpu.memory_space<vmem>>, %arg4: memref<2x128xf32, #tpu.memory_space<vmem>>, %arg5: memref<1x128xf32, #tpu.memory_space<vmem>>, %arg6: memref<128x128xf32, #tpu.memory_space<vmem>>, %arg7: memref<1x128xf32, #tpu.memory_space<vmem>>, %arg8: memref<128x128xf32, #tpu.memory_space<vmem>>, %arg9: memref<1x128xf32, #tpu.memory_space<vmem>>, %arg10: memref<2000x128xf32, #tpu.memory_space<vmem>>, %arg11: memref<2000x128xf32, #tpu.memory_space<vmem>>) attributes {dimension_semantics = [#tpu.dimension_semantics<arbitrary>], iteration_bounds = array<i64: 160>, scalar_prefetch = 0 : i64, scratch_operands = 0 : i64, tpu.core_type = #tpu.core_type<tc>, window_params = [{transform_indices = @transform_0, window_bounds = array<i64: 2000, 2>}, {transform_indices = @transform_1, window_bounds = array<i64: 2000, 128>}, {transform_indices = @transform_2, window_bounds = array<i64: 2000, 128>}, {pipeline_mode = #tpu.pipeline_mode<synchronous>, transform_indices = @transform_3, window_bounds = array<i64: 2, 128>}, {pipeline_mode = #tpu.pipeline_mode<synchronous>, transform_indices = @transform_4, window_bounds = array<i64: 1, 128>}, {pipeline_mode = #tpu.pipeline_mode<synchronous>, transform_indices = @transform_5, window_bounds = array<i64: 128, 128>}, {pipeline_mode = #tpu.pipeline_mode<synchronous>, transform_indices = @transform_6, window_bounds = array<i64: 1, 128>}, {pipeline_mode = #tpu.pipeline_mode<synchronous>, transform_indices = @transform_7, window_bounds = array<i64: 128, 128>}, {pipeline_mode = #tpu.pipeline_mode<synchronous>, transform_indices = @transform_8, window_bounds = array<i64: 1, 128>}, {transform_indices = @transform_9, window_bounds = array<i64: 2000, 128>}, {transform_indices = @transform_10, window_bounds = array<i64: 2000, 128>}]} {
    %get3A = arith.constant 0 : index
    %get3A_0 = arith.constant 0 : index
    %get3A_1 = vector.load %arg1[%get3A, %get3A_0] : memref<2000x2xf32, #tpu.memory_space<vmem>>, vector<2000x2xf32>
    %get3A_2 = arith.constant 0 : index
    %get3A_3 = arith.constant 0 : index
    %get3A_4 = vector.load %arg4[%get3A_2, %get3A_3] : memref<2x128xf32, #tpu.memory_space<vmem>>, vector<2x128xf32>
    %slice3A = vector.extract_strided_slice %get3A_1 {offsets = [0, 0], sizes = [2000, 1], strides = [1, 1]} : vector<2000x2xf32> to vector<2000x1xf32>
    %slice3A_5 = vector.extract_strided_slice %get3A_4 {offsets = [0, 0], sizes = [1, 128], strides = [1, 1]} : vector<2x128xf32> to vector<1x128xf32>
    %mul3A = vector.broadcast %slice3A : vector<2000x1xf32> to vector<2000x128xf32>
    %mul3A_6 = vector.broadcast %slice3A_5 : vector<1x128xf32> to vector<2000x128xf32>
    %mul3A_7 = arith.mulf %mul3A, %mul3A_6 : vector<2000x128xf32>
    %slice3A_8 = vector.extract_strided_slice %get3A_1 {offsets = [0, 1], sizes = [2000, 1], strides = [1, 1]} : vector<2000x2xf32> to vector<2000x1xf32>
    %slice3A_9 = vector.extract_strided_slice %get3A_4 {offsets = [1, 0], sizes = [1, 128], strides = [1, 1]} : vector<2x128xf32> to vector<1x128xf32>
    %mul3A_10 = vector.broadcast %slice3A_8 : vector<2000x1xf32> to vector<2000x128xf32>
    %mul3A_11 = vector.broadcast %slice3A_9 : vector<1x128xf32> to vector<2000x128xf32>
    %mul3A_12 = arith.mulf %mul3A_10, %mul3A_11 : vector<2000x128xf32>
    %add3A = arith.addf %mul3A_7, %mul3A_12 : vector<2000x128xf32>
    %get3A_13 = arith.constant 0 : index
    %get3A_14 = arith.constant 0 : index
    %get3A_15 = vector.load %arg5[%get3A_13, %get3A_14] : memref<1x128xf32, #tpu.memory_space<vmem>>, vector<1x128xf32>
    %add3A_16 = vector.broadcast %get3A_15 : vector<1x128xf32> to vector<2000x128xf32>
    %add3A_17 = arith.addf %add3A, %add3A_16 : vector<2000x128xf32>
    %get3A_18 = arith.constant 0 : index
    %get3A_19 = arith.constant 0 : index
    %get3A_20 = vector.load %arg2[%get3A_18, %get3A_19] : memref<2000x128xf32, #tpu.memory_space<vmem>>, vector<2000x128xf32>
    %get3A_21 = arith.constant 0 : index
    %get3A_22 = arith.constant 0 : index
    %get3A_23 = vector.load %arg3[%get3A_21, %get3A_22] : memref<2000x128xf32, #tpu.memory_space<vmem>>, vector<2000x128xf32>
    %get3A_24 = arith.constant 0 : index
    %get3A_25 = arith.constant 0 : index
    %get3A_26 = vector.load %arg6[%get3A_24, %get3A_25] : memref<128x128xf32, #tpu.memory_space<vmem>>, vector<128x128xf32>
    %get3A_27 = arith.constant 0 : index
    %get3A_28 = arith.constant 0 : index
    %get3A_29 = vector.load %arg7[%get3A_27, %get3A_28] : memref<1x128xf32, #tpu.memory_space<vmem>>, vector<1x128xf32>
    %get3A_30 = arith.constant 0 : index
    %get3A_31 = arith.constant 0 : index
    %get3A_32 = vector.load %arg8[%get3A_30, %get3A_31] : memref<128x128xf32, #tpu.memory_space<vmem>>, vector<128x128xf32>
    %get3A_33 = arith.constant 0 : index
    %get3A_34 = arith.constant 0 : index
    %get3A_35 = vector.load %arg9[%get3A_33, %get3A_34] : memref<1x128xf32, #tpu.memory_space<vmem>>, vector<1x128xf32>
    %mul3A_36 = arith.mulf %get3A_20, %get3A_20 : vector<2000x128xf32>
    %reduce_sum3A = arith.constant dense<0.000000e+00> : vector<2000xf32>
    %reduce_sum3A_37 = vector.multi_reduction <add>, %mul3A_36, %reduce_sum3A [1] : vector<2000x128xf32> to vector<2000xf32>
    %broadcast_in_dim3A = vector.shape_cast %reduce_sum3A_37 : vector<2000xf32> to vector<2000x1xf32>
    %sqrt3A = math.sqrt %broadcast_in_dim3A : vector<2000x1xf32>
    %max3A = arith.constant 9.99999996E-13 : f32
    %max3A_38 = vector.broadcast %max3A : f32 to vector<2000x1xf32>
    %max3A_39 = arith.maximumf %sqrt3A, %max3A_38 : vector<2000x1xf32>
    %mul3A_40 = arith.mulf %get3A_23, %get3A_23 : vector<2000x128xf32>
    %reduce_sum3A_41 = arith.constant dense<0.000000e+00> : vector<2000xf32>
    %reduce_sum3A_42 = vector.multi_reduction <add>, %mul3A_40, %reduce_sum3A_41 [1] : vector<2000x128xf32> to vector<2000xf32>
    %broadcast_in_dim3A_43 = vector.shape_cast %reduce_sum3A_42 : vector<2000xf32> to vector<2000x1xf32>
    %sqrt3A_44 = math.sqrt %broadcast_in_dim3A_43 : vector<2000x1xf32>
    %max3A_45 = arith.constant 9.99999996E-13 : f32
    %max3A_46 = vector.broadcast %max3A_45 : f32 to vector<2000x1xf32>
    %max3A_47 = arith.maximumf %sqrt3A_44, %max3A_46 : vector<2000x1xf32>
    %mul3A_48 = arith.mulf %get3A_20, %get3A_23 : vector<2000x128xf32>
    %reduce_sum3A_49 = arith.constant dense<0.000000e+00> : vector<2000xf32>
    %reduce_sum3A_50 = vector.multi_reduction <add>, %mul3A_48, %reduce_sum3A_49 [1] : vector<2000x128xf32> to vector<2000xf32>
    %broadcast_in_dim3A_51 = vector.shape_cast %reduce_sum3A_50 : vector<2000xf32> to vector<2000x1xf32>
    %mul3A_52 = arith.mulf %max3A_39, %max3A_47 : vector<2000x1xf32>
    %div3A = arith.divf %broadcast_in_dim3A_51, %mul3A_52 : vector<2000x1xf32>
    %mul3A_53 = vector.broadcast %div3A : vector<2000x1xf32> to vector<2000x128xf32>
    %mul3A_54 = arith.mulf %mul3A_53, %add3A_17 : vector<2000x128xf32>
    %mul3A_55 = arith.mulf %mul3A_54, %get3A_20 : vector<2000x128xf32>
    %convert_element_type3A = arith.truncf %mul3A_55 : vector<2000x128xf32> to vector<2000x128xbf16>
    %convert_element_type3A_56 = arith.truncf %get3A_26 : vector<128x128xf32> to vector<128x128xbf16>
    %dot_general3A = arith.constant dense<0.000000e+00> : vector<2000x128xf32>
    %dot_general3A_57 = tpu.matmul %convert_element_type3A, %convert_element_type3A_56, %dot_general3A {dimension_numbers = #tpu.dot_dimension_numbers<[1], [0], [0], [1], [0, 0, 1, 1], [], []>, transpose_lhs_hint = false} : vector<2000x128xbf16>, vector<128x128xbf16>, vector<2000x128xf32> -> vector<2000x128xf32>
    %add3A_58 = vector.broadcast %get3A_29 : vector<1x128xf32> to vector<2000x128xf32>
    %add3A_59 = arith.addf %dot_general3A_57, %add3A_58 : vector<2000x128xf32>
    %max3A_60 = arith.constant 0.000000e+00 : f32
    %max3A_61 = vector.broadcast %max3A_60 : f32 to vector<2000x128xf32>
    %max3A_62 = arith.maximumf %add3A_59, %max3A_61 : vector<2000x128xf32>
    %convert_element_type3A_63 = arith.truncf %max3A_62 : vector<2000x128xf32> to vector<2000x128xbf16>
    %convert_element_type3A_64 = arith.truncf %get3A_32 : vector<128x128xf32> to vector<128x128xbf16>
    %dot_general3A_65 = arith.constant dense<0.000000e+00> : vector<2000x128xf32>
    %dot_general3A_66 = tpu.matmul %convert_element_type3A_63, %convert_element_type3A_64, %dot_general3A_65 {dimension_numbers = #tpu.dot_dimension_numbers<[1], [0], [0], [1], [0, 0, 1, 1], [], []>, transpose_lhs_hint = false} : vector<2000x128xbf16>, vector<128x128xbf16>, vector<2000x128xf32> -> vector<2000x128xf32>
    %add3A_67 = vector.broadcast %get3A_35 : vector<1x128xf32> to vector<2000x128xf32>
    %add3A_68 = arith.addf %dot_general3A_66, %add3A_67 : vector<2000x128xf32>
    %max3A_69 = arith.constant 0.000000e+00 : f32
    %max3A_70 = vector.broadcast %max3A_69 : f32 to vector<2000x128xf32>
    %max3A_71 = arith.maximumf %add3A_68, %max3A_70 : vector<2000x128xf32>
    %swap3A = arith.constant 0 : index
    %swap3A_72 = arith.constant 0 : index
    %swap3A_73 = vector.load %arg10[%swap3A, %swap3A_72] : memref<2000x128xf32, #tpu.memory_space<vmem>>, vector<2000x128xf32>
    tpu.vector_store %arg10[%swap3A, %swap3A_72], %max3A_71 {strides = array<i32>} : memref<2000x128xf32, #tpu.memory_space<vmem>>, vector<2000x128xf32>,
    %swap3A_74 = arith.constant 0 : index
    %swap3A_75 = arith.constant 0 : index
    %swap3A_76 = vector.load %arg11[%swap3A_74, %swap3A_75] : memref<2000x128xf32, #tpu.memory_space<vmem>>, vector<2000x128xf32>
    tpu.vector_store %arg11[%swap3A_74, %swap3A_75], %add3A_17 {strides = array<i32>} : memref<2000x128xf32, #tpu.memory_space<vmem>>, vector<2000x128xf32>,
    return
  }
  func.func @transform_0(%arg0: i32) -> (i32, i32) {
    %c0_i32 = arith.constant 0 : i32
    %c0_i32_0 = arith.constant 0 : i32
    return %arg0, %c0_i32 : i32, i32
  }
  func.func @transform_1(%arg0: i32) -> (i32, i32) {
    %c0_i32 = arith.constant 0 : i32
    %c0_i32_0 = arith.constant 0 : i32
    return %arg0, %c0_i32 : i32, i32
  }
  func.func @transform_2(%arg0: i32) -> (i32, i32) {
    %c0_i32 = arith.constant 0 : i32
    %c0_i32_0 = arith.constant 0 : i32
    return %arg0, %c0_i32 : i32, i32
  }
  func.func @transform_3(%arg0: i32) -> (i32, i32) {
    %c0_i32 = arith.constant 0 : i32
    %c0_i32_0 = arith.constant 0 : i32
    %c0_i32_1 = arith.constant 0 : i32
    return %c0_i32, %c0_i32_0 : i32, i32
  }
  func.func @transform_4(%arg0: i32) -> (i32, i32) {
    %c0_i32 = arith.constant 0 : i32
    %c0_i32_0 = arith.constant 0 : i32
    %c0_i32_1 = arith.constant 0 : i32
    return %c0_i32, %c0_i32_0 : i32, i32
  }
  func.func @transform_5(%arg0: i32) -> (i32, i32) {
    %c0_i32 = arith.constant 0 : i32
    %c0_i32_0 = arith.constant 0 : i32
    %c0_i32_1 = arith.constant 0 : i32
    return %c0_i32, %c0_i32_0 : i32, i32
  }
  func.func @transform_6(%arg0: i32) -> (i32, i32) {
    %c0_i32 = arith.constant 0 : i32
    %c0_i32_0 = arith.constant 0 : i32
    %c0_i32_1 = arith.constant 0 : i32
    return %c0_i32, %c0_i32_0 : i32, i32
  }
  func.func @transform_7(%arg0: i32) -> (i32, i32) {
    %c0_i32 = arith.constant 0 : i32
    %c0_i32_0 = arith.constant 0 : i32
    %c0_i32_1 = arith.constant 0 : i32
    return %c0_i32, %c0_i32_0 : i32, i32
  }
  func.func @transform_8(%arg0: i32) -> (i32, i32) {
    %c0_i32 = arith.constant 0 : i32
    %c0_i32_0 = arith.constant 0 : i32
    %c0_i32_1 = arith.constant 0 : i32
    return %c0_i32, %c0_i32_0 : i32, i32
  }
  func.func @transform_9(%arg0: i32) -> (i32, i32) {
    %c0_i32 = arith.constant 0 : i32
    %c0_i32_0 = arith.constant 0 : i32
    return %arg0, %c0_i32 : i32, i32
  }
  func.func @transform_10(%arg0: i32) -> (i32, i32) {
    %c0_i32 = arith.constant 0 : i32
    %c0_i32_0 = arith.constant 0 : i32
    return %arg0, %c0_i32 : i32, i32
  }
}

module attributes {stable_mosaic.version = 14 : i64} {
  func.func @_node1_body(%arg0: i32, %arg1: memref<640x128xf32, #tpu.memory_space<vmem>>, %arg2: memref<640x128xf32, #tpu.memory_space<vmem>>, %arg3: memref<640x128xf32, #tpu.memory_space<vmem>>, %arg4: memref<128x256xf32, #tpu.memory_space<vmem>>, %arg5: memref<128x256xf32, #tpu.memory_space<vmem>>, %arg6: memref<1x256xf32, #tpu.memory_space<vmem>>, %arg7: memref<640x256xf32, #tpu.memory_space<vmem>>) attributes {dimension_semantics = [#tpu.dimension_semantics<arbitrary>], iteration_bounds = array<i64: 16>, scalar_prefetch = 0 : i64, scratch_operands = 0 : i64, tpu.core_type = #tpu.core_type<tc>, window_params = [{transform_indices = @transform_0, window_bounds = array<i64: 640, 128>}, {transform_indices = @transform_1, window_bounds = array<i64: 640, 128>}, {transform_indices = @transform_2, window_bounds = array<i64: 640, 128>}, {pipeline_mode = #tpu.pipeline_mode<synchronous>, transform_indices = @transform_3, window_bounds = array<i64: 128, 256>}, {pipeline_mode = #tpu.pipeline_mode<synchronous>, transform_indices = @transform_4, window_bounds = array<i64: 128, 256>}, {pipeline_mode = #tpu.pipeline_mode<synchronous>, transform_indices = @transform_5, window_bounds = array<i64: 1, 256>}, {transform_indices = @transform_6, window_bounds = array<i64: 640, 256>}]} {
    %get3A = arith.constant 0 : index
    %get3A_0 = arith.constant 0 : index
    %get3A_1 = vector.load %arg2[%get3A, %get3A_0] : memref<640x128xf32, #tpu.memory_space<vmem>>, vector<640x128xf32>
    %get3A_2 = arith.constant 0 : index
    %get3A_3 = arith.constant 0 : index
    %get3A_4 = vector.load %arg3[%get3A_2, %get3A_3] : memref<640x128xf32, #tpu.memory_space<vmem>>, vector<640x1xf32>
    %max3A = arith.constant 1.000000e+00 : f32
    %max3A_5 = vector.broadcast %max3A : f32 to vector<640x1xf32>
    %max3A_6 = arith.maximumf %get3A_4, %max3A_5 : vector<640x1xf32>
    %div3A = vector.broadcast %max3A_6 : vector<640x1xf32> to vector<640x128xf32>
    %div3A_7 = arith.divf %get3A_1, %div3A : vector<640x128xf32>
    %get3A_8 = arith.constant 0 : index
    %get3A_9 = arith.constant 0 : index
    %get3A_10 = vector.load %arg1[%get3A_8, %get3A_9] : memref<640x128xf32, #tpu.memory_space<vmem>>, vector<640x128xf32>
    %get3A_11 = arith.constant 0 : index
    %get3A_12 = arith.constant 0 : index
    %get3A_13 = vector.load %arg4[%get3A_11, %get3A_12] : memref<128x256xf32, #tpu.memory_space<vmem>>, vector<128x256xf32>
    %convert_element_type3A = arith.truncf %get3A_10 : vector<640x128xf32> to vector<640x128xbf16>
    %convert_element_type3A_14 = arith.truncf %get3A_13 : vector<128x256xf32> to vector<128x256xbf16>
    %dot_general3A = arith.constant dense<0.000000e+00> : vector<640x256xf32>
    %dot_general3A_15 = tpu.matmul %convert_element_type3A, %convert_element_type3A_14, %dot_general3A {dimension_numbers = #tpu.dot_dimension_numbers<[1], [0], [0], [1], [0, 0, 1, 1], [], []>, transpose_lhs_hint = false} : vector<640x128xbf16>, vector<128x256xbf16>, vector<640x256xf32> -> vector<640x256xf32>
    %get3A_16 = arith.constant 0 : index
    %get3A_17 = arith.constant 0 : index
    %get3A_18 = vector.load %arg5[%get3A_16, %get3A_17] : memref<128x256xf32, #tpu.memory_space<vmem>>, vector<128x256xf32>
    %convert_element_type3A_19 = arith.truncf %div3A_7 : vector<640x128xf32> to vector<640x128xbf16>
    %convert_element_type3A_20 = arith.truncf %get3A_18 : vector<128x256xf32> to vector<128x256xbf16>
    %dot_general3A_21 = arith.constant dense<0.000000e+00> : vector<640x256xf32>
    %dot_general3A_22 = tpu.matmul %convert_element_type3A_19, %convert_element_type3A_20, %dot_general3A_21 {dimension_numbers = #tpu.dot_dimension_numbers<[1], [0], [0], [1], [0, 0, 1, 1], [], []>, transpose_lhs_hint = false} : vector<640x128xbf16>, vector<128x256xbf16>, vector<640x256xf32> -> vector<640x256xf32>
    %add3A = arith.addf %dot_general3A_15, %dot_general3A_22 : vector<640x256xf32>
    %get3A_23 = arith.constant 0 : index
    %get3A_24 = arith.constant 0 : index
    %get3A_25 = vector.load %arg6[%get3A_23, %get3A_24] : memref<1x256xf32, #tpu.memory_space<vmem>>, vector<1x256xf32>
    %add3A_26 = vector.broadcast %get3A_25 : vector<1x256xf32> to vector<640x256xf32>
    %add3A_27 = arith.addf %add3A, %add3A_26 : vector<640x256xf32>
    %max3A_28 = arith.constant 0.000000e+00 : f32
    %max3A_29 = vector.broadcast %max3A_28 : f32 to vector<640x256xf32>
    %max3A_30 = arith.maximumf %add3A_27, %max3A_29 : vector<640x256xf32>
    %swap3A = arith.constant 0 : index
    %swap3A_31 = arith.constant 0 : index
    %swap3A_32 = vector.load %arg7[%swap3A, %swap3A_31] : memref<640x256xf32, #tpu.memory_space<vmem>>, vector<640x256xf32>
    tpu.vector_store %arg7[%swap3A, %swap3A_31], %max3A_30 {strides = array<i32>} : memref<640x256xf32, #tpu.memory_space<vmem>>, vector<640x256xf32>,
    return
  }
  func.func @transform_0(%arg0: i32) -> (i32, i32) {
    %c0_i32 = arith.constant 0 : i32
    %c0_i32_0 = arith.constant 0 : i32
    return %arg0, %c0_i32 : i32, i32
  }
  func.func @transform_1(%arg0: i32) -> (i32, i32) {
    %c0_i32 = arith.constant 0 : i32
    %c0_i32_0 = arith.constant 0 : i32
    return %arg0, %c0_i32 : i32, i32
  }
  func.func @transform_2(%arg0: i32) -> (i32, i32) {
    %c0_i32 = arith.constant 0 : i32
    %c0_i32_0 = arith.constant 0 : i32
    return %arg0, %c0_i32 : i32, i32
  }
  func.func @transform_3(%arg0: i32) -> (i32, i32) {
    %c0_i32 = arith.constant 0 : i32
    %c0_i32_0 = arith.constant 0 : i32
    %c0_i32_1 = arith.constant 0 : i32
    return %c0_i32, %c0_i32_0 : i32, i32
  }
  func.func @transform_4(%arg0: i32) -> (i32, i32) {
    %c0_i32 = arith.constant 0 : i32
    %c0_i32_0 = arith.constant 0 : i32
    %c0_i32_1 = arith.constant 0 : i32
    return %c0_i32, %c0_i32_0 : i32, i32
  }
  func.func @transform_5(%arg0: i32) -> (i32, i32) {
    %c0_i32 = arith.constant 0 : i32
    %c0_i32_0 = arith.constant 0 : i32
    %c0_i32_1 = arith.constant 0 : i32
    return %c0_i32, %c0_i32_0 : i32, i32
  }
  func.func @transform_6(%arg0: i32) -> (i32, i32) {
    %c0_i32 = arith.constant 0 : i32
    %c0_i32_0 = arith.constant 0 : i32
    return %arg0, %c0_i32 : i32, i32
  }
}

module attributes {stable_mosaic.version = 14 : i64} {
  func.func @_edge2_body(%arg0: i32, %arg1: memref<2000x128xf32, #tpu.memory_space<vmem>>, %arg2: memref<2000x256xf32, #tpu.memory_space<vmem>>, %arg3: memref<2000x256xf32, #tpu.memory_space<vmem>>, %arg4: memref<128x256xf32, #tpu.memory_space<vmem>>, %arg5: memref<1x256xf32, #tpu.memory_space<vmem>>, %arg6: memref<256x256xf32, #tpu.memory_space<vmem>>, %arg7: memref<1x256xf32, #tpu.memory_space<vmem>>, %arg8: memref<256x256xf32, #tpu.memory_space<vmem>>, %arg9: memref<1x256xf32, #tpu.memory_space<vmem>>, %arg10: memref<256x128xf32, #tpu.memory_space<vmem>>, %arg11: memref<2000x128xf32, #tpu.memory_space<vmem>>) attributes {dimension_semantics = [#tpu.dimension_semantics<arbitrary>], iteration_bounds = array<i64: 160>, scalar_prefetch = 0 : i64, scratch_operands = 0 : i64, tpu.core_type = #tpu.core_type<tc>, window_params = [{transform_indices = @transform_0, window_bounds = array<i64: 2000, 128>}, {transform_indices = @transform_1, window_bounds = array<i64: 2000, 256>}, {transform_indices = @transform_2, window_bounds = array<i64: 2000, 256>}, {pipeline_mode = #tpu.pipeline_mode<synchronous>, transform_indices = @transform_3, window_bounds = array<i64: 128, 256>}, {pipeline_mode = #tpu.pipeline_mode<synchronous>, transform_indices = @transform_4, window_bounds = array<i64: 1, 256>}, {pipeline_mode = #tpu.pipeline_mode<synchronous>, transform_indices = @transform_5, window_bounds = array<i64: 256, 256>}, {pipeline_mode = #tpu.pipeline_mode<synchronous>, transform_indices = @transform_6, window_bounds = array<i64: 1, 256>}, {pipeline_mode = #tpu.pipeline_mode<synchronous>, transform_indices = @transform_7, window_bounds = array<i64: 256, 256>}, {pipeline_mode = #tpu.pipeline_mode<synchronous>, transform_indices = @transform_8, window_bounds = array<i64: 1, 256>}, {pipeline_mode = #tpu.pipeline_mode<synchronous>, transform_indices = @transform_9, window_bounds = array<i64: 256, 128>}, {transform_indices = @transform_10, window_bounds = array<i64: 2000, 128>}]} {
    %get3A = arith.constant 0 : index
    %get3A_0 = arith.constant 0 : index
    %get3A_1 = vector.load %arg1[%get3A, %get3A_0] : memref<2000x128xf32, #tpu.memory_space<vmem>>, vector<2000x128xf32>
    %max3A = arith.constant 0.000000e+00 : f32
    %max3A_2 = vector.broadcast %max3A : f32 to vector<2000x128xf32>
    %max3A_3 = arith.maximumf %get3A_1, %max3A_2 : vector<2000x128xf32>
    %get3A_4 = arith.constant 0 : index
    %get3A_5 = arith.constant 0 : index
    %get3A_6 = vector.load %arg4[%get3A_4, %get3A_5] : memref<128x256xf32, #tpu.memory_space<vmem>>, vector<128x256xf32>
    %convert_element_type3A = arith.truncf %max3A_3 : vector<2000x128xf32> to vector<2000x128xbf16>
    %convert_element_type3A_7 = arith.truncf %get3A_6 : vector<128x256xf32> to vector<128x256xbf16>
    %dot_general3A = arith.constant dense<0.000000e+00> : vector<2000x256xf32>
    %dot_general3A_8 = tpu.matmul %convert_element_type3A, %convert_element_type3A_7, %dot_general3A {dimension_numbers = #tpu.dot_dimension_numbers<[1], [0], [0], [1], [0, 0, 1, 1], [], []>, transpose_lhs_hint = false} : vector<2000x128xbf16>, vector<128x256xbf16>, vector<2000x256xf32> -> vector<2000x256xf32>
    %get3A_9 = arith.constant 0 : index
    %get3A_10 = arith.constant 0 : index
    %get3A_11 = vector.load %arg5[%get3A_9, %get3A_10] : memref<1x256xf32, #tpu.memory_space<vmem>>, vector<1x256xf32>
    %add3A = vector.broadcast %get3A_11 : vector<1x256xf32> to vector<2000x256xf32>
    %add3A_12 = arith.addf %dot_general3A_8, %add3A : vector<2000x256xf32>
    %get3A_13 = arith.constant 0 : index
    %get3A_14 = arith.constant 0 : index
    %get3A_15 = vector.load %arg2[%get3A_13, %get3A_14] : memref<2000x256xf32, #tpu.memory_space<vmem>>, vector<2000x256xf32>
    %get3A_16 = arith.constant 0 : index
    %get3A_17 = arith.constant 0 : index
    %get3A_18 = vector.load %arg3[%get3A_16, %get3A_17] : memref<2000x256xf32, #tpu.memory_space<vmem>>, vector<2000x256xf32>
    %get3A_19 = arith.constant 0 : index
    %get3A_20 = arith.constant 0 : index
    %get3A_21 = vector.load %arg6[%get3A_19, %get3A_20] : memref<256x256xf32, #tpu.memory_space<vmem>>, vector<256x256xf32>
    %get3A_22 = arith.constant 0 : index
    %get3A_23 = arith.constant 0 : index
    %get3A_24 = vector.load %arg7[%get3A_22, %get3A_23] : memref<1x256xf32, #tpu.memory_space<vmem>>, vector<1x256xf32>
    %get3A_25 = arith.constant 0 : index
    %get3A_26 = arith.constant 0 : index
    %get3A_27 = vector.load %arg8[%get3A_25, %get3A_26] : memref<256x256xf32, #tpu.memory_space<vmem>>, vector<256x256xf32>
    %get3A_28 = arith.constant 0 : index
    %get3A_29 = arith.constant 0 : index
    %get3A_30 = vector.load %arg9[%get3A_28, %get3A_29] : memref<1x256xf32, #tpu.memory_space<vmem>>, vector<1x256xf32>
    %mul3A = arith.mulf %get3A_15, %get3A_15 : vector<2000x256xf32>
    %reduce_sum3A = arith.constant dense<0.000000e+00> : vector<2000xf32>
    %reduce_sum3A_31 = vector.multi_reduction <add>, %mul3A, %reduce_sum3A [1] : vector<2000x256xf32> to vector<2000xf32>
    %broadcast_in_dim3A = vector.shape_cast %reduce_sum3A_31 : vector<2000xf32> to vector<2000x1xf32>
    %sqrt3A = math.sqrt %broadcast_in_dim3A : vector<2000x1xf32>
    %max3A_32 = arith.constant 9.99999996E-13 : f32
    %max3A_33 = vector.broadcast %max3A_32 : f32 to vector<2000x1xf32>
    %max3A_34 = arith.maximumf %sqrt3A, %max3A_33 : vector<2000x1xf32>
    %mul3A_35 = arith.mulf %get3A_18, %get3A_18 : vector<2000x256xf32>
    %reduce_sum3A_36 = arith.constant dense<0.000000e+00> : vector<2000xf32>
    %reduce_sum3A_37 = vector.multi_reduction <add>, %mul3A_35, %reduce_sum3A_36 [1] : vector<2000x256xf32> to vector<2000xf32>
    %broadcast_in_dim3A_38 = vector.shape_cast %reduce_sum3A_37 : vector<2000xf32> to vector<2000x1xf32>
    %sqrt3A_39 = math.sqrt %broadcast_in_dim3A_38 : vector<2000x1xf32>
    %max3A_40 = arith.constant 9.99999996E-13 : f32
    %max3A_41 = vector.broadcast %max3A_40 : f32 to vector<2000x1xf32>
    %max3A_42 = arith.maximumf %sqrt3A_39, %max3A_41 : vector<2000x1xf32>
    %mul3A_43 = arith.mulf %get3A_15, %get3A_18 : vector<2000x256xf32>
    %reduce_sum3A_44 = arith.constant dense<0.000000e+00> : vector<2000xf32>
    %reduce_sum3A_45 = vector.multi_reduction <add>, %mul3A_43, %reduce_sum3A_44 [1] : vector<2000x256xf32> to vector<2000xf32>
    %broadcast_in_dim3A_46 = vector.shape_cast %reduce_sum3A_45 : vector<2000xf32> to vector<2000x1xf32>
    %mul3A_47 = arith.mulf %max3A_34, %max3A_42 : vector<2000x1xf32>
    %div3A = arith.divf %broadcast_in_dim3A_46, %mul3A_47 : vector<2000x1xf32>
    %mul3A_48 = vector.broadcast %div3A : vector<2000x1xf32> to vector<2000x256xf32>
    %mul3A_49 = arith.mulf %mul3A_48, %add3A_12 : vector<2000x256xf32>
    %mul3A_50 = arith.mulf %mul3A_49, %get3A_15 : vector<2000x256xf32>
    %convert_element_type3A_51 = arith.truncf %mul3A_50 : vector<2000x256xf32> to vector<2000x256xbf16>
    %convert_element_type3A_52 = arith.truncf %get3A_21 : vector<256x256xf32> to vector<256x256xbf16>
    %dot_general3A_53 = arith.constant dense<0.000000e+00> : vector<2000x256xf32>
    %dot_general3A_54 = tpu.matmul %convert_element_type3A_51, %convert_element_type3A_52, %dot_general3A_53 {dimension_numbers = #tpu.dot_dimension_numbers<[1], [0], [0], [1], [0, 0, 1, 1], [], []>, transpose_lhs_hint = false} : vector<2000x256xbf16>, vector<256x256xbf16>, vector<2000x256xf32> -> vector<2000x256xf32>
    %add3A_55 = vector.broadcast %get3A_24 : vector<1x256xf32> to vector<2000x256xf32>
    %add3A_56 = arith.addf %dot_general3A_54, %add3A_55 : vector<2000x256xf32>
    %max3A_57 = arith.constant 0.000000e+00 : f32
    %max3A_58 = vector.broadcast %max3A_57 : f32 to vector<2000x256xf32>
    %max3A_59 = arith.maximumf %add3A_56, %max3A_58 : vector<2000x256xf32>
    %convert_element_type3A_60 = arith.truncf %max3A_59 : vector<2000x256xf32> to vector<2000x256xbf16>
    %convert_element_type3A_61 = arith.truncf %get3A_27 : vector<256x256xf32> to vector<256x256xbf16>
    %dot_general3A_62 = arith.constant dense<0.000000e+00> : vector<2000x256xf32>
    %dot_general3A_63 = tpu.matmul %convert_element_type3A_60, %convert_element_type3A_61, %dot_general3A_62 {dimension_numbers = #tpu.dot_dimension_numbers<[1], [0], [0], [1], [0, 0, 1, 1], [], []>, transpose_lhs_hint = false} : vector<2000x256xbf16>, vector<256x256xbf16>, vector<2000x256xf32> -> vector<2000x256xf32>
    %add3A_64 = vector.broadcast %get3A_30 : vector<1x256xf32> to vector<2000x256xf32>
    %add3A_65 = arith.addf %dot_general3A_63, %add3A_64 : vector<2000x256xf32>
    %max3A_66 = arith.constant 0.000000e+00 : f32
    %max3A_67 = vector.broadcast %max3A_66 : f32 to vector<2000x256xf32>
    %max3A_68 = arith.maximumf %add3A_65, %max3A_67 : vector<2000x256xf32>
    %get3A_69 = arith.constant 0 : index
    %get3A_70 = arith.constant 0 : index
    %get3A_71 = vector.load %arg10[%get3A_69, %get3A_70] : memref<256x128xf32, #tpu.memory_space<vmem>>, vector<256x128xf32>
    %convert_element_type3A_72 = arith.truncf %max3A_68 : vector<2000x256xf32> to vector<2000x256xbf16>
    %convert_element_type3A_73 = arith.truncf %get3A_71 : vector<256x128xf32> to vector<256x128xbf16>
    %dot_general3A_74 = arith.constant dense<0.000000e+00> : vector<2000x128xf32>
    %dot_general3A_75 = tpu.matmul %convert_element_type3A_72, %convert_element_type3A_73, %dot_general3A_74 {dimension_numbers = #tpu.dot_dimension_numbers<[1], [0], [0], [1], [0, 0, 1, 1], [], []>, transpose_lhs_hint = false} : vector<2000x256xbf16>, vector<256x128xbf16>, vector<2000x128xf32> -> vector<2000x128xf32>
    %swap3A = arith.constant 0 : index
    %swap3A_76 = arith.constant 0 : index
    %swap3A_77 = vector.load %arg11[%swap3A, %swap3A_76] : memref<2000x128xf32, #tpu.memory_space<vmem>>, vector<2000x128xf32>
    tpu.vector_store %arg11[%swap3A, %swap3A_76], %dot_general3A_75 {strides = array<i32>} : memref<2000x128xf32, #tpu.memory_space<vmem>>, vector<2000x128xf32>,
    return
  }
  func.func @transform_0(%arg0: i32) -> (i32, i32) {
    %c0_i32 = arith.constant 0 : i32
    %c0_i32_0 = arith.constant 0 : i32
    return %arg0, %c0_i32 : i32, i32
  }
  func.func @transform_1(%arg0: i32) -> (i32, i32) {
    %c0_i32 = arith.constant 0 : i32
    %c0_i32_0 = arith.constant 0 : i32
    return %arg0, %c0_i32 : i32, i32
  }
  func.func @transform_2(%arg0: i32) -> (i32, i32) {
    %c0_i32 = arith.constant 0 : i32
    %c0_i32_0 = arith.constant 0 : i32
    return %arg0, %c0_i32 : i32, i32
  }
  func.func @transform_3(%arg0: i32) -> (i32, i32) {
    %c0_i32 = arith.constant 0 : i32
    %c0_i32_0 = arith.constant 0 : i32
    %c0_i32_1 = arith.constant 0 : i32
    return %c0_i32, %c0_i32_0 : i32, i32
  }
  func.func @transform_4(%arg0: i32) -> (i32, i32) {
    %c0_i32 = arith.constant 0 : i32
    %c0_i32_0 = arith.constant 0 : i32
    %c0_i32_1 = arith.constant 0 : i32
    return %c0_i32, %c0_i32_0 : i32, i32
  }
  func.func @transform_5(%arg0: i32) -> (i32, i32) {
    %c0_i32 = arith.constant 0 : i32
    %c0_i32_0 = arith.constant 0 : i32
    %c0_i32_1 = arith.constant 0 : i32
    return %c0_i32, %c0_i32_0 : i32, i32
  }
  func.func @transform_6(%arg0: i32) -> (i32, i32) {
    %c0_i32 = arith.constant 0 : i32
    %c0_i32_0 = arith.constant 0 : i32
    %c0_i32_1 = arith.constant 0 : i32
    return %c0_i32, %c0_i32_0 : i32, i32
  }
  func.func @transform_7(%arg0: i32) -> (i32, i32) {
    %c0_i32 = arith.constant 0 : i32
    %c0_i32_0 = arith.constant 0 : i32
    %c0_i32_1 = arith.constant 0 : i32
    return %c0_i32, %c0_i32_0 : i32, i32
  }
  func.func @transform_8(%arg0: i32) -> (i32, i32) {
    %c0_i32 = arith.constant 0 : i32
    %c0_i32_0 = arith.constant 0 : i32
    %c0_i32_1 = arith.constant 0 : i32
    return %c0_i32, %c0_i32_0 : i32, i32
  }
  func.func @transform_9(%arg0: i32) -> (i32, i32) {
    %c0_i32 = arith.constant 0 : i32
    %c0_i32_0 = arith.constant 0 : i32
    %c0_i32_1 = arith.constant 0 : i32
    return %c0_i32, %c0_i32_0 : i32, i32
  }
  func.func @transform_10(%arg0: i32) -> (i32, i32) {
    %c0_i32 = arith.constant 0 : i32
    %c0_i32_0 = arith.constant 0 : i32
    return %arg0, %c0_i32 : i32, i32
  }
}

module attributes {stable_mosaic.version = 14 : i64} {
  func.func @_node2_body(%arg0: i32, %arg1: memref<640x256xf32, #tpu.memory_space<vmem>>, %arg2: memref<640x128xf32, #tpu.memory_space<vmem>>, %arg3: memref<640x128xf32, #tpu.memory_space<vmem>>, %arg4: memref<256x16xf32, #tpu.memory_space<vmem>>, %arg5: memref<1x16xf32, #tpu.memory_space<vmem>>, %arg6: memref<640x16xf32, #tpu.memory_space<vmem>>) attributes {dimension_semantics = [#tpu.dimension_semantics<arbitrary>], iteration_bounds = array<i64: 16>, scalar_prefetch = 0 : i64, scratch_operands = 0 : i64, tpu.core_type = #tpu.core_type<tc>, window_params = [{transform_indices = @transform_0, window_bounds = array<i64: 640, 256>}, {transform_indices = @transform_1, window_bounds = array<i64: 640, 128>}, {transform_indices = @transform_2, window_bounds = array<i64: 640, 128>}, {pipeline_mode = #tpu.pipeline_mode<synchronous>, transform_indices = @transform_3, window_bounds = array<i64: 256, 16>}, {pipeline_mode = #tpu.pipeline_mode<synchronous>, transform_indices = @transform_4, window_bounds = array<i64: 1, 16>}, {transform_indices = @transform_5, window_bounds = array<i64: 640, 16>}]} {
    %get3A = arith.constant 0 : index
    %get3A_0 = arith.constant 0 : index
    %get3A_1 = vector.load %arg2[%get3A, %get3A_0] : memref<640x128xf32, #tpu.memory_space<vmem>>, vector<640x16xf32>
    %get3A_2 = arith.constant 0 : index
    %get3A_3 = arith.constant 0 : index
    %get3A_4 = vector.load %arg3[%get3A_2, %get3A_3] : memref<640x128xf32, #tpu.memory_space<vmem>>, vector<640x1xf32>
    %get3A_5 = arith.constant 0 : index
    %get3A_6 = arith.constant 0 : index
    %get3A_7 = vector.load %arg1[%get3A_5, %get3A_6] : memref<640x256xf32, #tpu.memory_space<vmem>>, vector<640x256xf32>
    %get3A_8 = arith.constant 0 : index
    %get3A_9 = arith.constant 0 : index
    %get3A_10 = vector.load %arg4[%get3A_8, %get3A_9] : memref<256x16xf32, #tpu.memory_space<vmem>>, vector<256x16xf32>
    %convert_element_type3A = arith.truncf %get3A_7 : vector<640x256xf32> to vector<640x256xbf16>
    %convert_element_type3A_11 = arith.truncf %get3A_10 : vector<256x16xf32> to vector<256x16xbf16>
    %dot_general3A = arith.constant dense<0.000000e+00> : vector<640x16xf32>
    %dot_general3A_12 = tpu.matmul %convert_element_type3A, %convert_element_type3A_11, %dot_general3A {dimension_numbers = #tpu.dot_dimension_numbers<[1], [0], [0], [1], [0, 0, 1, 1], [], []>, transpose_lhs_hint = false} : vector<640x256xbf16>, vector<256x16xbf16>, vector<640x16xf32> -> vector<640x16xf32>
    %max3A = arith.constant 1.000000e+00 : f32
    %max3A_13 = vector.broadcast %max3A : f32 to vector<640x1xf32>
    %max3A_14 = arith.maximumf %get3A_4, %max3A_13 : vector<640x1xf32>
    %div3A = vector.broadcast %max3A_14 : vector<640x1xf32> to vector<640x16xf32>
    %div3A_15 = arith.divf %get3A_1, %div3A : vector<640x16xf32>
    %add3A = arith.addf %dot_general3A_12, %div3A_15 : vector<640x16xf32>
    %get3A_16 = arith.constant 0 : index
    %get3A_17 = arith.constant 0 : index
    %get3A_18 = vector.load %arg5[%get3A_16, %get3A_17] : memref<1x16xf32, #tpu.memory_space<vmem>>, vector<1x16xf32>
    %add3A_19 = vector.broadcast %get3A_18 : vector<1x16xf32> to vector<640x16xf32>
    %add3A_20 = arith.addf %add3A, %add3A_19 : vector<640x16xf32>
    %swap3A = arith.constant 0 : index
    %swap3A_21 = arith.constant 0 : index
    %swap3A_22 = vector.load %arg6[%swap3A, %swap3A_21] : memref<640x16xf32, #tpu.memory_space<vmem>>, vector<640x16xf32>
    tpu.vector_store %arg6[%swap3A, %swap3A_21], %add3A_20 {strides = array<i32>} : memref<640x16xf32, #tpu.memory_space<vmem>>, vector<640x16xf32>,
    return
  }
  func.func @transform_0(%arg0: i32) -> (i32, i32) {
    %c0_i32 = arith.constant 0 : i32
    %c0_i32_0 = arith.constant 0 : i32
    return %arg0, %c0_i32 : i32, i32
  }
  func.func @transform_1(%arg0: i32) -> (i32, i32) {
    %c0_i32 = arith.constant 0 : i32
    %c0_i32_0 = arith.constant 0 : i32
    return %arg0, %c0_i32 : i32, i32
  }
  func.func @transform_2(%arg0: i32) -> (i32, i32) {
    %c0_i32 = arith.constant 0 : i32
    %c0_i32_0 = arith.constant 0 : i32
    return %arg0, %c0_i32 : i32, i32
  }
  func.func @transform_3(%arg0: i32) -> (i32, i32) {
    %c0_i32 = arith.constant 0 : i32
    %c0_i32_0 = arith.constant 0 : i32
    %c0_i32_1 = arith.constant 0 : i32
    return %c0_i32, %c0_i32_0 : i32, i32
  }
  func.func @transform_4(%arg0: i32) -> (i32, i32) {
    %c0_i32 = arith.constant 0 : i32
    %c0_i32_0 = arith.constant 0 : i32
    %c0_i32_1 = arith.constant 0 : i32
    return %c0_i32, %c0_i32_0 : i32, i32
  }
  func.func @transform_5(%arg0: i32) -> (i32, i32) {
    %c0_i32 = arith.constant 0 : i32
    %c0_i32_0 = arith.constant 0 : i32
    return %arg0, %c0_i32 : i32, i32
  }
}

</mosaic_0001>

<sc_bundles>
// kernel: kernel.10.cloned.1.call-start
scs
__scs_entry_jumppad:
0x0: {  	(pc) =	sbr.rel $0x88, $3  }
0x1: {  	(tag) =	ssettag $0x0;
	lr =	simm.s32 $0x1  }
0x2: {  	[smem:$0x3F8E] =	sst lr;
	_ =	strace $0xD0000000  }
0x3: {  	_ = 	snop  }
0x4: {  	_ = 	snop  }
0x5: {  	_ = 	snop  }
0x6: {  	_ = 	snop  }
0x7: {  	_ = 	snop  }
__scs_overlays_trampoline_lowered:
0x8: {  	[smem:$0x3F9D] =	sst s0  }
0x9: {  	[smem:$0x3F9E] =	sst s1  }
0xa: {  	[smem:$0x3F9F] =	sst s2  }
0xb: {  	[smem:$0x3FA0] =	sst s3  }
0xc: {  	[smem:$0x3FA1] =	sst s4  }
0xd: {  	[smem:$0x3FA2] =	sst s5  }
0xe: {  	[smem:$0x3FA3] =	sst s6  }
0xf: {  	[smem:$0x3FA4] =	sst s7  }
0x10: {  	[smem:$0x3FA5] =	sst s8  }
0x11: {  	[smem:$0x3FA6] =	sst s9;
	s0 =	simm.s32 @!p0 $0x0  }
0x12: {  	s1 =	sld [smem:$0x3F8C];
	s0 =	simm.s32 @p0 $0x1  }
0x13: {  	[smem:$0x3FA7] =	sst s0;
	s0 =	simm.s32 @!p1 $0x0  }
0x14: {  	s2 =	sld [smem:$0x3F8B];
	s0 =	simm.s32 @p1 $0x1  }
0x15: {  	[smem:$0x3FA8] =	sst s0;
	s0 =	simm.s32 @!p2 $0x0  }
0x16: {  	s3 =	sld [smem:$0x3FDB];
	s0 =	simm.s32 @p2 $0x1  }
0x17: {  	s4 =	simm.s32 $0x1BF5;
	[smem:$0x3FAA] =	sst s0  }
0x18: {  	s0 =	sld [smem:$0x3F8D];
	_ =	swait.ge [sflag:s4], $0x0  }
0x19: {  	s7 =	sld [smem:$0x3F8E]  }
0x1a: {  	s8 =	sadd.s32 $0xFFFFE003, lr  }
0x1b: {  	s9 =	sadd.s32 $0xFFFFFEF7, lr;
	s5 =	simm.s32 $0xFFFFFFFF;
	p2 =	slt.u32 s8, $0xFFFFF086  }
0x1c: {  	p1 =	slt.u32 s9, $0xF7A;
	s5 =	simm.s32 @!p2 $0x0  }
0x1d: {  	s5 =	simm.s32 @p1 $0x1;
	p0 =	seq.s32 s7, s2  }
0x1e: {  	s7 =	smul.u32 @!p0 $0xF7A, s2;
	p2 =	seq.s32 @!p0 s5, $0x0  }
0x1f: {  	s9 =	smul.u32 $0xF7A, s1;
	s8 =	simm.s32 @!p0 $0x1BF5;
	p2 =	por !p2, p0  }
0x20: {  	[sflag:s8] =	ssyncset.s32 @!p0 $0xFFFFF086;
	s6 =	sadd.s32 @!p0 s3, s7;
	s7 =	simm.s32 @!p0 $0x108  }
0x21: {  	s3 =	sadd.s32 s3, s9;
	s6 =	sadd.s32 @!p0 $0x88, s6;
	s7 =	simm.s32 @p2 $0x1082  }
0x22: {  	[simem:s7], [sflag:s8] =	dma.local @!p0 [hbm:s6], $0xF7A  }
0x23: {  	s9 =	sor.u32 $0xD0000000, s2;
	s6 =	simm.s32 $0x108;
	_ =	swait.ge @!p0 [sflag:s8], $0x0  }
0x24: {  	s3 =	sadd.s32 $0x88, s3;
	s6 =	simm.s32 @!p1 $0x1082;
	[sflag:s4] =	ssyncset.s32 $0xFFFFF086  }
0x25: {  	[simem:s6], [sflag:s4] =	dma.local [hbm:s3], $0xF7A  }
0x26: {  	[smem:$0x3F8E] =	sst s1;
	(tag) =	ssettag s2;
	_ =	strace s9  }
0x27: {  	s1 =	sld [smem:$0x3F9E]  }
0x28: {  	s2 =	sld [smem:$0x3F9F]  }
0x29: {  	s4 =	sld [smem:$0x3FA1]  }
0x2a: {  	p0 =	seq.s32 s5, $0x0;
	s5 =	sld [smem:$0x3FA2]  }
0x2b: {  	s6 =	sld [smem:$0x3FA3]  }
0x2c: {  	s7 =	sld [smem:$0x3FA4]  }
0x2d: {  	s3 =	simm.s32 $0x108;
	s8 =	sld [smem:$0x3FA5]  }
0x2e: {  	s3 =	simm.s32 @!p0 $0x1082;
	s9 =	sld [smem:$0x3FA6]  }
0x2f: {  	lr =	sadd.s32 s0, s3;
	s0 =	sld [smem:$0x3F9D]  }
0x30: {  	s3 =	sld [smem:$0x3FA0]  }
0x31: {  	[smem:$0x3FA9] =	sst s10  }
0x32: {  	s10 =	sld [smem:$0x3FA7];
	_ =	sdelay $0x3  }
0x33: {  	p0 =	seq.s32 s10, $0x1;
	s10 =	sld [smem:$0x3FA9];
	_ =	sdelay $0x3  }
0x34: {  	[smem:$0x3FA9] =	sst s10  }
0x35: {  	s10 =	sld [smem:$0x3FA8];
	_ =	sdelay $0x3  }
0x36: {  	p1 =	seq.s32 s10, $0x1;
	s10 =	sld [smem:$0x3FA9];
	_ =	sdelay $0x3  }
0x37: {  	[smem:$0x3FA9] =	sst s10  }
0x38: {  	s10 =	sld [smem:$0x3FAA]  }
0x39: {  	_ = 	snop;
	(pc) =	sbr.ind lr, $3  }
0x3a: {  	_ = 	snop  }
0x3b: {  	_ = 	snop  }
0x3c: {  	p2 =	seq.s32 s10, $0x1;
	s10 =	sld [smem:$0x3FA9]  }
0x3d: {  	_ =	shalt  }
0x3e: {  	_ =	shalt  }
0x3f: {  	_ =	shalt  }
0x40: {  	_ =	shalt  }
0x41: {  	_ =	shalt  }
0x42: {  	_ =	shalt  }
0x43: {  	_ =	shalt  }
0x44: {  	_ =	shalt  }
0x45: {  	_ =	shalt  }
0x46: {  	_ =	shalt  }
0x47: {  	_ =	shalt  }
0x48: {  	_ =	shalt  }
0x49: {  	_ =	shalt  }
0x4a: {  	_ =	shalt  }
0x4b: {  	_ =	shalt  }
0x4c: {  	_ =	shalt  }
0x4d: {  	_ =	shalt  }
0x4e: {  	_ =	shalt  }
0x4f: {  	_ =	shalt  }
0x50: {  	_ =	shalt  }
0x51: {  	_ =	shalt  }
0x52: {  	_ =	shalt  }
0x53: {  	_ =	shalt  }
0x54: {  	_ =	shalt  }
0x55: {  	_ =	shalt  }
0x56: {  	_ =	shalt  }
0x57: {  	_ =	shalt  }
0x58: {  	_ =	shalt  }
0x59: {  	_ =	shalt  }
0x5a: {  	_ =	shalt  }
0x5b: {  	_ =	shalt  }
0x5c: {  	_ =	shalt  }
0x5d: {  	_ =	shalt  }
0x5e: {  	_ =	shalt  }
0x5f: {  	_ =	shalt  }
0x60: {  	_ =	shalt  }
0x61: {  	_ =	shalt  }
0x62: {  	_ =	shalt  }
0x63: {  	_ =	shalt  }
0x64: {  	_ =	shalt  }
0x65: {  	_ =	shalt  }
0x66: {  	_ =	shalt  }
0x67: {  	_ =	shalt  }
0x68: {  	_ =	shalt  }
0x69: {  	_ =	shalt  }
0x6a: {  	_ =	shalt  }
0x6b: {  	_ =	shalt  }
0x6c: {  	_ =	shalt  }
0x6d: {  	_ =	shalt  }
0x6e: {  	_ =	shalt  }
0x6f: {  	_ =	shalt  }
0x70: {  	_ =	shalt  }
0x71: {  	_ =	shalt  }
0x72: {  	_ =	shalt  }
0x73: {  	_ =	shalt  }
0x74: {  	_ =	shalt  }
0x75: {  	_ =	shalt  }
0x76: {  	_ =	shalt  }
0x77: {  	_ =	shalt  }
0x78: {  	_ =	shalt  }
0x79: {  	_ =	shalt  }
0x7a: {  	_ =	shalt  }
0x7b: {  	_ =	shalt  }
0x7c: {  	_ =	shalt  }
0x7d: {  	_ =	shalt  }
0x7e: {  	_ =	shalt  }
0x7f: {  	_ =	shalt  }
0x80: {  	_ =	shalt  }
0x81: {  	_ =	shalt  }
0x82: {  	_ =	shalt  }
0x83: {  	_ =	shalt  }
0x84: {  	_ =	shalt  }
0x85: {  	_ =	shalt  }
0x86: {  	_ =	shalt  }
0x87: {  	_ =	shalt  }
.Lfunc_end0:
.L_simem_size_0:
called_computation_lowered:
.L_overlay_start_0:
0x88: {  	s2 =	sld [smem:$0x3FD9]  }
0x89: {  	s3 =	sld [smem:$0x3FFE];
	_ =	sdelay $0x1  }
0x8a: {  	s1 =	srdreg.scid  }
0x8b: {  	s0 =	sand.u32 $0x1, s1  }
0x8c: {  	s16 =	sshll.u32 s0, $0xA;
	s2 =	sadd.s32 s3, s2  }
0x8d: {  	s2 =	sadd.s32 s2, s16  }
0x8e: {  	[smem:$0x3FB5] =	sst s2  }
0x8f: {  	_ = 	snop  }
0x90: {  	(tm) =	ssettm $0x1  }
0x91: {  	s17 =	sld [smem:$0x3FFB];
	_ =	sdelay $0x3  }
0x92: {  	_ =	strace s17  }
0x93: {  	s2 =	sld [smem:$0x3FFC];
	_ =	sdelay $0x3  }
0x94: {  	_ =	strace s2  }
0x95: {  	s2 =	sld [smem:$0x3FFD];
	_ =	sdelay $0x3  }
0x96: {  	_ =	strace s2  }
0x97: {  	_ =	strace $0x8FFFFFFF  }
0x98: {  	s18 =	sld [smem:$0x3FDB];
	_ =	sdelay $0x1  }
0x99: {  	s19 =	simm.s32 $_scs_section_size  }
0x9a: {  	s4 =	simm.s32 $_size__tile_overlayer_lowered;
	s5 =	simm.s32 $_tile_overlayer_lowered  }
0x9b: {  	s22 =	simm.s32 $0x1BFF;
	s21 =	sshll.u32 s5, $0x1;
	s2 =	sadd.s32 s19, s18  }
0x9c: {  	s6 =	simm.s32 $0x0;
	s20 =	sshll.u32 s4, $0x1;
	s4 =	sadd.s32 s21, s2  }
0x9d: {  	[timem:s6], [sflag:s22] =	dma.local [hbm:s4], s20  }
0x9e: {  	_ =	swait.ge [sflag:s22], s20  }
0x9f: {  	s3 =	ssub.s32 $0x0, s20;
	[sflag:s22] =	ssyncset.done $0x0  }
0xa0: {  	[sflag:s22] =	ssyncadd.s32 s3;
	_ =	sdelay $0x1  }
0xa1: {  	s23 =	simm.s32 $0x1B8B  }
0xa2: {  	_ =	swait.ge [sflag:s23], $0x1  }
0xa3: {  	[sflag:s23] =	ssyncset.done $0x0  }
0xa4: {  	s25 =	simm.s32 $0x1B8E;
	s24 =	sld [smem:$0x3FFE];
	[sflag:s23] =	ssyncadd.s32 $0xFFFFFFFF  }
0xa5: {  	s26 =	simm.s32 $execute0_lowered;
	[smem:$0x3FD2] =	sst s25  }
0xa6: {  	s4 =	sshll.u32 s26, $0x1;
	_ =	strace $0x80000046;
	[dreg:$0x1] =	wrdreg $0xFFFFFFFF  }
0xa7: {  	s28 =	simm.s32 $_size_execute0_lowered;
	s2 =	sadd.s32 s2, s4;
	[dreg:$0x0] =	wrdreg $0x0  }
0xa8: {  	s4 =	sshll.u32 s28, $0x1;
	[dreg:$0x2] =	wrdreg s2  }
0xa9: {  	[dreg:$0x3] =	wrdreg s4  }
0xaa: {  	[dreg:$0x4] =	wrdreg $0xC0  }
0xab: {  	_ =	task [dreg:s6], $0x5FFFF  }
0xac: {  	[dreg:$0x1] =	wrdreg $0xFFFFFFFF  }
0xad: {  	[dreg:$0x0] =	wrdreg $0x60  }
0xae: {  	[dreg:$0x2] =	wrdreg s24  }
0xaf: {  	[dreg:$0x3] =	wrdreg $0x9  }
0xb0: {  	_ =	task.clear_ibuf [dreg:s6], $0x4FFFF;
	_ =	strace $0x90000046  }
0xb1: {  	s29 =	simm.s32 $0x9;
	_ =	strace $0x80000048  }
0xb2: {  	_ =	swait.ge [sflag:s29], $0x1  }
0xb3: {  	[sflag:s29] =	ssyncadd.s32 $0xFFFFFFFF  }
0xb4: {  	_ =	strace $0x90000048  }
0xb5: {  	_ =	sfence  }
0xb6: {  	s30 =	sld [smem:$0x0];
	_ =	sdelay $0x2  }
0xb7: {  	s31 =	sshll.u32 s1, $0xD;
	s1 =	sshrl.u32 s1, $0x2  }
0xb8: {  	s3 =	sand.u32 $0x4000, s31;
	s1 =	sadd.s32 s1, s30  }
0xb9: {  	s0 =	sor.u32 s3, s0;
	s1 =	sshll.u32 s1, $0x11  }
0xba: {  	s0 =	sor.u32 s1, s0  }
0xbb: {  	s0 =	sadd.s32 $0x8F2B, s0  }
0xbc: {  	[sflag:s0] =	ssyncadd.remote.s32 $0x1  }
0xbd: {  	_ =	sfence.sel $0xFFFF  }
0xbe: {  	[dreg:$0x0] =	wrdreg $0xFFFFFFFF;
	(pc) =	sbr.abs _section_cstart, $3  }
0xbf: {  	[dreg:$0x1] =	wrdreg $0xFFFFFFFF  }
0xc0: {  	_ =	task.clear_ibuf [dreg:s6], $0x2FFFF;
	_ =	strace $0x9FFFFFFF  }
0xc1: {  	(tm) =	ssettm $0x7FFFFFFF  }
tec
execute0_lowered:
.L_overlay_start_1:
0x0: {  	(tag) =	ssettag $0x1  }
0x1: {  	s0 =	rddreg [dreg:$0x0];
	s8 =	stileid.u32  }
0x2: {  	s1 =	srdreg.scid;
	s2 =	simm.s32 $0x0;
	s12 =	simm.s32 $0x9  }
0x3: {  	s14 =	simm.s32 $0x28;
	s15 =	simm.s32 $0x200;
	s16 =	simm.s32 $0x1600  }
0x4: {  	s17 =	simm.s32 $0x80;
	s18 =	simm.s32 $0x180;
	s19 =	simm.s32 $0x1  }
0x5: {  	s20 =	simm.s32 $0x2;
	s21 =	simm.s32 $0x2A00;
	s22 =	simm.s32 $0x3E00  }
0x6: {  	s30 =	simm.s32 $0x0;
	s1 =	sand.u32 $0x1, s1;
	s6 =	smul.u32 $0x4E200, s8  }
0x7: {  	s3 =	sshll.u32 s8, $0x1;
	[smem:$0x7FF] =	sst s2;
	s8 =	smul.u32 $0x4E20, s8  }
0x8: {  	s5 =	sadd.s32 $0xE800, s0;
	s4 =	sor.u32 s1, s3;
	s9 =	smul.u32 $0x2710, s1  }
0x9: {  	_ =	strace $0x80000047;
	s23 =	ssub.s32 $0x2, s1;
	s1 =	smul.u32 $0x27100, s1  }
0xa: {  	s3 =	sadd.s32 $0x18600, s0;
	s7 =	smul.u32 $0x2710, s4;
	s10 =	sshrl.u32 s23, $0x1  }
0xb: {  	s4 =	sadd.s32 $0x4A00, s0;
	s0 =	sadd.s32 s6, s0;
	s6 =	ssub.s32 s23, s10  }
0xc: {  	s25 =	sadd.s32 s9, s8;
	s0 =	sadd.s32 s1, s0;
	s6 =	smax.u32 s6, $0x1  }
0xd: {  	s23 =	simm.s32 $0x5;
	s26 =	sadd.s32 $0x50, s25;
	[dreg:$0x6] =	wrdreg s6  }
0xe: {  	s7 =	sshrl.u32 s7, $0x3;
	s28 =	sadd.s32 $0x40600, s0;
	[dreg:$0x7] =	wrdreg s26  }
0xf: {  	s0 =	sadd.s32 $0x522600, s0;
	s24 =	sadd.s32 s4, s7;
	[dreg:$0x2] =	wrdreg s28  }
0x10: {  	s7 =	sadd.s32 s5, s7;
	s6 =	sadd.s32 $0x28, s25;
	[dreg:$0x3] =	wrdreg s0  }
0x11: {  	s25 =	simm.s32 $0x3;
	[dreg:$0x4] =	wrdreg s24;
	s29 =	sshrl.u32 s6, $0x3  }
0x12: {  	s26 =	simm.s32 $0x4;
	[dreg:$0x5] =	wrdreg s7;
	s31 =	sadd.s32 s29, s4  }
0x13: {  	s24 =	simm.s32 $0x6;
	s6 =	sadd.s32 s29, s5;
	[dreg:$0x8] =	wrdreg s31  }
.LBB2_1:
0x14: {  	s0 =	rddreg [dreg:$0x4]  }
0x15: {  	[tilespmem:s2], [sflag:$0x9] =	stream.linear.gather [hbm4b:s0+s2], $0x28, $0x38;
	[tilespmem:$0x5200] =	vst v63  }
0x16: {  	_ =	swait.ge [sflag:s12], $0x28  }
0x17: {  	[sflag:s12] =	ssyncset.done $0x0  }
0x18: {  	s1 =	simm.s32 $0x100;
	s28 =	rddreg [dreg:$0x5];
	[sflag:s12] =	ssyncadd.s32 $0xFFFFFFD8  }
0x19: {  	[tilespmem:s1], [sflag:$0x9] =	stream.linear.gather [hbm4b:s28+s2], $0x28, $0x38;
	[tilespmem:$0x5200] =	vst v63  }
0x1a: {  	_ =	swait.ge [sflag:s12], $0x28  }
0x1b: {  	[sflag:s12] =	ssyncset.done $0x0  }
0x1c: {  	[sflag:s12] =	ssyncadd.s32 $0xFFFFFFD8  }
0x1d: {  	[tilespmem:s15], [sflag:$0x1] =	stream.indirect.gather [hbm4b:s3+s14], $0x80, s2, s14, $0xb8;
	[tilespmem:$0x5200] =	vst v63  }
0x1e: {  	_ = 	snop  }
0x1f: {  	[tilespmem:s16], [sflag:$0x2] =	stream.indirect.gather [hbm4b:s3+s14], $0x80, s1, s14, $0xb8;
	[tilespmem:$0x5200] =	vst v63  }
0x20: {  	s11 =	rddreg [dreg:$0x8]  }
0x21: {  	[tilespmem:s17], [sflag:$0x9] =	stream.linear.gather [hbm4b:s11+s2], $0x28, $0x38;
	[tilespmem:$0x5200] =	vst v63  }
0x22: {  	_ =	swait.ge [sflag:s12], $0x28  }
0x23: {  	[sflag:s12] =	ssyncset.done $0x0  }
0x24: {  	[sflag:s12] =	ssyncadd.s32 $0xFFFFFFD8  }
0x25: {  	[tilespmem:s18], [sflag:$0x9] =	stream.linear.gather [hbm4b:s6+s2], $0x28, $0x38;
	[tilespmem:$0x5200] =	vst v63  }
0x26: {  	_ =	swait.ge [sflag:s12], $0x28  }
0x27: {  	p0 =	por $0x1, $0x1;
	[sflag:s12] =	ssyncset.done $0x0  }
0x28: {  	s0 =	simm.s32 @!p0 $0x7;
	[sflag:s12] =	ssyncadd.s32 $0xFFFFFFD8  }
0x29: {  	_ =	swait.ge @!p0 [sflag:s0], $0x1400  }
0x2a: {  	[sflag:s0] =	ssyncset.done @!p0 $0x0  }
0x2b: {  	[sflag:s0] =	ssyncadd.s32 @!p0 $0xFFFFEC00;
	s0 =	simm.s32 @!p0 $0x8  }
0x2c: {  	_ =	swait.ge @!p0 [sflag:s0], $0x1400  }
0x2d: {  	[sflag:s0] =	ssyncset.done @!p0 $0x0  }
0x2e: {  	[sflag:s0] =	ssyncadd.s32 @!p0 $0xFFFFEC00  }
0x2f: {  	_ =	swait.ge [sflag:s19], $0x1400  }
0x30: {  	[sflag:s19] =	ssyncset.done $0x0  }
0x31: {  	[sflag:s19] =	ssyncadd.s32 $0xFFFFEC00  }
0x32: {  	_ =	swait.ge [sflag:s20], $0x1400  }
0x33: {  	[sflag:s20] =	ssyncset.done $0x0  }
0x34: {  	s29 =	rddreg [dreg:$0x2];
	[sflag:s20] =	ssyncadd.s32 $0xFFFFEC00  }
0x35: {  	[tilespmem:s21], [sflag:$0x3] =	stream.indirect.gather [hbm4b:s3+s14], $0x80, s17, s14, $0xb8;
	[tilespmem:$0x5200] =	vst v63  }
0x36: {  	s7 =	rddreg [dreg:$0x3]  }
0x37: {  	[tilespmem:s22], [sflag:$0x4] =	stream.indirect.gather [hbm4b:s3+s14], $0x80, s18, s14, $0xb8;
	[tilespmem:$0x5200] =	vst v63  }
0x38: {  	p0 =	por $0x0, $0x0;
	s1 =	rddreg [dreg:$0x7];
	s0 =	sadd.s32 $0x0, s29  }
0x39: {  	[hbm4b:s0+s2] =	stream.linear.scatter [tilespmem:s15], [sflag:$0x5], $0x1400, $0x38;
	[tilespmem:$0x5200] =	vst v63  }
0x3a: {  	s7 =	sadd.s32 $0x0, s7;
	s8 =	sshrl.u32 @!p0 s1, $0x3  }
0x3b: {  	[hbm4b:s7+s2] =	stream.linear.scatter [tilespmem:s16], [sflag:$0x6], $0x1400, $0x38;
	[tilespmem:$0x5200] =	vst v63  }
0x3c: {  	s9 =	simm.s32 @!p0 $0x0;
	s31 =	simm.s32 @!p0 $0x9;
	s10 =	sadd.s32 @!p0 s4, s8  }
0x3d: {  	[tilespmem:s9], [sflag:$0x9] =	stream.linear.gather @!p0 [hbm4b:s10+s9], $0x28, $0x38;
	[tilespmem:$0x5200] =	vst v63  }
0x3e: {  	_ =	swait.ge @!p0 [sflag:s31], $0x28  }
0x3f: {  	[sflag:s31] =	ssyncset.done @!p0 $0x0  }
0x40: {  	s8 =	sadd.s32 @!p0 s5, s8;
	s10 =	simm.s32 @!p0 $0x100;
	[sflag:s31] =	ssyncadd.s32 @!p0 $0xFFFFFFD8  }
0x41: {  	[tilespmem:s10], [sflag:$0x9] =	stream.linear.gather @!p0 [hbm4b:s8+s9], $0x28, $0x38;
	[tilespmem:$0x5200] =	vst v63  }
0x42: {  	_ =	swait.ge @!p0 [sflag:s31], $0x28  }
0x43: {  	[sflag:s31] =	ssyncset.done @!p0 $0x0  }
0x44: {  	[sflag:s31] =	ssyncadd.s32 @!p0 $0xFFFFFFD8  }
0x45: {  	_ =	swait.ge [sflag:s23], $0x1400  }
0x46: {  	[sflag:s23] =	ssyncset.done $0x0  }
0x47: {  	[sflag:s23] =	ssyncadd.s32 $0xFFFFEC00  }
0x48: {  	_ =	swait.ge [sflag:s24], $0x1400  }
0x49: {  	[sflag:s24] =	ssyncset.done $0x0  }
0x4a: {  	[sflag:s24] =	ssyncadd.s32 $0xFFFFEC00  }
0x4b: {  	_ =	swait.ge [sflag:s25], $0x1400  }
0x4c: {  	[sflag:s25] =	ssyncset.done $0x0  }
0x4d: {  	[sflag:s25] =	ssyncadd.s32 $0xFFFFEC00  }
0x4e: {  	_ =	swait.ge [sflag:s26], $0x1400  }
0x4f: {  	[sflag:s26] =	ssyncset.done $0x0  }
0x50: {  	s8 =	simm.s32 @!p0 $0x28;
	s31 =	simm.s32 @!p0 $0x200;
	[sflag:s26] =	ssyncadd.s32 $0xFFFFEC00  }
0x51: {  	[tilespmem:s31], [sflag:$0x1] =	stream.indirect.gather @!p0 [hbm4b:s3+s8], $0x80, s9, s8, $0xb8;
	[tilespmem:$0x5200] =	vst v63  }
0x52: {  	s9 =	simm.s32 @!p0 $0x1600  }
0x53: {  	[tilespmem:s9], [sflag:$0x2] =	stream.indirect.gather @!p0 [hbm4b:s3+s8], $0x80, s10, s8, $0xb8;
	[tilespmem:$0x5200] =	vst v63  }
0x54: {  	s0 =	sadd.s32 $0x280, s0;
	s7 =	sadd.s32 $0x280, s7;
	s31 =	simm.s32 $0x500  }
0x55: {  	[hbm4b:s0+s2] =	stream.linear.scatter [tilespmem:s21], [sflag:$0x7], $0x1400, $0x38;
	[tilespmem:$0x5200] =	vst v63  }
0x56: {  	s9 =	smov.u32 s1;
	s10 =	smov.u32 s6;
	s0 =	sadd.s32 $0xA, s11  }
.LBB2_2:
0x57: {  	[hbm4b:s7+s2] =	stream.linear.scatter [tilespmem:s22], [sflag:$0x8], $0x1400, $0x38;
	[tilespmem:$0x5200] =	vst v63  }
0x58: {  	_ = 	snop  }
0x59: {  	[tilespmem:s17], [sflag:$0x9] =	stream.linear.gather [hbm4b:s0+s2], $0x28, $0x38;
	[tilespmem:$0x5200] =	vst v63  }
0x5a: {  	_ =	swait.ge [sflag:s12], $0x28  }
0x5b: {  	[sflag:s12] =	ssyncset.done $0x0  }
0x5c: {  	s10 =	sadd.s32 $0xA, s10;
	[sflag:s12] =	ssyncadd.s32 $0xFFFFFFD8  }
0x5d: {  	[tilespmem:s18], [sflag:$0x9] =	stream.linear.gather [hbm4b:s10+s2], $0x28, $0x38;
	[tilespmem:$0x5200] =	vst v63  }
0x5e: {  	s13 =	smov.u32 s31;
	_ =	swait.ge [sflag:s12], $0x28  }
0x5f: {  	p1 =	seq.s32 s13, $0x0;
	[sflag:s12] =	ssyncset.done $0x0  }
0x60: {  	s7 =	simm.s32 @!p1 $0x7;
	[sflag:s12] =	ssyncadd.s32 $0xFFFFFFD8  }
0x61: {  	_ =	swait.ge @!p1 [sflag:s7], $0x1400  }
0x62: {  	[sflag:s7] =	ssyncset.done @!p1 $0x0  }
0x63: {  	[sflag:s7] =	ssyncadd.s32 @!p1 $0xFFFFEC00;
	s7 =	simm.s32 @!p1 $0x8  }
0x64: {  	_ =	swait.ge @!p1 [sflag:s7], $0x1400  }
0x65: {  	[sflag:s7] =	ssyncset.done @!p1 $0x0  }
0x66: {  	[sflag:s7] =	ssyncadd.s32 @!p1 $0xFFFFEC00  }
0x67: {  	_ =	swait.ge [sflag:s19], $0x1400  }
0x68: {  	[sflag:s19] =	ssyncset.done $0x0  }
0x69: {  	[sflag:s19] =	ssyncadd.s32 $0xFFFFEC00  }
0x6a: {  	_ =	swait.ge [sflag:s20], $0x1400  }
0x6b: {  	[sflag:s20] =	ssyncset.done $0x0  }
0x6c: {  	[sflag:s20] =	ssyncadd.s32 $0xFFFFEC00  }
0x6d: {  	[tilespmem:s21], [sflag:$0x3] =	stream.indirect.gather [hbm4b:s3+s14], $0x80, s17, s14, $0xb8;
	[tilespmem:$0x5200] =	vst v63  }
0x6e: {  	s9 =	sadd.s32 $0x50, s9;
	s11 =	rddreg [dreg:$0x2]  }
0x6f: {  	[tilespmem:s22], [sflag:$0x4] =	stream.indirect.gather [hbm4b:s3+s14], $0x80, s18, s14, $0xb8;
	[tilespmem:$0x5200] =	vst v63  }
0x70: {  	p1 =	seq.s32 s13, $0x26C00;
	s28 =	rddreg [dreg:$0x3];
	s8 =	sadd.s32 s13, s11  }
0x71: {  	[hbm4b:s8+s2] =	stream.linear.scatter [tilespmem:s15], [sflag:$0x5], $0x1400, $0x38;
	[tilespmem:$0x5200] =	vst v63  }
0x72: {  	s1 =	simm.s32 @!p1 $0x9;
	s29 =	sadd.s32 s13, s28;
	s13 =	sshrl.u32 @!p1 s9, $0x3  }
0x73: {  	[hbm4b:s29+s2] =	stream.linear.scatter [tilespmem:s16], [sflag:$0x6], $0x1400, $0x38;
	[tilespmem:$0x5200] =	vst v63  }
0x74: {  	s28 =	simm.s32 @!p1 $0x0;
	s7 =	sadd.s32 $0x280, s29;
	s29 =	sadd.s32 @!p1 s4, s13  }
0x75: {  	[tilespmem:s28], [sflag:$0x9] =	stream.linear.gather @!p1 [hbm4b:s29+s28], $0x28, $0x38;
	[tilespmem:$0x5200] =	vst v63  }
0x76: {  	_ =	swait.ge @!p1 [sflag:s1], $0x28  }
0x77: {  	[sflag:s1] =	ssyncset.done @!p1 $0x0  }
0x78: {  	s13 =	sadd.s32 @!p1 s5, s13;
	s29 =	simm.s32 @!p1 $0x100;
	[sflag:s1] =	ssyncadd.s32 @!p1 $0xFFFFFFD8  }
0x79: {  	[tilespmem:s29], [sflag:$0x9] =	stream.linear.gather @!p1 [hbm4b:s13+s28], $0x28, $0x38;
	[tilespmem:$0x5200] =	vst v63  }
0x7a: {  	_ =	swait.ge @!p1 [sflag:s1], $0x28  }
0x7b: {  	[sflag:s1] =	ssyncset.done @!p1 $0x0  }
0x7c: {  	[sflag:s1] =	ssyncadd.s32 @!p1 $0xFFFFFFD8  }
0x7d: {  	_ =	swait.ge [sflag:s23], $0x1400  }
0x7e: {  	[sflag:s23] =	ssyncset.done $0x0  }
0x7f: {  	[sflag:s23] =	ssyncadd.s32 $0xFFFFEC00  }
0x80: {  	_ =	swait.ge [sflag:s24], $0x1400  }
0x81: {  	[sflag:s24] =	ssyncset.done $0x0  }
0x82: {  	[sflag:s24] =	ssyncadd.s32 $0xFFFFEC00  }
0x83: {  	_ =	swait.ge [sflag:s25], $0x1400  }
0x84: {  	[sflag:s25] =	ssyncset.done $0x0  }
0x85: {  	[sflag:s25] =	ssyncadd.s32 $0xFFFFEC00  }
0x86: {  	s31 =	sadd.s32 $0x500, s31;
	_ =	swait.ge [sflag:s26], $0x1400  }
0x87: {  	p0 =	sne.s32 s31, $0x27100;
	[sflag:s26] =	ssyncset.done $0x0  }
0x88: {  	s13 =	simm.s32 @!p1 $0x200;
	s1 =	simm.s32 @!p1 $0x28;
	[sflag:s26] =	ssyncadd.s32 $0xFFFFEC00  }
0x89: {  	[tilespmem:s13], [sflag:$0x1] =	stream.indirect.gather @!p1 [hbm4b:s3+s1], $0x80, s28, s1, $0xb8;
	[tilespmem:$0x5200] =	vst v63  }
.Ltmp0:
0x8a: {  	_ = 	snop;
	(pc) =	sbr.rel @p0 .LBB2_2-.Ltmp0, $4  }
0x8b: {  	s11 =	simm.s32 @!p1 $0x1600  }
0x8c: {  	[tilespmem:s11], [sflag:$0x2] =	stream.indirect.gather @!p1 [hbm4b:s3+s1], $0x80, s29, s1, $0xb8;
	[tilespmem:$0x5200] =	vst v63  }
0x8d: {  	s0 =	sadd.s32 $0xA, s0;
	s8 =	sadd.s32 $0x280, s8  }
0x8e: {  	[hbm4b:s8+s2] =	stream.linear.scatter [tilespmem:s21], [sflag:$0x7], $0x1400, $0x38;
	[tilespmem:$0x5200] =	vst v63  }
0x8f: {  	[hbm4b:s7+s2] =	stream.linear.scatter [tilespmem:s22], [sflag:$0x8], $0x1400, $0x38;
	[tilespmem:$0x5200] =	vst v63  }
0x90: {  	s0 =	simm.s32 $0x7  }
0x91: {  	_ =	swait.ge [sflag:s0], $0x1400  }
0x92: {  	[sflag:s0] =	ssyncset.done $0x0  }
0x93: {  	s1 =	simm.s32 $0x8;
	[sflag:s0] =	ssyncadd.s32 $0xFFFFEC00  }
0x94: {  	_ =	swait.ge [sflag:s1], $0x1400  }
0x95: {  	s30 =	sadd.s32 $0x1, s30;
	s31 =	rddreg [dreg:$0x6]  }
0x96: {  	p0 =	sne.s32 s30, s31  }
.Ltmp1:
0x97: {  	_ = 	snop;
	(pc) =	sbr.rel @p0 .LBB2_1-.Ltmp1, $3  }
0x98: {  	_ =	sdelay $0x1  }
0x99: {  	[sflag:s1] =	ssyncset.done $0x0  }
0x9a: {  	[sflag:s1] =	ssyncadd.s32 $0xFFFFEC00  }
0x9b: {  	_ =	sfence.sel $0x180000  }
0x9c: {  	[bflag:$0x0] =	sbarrier.arrive $0xFFFF  }
0x9d: {  	_ =	strace $0x90000047  }
0x9e: {  	s0 =	stileid.u32;
	[bflag:$0x2] =	sbarrier.arrive $0xFFFF  }
0x9f: {  	p0 =	sne.s32 s0, $0x0;
	s0 =	rddreg [dreg:$0x1]  }
0xa0: {  	s0 =	sadd.s32 @!p0 $0x100000, s0  }
0xa1: {  	[sflag:s0] =	ssyncadd.tile.s32 @!p0 $0x1;
	_ =	shalt  }
.Lfunc_end2:
_tile_overlayer_lowered:
.L_overlay_start_2:
0xa2: {  	(tag) =	ssettag $0x2  }
0xa3: {  	s0 =	rddreg [dreg:$0x0];
	s2 =	stileid.u32  }
0xa4: {  	s1 =	rddreg [dreg:$0x1];
	p0 =	sne.s32 s2, $0x0  }
0xa5: {  	s3 =	rddreg [dreg:$0x2];
	[bflag:$0x3] =	sbarrier.arrive $0xFFFF;
	s2 =	simm.s32 @!p0 $0x1C09  }
0xa6: {  	[timem:s3], [sflag:s2] =	dma.local @!p0 [hbm:s0], s1  }
0xa7: {  	s0 =	simm.s32 @!p0 $0x9  }
0xa8: {  	_ =	swait.ge @!p0 [sflag:s0], s1  }
0xa9: {  	s1 =	ssub.s32 @!p0 $0x0, s1;
	[sflag:s0] =	ssyncset.done @!p0 $0x0  }
0xaa: {  	[sflag:s0] =	ssyncadd.s32 @!p0 s1  }
0xab: {  	[bflag:$0x3] =	sbarrier.arrive $0xFFFF  }
0xac: {  	_ =	shalt  }

// kernel: kernel.13.cloned.1.call-start
scs
__scs_entry_jumppad:
0x0: {  	(pc) =	sbr.rel $0x88, $3  }
0x1: {  	(tag) =	ssettag $0x0;
	lr =	simm.s32 $0x1  }
0x2: {  	[smem:$0x3F8E] =	sst lr;
	_ =	strace $0xD0000000  }
0x3: {  	_ = 	snop  }
0x4: {  	_ = 	snop  }
0x5: {  	_ = 	snop  }
0x6: {  	_ = 	snop  }
0x7: {  	_ = 	snop  }
__scs_overlays_trampoline_lowered:
0x8: {  	[smem:$0x3F9D] =	sst s0  }
0x9: {  	[smem:$0x3F9E] =	sst s1  }
0xa: {  	[smem:$0x3F9F] =	sst s2  }
0xb: {  	[smem:$0x3FA0] =	sst s3  }
0xc: {  	[smem:$0x3FA1] =	sst s4  }
0xd: {  	[smem:$0x3FA2] =	sst s5  }
0xe: {  	[smem:$0x3FA3] =	sst s6  }
0xf: {  	[smem:$0x3FA4] =	sst s7  }
0x10: {  	[smem:$0x3FA5] =	sst s8  }
0x11: {  	[smem:$0x3FA6] =	sst s9;
	s0 =	simm.s32 @!p0 $0x0  }
0x12: {  	s1 =	sld [smem:$0x3F8C];
	s0 =	simm.s32 @p0 $0x1  }
0x13: {  	[smem:$0x3FA7] =	sst s0;
	s0 =	simm.s32 @!p1 $0x0  }
0x14: {  	s2 =	sld [smem:$0x3F8B];
	s0 =	simm.s32 @p1 $0x1  }
0x15: {  	[smem:$0x3FA8] =	sst s0;
	s0 =	simm.s32 @!p2 $0x0  }
0x16: {  	s3 =	sld [smem:$0x3FDB];
	s0 =	simm.s32 @p2 $0x1  }
0x17: {  	s4 =	simm.s32 $0x1BF5;
	[smem:$0x3FAA] =	sst s0  }
0x18: {  	s0 =	sld [smem:$0x3F8D];
	_ =	swait.ge [sflag:s4], $0x0  }
0x19: {  	s7 =	sld [smem:$0x3F8E]  }
0x1a: {  	s8 =	sadd.s32 $0xFFFFE003, lr  }
0x1b: {  	s9 =	sadd.s32 $0xFFFFFEF7, lr;
	s5 =	simm.s32 $0xFFFFFFFF;
	p2 =	slt.u32 s8, $0xFFFFF086  }
0x1c: {  	p1 =	slt.u32 s9, $0xF7A;
	s5 =	simm.s32 @!p2 $0x0  }
0x1d: {  	s5 =	simm.s32 @p1 $0x1;
	p0 =	seq.s32 s7, s2  }
0x1e: {  	s7 =	smul.u32 @!p0 $0xF7A, s2;
	p2 =	seq.s32 @!p0 s5, $0x0  }
0x1f: {  	s9 =	smul.u32 $0xF7A, s1;
	s8 =	simm.s32 @!p0 $0x1BF5;
	p2 =	por !p2, p0  }
0x20: {  	[sflag:s8] =	ssyncset.s32 @!p0 $0xFFFFF086;
	s6 =	sadd.s32 @!p0 s3, s7;
	s7 =	simm.s32 @!p0 $0x108  }
0x21: {  	s3 =	sadd.s32 s3, s9;
	s6 =	sadd.s32 @!p0 $0x88, s6;
	s7 =	simm.s32 @p2 $0x1082  }
0x22: {  	[simem:s7], [sflag:s8] =	dma.local @!p0 [hbm:s6], $0xF7A  }
0x23: {  	s9 =	sor.u32 $0xD0000000, s2;
	s6 =	simm.s32 $0x108;
	_ =	swait.ge @!p0 [sflag:s8], $0x0  }
0x24: {  	s3 =	sadd.s32 $0x88, s3;
	s6 =	simm.s32 @!p1 $0x1082;
	[sflag:s4] =	ssyncset.s32 $0xFFFFF086  }
0x25: {  	[simem:s6], [sflag:s4] =	dma.local [hbm:s3], $0xF7A  }
0x26: {  	[smem:$0x3F8E] =	sst s1;
	(tag) =	ssettag s2;
	_ =	strace s9  }
0x27: {  	s1 =	sld [smem:$0x3F9E]  }
0x28: {  	s2 =	sld [smem:$0x3F9F]  }
0x29: {  	s4 =	sld [smem:$0x3FA1]  }
0x2a: {  	p0 =	seq.s32 s5, $0x0;
	s5 =	sld [smem:$0x3FA2]  }
0x2b: {  	s6 =	sld [smem:$0x3FA3]  }
0x2c: {  	s7 =	sld [smem:$0x3FA4]  }
0x2d: {  	s3 =	simm.s32 $0x108;
	s8 =	sld [smem:$0x3FA5]  }
0x2e: {  	s3 =	simm.s32 @!p0 $0x1082;
	s9 =	sld [smem:$0x3FA6]  }
0x2f: {  	lr =	sadd.s32 s0, s3;
	s0 =	sld [smem:$0x3F9D]  }
0x30: {  	s3 =	sld [smem:$0x3FA0]  }
0x31: {  	[smem:$0x3FA9] =	sst s10  }
0x32: {  	s10 =	sld [smem:$0x3FA7];
	_ =	sdelay $0x3  }
0x33: {  	p0 =	seq.s32 s10, $0x1;
	s10 =	sld [smem:$0x3FA9];
	_ =	sdelay $0x3  }
0x34: {  	[smem:$0x3FA9] =	sst s10  }
0x35: {  	s10 =	sld [smem:$0x3FA8];
	_ =	sdelay $0x3  }
0x36: {  	p1 =	seq.s32 s10, $0x1;
	s10 =	sld [smem:$0x3FA9];
	_ =	sdelay $0x3  }
0x37: {  	[smem:$0x3FA9] =	sst s10  }
0x38: {  	s10 =	sld [smem:$0x3FAA]  }
0x39: {  	_ = 	snop;
	(pc) =	sbr.ind lr, $3  }
0x3a: {  	_ = 	snop  }
0x3b: {  	_ = 	snop  }
0x3c: {  	p2 =	seq.s32 s10, $0x1;
	s10 =	sld [smem:$0x3FA9]  }
0x3d: {  	_ =	shalt  }
0x3e: {  	_ =	shalt  }
0x3f: {  	_ =	shalt  }
0x40: {  	_ =	shalt  }
0x41: {  	_ =	shalt  }
0x42: {  	_ =	shalt  }
0x43: {  	_ =	shalt  }
0x44: {  	_ =	shalt  }
0x45: {  	_ =	shalt  }
0x46: {  	_ =	shalt  }
0x47: {  	_ =	shalt  }
0x48: {  	_ =	shalt  }
0x49: {  	_ =	shalt  }
0x4a: {  	_ =	shalt  }
0x4b: {  	_ =	shalt  }
0x4c: {  	_ =	shalt  }
0x4d: {  	_ =	shalt  }
0x4e: {  	_ =	shalt  }
0x4f: {  	_ =	shalt  }
0x50: {  	_ =	shalt  }
0x51: {  	_ =	shalt  }
0x52: {  	_ =	shalt  }
0x53: {  	_ =	shalt  }
0x54: {  	_ =	shalt  }
0x55: {  	_ =	shalt  }
0x56: {  	_ =	shalt  }
0x57: {  	_ =	shalt  }
0x58: {  	_ =	shalt  }
0x59: {  	_ =	shalt  }
0x5a: {  	_ =	shalt  }
0x5b: {  	_ =	shalt  }
0x5c: {  	_ =	shalt  }
0x5d: {  	_ =	shalt  }
0x5e: {  	_ =	shalt  }
0x5f: {  	_ =	shalt  }
0x60: {  	_ =	shalt  }
0x61: {  	_ =	shalt  }
0x62: {  	_ =	shalt  }
0x63: {  	_ =	shalt  }
0x64: {  	_ =	shalt  }
0x65: {  	_ =	shalt  }
0x66: {  	_ =	shalt  }
0x67: {  	_ =	shalt  }
0x68: {  	_ =	shalt  }
0x69: {  	_ =	shalt  }
0x6a: {  	_ =	shalt  }
0x6b: {  	_ =	shalt  }
0x6c: {  	_ =	shalt  }
0x6d: {  	_ =	shalt  }
0x6e: {  	_ =	shalt  }
0x6f: {  	_ =	shalt  }
0x70: {  	_ =	shalt  }
0x71: {  	_ =	shalt  }
0x72: {  	_ =	shalt  }
0x73: {  	_ =	shalt  }
0x74: {  	_ =	shalt  }
0x75: {  	_ =	shalt  }
0x76: {  	_ =	shalt  }
0x77: {  	_ =	shalt  }
0x78: {  	_ =	shalt  }
0x79: {  	_ =	shalt  }
0x7a: {  	_ =	shalt  }
0x7b: {  	_ =	shalt  }
0x7c: {  	_ =	shalt  }
0x7d: {  	_ =	shalt  }
0x7e: {  	_ =	shalt  }
0x7f: {  	_ =	shalt  }
0x80: {  	_ =	shalt  }
0x81: {  	_ =	shalt  }
0x82: {  	_ =	shalt  }
0x83: {  	_ =	shalt  }
0x84: {  	_ =	shalt  }
0x85: {  	_ =	shalt  }
0x86: {  	_ =	shalt  }
0x87: {  	_ =	shalt  }
.Lfunc_end0:
.L_simem_size_0:
called_computation.1_lowered:
.L_overlay_start_0:
0x88: {  	s2 =	sld [smem:$0x3FD9]  }
0x89: {  	s3 =	sld [smem:$0x3FFE];
	_ =	sdelay $0x1  }
0x8a: {  	s1 =	srdreg.scid  }
0x8b: {  	s0 =	sand.u32 $0x1, s1  }
0x8c: {  	s16 =	sshll.u32 s0, $0xA;
	s2 =	sadd.s32 s3, s2  }
0x8d: {  	s2 =	sadd.s32 s2, s16  }
0x8e: {  	[smem:$0x3FB5] =	sst s2  }
0x8f: {  	_ = 	snop  }
0x90: {  	(tm) =	ssettm $0x1  }
0x91: {  	s17 =	sld [smem:$0x3FFB];
	_ =	sdelay $0x3  }
0x92: {  	_ =	strace s17  }
0x93: {  	s2 =	sld [smem:$0x3FFC];
	_ =	sdelay $0x3  }
0x94: {  	_ =	strace s2  }
0x95: {  	s2 =	sld [smem:$0x3FFD];
	_ =	sdelay $0x3  }
0x96: {  	_ =	strace s2  }
0x97: {  	_ =	strace $0x8FFFFFFF  }
0x98: {  	s18 =	sld [smem:$0x3FDB];
	_ =	sdelay $0x1  }
0x99: {  	s19 =	simm.s32 $_scs_section_size  }
0x9a: {  	s4 =	simm.s32 $_size__tile_overlayer_lowered;
	s5 =	simm.s32 $_tile_overlayer_lowered  }
0x9b: {  	s22 =	simm.s32 $0x1BFF;
	s21 =	sshll.u32 s5, $0x1;
	s2 =	sadd.s32 s19, s18  }
0x9c: {  	s6 =	simm.s32 $0x0;
	s20 =	sshll.u32 s4, $0x1;
	s4 =	sadd.s32 s21, s2  }
0x9d: {  	[timem:s6], [sflag:s22] =	dma.local [hbm:s4], s20  }
0x9e: {  	_ =	swait.ge [sflag:s22], s20  }
0x9f: {  	s3 =	ssub.s32 $0x0, s20;
	[sflag:s22] =	ssyncset.done $0x0  }
0xa0: {  	[sflag:s22] =	ssyncadd.s32 s3;
	_ =	sdelay $0x1  }
0xa1: {  	s23 =	simm.s32 $0x1B8B  }
0xa2: {  	_ =	swait.ge [sflag:s23], $0x1  }
0xa3: {  	[sflag:s23] =	ssyncset.done $0x0  }
0xa4: {  	s25 =	simm.s32 $0x1B8E;
	s24 =	sld [smem:$0x3FFE];
	[sflag:s23] =	ssyncadd.s32 $0xFFFFFFFF  }
0xa5: {  	s26 =	simm.s32 $execute0_lowered;
	[smem:$0x3FD2] =	sst s25  }
0xa6: {  	s4 =	sshll.u32 s26, $0x1;
	_ =	strace $0x80000049;
	[dreg:$0x1] =	wrdreg $0xFFFFFFFF  }
0xa7: {  	s28 =	simm.s32 $_size_execute0_lowered;
	s2 =	sadd.s32 s2, s4;
	[dreg:$0x0] =	wrdreg $0x0  }
0xa8: {  	s4 =	sshll.u32 s28, $0x1;
	[dreg:$0x2] =	wrdreg s2  }
0xa9: {  	[dreg:$0x3] =	wrdreg s4  }
0xaa: {  	[dreg:$0x4] =	wrdreg $0xC0  }
0xab: {  	_ =	task [dreg:s6], $0x5FFFF  }
0xac: {  	[dreg:$0x1] =	wrdreg $0xFFFFFFFF  }
0xad: {  	[dreg:$0x0] =	wrdreg $0x60  }
0xae: {  	[dreg:$0x2] =	wrdreg s24  }
0xaf: {  	[dreg:$0x3] =	wrdreg $0xF5000  }
0xb0: {  	[dreg:$0x4] =	wrdreg $0x9  }
0xb1: {  	_ =	task.clear_ibuf [dreg:s6], $0x5FFFF;
	_ =	strace $0x90000049  }
0xb2: {  	s29 =	simm.s32 $0x9;
	_ =	strace $0x8000004B  }
0xb3: {  	_ =	swait.ge [sflag:s29], $0x1  }
0xb4: {  	[sflag:s29] =	ssyncadd.s32 $0xFFFFFFFF  }
0xb5: {  	_ =	strace $0x9000004B  }
0xb6: {  	_ =	sfence  }
0xb7: {  	s30 =	sld [smem:$0x0];
	_ =	sdelay $0x2  }
0xb8: {  	s31 =	sshll.u32 s1, $0xD;
	s1 =	sshrl.u32 s1, $0x2  }
0xb9: {  	s3 =	sand.u32 $0x4000, s31;
	s1 =	sadd.s32 s1, s30  }
0xba: {  	s0 =	sor.u32 s3, s0;
	s1 =	sshll.u32 s1, $0x11  }
0xbb: {  	s0 =	sor.u32 s1, s0  }
0xbc: {  	s0 =	sadd.s32 $0x8F2B, s0  }
0xbd: {  	[sflag:s0] =	ssyncadd.remote.s32 $0x1  }
0xbe: {  	_ =	sfence.sel $0xFFFF  }
0xbf: {  	[dreg:$0x0] =	wrdreg $0xFFFFFFFF;
	(pc) =	sbr.abs _section_cstart, $3  }
0xc0: {  	[dreg:$0x1] =	wrdreg $0xFFFFFFFF  }
0xc1: {  	_ =	task.clear_ibuf [dreg:s6], $0x2FFFF;
	_ =	strace $0x9FFFFFFF  }
0xc2: {  	(tm) =	ssettm $0x7FFFFFFF  }
0xc3: {  	_ =	shalt  }
tec
execute0_lowered:
.L_overlay_start_1:
0x0: {  	(tag) =	ssettag $0x1  }
0x1: {  	s4 =	rddreg [dreg:$0x0];
	s0 =	stileid.u32  }
0x2: {  	s1 =	srdreg.scid;
	s2 =	rddreg [dreg:$0x1]  }
0x3: {  	s3 =	simm.s32 $0x0;
	s13 =	simm.s32 $0x5100;
	s5 =	smul.u32 $0x4E200, s0  }
0x4: {  	s14 =	simm.s32 $0x3;
	s15 =	simm.s32 $0x100;
	s7 =	smul.u32 $0x140, s0  }
0x5: {  	s16 =	simm.s32 $0x50;
	s17 =	simm.s32 $0x80;
	s26 =	smul.u32 $0x29000, s0  }
0x6: {  	s18 =	simm.s32 $0x2900;
	s20 =	simm.s32 $0x2;
	s29 =	smul.u32 $0x4E20, s0  }
0x7: {  	s6 =	sand.u32 $0x1, s1;
	s1 =	rddreg [dreg:$0x2];
	s31 =	smul.u32 $0x28000, s0  }
0x8: {  	s21 =	simm.s32 $0x0;
	[smem:$0x7FF] =	sst s3;
	s12 =	smul.u32 $0x9C4, s0  }
0x9: {  	s9 =	sadd.s32 $0xE800, s4;
	s19 =	smul.u32 $0x1400, s6;
	s6 =	ssub.s32 $0x2, s6  }
0xa: {  	_ =	strace $0x8000004A;
	s8 =	sadd.s32 s5, s4;
	s28 =	sshrl.u32 s6, $0x1  }
0xb: {  	s30 =	sshrl.u32 s26, $0x2;
	s25 =	sadd.s32 s7, s19;
	s11 =	ssub.s32 s6, s28  }
.Ltmp0:
0xc: {  	s6 =	sadd.s32 $0xEE6600, s8;
	s7 =	sshrl.u32 s31, $0x2;
	(pc) =	sbr.rel .LBB2_1-.Ltmp0, $4  }
0xd: {  	v0 =	vmov s19;
	s19 =	simm.s32 $0x1;
	s5 =	sshll.u32 s25, $0x4;
	s7 =	sadd.s32 s7, s2  }
0xe: {  	s11 =	smax.u32 s11, $0x1;
	s10 =	sadd.s32 s5, s4;
	s5 =	sshrl.u32 s29, $0x3  }
0xf: {  	s4 =	sadd.s32 s30, s2;
	s5 =	sadd.s32 s9, s5;
	s9 =	sadd.s32 s12, s9  }
0x10: {  	v1 =	vimm.f32 $0.0e+00;
	v2 =	vimm.f32 $1.000000000e+00;
	s8 =	sadd.s32 $0x40600, s10;
	s10 =	sadd.s32 $0x68600, s10;
	s12 =	sadd.s32 $0x14, s9  }
.LBB2_13:
0x11: {  	_ =	swait.ge [sflag:s20], $0x2800  }
0x12: {  	s21 =	sadd.s32 $0x1, s21;
	[sflag:s20] =	ssyncset.done $0x0  }
0x13: {  	p0 =	sne.s32 s21, s11;
	[sflag:s20] =	ssyncadd.s32 $0xFFFFD800  }
.Ltmp1:
0x14: {  	[bflag:$0x0] =	sbarrier.arrive $0xFFFF;
	(pc) =	sbr.rel @!p0 .LBB2_14-.Ltmp1, $4  }
0x15: {  	[hbm:s10], [sflag:s22] =	dma.local [spmem:s23], $0x1400  }
0x16: {  	_ =	swait.ge [sflag:s14], $0x1400  }
0x17: {  	[sflag:s14] =	ssyncset.done $0x0  }
0x18: {  	[sflag:s14] =	ssyncadd.s32 $0xFFFFEC00  }
.LBB2_1:
0x19: {  	s22 =	simm.s32 $0x70;
	s23 =	simm.s32 $0x3C0  }
.LBB2_2:
0x1a: {  	p0 =	sne.s32 s23, $0x28FC0;
	[tilespmem:s22+$0x5100] =	vst v1  }
0x1b: {  	[tilespmem:s22+$0x5090] =	vst v1  }
0x1c: {  	[tilespmem:s22+$0x50A0] =	vst v1  }
.Ltmp2:
0x1d: {  	[tilespmem:s22+$0x50B0] =	vst v1;
	(pc) =	sbr.rel @p0 .LBB2_2-.Ltmp2, $4  }
0x1e: {  	[tilespmem:s22+$0x50C0] =	vst v1  }
0x1f: {  	[tilespmem:s22+$0x50D0] =	vst v1  }
0x20: {  	[tilespmem:s22+$0x50E0] =	vst v1  }
0x21: {  	[tilespmem:s22+$0x50F0] =	vst v1;
	s22 =	sshra.s32 s23, $0x2;
	s23 =	sadd.s32 $0x200, s23  }
0x22: {  	[tilespmem:s22+$0x5100] =	vst v1  }
0x23: {  	[tilespmem:s22+$0x5090] =	vst v1  }
0x24: {  	[tilespmem:s22+$0x50A0] =	vst v1  }
0x25: {  	[tilespmem:s22+$0x50B0] =	vst v1  }
0x26: {  	[tilespmem:s22+$0x50C0] =	vst v1  }
0x27: {  	[tilespmem:s22+$0x50D0] =	vst v1  }
0x28: {  	[tilespmem:s22+$0x50E0] =	vst v1  }
0x29: {  	[tilespmem:s22+$0x50F0] =	vst v1  }
0x2a: {  	[spmem:s4] =	stream.linear.scatter [tilespmem:s13], [sflag:$0x3], $0xA400, $0x38;
	[tilespmem:$0x19900] =	vst v63  }
0x2b: {  	_ =	swait.ge [sflag:s14], $0xA400  }
0x2c: {  	[sflag:s14] =	ssyncset.done $0x0  }
0x2d: {  	[sflag:s14] =	ssyncadd.s32 $0xFFFF5C00  }
0x2e: {  	s22 =	simm.s32 $0x0;
	[bflag:$0x0] =	sbarrier.arrive $0xFFFF  }
0x2f: {  	[tilespmem:s22], [sflag:$0x3] =	stream.linear.gather [hbm4b:s5+s22], $0x50, $0x38;
	[tilespmem:$0x19900] =	vst v63  }
0x30: {  	_ =	swait.ge [sflag:s14], $0x50  }
0x31: {  	[sflag:s14] =	ssyncset.done $0x0  }
0x32: {  	[sflag:s14] =	ssyncadd.s32 $0xFFFFFFB0  }
0x33: {  	[tilespmem:s15], [sflag:$0x3] =	stream.linear.gather [hbm4b:s6+s22], $0x2800, $0x38;
	[tilespmem:$0x19900] =	vst v63  }
0x34: {  	_ =	swait.ge [sflag:s14], $0x2800  }
0x35: {  	[sflag:s14] =	ssyncset.done $0x0  }
0x36: {  	[sflag:s14] =	ssyncadd.s32 $0xFFFFD800  }
0x37: {  	v3 =	vld [tilespmem:$0x0]  }
0x38: {  	v4 =	vld [tilespmem:$0x10]  }
0x39: {  	v5 =	vld [tilespmem:$0x20]  }
0x3a: {  	v6 =	vld [tilespmem:$0x30]  }
0x3b: {  	v7 =	vld [tilespmem:$0x40]  }
0x3c: {  	v3 =	vsub.s32 v3, v0  }
0x3d: {  	v4 =	vsub.s32 v4, v0;
	v3 =	vmin.u32 v3, $0x1400  }
0x3e: {  	v61 =	vsub.s32 v5, v0;
	[tilespmem:$0x0] =	vst v3;
	v3 =	vmin.u32 v4, $0x1400  }
0x3f: {  	v62 =	vsub.s32 v6, v0;
	[tilespmem:$0x10] =	vst v3;
	v3 =	vmin.u32 v61, $0x1400  }
0x40: {  	v63 =	vsub.s32 v7, v0;
	[tilespmem:$0x20] =	vst v3;
	v3 =	vmin.u32 v62, $0x1400  }
0x41: {  	[tilespmem:$0x30] =	vst v3;
	v3 =	vmin.u32 v63, $0x1400  }
0x42: {  	s23 =	smov.u32 s12;
	[tilespmem:$0x40] =	vst v3  }
.LBB2_4:
0x43: {  	[spmem:s2] =	stream.indirect.scatter.add.f32 [tilespmem:s15], [sflag:$0x1], $0x80, s3, s16, $0xb8;
	[tilespmem:$0x19900] =	vst v63  }
0x44: {  	p0 =	seq.s32 s22, $0x0  }
0x45: {  	s24 =	simm.s32 @!p0 $0x2  }
0x46: {  	_ =	swait.ge @!p0 [sflag:s24], $0x2800  }
0x47: {  	[sflag:s24] =	ssyncset.done @!p0 $0x0  }
0x48: {  	s31 =	sadd.s32 $0xFFFFFFF6, s23;
	[sflag:s24] =	ssyncadd.s32 @!p0 $0xFFFFD800  }
0x49: {  	[tilespmem:s17], [sflag:$0x3] =	stream.linear.gather [hbm4b:s31+s3], $0x50, $0x38;
	[tilespmem:$0x19900] =	vst v63  }
0x4a: {  	_ =	swait.ge [sflag:s14], $0x50  }
0x4b: {  	s24 =	sadd.s32 s22, s6;
	[sflag:s14] =	ssyncset.done $0x0  }
0x4c: {  	s25 =	sadd.s32 $0x500, s24;
	[sflag:s14] =	ssyncadd.s32 $0xFFFFFFB0  }
0x4d: {  	[tilespmem:s18], [sflag:$0x3] =	stream.linear.gather [hbm4b:s25+s3], $0x2800, $0x38;
	[tilespmem:$0x19900] =	vst v63  }
0x4e: {  	_ =	swait.ge [sflag:s14], $0x2800  }
0x4f: {  	[sflag:s14] =	ssyncset.done $0x0  }
0x50: {  	[sflag:s14] =	ssyncadd.s32 $0xFFFFD800  }
0x51: {  	v3 =	vld [tilespmem:$0x80]  }
0x52: {  	v4 =	vld [tilespmem:$0x90]  }
0x53: {  	v5 =	vld [tilespmem:$0xA0]  }
0x54: {  	v6 =	vld [tilespmem:$0xB0]  }
0x55: {  	v7 =	vld [tilespmem:$0xC0]  }
0x56: {  	v3 =	vsub.s32 v3, v0  }
0x57: {  	v4 =	vsub.s32 v4, v0;
	v3 =	vmin.u32 v3, $0x1400  }
0x58: {  	v61 =	vsub.s32 v5, v0;
	[tilespmem:$0x80] =	vst v3;
	v3 =	vmin.u32 v4, $0x1400  }
0x59: {  	v62 =	vsub.s32 v6, v0;
	[tilespmem:$0x90] =	vst v3;
	v3 =	vmin.u32 v61, $0x1400  }
0x5a: {  	v63 =	vsub.s32 v7, v0;
	[tilespmem:$0xA0] =	vst v3;
	v3 =	vmin.u32 v62, $0x1400  }
0x5b: {  	p0 =	seq.s32 s22, $0x4D800;
	[tilespmem:$0xB0] =	vst v3;
	v3 =	vmin.u32 v63, $0x1400  }
.Ltmp3:
0x5c: {  	[tilespmem:$0xC0] =	vst v3;
	(pc) =	sbr.rel @p0 .LBB2_6-.Ltmp3, $4  }
0x5d: {  	[spmem:s2] =	stream.indirect.scatter.add.f32 [tilespmem:s18], [sflag:$0x2], $0x80, s17, s16, $0xb8;
	[tilespmem:$0x19900] =	vst v63  }
0x5e: {  	_ =	swait.ge [sflag:s19], $0x2800  }
0x5f: {  	[sflag:s19] =	ssyncset.done $0x0  }
0x60: {  	[sflag:s19] =	ssyncadd.s32 $0xFFFFD800  }
0x61: {  	[tilespmem:s3], [sflag:$0x3] =	stream.linear.gather [hbm4b:s23+s3], $0x50, $0x38;
	[tilespmem:$0x19900] =	vst v63  }
0x62: {  	_ =	swait.ge [sflag:s14], $0x50  }
0x63: {  	[sflag:s14] =	ssyncset.done $0x0  }
0x64: {  	s24 =	sadd.s32 $0xA00, s24;
	[sflag:s14] =	ssyncadd.s32 $0xFFFFFFB0  }
0x65: {  	[tilespmem:s15], [sflag:$0x3] =	stream.linear.gather [hbm4b:s24+s3], $0x2800, $0x38;
	[tilespmem:$0x19900] =	vst v63  }
0x66: {  	_ =	swait.ge [sflag:s14], $0x2800  }
0x67: {  	[sflag:s14] =	ssyncset.done $0x0  }
0x68: {  	[sflag:s14] =	ssyncadd.s32 $0xFFFFD800  }
0x69: {  	v3 =	vld [tilespmem:$0x0]  }
0x6a: {  	v4 =	vld [tilespmem:$0x10]  }
0x6b: {  	v5 =	vld [tilespmem:$0x20]  }
0x6c: {  	v6 =	vld [tilespmem:$0x30]  }
0x6d: {  	v7 =	vld [tilespmem:$0x40]  }
0x6e: {  	v3 =	vsub.s32 v3, v0  }
0x6f: {  	v4 =	vsub.s32 v4, v0;
	v3 =	vmin.u32 v3, $0x1400  }
.Ltmp4:
0x70: {  	v61 =	vsub.s32 v5, v0;
	[tilespmem:$0x0] =	vst v3;
	v3 =	vmin.u32 v4, $0x1400;
	(pc) =	sbr.rel .LBB2_4-.Ltmp4, $4  }
0x71: {  	v62 =	vsub.s32 v6, v0;
	[tilespmem:$0x10] =	vst v3;
	v3 =	vmin.u32 v61, $0x1400  }
0x72: {  	v63 =	vsub.s32 v7, v0;
	[tilespmem:$0x20] =	vst v3;
	v3 =	vmin.u32 v62, $0x1400  }
0x73: {  	[tilespmem:$0x30] =	vst v3;
	v3 =	vmin.u32 v63, $0x1400  }
0x74: {  	s22 =	sadd.s32 $0xA00, s22;
	s23 =	sadd.s32 $0x14, s23;
	[tilespmem:$0x40] =	vst v3  }
.LBB2_6:
0x75: {  	_ =	swait.ge [sflag:s20], $0x2800  }
0x76: {  	[sflag:s20] =	ssyncset.done $0x0  }
0x77: {  	s22 =	sshll.u32 s0, $0x6;
	[sflag:s20] =	ssyncadd.s32 $0xFFFFD800  }
0x78: {  	s23 =	sshrl.u32 s7, $0x3;
	s22 =	sor.u32 $0x1C03, s22;
	[bflag:$0x0] =	sbarrier.arrive $0xFFFF  }
0x79: {  	[hbm:s8], [sflag:s22] =	dma.local [spmem:s23], $0x1400  }
0x7a: {  	_ =	swait.ge [sflag:s14], $0x1400  }
0x7b: {  	[sflag:s14] =	ssyncset.done $0x0  }
0x7c: {  	[sflag:s14] =	ssyncadd.s32 $0xFFFFEC00  }
0x7d: {  	[bflag:$0x0] =	sbarrier.arrive $0xFFFF  }
0x7e: {  	[spmem:s4] =	stream.linear.scatter [tilespmem:s13], [sflag:$0x3], $0xA400, $0x38;
	[tilespmem:$0x19900] =	vst v63  }
0x7f: {  	_ =	swait.ge [sflag:s14], $0xA400  }
0x80: {  	[sflag:s14] =	ssyncset.done $0x0  }
0x81: {  	s24 =	simm.s32 $0x70;
	s25 =	simm.s32 $0x3C0;
	[sflag:s14] =	ssyncadd.s32 $0xFFFF5C00  }
.LBB2_7:
0x82: {  	p0 =	sne.s32 s25, $0x9FC0;
	[tilespmem:s24+$0x100] =	vst v2  }
0x83: {  	[tilespmem:s24+$0x90] =	vst v2  }
0x84: {  	[tilespmem:s24+$0xA0] =	vst v2  }
.Ltmp5:
0x85: {  	[tilespmem:s24+$0xB0] =	vst v2;
	(pc) =	sbr.rel @p0 .LBB2_7-.Ltmp5, $4  }
0x86: {  	[tilespmem:s24+$0xC0] =	vst v2  }
0x87: {  	[tilespmem:s24+$0xD0] =	vst v2  }
0x88: {  	[tilespmem:s24+$0xE0] =	vst v2  }
0x89: {  	[tilespmem:s24+$0xF0] =	vst v2;
	s24 =	sshra.s32 s25, $0x2;
	s25 =	sadd.s32 $0x200, s25  }
0x8a: {  	[tilespmem:s24+$0x100] =	vst v2  }
0x8b: {  	[tilespmem:s24+$0x90] =	vst v2  }
0x8c: {  	[tilespmem:s24+$0xA0] =	vst v2  }
0x8d: {  	[tilespmem:s24+$0xB0] =	vst v2  }
0x8e: {  	[tilespmem:s24+$0xC0] =	vst v2  }
0x8f: {  	[tilespmem:s24+$0xD0] =	vst v2  }
0x90: {  	[tilespmem:s24+$0xE0] =	vst v2  }
0x91: {  	[tilespmem:s24+$0xF0] =	vst v2;
	s24 =	simm.s32 $0x70;
	s25 =	simm.s32 $0x3C0  }
.LBB2_9:
0x92: {  	p0 =	sne.s32 s25, $0x9FC0;
	[tilespmem:s24+$0x2900] =	vst v2  }
0x93: {  	[tilespmem:s24+$0x2890] =	vst v2  }
0x94: {  	[tilespmem:s24+$0x28A0] =	vst v2  }
.Ltmp6:
0x95: {  	[tilespmem:s24+$0x28B0] =	vst v2;
	(pc) =	sbr.rel @p0 .LBB2_9-.Ltmp6, $4  }
0x96: {  	[tilespmem:s24+$0x28C0] =	vst v2  }
0x97: {  	[tilespmem:s24+$0x28D0] =	vst v2  }
0x98: {  	[tilespmem:s24+$0x28E0] =	vst v2  }
0x99: {  	[tilespmem:s24+$0x28F0] =	vst v2;
	s24 =	sshra.s32 s25, $0x2;
	s25 =	sadd.s32 $0x200, s25  }
0x9a: {  	[tilespmem:s24+$0x2900] =	vst v2  }
0x9b: {  	[tilespmem:s24+$0x2890] =	vst v2  }
0x9c: {  	[tilespmem:s24+$0x28A0] =	vst v2  }
0x9d: {  	[tilespmem:s24+$0x28B0] =	vst v2  }
0x9e: {  	[tilespmem:s24+$0x28C0] =	vst v2  }
0x9f: {  	[tilespmem:s24+$0x28D0] =	vst v2  }
0xa0: {  	[tilespmem:s24+$0x28E0] =	vst v2  }
0xa1: {  	[tilespmem:s24+$0x28F0] =	vst v2  }
0xa2: {  	[bflag:$0x0] =	sbarrier.arrive $0xFFFF  }
0xa3: {  	[tilespmem:s3], [sflag:$0x3] =	stream.linear.gather [hbm4b:s5+s3], $0x50, $0x38;
	[tilespmem:$0x19900] =	vst v63  }
0xa4: {  	_ =	swait.ge [sflag:s14], $0x50  }
0xa5: {  	[sflag:s14] =	ssyncset.done $0x0  }
0xa6: {  	[sflag:s14] =	ssyncadd.s32 $0xFFFFFFB0  }
0xa7: {  	v3 =	vld [tilespmem:$0x0]  }
0xa8: {  	v4 =	vld [tilespmem:$0x10]  }
0xa9: {  	v5 =	vld [tilespmem:$0x20]  }
0xaa: {  	v6 =	vld [tilespmem:$0x30]  }
0xab: {  	v7 =	vld [tilespmem:$0x40]  }
0xac: {  	v3 =	vsub.s32 v3, v0  }
0xad: {  	v4 =	vsub.s32 v4, v0;
	v3 =	vmin.u32 v3, $0x1400  }
0xae: {  	v61 =	vsub.s32 v5, v0;
	[tilespmem:$0x0] =	vst v3;
	v3 =	vmin.u32 v4, $0x1400  }
0xaf: {  	v62 =	vsub.s32 v6, v0;
	[tilespmem:$0x10] =	vst v3;
	v3 =	vmin.u32 v61, $0x1400  }
0xb0: {  	v63 =	vsub.s32 v7, v0;
	[tilespmem:$0x20] =	vst v3;
	v3 =	vmin.u32 v62, $0x1400  }
0xb1: {  	[tilespmem:$0x30] =	vst v3;
	v3 =	vmin.u32 v63, $0x1400  }
0xb2: {  	s24 =	simm.s32 $0xFFFFF650;
	[tilespmem:$0x40] =	vst v3  }
.LBB2_11:
0xb3: {  	[spmem:s2] =	stream.indirect.scatter.add.f32 [tilespmem:s15], [sflag:$0x1], $0x80, s3, s16, $0xb8;
	[tilespmem:$0x19900] =	vst v63  }
0xb4: {  	p0 =	seq.s32 s24, $0xFFFFF650  }
0xb5: {  	s26 =	simm.s32 @!p0 $0x2  }
0xb6: {  	_ =	swait.ge @!p0 [sflag:s26], $0x2800  }
0xb7: {  	s25 =	sadd.s32 s24, s9;
	[sflag:s26] =	ssyncset.done @!p0 $0x0  }
0xb8: {  	s31 =	sadd.s32 $0x9BA, s25;
	[sflag:s26] =	ssyncadd.s32 @!p0 $0xFFFFD800  }
0xb9: {  	[tilespmem:s17], [sflag:$0x3] =	stream.linear.gather [hbm4b:s31+s3], $0x50, $0x38;
	[tilespmem:$0x19900] =	vst v63  }
0xba: {  	_ =	swait.ge [sflag:s14], $0x50  }
0xbb: {  	[sflag:s14] =	ssyncset.done $0x0  }
0xbc: {  	[sflag:s14] =	ssyncadd.s32 $0xFFFFFFB0  }
0xbd: {  	v3 =	vld [tilespmem:$0x80]  }
0xbe: {  	v4 =	vld [tilespmem:$0x90]  }
0xbf: {  	v5 =	vld [tilespmem:$0xA0]  }
0xc0: {  	v6 =	vld [tilespmem:$0xB0]  }
0xc1: {  	v7 =	vld [tilespmem:$0xC0]  }
0xc2: {  	v3 =	vsub.s32 v3, v0  }
0xc3: {  	v4 =	vsub.s32 v4, v0;
	v3 =	vmin.u32 v3, $0x1400  }
0xc4: {  	v61 =	vsub.s32 v5, v0;
	[tilespmem:$0x80] =	vst v3;
	v3 =	vmin.u32 v4, $0x1400  }
0xc5: {  	v62 =	vsub.s32 v6, v0;
	[tilespmem:$0x90] =	vst v3;
	v3 =	vmin.u32 v61, $0x1400  }
0xc6: {  	v63 =	vsub.s32 v7, v0;
	[tilespmem:$0xA0] =	vst v3;
	v3 =	vmin.u32 v62, $0x1400  }
0xc7: {  	p0 =	seq.s32 s24, $0x0;
	[tilespmem:$0xB0] =	vst v3;
	v3 =	vmin.u32 v63, $0x1400  }
.Ltmp7:
0xc8: {  	[tilespmem:$0xC0] =	vst v3;
	(pc) =	sbr.rel @p0 .LBB2_13-.Ltmp7, $4  }
0xc9: {  	[spmem:s2] =	stream.indirect.scatter.add.f32 [tilespmem:s18], [sflag:$0x2], $0x80, s17, s16, $0xb8;
	[tilespmem:$0x19900] =	vst v63  }
0xca: {  	_ =	swait.ge [sflag:s19], $0x2800  }
0xcb: {  	[sflag:s19] =	ssyncset.done $0x0  }
0xcc: {  	[sflag:s19] =	ssyncadd.s32 $0xFFFFD800  }
0xcd: {  	s25 =	sadd.s32 $0x9C4, s25  }
0xce: {  	[tilespmem:s3], [sflag:$0x3] =	stream.linear.gather [hbm4b:s25+s3], $0x50, $0x38;
	[tilespmem:$0x19900] =	vst v63  }
0xcf: {  	_ =	swait.ge [sflag:s14], $0x50  }
0xd0: {  	[sflag:s14] =	ssyncset.done $0x0  }
0xd1: {  	[sflag:s14] =	ssyncadd.s32 $0xFFFFFFB0  }
0xd2: {  	v3 =	vld [tilespmem:$0x0]  }
0xd3: {  	v4 =	vld [tilespmem:$0x10]  }
0xd4: {  	v5 =	vld [tilespmem:$0x20]  }
0xd5: {  	v6 =	vld [tilespmem:$0x30]  }
0xd6: {  	v7 =	vld [tilespmem:$0x40]  }
0xd7: {  	v3 =	vsub.s32 v3, v0  }
0xd8: {  	v4 =	vsub.s32 v4, v0;
	v3 =	vmin.u32 v3, $0x1400  }
.Ltmp8:
0xd9: {  	v61 =	vsub.s32 v5, v0;
	[tilespmem:$0x0] =	vst v3;
	v3 =	vmin.u32 v4, $0x1400;
	(pc) =	sbr.rel .LBB2_11-.Ltmp8, $4  }
0xda: {  	v62 =	vsub.s32 v6, v0;
	[tilespmem:$0x10] =	vst v3;
	v3 =	vmin.u32 v61, $0x1400  }
0xdb: {  	v63 =	vsub.s32 v7, v0;
	[tilespmem:$0x20] =	vst v3;
	v3 =	vmin.u32 v62, $0x1400  }
0xdc: {  	[tilespmem:$0x30] =	vst v3;
	v3 =	vmin.u32 v63, $0x1400  }
0xdd: {  	s24 =	sadd.s32 $0x14, s24;
	[tilespmem:$0x40] =	vst v3  }
.LBB2_14:
0xde: {  	_ =	sfence.sel $0x180000  }
0xdf: {  	[bflag:$0x0] =	sbarrier.arrive $0xFFFF  }
0xe0: {  	p0 =	sne.s32 s0, $0x0;
	_ =	strace $0x9000004A  }
0xe1: {  	s0 =	sadd.s32 @!p0 $0x100000, s1;
	[bflag:$0x2] =	sbarrier.arrive $0xFFFF  }
0xe2: {  	[sflag:s0] =	ssyncadd.tile.s32 @!p0 $0x1;
	_ =	shalt  }
.Lfunc_end2:
_tile_overlayer_lowered:
.L_overlay_start_2:
0xe3: {  	(tag) =	ssettag $0x2  }
0xe4: {  	s0 =	rddreg [dreg:$0x0];
	s2 =	stileid.u32  }
0xe5: {  	s1 =	rddreg [dreg:$0x1];
	p0 =	sne.s32 s2, $0x0  }
0xe6: {  	s3 =	rddreg [dreg:$0x2];
	[bflag:$0x3] =	sbarrier.arrive $0xFFFF;
	s2 =	simm.s32 @!p0 $0x1C03  }
0xe7: {  	[timem:s3], [sflag:s2] =	dma.local @!p0 [hbm:s0], s1  }
0xe8: {  	s0 =	simm.s32 @!p0 $0x3  }
0xe9: {  	_ =	swait.ge @!p0 [sflag:s0], s1  }
0xea: {  	s1 =	ssub.s32 @!p0 $0x0, s1;
	[sflag:s0] =	ssyncset.done @!p0 $0x0  }
0xeb: {  	[sflag:s0] =	ssyncadd.s32 @!p0 s1  }
0xec: {  	[bflag:$0x3] =	sbarrier.arrive $0xFFFF  }
0xed: {  	_ =	shalt  }

// kernel: kernel.16.cloned.1.call-start
scs
__scs_entry_jumppad:
0x0: {  	(pc) =	sbr.rel $0x88, $3  }
0x1: {  	(tag) =	ssettag $0x0;
	lr =	simm.s32 $0x1  }
0x2: {  	[smem:$0x3F8E] =	sst lr;
	_ =	strace $0xD0000000  }
0x3: {  	_ = 	snop  }
0x4: {  	_ = 	snop  }
0x5: {  	_ = 	snop  }
0x6: {  	_ = 	snop  }
0x7: {  	_ = 	snop  }
__scs_overlays_trampoline_lowered:
0x8: {  	[smem:$0x3F9D] =	sst s0  }
0x9: {  	[smem:$0x3F9E] =	sst s1  }
0xa: {  	[smem:$0x3F9F] =	sst s2  }
0xb: {  	[smem:$0x3FA0] =	sst s3  }
0xc: {  	[smem:$0x3FA1] =	sst s4  }
0xd: {  	[smem:$0x3FA2] =	sst s5  }
0xe: {  	[smem:$0x3FA3] =	sst s6  }
0xf: {  	[smem:$0x3FA4] =	sst s7  }
0x10: {  	[smem:$0x3FA5] =	sst s8  }
0x11: {  	[smem:$0x3FA6] =	sst s9;
	s0 =	simm.s32 @!p0 $0x0  }
0x12: {  	s1 =	sld [smem:$0x3F8C];
	s0 =	simm.s32 @p0 $0x1  }
0x13: {  	[smem:$0x3FA7] =	sst s0;
	s0 =	simm.s32 @!p1 $0x0  }
0x14: {  	s2 =	sld [smem:$0x3F8B];
	s0 =	simm.s32 @p1 $0x1  }
0x15: {  	[smem:$0x3FA8] =	sst s0;
	s0 =	simm.s32 @!p2 $0x0  }
0x16: {  	s3 =	sld [smem:$0x3FDB];
	s0 =	simm.s32 @p2 $0x1  }
0x17: {  	s4 =	simm.s32 $0x1BF5;
	[smem:$0x3FAA] =	sst s0  }
0x18: {  	s0 =	sld [smem:$0x3F8D];
	_ =	swait.ge [sflag:s4], $0x0  }
0x19: {  	s7 =	sld [smem:$0x3F8E]  }
0x1a: {  	s8 =	sadd.s32 $0xFFFFE003, lr  }
0x1b: {  	s9 =	sadd.s32 $0xFFFFFEF7, lr;
	s5 =	simm.s32 $0xFFFFFFFF;
	p2 =	slt.u32 s8, $0xFFFFF086  }
0x1c: {  	p1 =	slt.u32 s9, $0xF7A;
	s5 =	simm.s32 @!p2 $0x0  }
0x1d: {  	s5 =	simm.s32 @p1 $0x1;
	p0 =	seq.s32 s7, s2  }
0x1e: {  	s7 =	smul.u32 @!p0 $0xF7A, s2;
	p2 =	seq.s32 @!p0 s5, $0x0  }
0x1f: {  	s9 =	smul.u32 $0xF7A, s1;
	s8 =	simm.s32 @!p0 $0x1BF5;
	p2 =	por !p2, p0  }
0x20: {  	[sflag:s8] =	ssyncset.s32 @!p0 $0xFFFFF086;
	s6 =	sadd.s32 @!p0 s3, s7;
	s7 =	simm.s32 @!p0 $0x108  }
0x21: {  	s3 =	sadd.s32 s3, s9;
	s6 =	sadd.s32 @!p0 $0x88, s6;
	s7 =	simm.s32 @p2 $0x1082  }
0x22: {  	[simem:s7], [sflag:s8] =	dma.local @!p0 [hbm:s6], $0xF7A  }
0x23: {  	s9 =	sor.u32 $0xD0000000, s2;
	s6 =	simm.s32 $0x108;
	_ =	swait.ge @!p0 [sflag:s8], $0x0  }
0x24: {  	s3 =	sadd.s32 $0x88, s3;
	s6 =	simm.s32 @!p1 $0x1082;
	[sflag:s4] =	ssyncset.s32 $0xFFFFF086  }
0x25: {  	[simem:s6], [sflag:s4] =	dma.local [hbm:s3], $0xF7A  }
0x26: {  	[smem:$0x3F8E] =	sst s1;
	(tag) =	ssettag s2;
	_ =	strace s9  }
0x27: {  	s1 =	sld [smem:$0x3F9E]  }
0x28: {  	s2 =	sld [smem:$0x3F9F]  }
0x29: {  	s4 =	sld [smem:$0x3FA1]  }
0x2a: {  	p0 =	seq.s32 s5, $0x0;
	s5 =	sld [smem:$0x3FA2]  }
0x2b: {  	s6 =	sld [smem:$0x3FA3]  }
0x2c: {  	s7 =	sld [smem:$0x3FA4]  }
0x2d: {  	s3 =	simm.s32 $0x108;
	s8 =	sld [smem:$0x3FA5]  }
0x2e: {  	s3 =	simm.s32 @!p0 $0x1082;
	s9 =	sld [smem:$0x3FA6]  }
0x2f: {  	lr =	sadd.s32 s0, s3;
	s0 =	sld [smem:$0x3F9D]  }
0x30: {  	s3 =	sld [smem:$0x3FA0]  }
0x31: {  	[smem:$0x3FA9] =	sst s10  }
0x32: {  	s10 =	sld [smem:$0x3FA7];
	_ =	sdelay $0x3  }
0x33: {  	p0 =	seq.s32 s10, $0x1;
	s10 =	sld [smem:$0x3FA9];
	_ =	sdelay $0x3  }
0x34: {  	[smem:$0x3FA9] =	sst s10  }
0x35: {  	s10 =	sld [smem:$0x3FA8];
	_ =	sdelay $0x3  }
0x36: {  	p1 =	seq.s32 s10, $0x1;
	s10 =	sld [smem:$0x3FA9];
	_ =	sdelay $0x3  }
0x37: {  	[smem:$0x3FA9] =	sst s10  }
0x38: {  	s10 =	sld [smem:$0x3FAA]  }
0x39: {  	_ = 	snop;
	(pc) =	sbr.ind lr, $3  }
0x3a: {  	_ = 	snop  }
0x3b: {  	_ = 	snop  }
0x3c: {  	p2 =	seq.s32 s10, $0x1;
	s10 =	sld [smem:$0x3FA9]  }
0x3d: {  	_ =	shalt  }
0x3e: {  	_ =	shalt  }
0x3f: {  	_ =	shalt  }
0x40: {  	_ =	shalt  }
0x41: {  	_ =	shalt  }
0x42: {  	_ =	shalt  }
0x43: {  	_ =	shalt  }
0x44: {  	_ =	shalt  }
0x45: {  	_ =	shalt  }
0x46: {  	_ =	shalt  }
0x47: {  	_ =	shalt  }
0x48: {  	_ =	shalt  }
0x49: {  	_ =	shalt  }
0x4a: {  	_ =	shalt  }
0x4b: {  	_ =	shalt  }
0x4c: {  	_ =	shalt  }
0x4d: {  	_ =	shalt  }
0x4e: {  	_ =	shalt  }
0x4f: {  	_ =	shalt  }
0x50: {  	_ =	shalt  }
0x51: {  	_ =	shalt  }
0x52: {  	_ =	shalt  }
0x53: {  	_ =	shalt  }
0x54: {  	_ =	shalt  }
0x55: {  	_ =	shalt  }
0x56: {  	_ =	shalt  }
0x57: {  	_ =	shalt  }
0x58: {  	_ =	shalt  }
0x59: {  	_ =	shalt  }
0x5a: {  	_ =	shalt  }
0x5b: {  	_ =	shalt  }
0x5c: {  	_ =	shalt  }
0x5d: {  	_ =	shalt  }
0x5e: {  	_ =	shalt  }
0x5f: {  	_ =	shalt  }
0x60: {  	_ =	shalt  }
0x61: {  	_ =	shalt  }
0x62: {  	_ =	shalt  }
0x63: {  	_ =	shalt  }
0x64: {  	_ =	shalt  }
0x65: {  	_ =	shalt  }
0x66: {  	_ =	shalt  }
0x67: {  	_ =	shalt  }
0x68: {  	_ =	shalt  }
0x69: {  	_ =	shalt  }
0x6a: {  	_ =	shalt  }
0x6b: {  	_ =	shalt  }
0x6c: {  	_ =	shalt  }
0x6d: {  	_ =	shalt  }
0x6e: {  	_ =	shalt  }
0x6f: {  	_ =	shalt  }
0x70: {  	_ =	shalt  }
0x71: {  	_ =	shalt  }
0x72: {  	_ =	shalt  }
0x73: {  	_ =	shalt  }
0x74: {  	_ =	shalt  }
0x75: {  	_ =	shalt  }
0x76: {  	_ =	shalt  }
0x77: {  	_ =	shalt  }
0x78: {  	_ =	shalt  }
0x79: {  	_ =	shalt  }
0x7a: {  	_ =	shalt  }
0x7b: {  	_ =	shalt  }
0x7c: {  	_ =	shalt  }
0x7d: {  	_ =	shalt  }
0x7e: {  	_ =	shalt  }
0x7f: {  	_ =	shalt  }
0x80: {  	_ =	shalt  }
0x81: {  	_ =	shalt  }
0x82: {  	_ =	shalt  }
0x83: {  	_ =	shalt  }
0x84: {  	_ =	shalt  }
0x85: {  	_ =	shalt  }
0x86: {  	_ =	shalt  }
0x87: {  	_ =	shalt  }
.Lfunc_end0:
.L_simem_size_0:
called_computation.2_lowered:
.L_overlay_start_0:
0x88: {  	s2 =	sld [smem:$0x3FD9]  }
0x89: {  	s3 =	sld [smem:$0x3FFE];
	_ =	sdelay $0x1  }
0x8a: {  	s1 =	srdreg.scid  }
0x8b: {  	s0 =	sand.u32 $0x1, s1  }
0x8c: {  	s16 =	sshll.u32 s0, $0xA;
	s2 =	sadd.s32 s3, s2  }
0x8d: {  	s2 =	sadd.s32 s2, s16  }
0x8e: {  	[smem:$0x3FB5] =	sst s2  }
0x8f: {  	_ = 	snop  }
0x90: {  	(tm) =	ssettm $0x1  }
0x91: {  	s17 =	sld [smem:$0x3FFB];
	_ =	sdelay $0x3  }
0x92: {  	_ =	strace s17  }
0x93: {  	s2 =	sld [smem:$0x3FFC];
	_ =	sdelay $0x3  }
0x94: {  	_ =	strace s2  }
0x95: {  	s2 =	sld [smem:$0x3FFD];
	_ =	sdelay $0x3  }
0x96: {  	_ =	strace s2  }
0x97: {  	_ =	strace $0x8FFFFFFF  }
0x98: {  	s18 =	sld [smem:$0x3FDB];
	_ =	sdelay $0x1  }
0x99: {  	s19 =	simm.s32 $_scs_section_size  }
0x9a: {  	s4 =	simm.s32 $_size__tile_overlayer_lowered;
	s5 =	simm.s32 $_tile_overlayer_lowered  }
0x9b: {  	s22 =	simm.s32 $0x1BFF;
	s21 =	sshll.u32 s5, $0x1;
	s2 =	sadd.s32 s19, s18  }
0x9c: {  	s6 =	simm.s32 $0x0;
	s20 =	sshll.u32 s4, $0x1;
	s4 =	sadd.s32 s21, s2  }
0x9d: {  	[timem:s6], [sflag:s22] =	dma.local [hbm:s4], s20  }
0x9e: {  	_ =	swait.ge [sflag:s22], s20  }
0x9f: {  	s3 =	ssub.s32 $0x0, s20;
	[sflag:s22] =	ssyncset.done $0x0  }
0xa0: {  	[sflag:s22] =	ssyncadd.s32 s3;
	_ =	sdelay $0x1  }
0xa1: {  	s23 =	simm.s32 $0x1B8B  }
0xa2: {  	_ =	swait.ge [sflag:s23], $0x1  }
0xa3: {  	[sflag:s23] =	ssyncset.done $0x0  }
0xa4: {  	s25 =	simm.s32 $0x1B8E;
	s24 =	sld [smem:$0x3FFE];
	[sflag:s23] =	ssyncadd.s32 $0xFFFFFFFF  }
0xa5: {  	s26 =	simm.s32 $execute0_lowered;
	[smem:$0x3FD2] =	sst s25  }
0xa6: {  	s4 =	sshll.u32 s26, $0x1;
	_ =	strace $0x8000004C;
	[dreg:$0x1] =	wrdreg $0xFFFFFFFF  }
0xa7: {  	s28 =	simm.s32 $_size_execute0_lowered;
	s2 =	sadd.s32 s2, s4;
	[dreg:$0x0] =	wrdreg $0x0  }
0xa8: {  	s4 =	sshll.u32 s28, $0x1;
	[dreg:$0x2] =	wrdreg s2  }
0xa9: {  	[dreg:$0x3] =	wrdreg s4  }
0xaa: {  	[dreg:$0x4] =	wrdreg $0xC0  }
0xab: {  	_ =	task [dreg:s6], $0x5FFFF  }
0xac: {  	[dreg:$0x1] =	wrdreg $0xFFFFFFFF  }
0xad: {  	[dreg:$0x0] =	wrdreg $0x60  }
0xae: {  	[dreg:$0x2] =	wrdreg s24  }
0xaf: {  	[dreg:$0x3] =	wrdreg $0x9  }
0xb0: {  	_ =	task.clear_ibuf [dreg:s6], $0x4FFFF;
	_ =	strace $0x9000004C  }
0xb1: {  	s29 =	simm.s32 $0x9;
	_ =	strace $0x8000004E  }
0xb2: {  	_ =	swait.ge [sflag:s29], $0x1  }
0xb3: {  	[sflag:s29] =	ssyncadd.s32 $0xFFFFFFFF  }
0xb4: {  	_ =	strace $0x9000004E  }
0xb5: {  	_ =	sfence  }
0xb6: {  	s30 =	sld [smem:$0x0];
	_ =	sdelay $0x2  }
0xb7: {  	s31 =	sshll.u32 s1, $0xD;
	s1 =	sshrl.u32 s1, $0x2  }
0xb8: {  	s3 =	sand.u32 $0x4000, s31;
	s1 =	sadd.s32 s1, s30  }
0xb9: {  	s0 =	sor.u32 s3, s0;
	s1 =	sshll.u32 s1, $0x11  }
0xba: {  	s0 =	sor.u32 s1, s0  }
0xbb: {  	s0 =	sadd.s32 $0x8F2B, s0  }
0xbc: {  	[sflag:s0] =	ssyncadd.remote.s32 $0x1  }
0xbd: {  	_ =	sfence.sel $0xFFFF  }
0xbe: {  	[dreg:$0x0] =	wrdreg $0xFFFFFFFF;
	(pc) =	sbr.abs _section_cstart, $3  }
0xbf: {  	[dreg:$0x1] =	wrdreg $0xFFFFFFFF  }
0xc0: {  	_ =	task.clear_ibuf [dreg:s6], $0x2FFFF;
	_ =	strace $0x9FFFFFFF  }
0xc1: {  	(tm) =	ssettm $0x7FFFFFFF  }
tec
execute0_lowered:
.L_overlay_start_1:
0x0: {  	(tag) =	ssettag $0x1  }
0x1: {  	s0 =	rddreg [dreg:$0x0];
	s2 =	simm.s32 $0x0;
	s9 =	stileid.u32  }
0x2: {  	s1 =	srdreg.scid;
	s14 =	simm.s32 $0x9;
	s16 =	simm.s32 $0x200  }
0x3: {  	s29 =	simm.s32 $0x1;
	s30 =	simm.s32 $0x2;
	s31 =	simm.s32 $0x5200  }
0x4: {  	s12 =	simm.s32 $0x9200;
	s13 =	simm.s32 $0x9A00;
	s17 =	simm.s32 $0x5  }
0x5: {  	s18 =	simm.s32 $0x6;
	s19 =	simm.s32 $0x3;
	s20 =	simm.s32 $0x4  }
0x6: {  	[smem:$0x7FF] =	sst s2;
	s1 =	sand.u32 $0x1, s1;
	s6 =	smul.u32 $0x9C400, s9  }
0x7: {  	s3 =	sshll.u32 s9, $0x1;
	s4 =	sadd.s32 $0x4A00, s0;
	s9 =	smul.u32 $0x4E20, s9  }
0x8: {  	_ =	strace $0x8000004D;
	s5 =	sor.u32 s1, s3;
	s10 =	smul.u32 $0x2710, s1  }
0x9: {  	s3 =	sadd.s32 $0x18600, s0;
	s8 =	ssub.s32 $0x2, s1;
	s1 =	smul.u32 $0x4E200, s1  }
0xa: {  	s7 =	smul.u32 $0x2710, s5;
	s5 =	sadd.s32 $0xE800, s0;
	s21 =	sshrl.u32 s8, $0x1  }
0xb: {  	s0 =	sadd.s32 s6, s0;
	s6 =	ssub.s32 s8, s21;
	s23 =	sadd.s32 s10, s9  }
0xc: {  	s0 =	sadd.s32 s1, s0;
	s21 =	simm.s32 $0x2A00;
	s8 =	simm.s32 $0x8200  }
0xd: {  	s9 =	simm.s32 $0x8A00;
	s7 =	sshrl.u32 s7, $0x3;
	s6 =	smax.u32 s6, $0x1  }
0xe: {  	s24 =	sadd.s32 $0x28, s23;
	s25 =	sadd.s32 $0x50, s23;
	[dreg:$0x4] =	wrdreg s6  }
.Ltmp0:
0xf: {  	s22 =	sadd.s32 s4, s7;
	[dreg:$0x5] =	wrdreg s25;
	(pc) =	sbr.rel .LBB2_1-.Ltmp0, $4  }
0x10: {  	s7 =	sadd.s32 s5, s7;
	s1 =	sshrl.u32 s24, $0x3;
	[dreg:$0x2] =	wrdreg s22  }
0x11: {  	v2 =	vlaneseq.u32;
	s10 =	sadd.s32 $0x90600, s0;
	[dreg:$0x3] =	wrdreg s7;
	s26 =	sadd.s32 s1, s5  }
0x12: {  	vm0 =	vmmov $0xffff;
	v1 =	vshrl.u32 v2, $0x3;
	s11 =	sadd.s32 $0x18AA600, s0;
	s28 =	sadd.s32 s1, s4;
	[dreg:$0x6] =	wrdreg s26  }
0x13: {  	v0 =	vand.u32 $0x7, v2;
	v2 =	vor.u32 $0x8, v2;
	v1 =	vmul.u32 $0x8, v1;
	s6 =	simm.s32 $0x0;
	s7 =	simm.s32 $0x7A00;
	[dreg:$0x7] =	wrdreg s28  }
.LBB2_5:
0x14: {  	s0 =	simm.s32 $0x7  }
0x15: {  	_ =	swait.ge [sflag:s0], $0x2800  }
0x16: {  	[sflag:s0] =	ssyncset.done $0x0  }
0x17: {  	s1 =	simm.s32 $0x8;
	[sflag:s0] =	ssyncadd.s32 $0xFFFFD800  }
0x18: {  	_ =	swait.ge [sflag:s1], $0x2800  }
0x19: {  	s6 =	rddreg [dreg:$0x8]  }
0x1a: {  	s28 =	rddreg [dreg:$0x4];
	s6 =	sadd.s32 $0x1, s6  }
0x1b: {  	p0 =	sne.s32 s6, s28  }
.Ltmp1:
0x1c: {  	_ = 	snop;
	(pc) =	sbr.rel @!p0 .LBB2_6-.Ltmp1, $3  }
0x1d: {  	_ =	sdelay $0x1  }
0x1e: {  	[sflag:s1] =	ssyncset.done $0x0  }
0x1f: {  	[sflag:s1] =	ssyncadd.s32 $0xFFFFD800  }
.LBB2_1:
0x20: {  	[dreg:$0x8] =	wrdreg s6  }
0x21: {  	s0 =	rddreg [dreg:$0x2]  }
0x22: {  	[tilespmem:s2], [sflag:$0x9] =	stream.linear.gather [hbm4b:s0+s2], $0x28, $0x38;
	[tilespmem:$0xA200] =	vst v63  }
0x23: {  	_ =	swait.ge [sflag:s14], $0x28  }
0x24: {  	[sflag:s14] =	ssyncset.done $0x0  }
0x25: {  	s1 =	simm.s32 $0x100;
	s28 =	rddreg [dreg:$0x3];
	[sflag:s14] =	ssyncadd.s32 $0xFFFFFFD8  }
0x26: {  	[tilespmem:s1], [sflag:$0x9] =	stream.linear.gather [hbm4b:s28+s2], $0x28, $0x38;
	[tilespmem:$0xA200] =	vst v63  }
0x27: {  	_ =	swait.ge [sflag:s14], $0x28  }
0x28: {  	[sflag:s14] =	ssyncset.done $0x0  }
0x29: {  	[sflag:s14] =	ssyncadd.s32 $0xFFFFFFD8  }
0x2a: {  	v3 =	vld [tilespmem:$0x0];
	_ =	sdelay $0x4  }
0x2b: {  	v4 =	vshll.u32 v3, $0x1  }
0x2c: {  	v3 =	vand.u32 $0x7, v3;
	v4 =	vand.u32 $0xFFFFFFF0, v4  }
0x2d: {  	v3 =	vor.u32 v3, v4  }
0x2e: {  	v4 =	vperm.xlane v3, v0;
	_ =	sdelay $0x1  }
0x2f: {  	v3 =	vperm.xlane v3, v2;
	v4 =	vadd.s32 v1, v4;
	_ =	sdelay $0x1  }
0x30: {  	v3 =	vadd.s32 v1, v3;
	_ =	sdelay $0x2  }
0x31: {  	[tilespmem:s16], [sflag:$0x1] =	stream.indirect_vreg.gather [hbm4b:s3+s2], $0x80, v4, vm0, $0xb8;
	[tilespmem:$0xA200] =	vst v63  }
0x32: {  	s6 =	simm.s32 $0xA00  }
0x33: {  	[tilespmem:s6], [sflag:$0x1] =	stream.indirect_vreg.gather [hbm4b:s3+s2], $0x80, v3, vm0, $0xb8;
	[tilespmem:$0xA200] =	vst v63  }
0x34: {  	v3 =	vld [tilespmem:$0x10];
	_ =	sdelay $0x4  }
0x35: {  	v59 =	vshll.u32 v3, $0x1  }
0x36: {  	v3 =	vand.u32 $0x7, v3;
	v4 =	vand.u32 $0xFFFFFFF0, v59  }
0x37: {  	v3 =	vor.u32 v3, v4  }
0x38: {  	v4 =	vperm.xlane v3, v0;
	_ =	sdelay $0x1  }
0x39: {  	v3 =	vperm.xlane v3, v2;
	v4 =	vadd.s32 v1, v4;
	_ =	sdelay $0x1  }
0x3a: {  	v3 =	vadd.s32 v1, v3;
	_ =	sdelay $0x1  }
0x3b: {  	s15 =	simm.s32 $0x1200  }
0x3c: {  	[tilespmem:s15], [sflag:$0x1] =	stream.indirect_vreg.gather [hbm4b:s3+s2], $0x80, v4, vm0, $0xb8;
	[tilespmem:$0xA200] =	vst v63  }
0x3d: {  	s22 =	simm.s32 $0x1A00  }
0x3e: {  	[tilespmem:s22], [sflag:$0x1] =	stream.indirect_vreg.gather [hbm4b:s3+s2], $0x80, v3, vm0, $0xb8;
	[tilespmem:$0xA200] =	vst v63  }
0x3f: {  	v3 =	vld.msk [tilespmem:$0x20], $0xff;
	_ =	sdelay $0x4  }
0x40: {  	v60 =	vshll.u32 v3, $0x1  }
0x41: {  	v3 =	vand.u32 $0x7, v3;
	v4 =	vand.u32 $0xFFFFFFF0, v60  }
0x42: {  	v3 =	vor.u32 v3, v4  }
0x43: {  	v3 =	vperm.xlane v3, v0;
	_ =	sdelay $0x1  }
0x44: {  	v3 =	vadd.s32 v1, v3;
	_ =	sdelay $0x3  }
0x45: {  	s23 =	simm.s32 $0x2200  }
0x46: {  	[tilespmem:s23], [sflag:$0x1] =	stream.indirect_vreg.gather [hbm4b:s3+s2], $0x80, v3, vm0, $0xb8;
	[tilespmem:$0xA200] =	vst v63  }
0x47: {  	v3 =	vld [tilespmem:$0x100];
	_ =	sdelay $0x4  }
0x48: {  	v61 =	vshll.u32 v3, $0x1  }
0x49: {  	v3 =	vand.u32 $0x7, v3;
	v4 =	vand.u32 $0xFFFFFFF0, v61  }
0x4a: {  	v3 =	vor.u32 v3, v4  }
0x4b: {  	v4 =	vperm.xlane v3, v0;
	_ =	sdelay $0x1  }
0x4c: {  	v3 =	vperm.xlane v3, v2;
	v4 =	vadd.s32 v1, v4;
	_ =	sdelay $0x1  }
0x4d: {  	v3 =	vadd.s32 v1, v3;
	_ =	sdelay $0x2  }
0x4e: {  	[tilespmem:s21], [sflag:$0x2] =	stream.indirect_vreg.gather [hbm4b:s3+s2], $0x80, v4, vm0, $0xb8;
	[tilespmem:$0xA200] =	vst v63  }
0x4f: {  	s24 =	simm.s32 $0x3200  }
0x50: {  	[tilespmem:s24], [sflag:$0x2] =	stream.indirect_vreg.gather [hbm4b:s3+s2], $0x80, v3, vm0, $0xb8;
	[tilespmem:$0xA200] =	vst v63  }
0x51: {  	v3 =	vld [tilespmem:$0x110];
	_ =	sdelay $0x4  }
0x52: {  	v62 =	vshll.u32 v3, $0x1  }
0x53: {  	v3 =	vand.u32 $0x7, v3;
	v4 =	vand.u32 $0xFFFFFFF0, v62  }
0x54: {  	v3 =	vor.u32 v3, v4  }
0x55: {  	v4 =	vperm.xlane v3, v0;
	_ =	sdelay $0x1  }
0x56: {  	v3 =	vperm.xlane v3, v2;
	v4 =	vadd.s32 v1, v4;
	_ =	sdelay $0x1  }
0x57: {  	v3 =	vadd.s32 v1, v3;
	_ =	sdelay $0x1  }
0x58: {  	s25 =	simm.s32 $0x3A00  }
0x59: {  	[tilespmem:s25], [sflag:$0x2] =	stream.indirect_vreg.gather [hbm4b:s3+s2], $0x80, v4, vm0, $0xb8;
	[tilespmem:$0xA200] =	vst v63  }
0x5a: {  	s26 =	simm.s32 $0x4200  }
0x5b: {  	[tilespmem:s26], [sflag:$0x2] =	stream.indirect_vreg.gather [hbm4b:s3+s2], $0x80, v3, vm0, $0xb8;
	[tilespmem:$0xA200] =	vst v63  }
0x5c: {  	v3 =	vld.msk [tilespmem:$0x120], $0xff;
	_ =	sdelay $0x4  }
0x5d: {  	v63 =	vshll.u32 v3, $0x1  }
0x5e: {  	v3 =	vand.u32 $0x7, v3;
	v4 =	vand.u32 $0xFFFFFFF0, v63  }
0x5f: {  	v3 =	vor.u32 v3, v4  }
0x60: {  	v3 =	vperm.xlane v3, v0;
	_ =	sdelay $0x1  }
0x61: {  	v3 =	vadd.s32 v1, v3  }
.Ltmp2:
0x62: {  	_ = 	snop;
	(pc) =	sbr.rel .LBB2_2-.Ltmp2, $4  }
0x63: {  	s22 =	rddreg [dreg:$0x7]  }
0x64: {  	s23 =	rddreg [dreg:$0x6]  }
0x65: {  	s28 =	simm.s32 $0x4A00;
	s24 =	rddreg [dreg:$0x5];
	s25 =	simm.s32 $0x0  }
0x66: {  	[tilespmem:s28], [sflag:$0x2] =	stream.indirect_vreg.gather [hbm4b:s3+s2], $0x80, v3, vm0, $0xb8;
	[tilespmem:$0xA200] =	vst v63  }
.LBB2_4:
0x67: {  	s25 =	sadd.s32 $0xA00, s25  }
0x68: {  	p0 =	sne.s32 s25, $0x4E200  }
.Ltmp3:
0x69: {  	_ = 	snop;
	(pc) =	sbr.rel @!p0 .LBB2_5-.Ltmp3, $4  }
0x6a: {  	s0 =	sadd.s32 $0x500, s26;
	s28 =	sadd.s32 $0x500, s28  }
0x6b: {  	[hbm4b:s0+s2] =	stream.linear.scatter [tilespmem:s31], [sflag:$0x7], $0x2800, $0x38;
	[tilespmem:$0xA200] =	vst v63  }
0x6c: {  	s24 =	sadd.s32 $0x50, s24;
	s23 =	sadd.s32 $0xA, s23;
	s22 =	sadd.s32 $0xA, s22  }
0x6d: {  	[hbm4b:s28+s2] =	stream.linear.scatter [tilespmem:s7], [sflag:$0x8], $0x2800, $0x38;
	[tilespmem:$0xA200] =	vst v63  }
.LBB2_2:
0x6e: {  	s0 =	simm.s32 $0x80  }
0x6f: {  	[tilespmem:s0], [sflag:$0x9] =	stream.linear.gather [hbm4b:s22+s2], $0x28, $0x38;
	[tilespmem:$0xA200] =	vst v63  }
0x70: {  	_ =	swait.ge [sflag:s14], $0x28  }
0x71: {  	[sflag:s14] =	ssyncset.done $0x0  }
0x72: {  	s26 =	simm.s32 $0x180;
	[sflag:s14] =	ssyncadd.s32 $0xFFFFFFD8  }
0x73: {  	[tilespmem:s26], [sflag:$0x9] =	stream.linear.gather [hbm4b:s23+s2], $0x28, $0x38;
	[tilespmem:$0xA200] =	vst v63  }
0x74: {  	_ =	swait.ge [sflag:s14], $0x28  }
0x75: {  	p0 =	seq.s32 s25, $0x0;
	[sflag:s14] =	ssyncset.done $0x0  }
0x76: {  	s26 =	simm.s32 @!p0 $0x7;
	[sflag:s14] =	ssyncadd.s32 $0xFFFFFFD8  }
0x77: {  	_ =	swait.ge @!p0 [sflag:s26], $0x2800  }
0x78: {  	[sflag:s26] =	ssyncset.done @!p0 $0x0  }
0x79: {  	[sflag:s26] =	ssyncadd.s32 @!p0 $0xFFFFD800;
	s26 =	simm.s32 @!p0 $0x8  }
0x7a: {  	_ =	swait.ge @!p0 [sflag:s26], $0x2800  }
0x7b: {  	[sflag:s26] =	ssyncset.done @!p0 $0x0  }
0x7c: {  	[sflag:s26] =	ssyncadd.s32 @!p0 $0xFFFFD800  }
0x7d: {  	_ =	swait.ge [sflag:s29], $0x2800  }
0x7e: {  	[sflag:s29] =	ssyncset.done $0x0  }
0x7f: {  	[sflag:s29] =	ssyncadd.s32 $0xFFFFD800  }
0x80: {  	_ =	swait.ge [sflag:s30], $0x2800  }
0x81: {  	[sflag:s30] =	ssyncset.done $0x0  }
0x82: {  	[sflag:s30] =	ssyncadd.s32 $0xFFFFD800  }
0x83: {  	v3 =	vld [tilespmem:$0x80];
	_ =	sdelay $0x4  }
0x84: {  	v4 =	vshll.u32 v3, $0x1  }
0x85: {  	v3 =	vand.u32 $0x7, v3;
	v4 =	vand.u32 $0xFFFFFFF0, v4  }
0x86: {  	v3 =	vor.u32 v3, v4  }
0x87: {  	v4 =	vperm.xlane v3, v0;
	_ =	sdelay $0x1  }
0x88: {  	v3 =	vperm.xlane v3, v2;
	v4 =	vadd.s32 v1, v4;
	_ =	sdelay $0x1  }
0x89: {  	v3 =	vadd.s32 v1, v3;
	_ =	sdelay $0x2  }
0x8a: {  	[tilespmem:s31], [sflag:$0x3] =	stream.indirect_vreg.gather [hbm4b:s3+s2], $0x80, v4, vm0, $0xb8;
	[tilespmem:$0xA200] =	vst v63  }
0x8b: {  	s1 =	simm.s32 $0x5A00  }
0x8c: {  	[tilespmem:s1], [sflag:$0x3] =	stream.indirect_vreg.gather [hbm4b:s3+s2], $0x80, v3, vm0, $0xb8;
	[tilespmem:$0xA200] =	vst v63  }
0x8d: {  	v3 =	vld [tilespmem:$0x90];
	_ =	sdelay $0x4  }
0x8e: {  	v59 =	vshll.u32 v3, $0x1  }
0x8f: {  	v3 =	vand.u32 $0x7, v3;
	v4 =	vand.u32 $0xFFFFFFF0, v59  }
0x90: {  	v3 =	vor.u32 v3, v4  }
0x91: {  	v4 =	vperm.xlane v3, v0;
	_ =	sdelay $0x1  }
0x92: {  	v3 =	vperm.xlane v3, v2;
	v4 =	vadd.s32 v1, v4;
	_ =	sdelay $0x1  }
0x93: {  	v3 =	vadd.s32 v1, v3;
	_ =	sdelay $0x1  }
0x94: {  	s6 =	simm.s32 $0x6200  }
0x95: {  	[tilespmem:s6], [sflag:$0x3] =	stream.indirect_vreg.gather [hbm4b:s3+s2], $0x80, v4, vm0, $0xb8;
	[tilespmem:$0xA200] =	vst v63  }
0x96: {  	s15 =	simm.s32 $0x6A00  }
0x97: {  	[tilespmem:s15], [sflag:$0x3] =	stream.indirect_vreg.gather [hbm4b:s3+s2], $0x80, v3, vm0, $0xb8;
	[tilespmem:$0xA200] =	vst v63  }
0x98: {  	v3 =	vld.msk [tilespmem:$0xA0], $0xff;
	_ =	sdelay $0x4  }
0x99: {  	v60 =	vshll.u32 v3, $0x1  }
0x9a: {  	v3 =	vand.u32 $0x7, v3;
	v4 =	vand.u32 $0xFFFFFFF0, v60  }
0x9b: {  	v3 =	vor.u32 v3, v4  }
0x9c: {  	v3 =	vperm.xlane v3, v0;
	_ =	sdelay $0x1  }
0x9d: {  	v3 =	vadd.s32 v1, v3;
	_ =	sdelay $0x3  }
0x9e: {  	s26 =	simm.s32 $0x7200  }
0x9f: {  	[tilespmem:s26], [sflag:$0x3] =	stream.indirect_vreg.gather [hbm4b:s3+s2], $0x80, v3, vm0, $0xb8;
	[tilespmem:$0xA200] =	vst v63  }
0xa0: {  	v3 =	vld [tilespmem:$0x180];
	_ =	sdelay $0x4  }
0xa1: {  	v61 =	vshll.u32 v3, $0x1  }
0xa2: {  	v3 =	vand.u32 $0x7, v3;
	v4 =	vand.u32 $0xFFFFFFF0, v61  }
0xa3: {  	v3 =	vor.u32 v3, v4  }
0xa4: {  	v4 =	vperm.xlane v3, v0;
	_ =	sdelay $0x1  }
0xa5: {  	v3 =	vperm.xlane v3, v2;
	v4 =	vadd.s32 v1, v4;
	_ =	sdelay $0x1  }
0xa6: {  	v3 =	vadd.s32 v1, v3;
	_ =	sdelay $0x2  }
0xa7: {  	[tilespmem:s7], [sflag:$0x4] =	stream.indirect_vreg.gather [hbm4b:s3+s2], $0x80, v4, vm0, $0xb8;
	[tilespmem:$0xA200] =	vst v63  }
0xa8: {  	_ = 	snop  }
0xa9: {  	[tilespmem:s8], [sflag:$0x4] =	stream.indirect_vreg.gather [hbm4b:s3+s2], $0x80, v3, vm0, $0xb8;
	[tilespmem:$0xA200] =	vst v63  }
0xaa: {  	v3 =	vld [tilespmem:$0x190];
	_ =	sdelay $0x4  }
0xab: {  	v62 =	vshll.u32 v3, $0x1  }
0xac: {  	v3 =	vand.u32 $0x7, v3;
	v4 =	vand.u32 $0xFFFFFFF0, v62  }
0xad: {  	v3 =	vor.u32 v3, v4  }
0xae: {  	v4 =	vperm.xlane v3, v0;
	_ =	sdelay $0x1  }
0xaf: {  	v3 =	vperm.xlane v3, v2;
	v4 =	vadd.s32 v1, v4;
	_ =	sdelay $0x1  }
0xb0: {  	v3 =	vadd.s32 v1, v3;
	_ =	sdelay $0x2  }
0xb1: {  	[tilespmem:s9], [sflag:$0x4] =	stream.indirect_vreg.gather [hbm4b:s3+s2], $0x80, v4, vm0, $0xb8;
	[tilespmem:$0xA200] =	vst v63  }
0xb2: {  	_ = 	snop  }
0xb3: {  	[tilespmem:s12], [sflag:$0x4] =	stream.indirect_vreg.gather [hbm4b:s3+s2], $0x80, v3, vm0, $0xb8;
	[tilespmem:$0xA200] =	vst v63  }
0xb4: {  	v3 =	vld.msk [tilespmem:$0x1A0], $0xff;
	_ =	sdelay $0x4  }
0xb5: {  	v63 =	vshll.u32 v3, $0x1  }
0xb6: {  	v3 =	vand.u32 $0x7, v3;
	v4 =	vand.u32 $0xFFFFFFF0, v63  }
0xb7: {  	v3 =	vor.u32 v3, v4  }
0xb8: {  	v3 =	vperm.xlane v3, v0;
	_ =	sdelay $0x1  }
0xb9: {  	v3 =	vadd.s32 v1, v3;
	_ =	sdelay $0x4  }
0xba: {  	[tilespmem:s13], [sflag:$0x4] =	stream.indirect_vreg.gather [hbm4b:s3+s2], $0x80, v3, vm0, $0xb8;
	[tilespmem:$0xA200] =	vst v63  }
0xbb: {  	p0 =	seq.s32 s25, $0x4D800;
	s26 =	sadd.s32 s25, s10  }
0xbc: {  	[hbm4b:s26+s2] =	stream.linear.scatter [tilespmem:s16], [sflag:$0x5], $0x2800, $0x38;
	[tilespmem:$0xA200] =	vst v63  }
0xbd: {  	s28 =	sadd.s32 s25, s11;
	s0 =	sshrl.u32 @!p0 s24, $0x3  }
0xbe: {  	[hbm4b:s28+s2] =	stream.linear.scatter [tilespmem:s21], [sflag:$0x6], $0x2800, $0x38;
	[tilespmem:$0xA200] =	vst v63  }
0xbf: {  	s1 =	sadd.s32 @!p0 s4, s0;
	s15 =	simm.s32 @!p0 $0x0  }
0xc0: {  	[tilespmem:s15], [sflag:$0x9] =	stream.linear.gather @!p0 [hbm4b:s1+s15], $0x28, $0x38;
	[tilespmem:$0xA200] =	vst v63  }
0xc1: {  	s1 =	simm.s32 @!p0 $0x9  }
0xc2: {  	_ =	swait.ge @!p0 [sflag:s1], $0x28  }
0xc3: {  	[sflag:s1] =	ssyncset.done @!p0 $0x0  }
0xc4: {  	s0 =	sadd.s32 @!p0 s5, s0;
	s6 =	simm.s32 @!p0 $0x100;
	[sflag:s1] =	ssyncadd.s32 @!p0 $0xFFFFFFD8  }
0xc5: {  	[tilespmem:s6], [sflag:$0x9] =	stream.linear.gather @!p0 [hbm4b:s0+s15], $0x28, $0x38;
	[tilespmem:$0xA200] =	vst v63  }
0xc6: {  	_ =	swait.ge @!p0 [sflag:s1], $0x28  }
0xc7: {  	[sflag:s1] =	ssyncset.done @!p0 $0x0  }
0xc8: {  	[sflag:s1] =	ssyncadd.s32 @!p0 $0xFFFFFFD8  }
0xc9: {  	_ =	swait.ge [sflag:s17], $0x2800  }
0xca: {  	[sflag:s17] =	ssyncset.done $0x0  }
0xcb: {  	[sflag:s17] =	ssyncadd.s32 $0xFFFFD800  }
0xcc: {  	_ =	swait.ge [sflag:s18], $0x2800  }
0xcd: {  	[sflag:s18] =	ssyncset.done $0x0  }
0xce: {  	[sflag:s18] =	ssyncadd.s32 $0xFFFFD800  }
0xcf: {  	_ =	swait.ge [sflag:s19], $0x2800  }
.Ltmp4:
0xd0: {  	[sflag:s19] =	ssyncset.done $0x0;
	(pc) =	sbr.rel @p0 .LBB2_4-.Ltmp4, $4  }
0xd1: {  	[sflag:s19] =	ssyncadd.s32 $0xFFFFD800  }
0xd2: {  	_ =	swait.ge [sflag:s20], $0x2800  }
0xd3: {  	[sflag:s20] =	ssyncset.done $0x0  }
0xd4: {  	[sflag:s20] =	ssyncadd.s32 $0xFFFFD800  }
0xd5: {  	v3 =	vld [tilespmem:$0x0];
	_ =	sdelay $0x4  }
0xd6: {  	v4 =	vshll.u32 v3, $0x1  }
0xd7: {  	v3 =	vand.u32 $0x7, v3;
	v4 =	vand.u32 $0xFFFFFFF0, v4  }
0xd8: {  	v3 =	vor.u32 v3, v4  }
0xd9: {  	v4 =	vperm.xlane v3, v0;
	_ =	sdelay $0x1  }
0xda: {  	v3 =	vperm.xlane v3, v2;
	v4 =	vadd.s32 v1, v4;
	_ =	sdelay $0x1  }
0xdb: {  	v3 =	vadd.s32 v1, v3;
	_ =	sdelay $0x2  }
0xdc: {  	[tilespmem:s16], [sflag:$0x1] =	stream.indirect_vreg.gather [hbm4b:s3+s2], $0x80, v4, vm0, $0xb8;
	[tilespmem:$0xA200] =	vst v63  }
0xdd: {  	s0 =	simm.s32 $0xA00  }
0xde: {  	[tilespmem:s0], [sflag:$0x1] =	stream.indirect_vreg.gather [hbm4b:s3+s2], $0x80, v3, vm0, $0xb8;
	[tilespmem:$0xA200] =	vst v63  }
0xdf: {  	v3 =	vld [tilespmem:$0x10];
	_ =	sdelay $0x4  }
0xe0: {  	v59 =	vshll.u32 v3, $0x1  }
0xe1: {  	v3 =	vand.u32 $0x7, v3;
	v4 =	vand.u32 $0xFFFFFFF0, v59  }
0xe2: {  	v3 =	vor.u32 v3, v4  }
0xe3: {  	v4 =	vperm.xlane v3, v0;
	_ =	sdelay $0x1  }
0xe4: {  	v3 =	vperm.xlane v3, v2;
	v4 =	vadd.s32 v1, v4;
	_ =	sdelay $0x1  }
0xe5: {  	v3 =	vadd.s32 v1, v3;
	_ =	sdelay $0x1  }
0xe6: {  	s15 =	simm.s32 $0x1200  }
0xe7: {  	[tilespmem:s15], [sflag:$0x1] =	stream.indirect_vreg.gather [hbm4b:s3+s2], $0x80, v4, vm0, $0xb8;
	[tilespmem:$0xA200] =	vst v63  }
0xe8: {  	s1 =	simm.s32 $0x1A00  }
0xe9: {  	[tilespmem:s1], [sflag:$0x1] =	stream.indirect_vreg.gather [hbm4b:s3+s2], $0x80, v3, vm0, $0xb8;
	[tilespmem:$0xA200] =	vst v63  }
0xea: {  	v3 =	vld.msk [tilespmem:$0x20], $0xff;
	_ =	sdelay $0x4  }
0xeb: {  	v60 =	vshll.u32 v3, $0x1  }
0xec: {  	v3 =	vand.u32 $0x7, v3;
	v4 =	vand.u32 $0xFFFFFFF0, v60  }
0xed: {  	v3 =	vor.u32 v3, v4  }
0xee: {  	v3 =	vperm.xlane v3, v0;
	_ =	sdelay $0x1  }
0xef: {  	v3 =	vadd.s32 v1, v3;
	_ =	sdelay $0x3  }
0xf0: {  	s6 =	simm.s32 $0x2200  }
0xf1: {  	[tilespmem:s6], [sflag:$0x1] =	stream.indirect_vreg.gather [hbm4b:s3+s2], $0x80, v3, vm0, $0xb8;
	[tilespmem:$0xA200] =	vst v63  }
0xf2: {  	v3 =	vld [tilespmem:$0x100];
	_ =	sdelay $0x4  }
0xf3: {  	v61 =	vshll.u32 v3, $0x1  }
0xf4: {  	v3 =	vand.u32 $0x7, v3;
	v4 =	vand.u32 $0xFFFFFFF0, v61  }
0xf5: {  	v3 =	vor.u32 v3, v4  }
0xf6: {  	v4 =	vperm.xlane v3, v0;
	_ =	sdelay $0x1  }
0xf7: {  	v3 =	vperm.xlane v3, v2;
	v4 =	vadd.s32 v1, v4;
	_ =	sdelay $0x1  }
0xf8: {  	v3 =	vadd.s32 v1, v3;
	_ =	sdelay $0x2  }
0xf9: {  	[tilespmem:s21], [sflag:$0x2] =	stream.indirect_vreg.gather [hbm4b:s3+s2], $0x80, v4, vm0, $0xb8;
	[tilespmem:$0xA200] =	vst v63  }
0xfa: {  	s15 =	simm.s32 $0x3200  }
0xfb: {  	[tilespmem:s15], [sflag:$0x2] =	stream.indirect_vreg.gather [hbm4b:s3+s2], $0x80, v3, vm0, $0xb8;
	[tilespmem:$0xA200] =	vst v63  }
0xfc: {  	v3 =	vld [tilespmem:$0x110];
	_ =	sdelay $0x4  }
0xfd: {  	v62 =	vshll.u32 v3, $0x1  }
0xfe: {  	v3 =	vand.u32 $0x7, v3;
	v4 =	vand.u32 $0xFFFFFFF0, v62  }
0xff: {  	v3 =	vor.u32 v3, v4  }
0x100: {  	v4 =	vperm.xlane v3, v0;
	_ =	sdelay $0x1  }
0x101: {  	v3 =	vperm.xlane v3, v2;
	v4 =	vadd.s32 v1, v4;
	_ =	sdelay $0x1  }
0x102: {  	v3 =	vadd.s32 v1, v3;
	_ =	sdelay $0x1  }
0x103: {  	s1 =	simm.s32 $0x3A00  }
0x104: {  	[tilespmem:s1], [sflag:$0x2] =	stream.indirect_vreg.gather [hbm4b:s3+s2], $0x80, v4, vm0, $0xb8;
	[tilespmem:$0xA200] =	vst v63  }
0x105: {  	s6 =	simm.s32 $0x4200  }
0x106: {  	[tilespmem:s6], [sflag:$0x2] =	stream.indirect_vreg.gather [hbm4b:s3+s2], $0x80, v3, vm0, $0xb8;
	[tilespmem:$0xA200] =	vst v63  }
0x107: {  	v3 =	vld.msk [tilespmem:$0x120], $0xff;
	_ =	sdelay $0x4  }
0x108: {  	v63 =	vshll.u32 v3, $0x1  }
0x109: {  	v3 =	vand.u32 $0x7, v3;
	v4 =	vand.u32 $0xFFFFFFF0, v63  }
0x10a: {  	v3 =	vor.u32 v3, v4  }
0x10b: {  	v3 =	vperm.xlane v3, v0;
	_ =	sdelay $0x1  }
0x10c: {  	v3 =	vadd.s32 v1, v3  }
.Ltmp5:
0x10d: {  	_ = 	snop;
	(pc) =	sbr.rel .LBB2_4-.Ltmp5, $3  }
0x10e: {  	_ =	sdelay $0x1  }
0x10f: {  	s15 =	simm.s32 $0x4A00  }
0x110: {  	[tilespmem:s15], [sflag:$0x2] =	stream.indirect_vreg.gather [hbm4b:s3+s2], $0x80, v3, vm0, $0xb8;
	[tilespmem:$0xA200] =	vst v63  }
.LBB2_6:
0x111: {  	_ =	sfence.sel $0x180000  }
0x112: {  	[bflag:$0x0] =	sbarrier.arrive $0xFFFF  }
0x113: {  	_ =	strace $0x9000004D  }
0x114: {  	s0 =	stileid.u32;
	[bflag:$0x2] =	sbarrier.arrive $0xFFFF  }
0x115: {  	p0 =	sne.s32 s0, $0x0;
	s0 =	rddreg [dreg:$0x1]  }
0x116: {  	s0 =	sadd.s32 @!p0 $0x100000, s0  }
0x117: {  	[sflag:s0] =	ssyncadd.tile.s32 @!p0 $0x1;
	_ =	shalt  }
.Lfunc_end2:
_tile_overlayer_lowered:
.L_overlay_start_2:
0x118: {  	(tag) =	ssettag $0x2  }
0x119: {  	s0 =	rddreg [dreg:$0x0];
	s2 =	stileid.u32  }
0x11a: {  	s1 =	rddreg [dreg:$0x1];
	p0 =	sne.s32 s2, $0x0  }
0x11b: {  	s3 =	rddreg [dreg:$0x2];
	[bflag:$0x3] =	sbarrier.arrive $0xFFFF;
	s2 =	simm.s32 @!p0 $0x1C09  }
0x11c: {  	[timem:s3], [sflag:s2] =	dma.local @!p0 [hbm:s0], s1  }
0x11d: {  	s0 =	simm.s32 @!p0 $0x9  }
0x11e: {  	_ =	swait.ge @!p0 [sflag:s0], s1  }
0x11f: {  	s1 =	ssub.s32 @!p0 $0x0, s1;
	[sflag:s0] =	ssyncset.done @!p0 $0x0  }
0x120: {  	[sflag:s0] =	ssyncadd.s32 @!p0 s1  }
0x121: {  	[bflag:$0x3] =	sbarrier.arrive $0xFFFF  }
0x122: {  	_ =	shalt  }

// kernel: kernel.19.cloned.1.call-start
scs
__scs_entry_jumppad:
0x0: {  	(pc) =	sbr.rel $0x88, $3  }
0x1: {  	(tag) =	ssettag $0x0;
	lr =	simm.s32 $0x1  }
0x2: {  	[smem:$0x3F8E] =	sst lr;
	_ =	strace $0xD0000000  }
0x3: {  	_ = 	snop  }
0x4: {  	_ = 	snop  }
0x5: {  	_ = 	snop  }
0x6: {  	_ = 	snop  }
0x7: {  	_ = 	snop  }
__scs_overlays_trampoline_lowered:
0x8: {  	[smem:$0x3F9D] =	sst s0  }
0x9: {  	[smem:$0x3F9E] =	sst s1  }
0xa: {  	[smem:$0x3F9F] =	sst s2  }
0xb: {  	[smem:$0x3FA0] =	sst s3  }
0xc: {  	[smem:$0x3FA1] =	sst s4  }
0xd: {  	[smem:$0x3FA2] =	sst s5  }
0xe: {  	[smem:$0x3FA3] =	sst s6  }
0xf: {  	[smem:$0x3FA4] =	sst s7  }
0x10: {  	[smem:$0x3FA5] =	sst s8  }
0x11: {  	[smem:$0x3FA6] =	sst s9;
	s0 =	simm.s32 @!p0 $0x0  }
0x12: {  	s1 =	sld [smem:$0x3F8C];
	s0 =	simm.s32 @p0 $0x1  }
0x13: {  	[smem:$0x3FA7] =	sst s0;
	s0 =	simm.s32 @!p1 $0x0  }
0x14: {  	s2 =	sld [smem:$0x3F8B];
	s0 =	simm.s32 @p1 $0x1  }
0x15: {  	[smem:$0x3FA8] =	sst s0;
	s0 =	simm.s32 @!p2 $0x0  }
0x16: {  	s3 =	sld [smem:$0x3FDB];
	s0 =	simm.s32 @p2 $0x1  }
0x17: {  	s4 =	simm.s32 $0x1BF5;
	[smem:$0x3FAA] =	sst s0  }
0x18: {  	s0 =	sld [smem:$0x3F8D];
	_ =	swait.ge [sflag:s4], $0x0  }
0x19: {  	s7 =	sld [smem:$0x3F8E]  }
0x1a: {  	s8 =	sadd.s32 $0xFFFFE003, lr  }
0x1b: {  	s9 =	sadd.s32 $0xFFFFFEF7, lr;
	s5 =	simm.s32 $0xFFFFFFFF;
	p2 =	slt.u32 s8, $0xFFFFF086  }
0x1c: {  	p1 =	slt.u32 s9, $0xF7A;
	s5 =	simm.s32 @!p2 $0x0  }
0x1d: {  	s5 =	simm.s32 @p1 $0x1;
	p0 =	seq.s32 s7, s2  }
0x1e: {  	s7 =	smul.u32 @!p0 $0xF7A, s2;
	p2 =	seq.s32 @!p0 s5, $0x0  }
0x1f: {  	s9 =	smul.u32 $0xF7A, s1;
	s8 =	simm.s32 @!p0 $0x1BF5;
	p2 =	por !p2, p0  }
0x20: {  	[sflag:s8] =	ssyncset.s32 @!p0 $0xFFFFF086;
	s6 =	sadd.s32 @!p0 s3, s7;
	s7 =	simm.s32 @!p0 $0x108  }
0x21: {  	s3 =	sadd.s32 s3, s9;
	s6 =	sadd.s32 @!p0 $0x88, s6;
	s7 =	simm.s32 @p2 $0x1082  }
0x22: {  	[simem:s7], [sflag:s8] =	dma.local @!p0 [hbm:s6], $0xF7A  }
0x23: {  	s9 =	sor.u32 $0xD0000000, s2;
	s6 =	simm.s32 $0x108;
	_ =	swait.ge @!p0 [sflag:s8], $0x0  }
0x24: {  	s3 =	sadd.s32 $0x88, s3;
	s6 =	simm.s32 @!p1 $0x1082;
	[sflag:s4] =	ssyncset.s32 $0xFFFFF086  }
0x25: {  	[simem:s6], [sflag:s4] =	dma.local [hbm:s3], $0xF7A  }
0x26: {  	[smem:$0x3F8E] =	sst s1;
	(tag) =	ssettag s2;
	_ =	strace s9  }
0x27: {  	s1 =	sld [smem:$0x3F9E]  }
0x28: {  	s2 =	sld [smem:$0x3F9F]  }
0x29: {  	s4 =	sld [smem:$0x3FA1]  }
0x2a: {  	p0 =	seq.s32 s5, $0x0;
	s5 =	sld [smem:$0x3FA2]  }
0x2b: {  	s6 =	sld [smem:$0x3FA3]  }
0x2c: {  	s7 =	sld [smem:$0x3FA4]  }
0x2d: {  	s3 =	simm.s32 $0x108;
	s8 =	sld [smem:$0x3FA5]  }
0x2e: {  	s3 =	simm.s32 @!p0 $0x1082;
	s9 =	sld [smem:$0x3FA6]  }
0x2f: {  	lr =	sadd.s32 s0, s3;
	s0 =	sld [smem:$0x3F9D]  }
0x30: {  	s3 =	sld [smem:$0x3FA0]  }
0x31: {  	[smem:$0x3FA9] =	sst s10  }
0x32: {  	s10 =	sld [smem:$0x3FA7];
	_ =	sdelay $0x3  }
0x33: {  	p0 =	seq.s32 s10, $0x1;
	s10 =	sld [smem:$0x3FA9];
	_ =	sdelay $0x3  }
0x34: {  	[smem:$0x3FA9] =	sst s10  }
0x35: {  	s10 =	sld [smem:$0x3FA8];
	_ =	sdelay $0x3  }
0x36: {  	p1 =	seq.s32 s10, $0x1;
	s10 =	sld [smem:$0x3FA9];
	_ =	sdelay $0x3  }
0x37: {  	[smem:$0x3FA9] =	sst s10  }
0x38: {  	s10 =	sld [smem:$0x3FAA]  }
0x39: {  	_ = 	snop;
	(pc) =	sbr.ind lr, $3  }
0x3a: {  	_ = 	snop  }
0x3b: {  	_ = 	snop  }
0x3c: {  	p2 =	seq.s32 s10, $0x1;
	s10 =	sld [smem:$0x3FA9]  }
0x3d: {  	_ =	shalt  }
0x3e: {  	_ =	shalt  }
0x3f: {  	_ =	shalt  }
0x40: {  	_ =	shalt  }
0x41: {  	_ =	shalt  }
0x42: {  	_ =	shalt  }
0x43: {  	_ =	shalt  }
0x44: {  	_ =	shalt  }
0x45: {  	_ =	shalt  }
0x46: {  	_ =	shalt  }
0x47: {  	_ =	shalt  }
0x48: {  	_ =	shalt  }
0x49: {  	_ =	shalt  }
0x4a: {  	_ =	shalt  }
0x4b: {  	_ =	shalt  }
0x4c: {  	_ =	shalt  }
0x4d: {  	_ =	shalt  }
0x4e: {  	_ =	shalt  }
0x4f: {  	_ =	shalt  }
0x50: {  	_ =	shalt  }
0x51: {  	_ =	shalt  }
0x52: {  	_ =	shalt  }
0x53: {  	_ =	shalt  }
0x54: {  	_ =	shalt  }
0x55: {  	_ =	shalt  }
0x56: {  	_ =	shalt  }
0x57: {  	_ =	shalt  }
0x58: {  	_ =	shalt  }
0x59: {  	_ =	shalt  }
0x5a: {  	_ =	shalt  }
0x5b: {  	_ =	shalt  }
0x5c: {  	_ =	shalt  }
0x5d: {  	_ =	shalt  }
0x5e: {  	_ =	shalt  }
0x5f: {  	_ =	shalt  }
0x60: {  	_ =	shalt  }
0x61: {  	_ =	shalt  }
0x62: {  	_ =	shalt  }
0x63: {  	_ =	shalt  }
0x64: {  	_ =	shalt  }
0x65: {  	_ =	shalt  }
0x66: {  	_ =	shalt  }
0x67: {  	_ =	shalt  }
0x68: {  	_ =	shalt  }
0x69: {  	_ =	shalt  }
0x6a: {  	_ =	shalt  }
0x6b: {  	_ =	shalt  }
0x6c: {  	_ =	shalt  }
0x6d: {  	_ =	shalt  }
0x6e: {  	_ =	shalt  }
0x6f: {  	_ =	shalt  }
0x70: {  	_ =	shalt  }
0x71: {  	_ =	shalt  }
0x72: {  	_ =	shalt  }
0x73: {  	_ =	shalt  }
0x74: {  	_ =	shalt  }
0x75: {  	_ =	shalt  }
0x76: {  	_ =	shalt  }
0x77: {  	_ =	shalt  }
0x78: {  	_ =	shalt  }
0x79: {  	_ =	shalt  }
0x7a: {  	_ =	shalt  }
0x7b: {  	_ =	shalt  }
0x7c: {  	_ =	shalt  }
0x7d: {  	_ =	shalt  }
0x7e: {  	_ =	shalt  }
0x7f: {  	_ =	shalt  }
0x80: {  	_ =	shalt  }
0x81: {  	_ =	shalt  }
0x82: {  	_ =	shalt  }
0x83: {  	_ =	shalt  }
0x84: {  	_ =	shalt  }
0x85: {  	_ =	shalt  }
0x86: {  	_ =	shalt  }
0x87: {  	_ =	shalt  }
.Lfunc_end0:
.L_simem_size_0:
called_computation.3_lowered:
.L_overlay_start_0:
0x88: {  	s2 =	sld [smem:$0x3FD9]  }
0x89: {  	s3 =	sld [smem:$0x3FFE];
	_ =	sdelay $0x1  }
0x8a: {  	s1 =	srdreg.scid  }
0x8b: {  	s0 =	sand.u32 $0x1, s1  }
0x8c: {  	s16 =	sshll.u32 s0, $0xA;
	s2 =	sadd.s32 s3, s2  }
0x8d: {  	s2 =	sadd.s32 s2, s16  }
0x8e: {  	[smem:$0x3FB5] =	sst s2  }
0x8f: {  	_ = 	snop  }
0x90: {  	(tm) =	ssettm $0x1  }
0x91: {  	s17 =	sld [smem:$0x3FFB];
	_ =	sdelay $0x3  }
0x92: {  	_ =	strace s17  }
0x93: {  	s2 =	sld [smem:$0x3FFC];
	_ =	sdelay $0x3  }
0x94: {  	_ =	strace s2  }
0x95: {  	s2 =	sld [smem:$0x3FFD];
	_ =	sdelay $0x3  }
0x96: {  	_ =	strace s2  }
0x97: {  	_ =	strace $0x8FFFFFFF  }
0x98: {  	s18 =	sld [smem:$0x3FDB];
	_ =	sdelay $0x1  }
0x99: {  	s19 =	simm.s32 $_scs_section_size  }
0x9a: {  	s4 =	simm.s32 $_size__tile_overlayer_lowered;
	s5 =	simm.s32 $_tile_overlayer_lowered  }
0x9b: {  	s22 =	simm.s32 $0x1BFF;
	s21 =	sshll.u32 s5, $0x1;
	s2 =	sadd.s32 s19, s18  }
0x9c: {  	s6 =	simm.s32 $0x0;
	s20 =	sshll.u32 s4, $0x1;
	s4 =	sadd.s32 s21, s2  }
0x9d: {  	[timem:s6], [sflag:s22] =	dma.local [hbm:s4], s20  }
0x9e: {  	_ =	swait.ge [sflag:s22], s20  }
0x9f: {  	s3 =	ssub.s32 $0x0, s20;
	[sflag:s22] =	ssyncset.done $0x0  }
0xa0: {  	[sflag:s22] =	ssyncadd.s32 s3;
	_ =	sdelay $0x1  }
0xa1: {  	s23 =	simm.s32 $0x1B8B  }
0xa2: {  	_ =	swait.ge [sflag:s23], $0x1  }
0xa3: {  	[sflag:s23] =	ssyncset.done $0x0  }
0xa4: {  	s25 =	simm.s32 $0x1B8E;
	s24 =	sld [smem:$0x3FFE];
	[sflag:s23] =	ssyncadd.s32 $0xFFFFFFFF  }
0xa5: {  	s26 =	simm.s32 $execute0_lowered;
	[smem:$0x3FD2] =	sst s25  }
0xa6: {  	s4 =	sshll.u32 s26, $0x1;
	_ =	strace $0x8000004F;
	[dreg:$0x1] =	wrdreg $0xFFFFFFFF  }
0xa7: {  	s28 =	simm.s32 $_size_execute0_lowered;
	s2 =	sadd.s32 s2, s4;
	[dreg:$0x0] =	wrdreg $0x0  }
0xa8: {  	s4 =	sshll.u32 s28, $0x1;
	[dreg:$0x2] =	wrdreg s2  }
0xa9: {  	[dreg:$0x3] =	wrdreg s4  }
0xaa: {  	[dreg:$0x4] =	wrdreg $0xC0  }
0xab: {  	_ =	task [dreg:s6], $0x5FFFF  }
0xac: {  	[dreg:$0x1] =	wrdreg $0xFFFFFFFF  }
0xad: {  	[dreg:$0x0] =	wrdreg $0x60  }
0xae: {  	[dreg:$0x2] =	wrdreg s24  }
0xaf: {  	[dreg:$0x3] =	wrdreg $0xA5000  }
0xb0: {  	[dreg:$0x4] =	wrdreg $0x9  }
0xb1: {  	_ =	task.clear_ibuf [dreg:s6], $0x5FFFF;
	_ =	strace $0x9000004F  }
0xb2: {  	s29 =	simm.s32 $0x9;
	_ =	strace $0x80000051  }
0xb3: {  	_ =	swait.ge [sflag:s29], $0x1  }
0xb4: {  	[sflag:s29] =	ssyncadd.s32 $0xFFFFFFFF  }
0xb5: {  	_ =	strace $0x90000051  }
0xb6: {  	_ =	sfence  }
0xb7: {  	s30 =	sld [smem:$0x0];
	_ =	sdelay $0x2  }
0xb8: {  	s31 =	sshll.u32 s1, $0xD;
	s1 =	sshrl.u32 s1, $0x2  }
0xb9: {  	s3 =	sand.u32 $0x4000, s31;
	s1 =	sadd.s32 s1, s30  }
0xba: {  	s0 =	sor.u32 s3, s0;
	s1 =	sshll.u32 s1, $0x11  }
0xbb: {  	s0 =	sor.u32 s1, s0  }
0xbc: {  	s0 =	sadd.s32 $0x8F2B, s0  }
0xbd: {  	[sflag:s0] =	ssyncadd.remote.s32 $0x1  }
0xbe: {  	_ =	sfence.sel $0xFFFF  }
0xbf: {  	[dreg:$0x0] =	wrdreg $0xFFFFFFFF;
	(pc) =	sbr.abs _section_cstart, $3  }
0xc0: {  	[dreg:$0x1] =	wrdreg $0xFFFFFFFF  }
0xc1: {  	_ =	task.clear_ibuf [dreg:s6], $0x2FFFF;
	_ =	strace $0x9FFFFFFF  }
0xc2: {  	(tm) =	ssettm $0x7FFFFFFF  }
0xc3: {  	_ =	shalt  }
tec
execute0_lowered:
.L_overlay_start_1:
0x0: {  	(tag) =	ssettag $0x1  }
0x1: {  	s4 =	rddreg [dreg:$0x0]  }
0x2: {  	s2 =	rddreg [dreg:$0x1]  }
0x3: {  	s0 =	rddreg [dreg:$0x2];
	s1 =	stileid.u32  }
0x4: {  	s3 =	simm.s32 $0x0;
	s6 =	srdreg.scid;
	s5 =	smul.u32 $0x4E200, s1  }
0x5: {  	s14 =	simm.s32 $0x100;
	s15 =	simm.s32 $0x50;
	s23 =	smul.u32 $0x4E20, s1  }
0x6: {  	s16 =	simm.s32 $0x80;
	s17 =	simm.s32 $0x2900;
	s10 =	smul.u32 $0x15000, s1  }
0x7: {  	s20 =	simm.s32 $0x0;
	[smem:$0x7FF] =	sst s3;
	s26 =	smul.u32 $0x14000, s1  }
0x8: {  	s22 =	sand.u32 $0x1, s6;
	s9 =	sadd.s32 $0xE800, s4;
	s29 =	smul.u32 $0xA0, s1  }
0x9: {  	s11 =	sadd.s32 $0x90600, s4;
	s13 =	smul.u32 $0x9C4, s1;
	_ =	strace $0x80000050  }
0xa: {  	s8 =	ssub.s32 $0x2, s22;
	s18 =	smul.u32 $0x1400, s22;
	s7 =	sadd.s32 s5, s4  }
0xb: {  	s24 =	sshrl.u32 s8, $0x1;
	s25 =	sshrl.u32 s10, $0x2;
	s28 =	sshrl.u32 s23, $0x3  }
0xc: {  	s30 =	sshrl.u32 s26, $0x2;
	s13 =	sadd.s32 s13, s9;
	s12 =	ssub.s32 s8, s24  }
0xd: {  	s4 =	sadd.s32 s25, s2;
	s5 =	sadd.s32 s9, s28;
	s6 =	sadd.s32 $0xA54600, s7  }
.Ltmp0:
0xe: {  	s31 =	sadd.s32 s29, s18;
	s19 =	sadd.s32 $0xA00, s18;
	(pc) =	sbr.rel .LBB2_1-.Ltmp0, $4  }
0xf: {  	s7 =	sadd.s32 s30, s2;
	v0 =	vmov s18;
	s18 =	simm.s32 $0x1;
	s10 =	sadd.s32 s29, s19  }
0x10: {  	s8 =	sshll.u32 s31, $0x4;
	v1 =	vmov s19;
	s19 =	simm.s32 $0x2;
	s10 =	sshll.u32 s10, $0x4  }
0x11: {  	s8 =	sadd.s32 s11, s8;
	s9 =	sadd.s32 s11, s10;
	s10 =	smax.u32 s12, $0x1  }
0x12: {  	v2 =	vimm.f32 $0.0e+00;
	s11 =	sadd.s32 $0x14, s13;
	s12 =	simm.s32 $0x5100;
	s13 =	simm.s32 $0x3  }
.LBB2_9:
0x13: {  	_ =	swait.ge [sflag:s19], $0x2800  }
0x14: {  	[sflag:s19] =	ssyncset.done $0x0  }
0x15: {  	s20 =	sadd.s32 $0x1, s20;
	[sflag:s19] =	ssyncadd.s32 $0xFFFFD800  }
0x16: {  	p0 =	sne.s32 s20, s10;
	[bflag:$0x0] =	sbarrier.arrive $0xFFFF  }
0x17: {  	[hbm:s9], [sflag:s21] =	dma.local [spmem:s22], $0xA00  }
.Ltmp1:
0x18: {  	_ =	swait.ge [sflag:s13], $0xA00;
	(pc) =	sbr.rel @!p0 .LBB2_10-.Ltmp1, $3  }
0x19: {  	[sflag:s13] =	ssyncset.done $0x0  }
0x1a: {  	[sflag:s13] =	ssyncadd.s32 $0xFFFFF600  }
0x1b: {  	[bflag:$0x0] =	sbarrier.arrive $0xFFFF;
	_ =	sdelay $0x1  }
.LBB2_1:
0x1c: {  	s21 =	simm.s32 $0x70;
	s22 =	simm.s32 $0x3C0  }
.LBB2_2:
0x1d: {  	p0 =	sne.s32 s22, $0x14FC0;
	[tilespmem:s21+$0x5100] =	vst v2  }
0x1e: {  	[tilespmem:s21+$0x5090] =	vst v2  }
0x1f: {  	[tilespmem:s21+$0x50A0] =	vst v2  }
.Ltmp2:
0x20: {  	[tilespmem:s21+$0x50B0] =	vst v2;
	(pc) =	sbr.rel @p0 .LBB2_2-.Ltmp2, $4  }
0x21: {  	[tilespmem:s21+$0x50C0] =	vst v2  }
0x22: {  	[tilespmem:s21+$0x50D0] =	vst v2  }
0x23: {  	[tilespmem:s21+$0x50E0] =	vst v2  }
0x24: {  	[tilespmem:s21+$0x50F0] =	vst v2;
	s21 =	sshra.s32 s22, $0x2;
	s22 =	sadd.s32 $0x200, s22  }
0x25: {  	[tilespmem:s21+$0x5100] =	vst v2  }
0x26: {  	[tilespmem:s21+$0x5090] =	vst v2  }
0x27: {  	[tilespmem:s21+$0x50A0] =	vst v2  }
0x28: {  	[tilespmem:s21+$0x50B0] =	vst v2  }
0x29: {  	[tilespmem:s21+$0x50C0] =	vst v2  }
0x2a: {  	[tilespmem:s21+$0x50D0] =	vst v2  }
0x2b: {  	[tilespmem:s21+$0x50E0] =	vst v2  }
0x2c: {  	[tilespmem:s21+$0x50F0] =	vst v2  }
0x2d: {  	[spmem:s4] =	stream.linear.scatter [tilespmem:s12], [sflag:$0x3], $0x5400, $0x38;
	[tilespmem:$0xF900] =	vst v63  }
0x2e: {  	_ =	swait.ge [sflag:s13], $0x5400  }
0x2f: {  	[sflag:s13] =	ssyncset.done $0x0  }
0x30: {  	[sflag:s13] =	ssyncadd.s32 $0xFFFFAC00  }
0x31: {  	s21 =	simm.s32 $0x0;
	[bflag:$0x0] =	sbarrier.arrive $0xFFFF  }
0x32: {  	[tilespmem:s21], [sflag:$0x3] =	stream.linear.gather [hbm4b:s5+s21], $0x50, $0x38;
	[tilespmem:$0xF900] =	vst v63  }
0x33: {  	_ =	swait.ge [sflag:s13], $0x50  }
0x34: {  	[sflag:s13] =	ssyncset.done $0x0  }
0x35: {  	[sflag:s13] =	ssyncadd.s32 $0xFFFFFFB0  }
0x36: {  	[tilespmem:s14], [sflag:$0x3] =	stream.linear.gather [hbm4b:s6+s21], $0x2800, $0x38;
	[tilespmem:$0xF900] =	vst v63  }
0x37: {  	_ =	swait.ge [sflag:s13], $0x2800  }
0x38: {  	[sflag:s13] =	ssyncset.done $0x0  }
0x39: {  	[sflag:s13] =	ssyncadd.s32 $0xFFFFD800  }
0x3a: {  	v3 =	vld [tilespmem:$0x0]  }
0x3b: {  	v4 =	vld [tilespmem:$0x10]  }
0x3c: {  	v5 =	vld [tilespmem:$0x20]  }
0x3d: {  	v6 =	vld [tilespmem:$0x30]  }
0x3e: {  	v7 =	vld [tilespmem:$0x40]  }
0x3f: {  	v3 =	vsub.s32 v3, v0  }
0x40: {  	v4 =	vsub.s32 v4, v0;
	v3 =	vmin.u32 v3, $0xA00  }
0x41: {  	v61 =	vsub.s32 v5, v0;
	[tilespmem:$0x0] =	vst v3;
	v3 =	vmin.u32 v4, $0xA00  }
0x42: {  	v62 =	vsub.s32 v6, v0;
	[tilespmem:$0x10] =	vst v3;
	v3 =	vmin.u32 v61, $0xA00  }
0x43: {  	v63 =	vsub.s32 v7, v0;
	[tilespmem:$0x20] =	vst v3;
	v3 =	vmin.u32 v62, $0xA00  }
0x44: {  	[tilespmem:$0x30] =	vst v3;
	v3 =	vmin.u32 v63, $0xA00  }
0x45: {  	s22 =	smov.u32 s11;
	[tilespmem:$0x40] =	vst v3  }
.LBB2_4:
0x46: {  	[spmem:s2] =	stream.indirect.scatter.add.f32 [tilespmem:s14], [sflag:$0x1], $0x80, s3, s15, $0xb8;
	[tilespmem:$0xF900] =	vst v63  }
0x47: {  	p0 =	seq.s32 s21, $0x0  }
0x48: {  	s23 =	simm.s32 @!p0 $0x2  }
0x49: {  	_ =	swait.ge @!p0 [sflag:s23], $0x2800  }
0x4a: {  	[sflag:s23] =	ssyncset.done @!p0 $0x0  }
0x4b: {  	s31 =	sadd.s32 $0xFFFFFFF6, s22;
	[sflag:s23] =	ssyncadd.s32 @!p0 $0xFFFFD800  }
0x4c: {  	[tilespmem:s16], [sflag:$0x3] =	stream.linear.gather [hbm4b:s31+s3], $0x50, $0x38;
	[tilespmem:$0xF900] =	vst v63  }
0x4d: {  	_ =	swait.ge [sflag:s13], $0x50  }
0x4e: {  	s23 =	sadd.s32 s21, s6;
	[sflag:s13] =	ssyncset.done $0x0  }
0x4f: {  	s24 =	sadd.s32 $0x500, s23;
	[sflag:s13] =	ssyncadd.s32 $0xFFFFFFB0  }
0x50: {  	[tilespmem:s17], [sflag:$0x3] =	stream.linear.gather [hbm4b:s24+s3], $0x2800, $0x38;
	[tilespmem:$0xF900] =	vst v63  }
0x51: {  	_ =	swait.ge [sflag:s13], $0x2800  }
0x52: {  	[sflag:s13] =	ssyncset.done $0x0  }
0x53: {  	[sflag:s13] =	ssyncadd.s32 $0xFFFFD800  }
0x54: {  	v3 =	vld [tilespmem:$0x80]  }
0x55: {  	v4 =	vld [tilespmem:$0x90]  }
0x56: {  	v5 =	vld [tilespmem:$0xA0]  }
0x57: {  	v6 =	vld [tilespmem:$0xB0]  }
0x58: {  	v7 =	vld [tilespmem:$0xC0]  }
0x59: {  	v3 =	vsub.s32 v3, v0  }
0x5a: {  	v4 =	vsub.s32 v4, v0;
	v3 =	vmin.u32 v3, $0xA00  }
0x5b: {  	v61 =	vsub.s32 v5, v0;
	[tilespmem:$0x80] =	vst v3;
	v3 =	vmin.u32 v4, $0xA00  }
0x5c: {  	v62 =	vsub.s32 v6, v0;
	[tilespmem:$0x90] =	vst v3;
	v3 =	vmin.u32 v61, $0xA00  }
0x5d: {  	v63 =	vsub.s32 v7, v0;
	[tilespmem:$0xA0] =	vst v3;
	v3 =	vmin.u32 v62, $0xA00  }
0x5e: {  	p0 =	seq.s32 s21, $0x4D800;
	[tilespmem:$0xB0] =	vst v3;
	v3 =	vmin.u32 v63, $0xA00  }
.Ltmp3:
0x5f: {  	[tilespmem:$0xC0] =	vst v3;
	(pc) =	sbr.rel @p0 .LBB2_6-.Ltmp3, $4  }
0x60: {  	[spmem:s2] =	stream.indirect.scatter.add.f32 [tilespmem:s17], [sflag:$0x2], $0x80, s16, s15, $0xb8;
	[tilespmem:$0xF900] =	vst v63  }
0x61: {  	_ =	swait.ge [sflag:s18], $0x2800  }
0x62: {  	[sflag:s18] =	ssyncset.done $0x0  }
0x63: {  	[sflag:s18] =	ssyncadd.s32 $0xFFFFD800  }
0x64: {  	[tilespmem:s3], [sflag:$0x3] =	stream.linear.gather [hbm4b:s22+s3], $0x50, $0x38;
	[tilespmem:$0xF900] =	vst v63  }
0x65: {  	_ =	swait.ge [sflag:s13], $0x50  }
0x66: {  	[sflag:s13] =	ssyncset.done $0x0  }
0x67: {  	s23 =	sadd.s32 $0xA00, s23;
	[sflag:s13] =	ssyncadd.s32 $0xFFFFFFB0  }
0x68: {  	[tilespmem:s14], [sflag:$0x3] =	stream.linear.gather [hbm4b:s23+s3], $0x2800, $0x38;
	[tilespmem:$0xF900] =	vst v63  }
0x69: {  	_ =	swait.ge [sflag:s13], $0x2800  }
0x6a: {  	[sflag:s13] =	ssyncset.done $0x0  }
0x6b: {  	[sflag:s13] =	ssyncadd.s32 $0xFFFFD800  }
0x6c: {  	v3 =	vld [tilespmem:$0x0]  }
0x6d: {  	v4 =	vld [tilespmem:$0x10]  }
0x6e: {  	v5 =	vld [tilespmem:$0x20]  }
0x6f: {  	v6 =	vld [tilespmem:$0x30]  }
0x70: {  	v7 =	vld [tilespmem:$0x40]  }
0x71: {  	v3 =	vsub.s32 v3, v0  }
0x72: {  	v4 =	vsub.s32 v4, v0;
	v3 =	vmin.u32 v3, $0xA00  }
.Ltmp4:
0x73: {  	v61 =	vsub.s32 v5, v0;
	[tilespmem:$0x0] =	vst v3;
	v3 =	vmin.u32 v4, $0xA00;
	(pc) =	sbr.rel .LBB2_4-.Ltmp4, $4  }
0x74: {  	v62 =	vsub.s32 v6, v0;
	[tilespmem:$0x10] =	vst v3;
	v3 =	vmin.u32 v61, $0xA00  }
0x75: {  	v63 =	vsub.s32 v7, v0;
	[tilespmem:$0x20] =	vst v3;
	v3 =	vmin.u32 v62, $0xA00  }
0x76: {  	[tilespmem:$0x30] =	vst v3;
	v3 =	vmin.u32 v63, $0xA00  }
0x77: {  	s21 =	sadd.s32 $0xA00, s21;
	s22 =	sadd.s32 $0x14, s22;
	[tilespmem:$0x40] =	vst v3  }
.LBB2_6:
0x78: {  	_ =	swait.ge [sflag:s19], $0x2800  }
0x79: {  	[sflag:s19] =	ssyncset.done $0x0  }
0x7a: {  	s21 =	sshll.u32 s1, $0x6;
	[sflag:s19] =	ssyncadd.s32 $0xFFFFD800  }
0x7b: {  	s22 =	sshrl.u32 s7, $0x3;
	s21 =	sor.u32 $0x1C03, s21;
	[bflag:$0x0] =	sbarrier.arrive $0xFFFF  }
0x7c: {  	[hbm:s8], [sflag:s21] =	dma.local [spmem:s22], $0xA00  }
0x7d: {  	_ =	swait.ge [sflag:s13], $0xA00  }
0x7e: {  	[sflag:s13] =	ssyncset.done $0x0  }
0x7f: {  	[sflag:s13] =	ssyncadd.s32 $0xFFFFF600  }
0x80: {  	[bflag:$0x0] =	sbarrier.arrive $0xFFFF  }
0x81: {  	[spmem:s4] =	stream.linear.scatter [tilespmem:s12], [sflag:$0x3], $0x5400, $0x38;
	[tilespmem:$0xF900] =	vst v63  }
0x82: {  	_ =	swait.ge [sflag:s13], $0x5400  }
0x83: {  	[sflag:s13] =	ssyncset.done $0x0  }
0x84: {  	[sflag:s13] =	ssyncadd.s32 $0xFFFFAC00  }
0x85: {  	s23 =	simm.s32 $0x0;
	[bflag:$0x0] =	sbarrier.arrive $0xFFFF  }
0x86: {  	[tilespmem:s23], [sflag:$0x3] =	stream.linear.gather [hbm4b:s5+s23], $0x50, $0x38;
	[tilespmem:$0xF900] =	vst v63  }
0x87: {  	_ =	swait.ge [sflag:s13], $0x50  }
0x88: {  	[sflag:s13] =	ssyncset.done $0x0  }
0x89: {  	[sflag:s13] =	ssyncadd.s32 $0xFFFFFFB0  }
0x8a: {  	[tilespmem:s14], [sflag:$0x3] =	stream.linear.gather [hbm4b:s6+s23], $0x2800, $0x38;
	[tilespmem:$0xF900] =	vst v63  }
0x8b: {  	_ =	swait.ge [sflag:s13], $0x2800  }
0x8c: {  	[sflag:s13] =	ssyncset.done $0x0  }
0x8d: {  	[sflag:s13] =	ssyncadd.s32 $0xFFFFD800  }
0x8e: {  	v3 =	vld [tilespmem:$0x0]  }
0x8f: {  	v4 =	vld [tilespmem:$0x10]  }
0x90: {  	v5 =	vld [tilespmem:$0x20]  }
0x91: {  	v6 =	vld [tilespmem:$0x30]  }
0x92: {  	v7 =	vld [tilespmem:$0x40]  }
0x93: {  	v3 =	vsub.s32 v3, v1  }
0x94: {  	v4 =	vsub.s32 v4, v1;
	v3 =	vmin.u32 v3, $0xA00  }
0x95: {  	v61 =	vsub.s32 v5, v1;
	[tilespmem:$0x0] =	vst v3;
	v3 =	vmin.u32 v4, $0xA00  }
0x96: {  	v62 =	vsub.s32 v6, v1;
	[tilespmem:$0x10] =	vst v3;
	v3 =	vmin.u32 v61, $0xA00  }
0x97: {  	v63 =	vsub.s32 v7, v1;
	[tilespmem:$0x20] =	vst v3;
	v3 =	vmin.u32 v62, $0xA00  }
0x98: {  	[tilespmem:$0x30] =	vst v3;
	v3 =	vmin.u32 v63, $0xA00  }
0x99: {  	s24 =	smov.u32 s11;
	[tilespmem:$0x40] =	vst v3  }
.LBB2_7:
0x9a: {  	[spmem:s2] =	stream.indirect.scatter.add.f32 [tilespmem:s14], [sflag:$0x1], $0x80, s3, s15, $0xb8;
	[tilespmem:$0xF900] =	vst v63  }
0x9b: {  	p0 =	seq.s32 s23, $0x0  }
0x9c: {  	s25 =	simm.s32 @!p0 $0x2  }
0x9d: {  	_ =	swait.ge @!p0 [sflag:s25], $0x2800  }
0x9e: {  	[sflag:s25] =	ssyncset.done @!p0 $0x0  }
0x9f: {  	s31 =	sadd.s32 $0xFFFFFFF6, s24;
	[sflag:s25] =	ssyncadd.s32 @!p0 $0xFFFFD800  }
0xa0: {  	[tilespmem:s16], [sflag:$0x3] =	stream.linear.gather [hbm4b:s31+s3], $0x50, $0x38;
	[tilespmem:$0xF900] =	vst v63  }
0xa1: {  	_ =	swait.ge [sflag:s13], $0x50  }
0xa2: {  	s25 =	sadd.s32 s23, s6;
	[sflag:s13] =	ssyncset.done $0x0  }
0xa3: {  	s26 =	sadd.s32 $0x500, s25;
	[sflag:s13] =	ssyncadd.s32 $0xFFFFFFB0  }
0xa4: {  	[tilespmem:s17], [sflag:$0x3] =	stream.linear.gather [hbm4b:s26+s3], $0x2800, $0x38;
	[tilespmem:$0xF900] =	vst v63  }
0xa5: {  	_ =	swait.ge [sflag:s13], $0x2800  }
0xa6: {  	[sflag:s13] =	ssyncset.done $0x0  }
0xa7: {  	[sflag:s13] =	ssyncadd.s32 $0xFFFFD800  }
0xa8: {  	v3 =	vld [tilespmem:$0x80]  }
0xa9: {  	v4 =	vld [tilespmem:$0x90]  }
0xaa: {  	v5 =	vld [tilespmem:$0xA0]  }
0xab: {  	v6 =	vld [tilespmem:$0xB0]  }
0xac: {  	v7 =	vld [tilespmem:$0xC0]  }
0xad: {  	v3 =	vsub.s32 v3, v1  }
0xae: {  	v4 =	vsub.s32 v4, v1;
	v3 =	vmin.u32 v3, $0xA00  }
0xaf: {  	v61 =	vsub.s32 v5, v1;
	[tilespmem:$0x80] =	vst v3;
	v3 =	vmin.u32 v4, $0xA00  }
0xb0: {  	v62 =	vsub.s32 v6, v1;
	[tilespmem:$0x90] =	vst v3;
	v3 =	vmin.u32 v61, $0xA00  }
0xb1: {  	v63 =	vsub.s32 v7, v1;
	[tilespmem:$0xA0] =	vst v3;
	v3 =	vmin.u32 v62, $0xA00  }
0xb2: {  	p0 =	seq.s32 s23, $0x4D800;
	[tilespmem:$0xB0] =	vst v3;
	v3 =	vmin.u32 v63, $0xA00  }
.Ltmp5:
0xb3: {  	[tilespmem:$0xC0] =	vst v3;
	(pc) =	sbr.rel @p0 .LBB2_9-.Ltmp5, $4  }
0xb4: {  	[spmem:s2] =	stream.indirect.scatter.add.f32 [tilespmem:s17], [sflag:$0x2], $0x80, s16, s15, $0xb8;
	[tilespmem:$0xF900] =	vst v63  }
0xb5: {  	_ =	swait.ge [sflag:s18], $0x2800  }
0xb6: {  	[sflag:s18] =	ssyncset.done $0x0  }
0xb7: {  	[sflag:s18] =	ssyncadd.s32 $0xFFFFD800  }
0xb8: {  	[tilespmem:s3], [sflag:$0x3] =	stream.linear.gather [hbm4b:s24+s3], $0x50, $0x38;
	[tilespmem:$0xF900] =	vst v63  }
0xb9: {  	_ =	swait.ge [sflag:s13], $0x50  }
0xba: {  	[sflag:s13] =	ssyncset.done $0x0  }
0xbb: {  	s25 =	sadd.s32 $0xA00, s25;
	[sflag:s13] =	ssyncadd.s32 $0xFFFFFFB0  }
0xbc: {  	[tilespmem:s14], [sflag:$0x3] =	stream.linear.gather [hbm4b:s25+s3], $0x2800, $0x38;
	[tilespmem:$0xF900] =	vst v63  }
0xbd: {  	_ =	swait.ge [sflag:s13], $0x2800  }
0xbe: {  	[sflag:s13] =	ssyncset.done $0x0  }
0xbf: {  	[sflag:s13] =	ssyncadd.s32 $0xFFFFD800  }
0xc0: {  	v3 =	vld [tilespmem:$0x0]  }
0xc1: {  	v4 =	vld [tilespmem:$0x10]  }
0xc2: {  	v5 =	vld [tilespmem:$0x20]  }
0xc3: {  	v6 =	vld [tilespmem:$0x30]  }
0xc4: {  	v7 =	vld [tilespmem:$0x40]  }
0xc5: {  	v3 =	vsub.s32 v3, v1  }
0xc6: {  	v4 =	vsub.s32 v4, v1;
	v3 =	vmin.u32 v3, $0xA00  }
.Ltmp6:
0xc7: {  	v61 =	vsub.s32 v5, v1;
	[tilespmem:$0x0] =	vst v3;
	v3 =	vmin.u32 v4, $0xA00;
	(pc) =	sbr.rel .LBB2_7-.Ltmp6, $4  }
0xc8: {  	v62 =	vsub.s32 v6, v1;
	[tilespmem:$0x10] =	vst v3;
	v3 =	vmin.u32 v61, $0xA00  }
0xc9: {  	v63 =	vsub.s32 v7, v1;
	[tilespmem:$0x20] =	vst v3;
	v3 =	vmin.u32 v62, $0xA00  }
0xca: {  	[tilespmem:$0x30] =	vst v3;
	v3 =	vmin.u32 v63, $0xA00  }
0xcb: {  	s23 =	sadd.s32 $0xA00, s23;
	s24 =	sadd.s32 $0x14, s24;
	[tilespmem:$0x40] =	vst v3  }
.LBB2_10:
0xcc: {  	_ =	sfence.sel $0x180000  }
0xcd: {  	[bflag:$0x0] =	sbarrier.arrive $0xFFFF  }
0xce: {  	p0 =	sne.s32 s1, $0x0;
	_ =	strace $0x90000050  }
0xcf: {  	s0 =	sadd.s32 @!p0 $0x100000, s0;
	[bflag:$0x2] =	sbarrier.arrive $0xFFFF  }
0xd0: {  	[sflag:s0] =	ssyncadd.tile.s32 @!p0 $0x1;
	_ =	shalt  }
.Lfunc_end2:
_tile_overlayer_lowered:
.L_overlay_start_2:
0xd1: {  	(tag) =	ssettag $0x2  }
0xd2: {  	s0 =	rddreg [dreg:$0x0];
	s2 =	stileid.u32  }
0xd3: {  	s1 =	rddreg [dreg:$0x1];
	p0 =	sne.s32 s2, $0x0  }
0xd4: {  	s3 =	rddreg [dreg:$0x2];
	[bflag:$0x3] =	sbarrier.arrive $0xFFFF;
	s2 =	simm.s32 @!p0 $0x1C03  }
0xd5: {  	[timem:s3], [sflag:s2] =	dma.local @!p0 [hbm:s0], s1  }
0xd6: {  	s0 =	simm.s32 @!p0 $0x3  }
0xd7: {  	_ =	swait.ge @!p0 [sflag:s0], s1  }
0xd8: {  	s1 =	ssub.s32 @!p0 $0x0, s1;
	[sflag:s0] =	ssyncset.done @!p0 $0x0  }
0xd9: {  	[sflag:s0] =	ssyncadd.s32 @!p0 s1  }
0xda: {  	[bflag:$0x3] =	sbarrier.arrive $0xFFFF  }
0xdb: {  	_ =	shalt  }

</sc_bundles>
